<compile_context>
chip_gen: v7x
topology: tpu7x:2x2x1
jax: 0.10.2.dev20260603
libtpu: 0.0.44.dev20260713+nightly
codegen_flags: <defaults>
</compile_context>

<pallas_src>
import jax
import jax.numpy as jnp
from jax import lax
from jax.experimental import pallas as pl
from jax.experimental.pallas import tpu as pltpu
from jax.experimental.pallas import tpu_sc as plsc

_N = 10000
_E = 320000
_D = 128
_NQ = 4
_DQ = _D // _NQ

_NC = 2
_NS = 16
_GS = 80
_NG = 250
_NB = 10
_NP = 10240
_RPS = _NP // _NS
_XRS = _N // _NS

_mesh = plsc.VectorSubcoreMesh(core_axis_name="c", subcore_axis_name="s")


def _make_sc_pass(with_deg):
    scratch = [
        pltpu.VMEM((_NG, _GS), jnp.int32),
        pltpu.VMEM((_NG, _GS), jnp.int32),
        [pltpu.VMEM((_GS, _DQ), jnp.float32) for _ in range(_NB)],
        pltpu.VMEM((_NP,), jnp.float32),
        pltpu.VMEM_SHARED((_NP, _DQ), jnp.float32),
        pltpu.VMEM_SHARED((_NP, _DQ), jnp.float32),
        [pltpu.SemaphoreType.DMA for _ in range(_NB)],
        [pltpu.SemaphoreType.DMA for _ in range(_NB)],
    ]
    if with_deg:
        out_type = (
            jax.ShapeDtypeStruct((_NQ, _NP, _DQ), jnp.float32),
            jax.ShapeDtypeStruct((_NS, _NP), jnp.float32),
        )
    else:
        out_type = jax.ShapeDtypeStruct((_NQ, _NP, _DQ), jnp.float32)

    def body(x_hbm, e_hbm, z_agg_hbm, *rest):
        if with_deg:
            (agg_out, deg_out, src_v, dst_v, rows_v, deg_v,
             x_sh, agg_sh, gsem, ssem) = rest
        else:
            (agg_out, src_v, dst_v, rows_v, deg_v,
             x_sh, agg_sh, gsem, ssem) = rest
            deg_out = None
        c = lax.axis_index("c")
        s = lax.axis_index("s")
        rows = pl.ds(s * _RPS, _RPS)
        xrows = pl.ds(s * _XRS, _XRS)
        dummy = x_hbm.at[pl.ds(0, _GS), pl.ds(0, _DQ)]

        pltpu.sync_copy(e_hbm.at[0, s], src_v)
        pltpu.sync_copy(e_hbm.at[1, s], dst_v)
        if with_deg:
            zeros16 = jnp.zeros((16,), jnp.float32)

            def zstep(i, carry):
                deg_v[pl.ds(i * 16, 16)] = zeros16
                return carry

            lax.fori_loop(0, _NP // 16, zstep, 0)

        ones16 = jnp.ones((16,), jnp.float32)

        for q in range(2):
            k = c * 2 + q
            pltpu.sync_copy(x_hbm.at[xrows, pl.ds(k * _DQ, _DQ)],
                            x_sh.at[xrows])
            pltpu.sync_copy(z_agg_hbm.at[rows], agg_sh.at[rows])
            plsc.subcore_barrier()

            for b in range(_NB):
                pltpu.async_copy(x_sh.at[src_v.at[b]], rows_v[b], gsem[b])

            def block(i, carry):
                for b in range(_NB):
                    g = i * _NB + b
                    pltpu.make_async_copy(dummy, rows_v[b], gsem[b]).wait()
                    pltpu.async_copy(rows_v[b], agg_sh.at[dst_v.at[g]],
                                     ssem[b], add=True)
                    if with_deg and q == 0:
                        @pl.when(c == 0)
                        def _():
                            for j in range(_GS // 16):
                                idx = dst_v[g, pl.ds(j * 16, 16)]
                                plsc.addupdate_scatter(deg_v, [idx], ones16)
                    bp = (b - 1) % _NB
                    gr = g + _NB - 1

                    @pl.when((g >= 1) & (gr < _NG))
                    def _():
                        pltpu.make_async_copy(dummy, rows_v[bp],
                                              ssem[bp]).wait()
                        pltpu.async_copy(x_sh.at[src_v.at[gr]], rows_v[bp],
                                         gsem[bp])
                return carry

            lax.fori_loop(0, _NG // _NB, block, 0)
            for b in range(_NB):
                pltpu.make_async_copy(dummy, rows_v[b], ssem[b]).wait()
            plsc.subcore_barrier()

            pltpu.sync_copy(agg_sh.at[rows], agg_out.at[k, rows])
        if with_deg:
            @pl.when(c == 0)
            def _():
                pltpu.sync_copy(deg_v, deg_out.at[s])

    return pl.kernel(body, out_type=out_type, mesh=_mesh,
                     scratch_types=scratch,
                     compiler_params=pltpu.CompilerParams(
                         needs_layout_passes=False,
                         use_tc_tiling_on_sc=False))


_sc_pass_deg = _make_sc_pass(True)
_sc_pass = _make_sc_pass(False)

_BR = 1024


def _combine(agg_ref, deg_ref):
    agg = jnp.concatenate([agg_ref[i] for i in range(_NQ)], axis=1)
    deg = jnp.sum(deg_ref[...], axis=0)[:, None]
    return agg / jnp.maximum(deg, 1.0)


def _tc_layer1_body(x_ref, agg_ref, deg_ref, ws_ref, wn_ref, b_ref, out_ref):
    nbar = _combine(agg_ref, deg_ref)
    out_ref[...] = (
        jnp.dot(x_ref[...], ws_ref[...], preferred_element_type=jnp.float32)
        + jnp.dot(nbar, wn_ref[...], preferred_element_type=jnp.float32)
        + b_ref[...]
    )


def _tc_layer2_body(h_ref, agg_ref, deg_ref, ws_ref, wn_ref, b_ref,
                    wfc_ref, bfc_ref, out_ref):
    nbar = _combine(agg_ref, deg_ref)
    h2 = (
        jnp.dot(h_ref[...], ws_ref[...], preferred_element_type=jnp.float32)
        + jnp.dot(nbar, wn_ref[...], preferred_element_type=jnp.float32)
        + b_ref[...]
    )
    out_ref[...] = (
        jnp.dot(h2, wfc_ref[...], preferred_element_type=jnp.float32)
        + bfc_ref[...]
    )


def _row_spec():
    return pl.BlockSpec((_BR, _D), lambda i: (i, 0))


def _agg_spec():
    return pl.BlockSpec((_NQ, _BR, _DQ), lambda i: (0, i, 0))


def _deg_spec():
    return pl.BlockSpec((_NS, _BR), lambda i: (0, i))


def _w_spec():
    return pl.BlockSpec((_D, _D), lambda i: (0, 0))


def _b_spec():
    return pl.BlockSpec((1, _D), lambda i: (0, 0))


_tc_layer1 = pl.pallas_call(
    _tc_layer1_body,
    grid=(_NP // _BR,),
    in_specs=[_row_spec(), _agg_spec(), _deg_spec(), _w_spec(), _w_spec(),
              _b_spec()],
    out_specs=_row_spec(),
    out_shape=jax.ShapeDtypeStruct((_N, _D), jnp.float32),
)

_tc_layer2 = pl.pallas_call(
    _tc_layer2_body,
    grid=(_NP // _BR,),
    in_specs=[_row_spec(), _agg_spec(), _deg_spec(), _w_spec(), _w_spec(),
              _b_spec(), _w_spec(), _b_spec()],
    out_specs=_row_spec(),
    out_shape=jax.ShapeDtypeStruct((_N, _D), jnp.float32),
)


@jax.jit
def kernel(features, edge_index, W_self1, W_neigh1, b1, W_self2, W_neigh2,
           b2, W_fc, b_fc):
    edges = edge_index.reshape(2, _NS, _NG, _GS)
    z_agg = jnp.zeros((_NP, _DQ), jnp.float32)

    agg1p, degp = _sc_pass_deg(features, edges, z_agg)
    h1 = _tc_layer1(features, agg1p, degp, W_self1, W_neigh1,
                    b1.reshape(1, _D))
    agg2p = _sc_pass(h1, edges, z_agg)
    out = _tc_layer2(h1, agg2p, degp, W_self2, W_neigh2, b2.reshape(1, _D),
                     W_fc, b_fc.reshape(1, _D))
    return out

# --- scband reference (transcript-rebuilt; emitter-appended) ---
"""Pipeline reference for scband-graph-sage-55009941128032 (READ-ONLY COPY).

The authoritative reference and input builder live on the scoring server;
editing this copy changes nothing except your own understanding.
"""

import jax, jax.numpy as jnp
import numpy as np

N = 10000
E = 320000
D = 128


def setup_inputs(seed: int = 0) -> dict:
    key = jax.random.key(seed)
    ks = jax.random.split(key, 12)
    s = 0.05
    return {
        "features": jax.random.normal(ks[0], (N, D), dtype=jnp.float32),
        "edge_index": jax.random.randint(ks[1], (2, E), 0, N, dtype=jnp.int32),
        "W_self1": jax.random.normal(ks[2], (D, D), dtype=jnp.float32) * s,
        "W_neigh1": jax.random.normal(ks[3], (D, D), dtype=jnp.float32) * s,
        "b1": jnp.zeros((D,), dtype=jnp.float32),
        "W_self2": jax.random.normal(ks[4], (D, D), dtype=jnp.float32) * s,
        "W_neigh2": jax.random.normal(ks[5], (D, D), dtype=jnp.float32) * s,
        "b2": jnp.zeros((D,), dtype=jnp.float32),
        "W_fc": jax.random.normal(ks[6], (D, D), dtype=jnp.float32) * s,
        "b_fc": jnp.zeros((D,), dtype=jnp.float32),
    }


def _sage_layer(x, edge_index, W_self, W_neigh, b):
    # DGL SAGEConv with aggregator_type='mean':
    # h = x @ W_self + mean_{j in N(i)}(x_j) @ W_neigh + b
    src = edge_index[0]
    dst = edge_index[1]
    msgs = jnp.take(x, src, axis=0)                                  # gather
    agg = jax.ops.segment_sum(msgs, dst, num_segments=N)             # scatter-add
    deg = jax.ops.segment_sum(jnp.ones((E,), dtype=x.dtype), dst, num_segments=N)
    h_neigh = agg / jnp.clip(deg, 1.0)[:, None]
    return x @ W_self + h_neigh @ W_neigh + b


def reference(features, edge_index, W_self1, W_neigh1, b1, W_self2, W_neigh2, b2, W_fc, b_fc):
    # Two SAGEConv layers (same graph used as both blocks), then final linear.
    h = _sage_layer(features, edge_index, W_self1, W_neigh1, b1)
    h = _sage_layer(h, edge_index, W_self2, W_neigh2, b2)
    out = h @ W_fc + b_fc
    return out

if __name__ == "__main__":
    import jax
    _d = setup_inputs()
    print(jax.jit(kernel)(*tuple(_d.values())))

</pallas_src>

<mosaic_0001>
#map = affine_map<(d0, d1) -> (0, 0)>
#map1 = affine_map<(d0, d1) -> (0, 0, 0, 0)>
#map2 = affine_map<(d0, d1) -> (0, 0, 0)>
module attributes {stable_mosaic.version = 14 : i64} {
  func.func @body(%arg0: i32, %arg1: i32, %arg2: memref<10000x128xf32, #tpu.memory_space<hbm>>, %arg3: memref<2x16x250x80xi32, #tpu.memory_space<hbm>>, %arg4: memref<10240x32xf32, #tpu.memory_space<hbm>>, %arg5: memref<4x10240x32xf32, #tpu.memory_space<hbm>>, %arg6: memref<250x80xi32, #tpu.memory_space<vmem>>, %arg7: memref<250x80xi32, #tpu.memory_space<vmem>>, %arg8: memref<80x32xf32, #tpu.memory_space<vmem>>, %arg9: memref<80x32xf32, #tpu.memory_space<vmem>>, %arg10: memref<80x32xf32, #tpu.memory_space<vmem>>, %arg11: memref<80x32xf32, #tpu.memory_space<vmem>>, %arg12: memref<80x32xf32, #tpu.memory_space<vmem>>, %arg13: memref<80x32xf32, #tpu.memory_space<vmem>>, %arg14: memref<80x32xf32, #tpu.memory_space<vmem>>, %arg15: memref<80x32xf32, #tpu.memory_space<vmem>>, %arg16: memref<80x32xf32, #tpu.memory_space<vmem>>, %arg17: memref<80x32xf32, #tpu.memory_space<vmem>>, %arg18: memref<10240xf32, #tpu.memory_space<vmem>>, %arg19: memref<10240x32xf32, #tpu.memory_space<vmem_shared>>, %arg20: memref<10240x32xf32, #tpu.memory_space<vmem_shared>>, %arg21: memref<!tpu.dma_semaphore, #tpu.memory_space<semaphore_mem>>, %arg22: memref<!tpu.dma_semaphore, #tpu.memory_space<semaphore_mem>>, %arg23: memref<!tpu.dma_semaphore, #tpu.memory_space<semaphore_mem>>, %arg24: memref<!tpu.dma_semaphore, #tpu.memory_space<semaphore_mem>>, %arg25: memref<!tpu.dma_semaphore, #tpu.memory_space<semaphore_mem>>, %arg26: memref<!tpu.dma_semaphore, #tpu.memory_space<semaphore_mem>>, %arg27: memref<!tpu.dma_semaphore, #tpu.memory_space<semaphore_mem>>, %arg28: memref<!tpu.dma_semaphore, #tpu.memory_space<semaphore_mem>>, %arg29: memref<!tpu.dma_semaphore, #tpu.memory_space<semaphore_mem>>, %arg30: memref<!tpu.dma_semaphore, #tpu.memory_space<semaphore_mem>>, %arg31: memref<!tpu.dma_semaphore, #tpu.memory_space<semaphore_mem>>, %arg32: memref<!tpu.dma_semaphore, #tpu.memory_space<semaphore_mem>>, %arg33: memref<!tpu.dma_semaphore, #tpu.memory_space<semaphore_mem>>, %arg34: memref<!tpu.dma_semaphore, #tpu.memory_space<semaphore_mem>>, %arg35: memref<!tpu.dma_semaphore, #tpu.memory_space<semaphore_mem>>, %arg36: memref<!tpu.dma_semaphore, #tpu.memory_space<semaphore_mem>>, %arg37: memref<!tpu.dma_semaphore, #tpu.memory_space<semaphore_mem>>, %arg38: memref<!tpu.dma_semaphore, #tpu.memory_space<semaphore_mem>>, %arg39: memref<!tpu.dma_semaphore, #tpu.memory_space<semaphore_mem>>, %arg40: memref<!tpu.dma_semaphore, #tpu.memory_space<semaphore_mem>>) attributes {dimension_semantics = [#tpu.dimension_semantics<core_parallel>, #tpu.dimension_semantics<subcore_parallel>], iteration_bounds = array<i64: 2, 16>, scalar_prefetch = 0 : i64, scratch_operands = 35 : i64, tpu.core_type = #tpu.core_type<sc_vector_subcore>, window_params = [{transform_indices = #map}, {transform_indices = #map1}, {transform_indices = #map}, {transform_indices = #map2}]} {
    %mul3A = arith.constant 640 : i32
    %mul3A_0 = arith.muli %arg1, %mul3A : i32
    %mul3A_1 = arith.constant 625 : i32
    %mul3A_2 = arith.muli %arg1, %mul3A_1 : i32
    %run_scoped3A = arith.constant 0 : i32
    "tpu.region"() ({
      %run_scoped3A_288 = tpu.sem_alloc : memref<!tpu.dma_semaphore, #tpu.memory_space<semaphore_mem>>
      %dma_start3A_289 = arith.constant 0 : i32
      %dma_start3A_290 = arith.constant 0 : i32
      %dma_start3A_291 = tpu.memref_slice %arg3[%run_scoped3A, %arg1, %dma_start3A_289, %dma_start3A_290] : memref<2x16x250x80xi32, #tpu.memory_space<hbm>> -> memref<1x1x250x80xi32, #tpu.memory_space<hbm>>
      %dma_start3A_292 = tpu.memref_squeeze %dma_start3A_291 : memref<1x1x250x80xi32, #tpu.memory_space<hbm>> -> memref<250x80xi32, #tpu.memory_space<hbm>>
      %dma_start3A_293 = arith.constant 0 : i32
      %dma_start3A_294 = arith.constant 0 : i32
      %dma_start3A_295 = tpu.memref_slice %arg3[%run_scoped3A, %arg1, %dma_start3A_293, %dma_start3A_294] : memref<2x16x250x80xi32, #tpu.memory_space<hbm>> -> memref<1x1x250x80xi32, #tpu.memory_space<hbm>>
      %dma_start3A_296 = tpu.memref_squeeze %dma_start3A_295 : memref<1x1x250x80xi32, #tpu.memory_space<hbm>> -> memref<250x80xi32, #tpu.memory_space<hbm>>
      tpu.enqueue_dma source(%dma_start3A_296 : memref<250x80xi32, #tpu.memory_space<hbm>>) target(%arg6 : memref<250x80xi32, #tpu.memory_space<vmem>>) target_semaphore(%run_scoped3A_288 : memref<!tpu.dma_semaphore, #tpu.memory_space<semaphore_mem>>)
      %dma_wait3A_297 = arith.constant 0 : i32
      %dma_wait3A_298 = arith.constant 0 : i32
      %dma_wait3A_299 = tpu.memref_slice %arg3[%run_scoped3A, %arg1, %dma_wait3A_297, %dma_wait3A_298] : memref<2x16x250x80xi32, #tpu.memory_space<hbm>> -> memref<1x1x250x80xi32, #tpu.memory_space<hbm>>
      %dma_wait3A_300 = tpu.memref_squeeze %dma_wait3A_299 : memref<1x1x250x80xi32, #tpu.memory_space<hbm>> -> memref<250x80xi32, #tpu.memory_space<hbm>>
      %dma_wait3A_301 = arith.constant 0 : i32
      %dma_wait3A_302 = arith.constant 0 : i32
      %dma_wait3A_303 = tpu.memref_slice %arg3[%run_scoped3A, %arg1, %dma_wait3A_301, %dma_wait3A_302] : memref<2x16x250x80xi32, #tpu.memory_space<hbm>> -> memref<1x1x250x80xi32, #tpu.memory_space<hbm>>
      %dma_wait3A_304 = tpu.memref_squeeze %dma_wait3A_303 : memref<1x1x250x80xi32, #tpu.memory_space<hbm>> -> memref<250x80xi32, #tpu.memory_space<hbm>>
      tpu.wait_dma2 semaphore(%run_scoped3A_288 : memref<!tpu.dma_semaphore, #tpu.memory_space<semaphore_mem>>) src(%dma_wait3A_304 : memref<250x80xi32, #tpu.memory_space<hbm>>) dst(%arg6 : memref<250x80xi32, #tpu.memory_space<vmem>>)
      tpu.yield
    }) : () -> ()
    %run_scoped3A_3 = arith.constant 1 : i32
    "tpu.region"() ({
      %run_scoped3A_288 = tpu.sem_alloc : memref<!tpu.dma_semaphore, #tpu.memory_space<semaphore_mem>>
      %dma_start3A_289 = arith.constant 0 : i32
      %dma_start3A_290 = arith.constant 0 : i32
      %dma_start3A_291 = tpu.memref_slice %arg3[%run_scoped3A_3, %arg1, %dma_start3A_289, %dma_start3A_290] : memref<2x16x250x80xi32, #tpu.memory_space<hbm>> -> memref<1x1x250x80xi32, #tpu.memory_space<hbm>>
      %dma_start3A_292 = tpu.memref_squeeze %dma_start3A_291 : memref<1x1x250x80xi32, #tpu.memory_space<hbm>> -> memref<250x80xi32, #tpu.memory_space<hbm>>
      %dma_start3A_293 = arith.constant 0 : i32
      %dma_start3A_294 = arith.constant 0 : i32
      %dma_start3A_295 = tpu.memref_slice %arg3[%run_scoped3A_3, %arg1, %dma_start3A_293, %dma_start3A_294] : memref<2x16x250x80xi32, #tpu.memory_space<hbm>> -> memref<1x1x250x80xi32, #tpu.memory_space<hbm>>
      %dma_start3A_296 = tpu.memref_squeeze %dma_start3A_295 : memref<1x1x250x80xi32, #tpu.memory_space<hbm>> -> memref<250x80xi32, #tpu.memory_space<hbm>>
      tpu.enqueue_dma source(%dma_start3A_296 : memref<250x80xi32, #tpu.memory_space<hbm>>) target(%arg7 : memref<250x80xi32, #tpu.memory_space<vmem>>) target_semaphore(%run_scoped3A_288 : memref<!tpu.dma_semaphore, #tpu.memory_space<semaphore_mem>>)
      %dma_wait3A_297 = arith.constant 0 : i32
      %dma_wait3A_298 = arith.constant 0 : i32
      %dma_wait3A_299 = tpu.memref_slice %arg3[%run_scoped3A_3, %arg1, %dma_wait3A_297, %dma_wait3A_298] : memref<2x16x250x80xi32, #tpu.memory_space<hbm>> -> memref<1x1x250x80xi32, #tpu.memory_space<hbm>>
      %dma_wait3A_300 = tpu.memref_squeeze %dma_wait3A_299 : memref<1x1x250x80xi32, #tpu.memory_space<hbm>> -> memref<250x80xi32, #tpu.memory_space<hbm>>
      %dma_wait3A_301 = arith.constant 0 : i32
      %dma_wait3A_302 = arith.constant 0 : i32
      %dma_wait3A_303 = tpu.memref_slice %arg3[%run_scoped3A_3, %arg1, %dma_wait3A_301, %dma_wait3A_302] : memref<2x16x250x80xi32, #tpu.memory_space<hbm>> -> memref<1x1x250x80xi32, #tpu.memory_space<hbm>>
      %dma_wait3A_304 = tpu.memref_squeeze %dma_wait3A_303 : memref<1x1x250x80xi32, #tpu.memory_space<hbm>> -> memref<250x80xi32, #tpu.memory_space<hbm>>
      tpu.wait_dma2 semaphore(%run_scoped3A_288 : memref<!tpu.dma_semaphore, #tpu.memory_space<semaphore_mem>>) src(%dma_wait3A_304 : memref<250x80xi32, #tpu.memory_space<hbm>>) dst(%arg7 : memref<250x80xi32, #tpu.memory_space<vmem>>)
      tpu.yield
    }) : () -> ()
    %broadcast_in_dim3A = arith.constant 1.000000e+00 : f32
    %broadcast_in_dim3A_4 = vector.broadcast %broadcast_in_dim3A : f32 to vector<16xf32>
    %mul3A_5 = arith.constant 2 : i32
    %mul3A_6 = arith.muli %arg0, %mul3A_5 : i32
    %add3A = arith.constant 0 : i32
    %add3A_7 = arith.addi %mul3A_6, %add3A : i32
    %mul3A_8 = arith.constant 32 : i32
    %mul3A_9 = arith.muli %add3A_7, %mul3A_8 : i32
    "tpu.region"() ({
      %run_scoped3A_288 = tpu.sem_alloc : memref<!tpu.dma_semaphore, #tpu.memory_space<semaphore_mem>>
      %dma_start3A_289 = arith.constant 0 : i32
      %dma_start3A_290 = tpu.memref_slice %arg19[%mul3A_2, %dma_start3A_289] : memref<10240x32xf32, #tpu.memory_space<vmem_shared>> -> memref<625x32xf32, #tpu.memory_space<vmem_shared>>
      %dma_start3A_291 = tpu.memref_slice %arg2[%mul3A_2, %mul3A_9] : memref<10000x128xf32, #tpu.memory_space<hbm>> -> memref<625x32xf32, #tpu.memory_space<hbm>>
      tpu.enqueue_dma source(%dma_start3A_291 : memref<625x32xf32, #tpu.memory_space<hbm>>) target(%dma_start3A_290 : memref<625x32xf32, #tpu.memory_space<vmem_shared>>) target_semaphore(%run_scoped3A_288 : memref<!tpu.dma_semaphore, #tpu.memory_space<semaphore_mem>>)
      %dma_wait3A_292 = arith.constant 0 : i32
      %dma_wait3A_293 = tpu.memref_slice %arg19[%mul3A_2, %dma_wait3A_292] : memref<10240x32xf32, #tpu.memory_space<vmem_shared>> -> memref<625x32xf32, #tpu.memory_space<vmem_shared>>
      %dma_wait3A_294 = tpu.memref_slice %arg2[%mul3A_2, %mul3A_9] : memref<10000x128xf32, #tpu.memory_space<hbm>> -> memref<625x32xf32, #tpu.memory_space<hbm>>
      tpu.wait_dma2 semaphore(%run_scoped3A_288 : memref<!tpu.dma_semaphore, #tpu.memory_space<semaphore_mem>>) src(%dma_wait3A_294 : memref<625x32xf32, #tpu.memory_space<hbm>>) dst(%dma_wait3A_293 : memref<625x32xf32, #tpu.memory_space<vmem_shared>>)
      tpu.yield
    }) : () -> ()
    "tpu.region"() ({
      %run_scoped3A_288 = tpu.sem_alloc : memref<!tpu.dma_semaphore, #tpu.memory_space<semaphore_mem>>
      %dma_start3A_289 = arith.constant 0 : i32
      %dma_start3A_290 = tpu.memref_slice %arg20[%mul3A_0, %dma_start3A_289] : memref<10240x32xf32, #tpu.memory_space<vmem_shared>> -> memref<640x32xf32, #tpu.memory_space<vmem_shared>>
      %dma_start3A_291 = arith.constant 0 : i32
      %dma_start3A_292 = tpu.memref_slice %arg4[%mul3A_0, %dma_start3A_291] : memref<10240x32xf32, #tpu.memory_space<hbm>> -> memref<640x32xf32, #tpu.memory_space<hbm>>
      tpu.enqueue_dma source(%dma_start3A_292 : memref<640x32xf32, #tpu.memory_space<hbm>>) target(%dma_start3A_290 : memref<640x32xf32, #tpu.memory_space<vmem_shared>>) target_semaphore(%run_scoped3A_288 : memref<!tpu.dma_semaphore, #tpu.memory_space<semaphore_mem>>)
      %dma_wait3A_293 = arith.constant 0 : i32
      %dma_wait3A_294 = tpu.memref_slice %arg20[%mul3A_0, %dma_wait3A_293] : memref<10240x32xf32, #tpu.memory_space<vmem_shared>> -> memref<640x32xf32, #tpu.memory_space<vmem_shared>>
      %dma_wait3A_295 = arith.constant 0 : i32
      %dma_wait3A_296 = tpu.memref_slice %arg4[%mul3A_0, %dma_wait3A_295] : memref<10240x32xf32, #tpu.memory_space<hbm>> -> memref<640x32xf32, #tpu.memory_space<hbm>>
      tpu.wait_dma2 semaphore(%run_scoped3A_288 : memref<!tpu.dma_semaphore, #tpu.memory_space<semaphore_mem>>) src(%dma_wait3A_296 : memref<640x32xf32, #tpu.memory_space<hbm>>) dst(%dma_wait3A_294 : memref<640x32xf32, #tpu.memory_space<vmem_shared>>)
      tpu.yield
    }) : () -> ()
    %barrier3A = arith.constant 0 : index
    tpu.barrier barrier_id(%barrier3A)
    %dma_start3A = arith.constant 0 : i32
    %dma_start3A_10 = arith.constant 0 : i32
    %dma_start3A_11 = tpu.memref_slice %arg6[%dma_start3A, %dma_start3A_10] : memref<250x80xi32, #tpu.memory_space<vmem>> -> memref<1x80xi32, #tpu.memory_space<vmem>>
    %dma_start3A_12 = tpu.memref_squeeze %dma_start3A_11 : memref<1x80xi32, #tpu.memory_space<vmem>> -> memref<80xi32, #tpu.memory_space<vmem>>
    %dma_start3A_13 = arith.constant 0 : i32
    %dma_start3A_14 = arith.constant 0 : i32
    %dma_start3A_15 = tpu.memref_slice %arg19[%dma_start3A_13, %dma_start3A_14] : memref<10240x32xf32, #tpu.memory_space<vmem_shared>> -> memref<10240x32xf32, #tpu.memory_space<vmem_shared>>
    tpu.enqueue_indirect_dma source(%dma_start3A_15 : memref<10240x32xf32, #tpu.memory_space<vmem_shared>>) target(%arg8 : memref<80x32xf32, #tpu.memory_space<vmem>>) offsets(%dma_start3A_12 : memref<80xi32, #tpu.memory_space<vmem>>) semaphore(%arg21 : memref<!tpu.dma_semaphore, #tpu.memory_space<semaphore_mem>>)
    %dma_start3A_16 = arith.constant 1 : i32
    %dma_start3A_17 = arith.constant 0 : i32
    %dma_start3A_18 = tpu.memref_slice %arg6[%dma_start3A_16, %dma_start3A_17] : memref<250x80xi32, #tpu.memory_space<vmem>> -> memref<1x80xi32, #tpu.memory_space<vmem>>
    %dma_start3A_19 = tpu.memref_squeeze %dma_start3A_18 : memref<1x80xi32, #tpu.memory_space<vmem>> -> memref<80xi32, #tpu.memory_space<vmem>>
    %dma_start3A_20 = arith.constant 0 : i32
    %dma_start3A_21 = arith.constant 0 : i32
    %dma_start3A_22 = tpu.memref_slice %arg19[%dma_start3A_20, %dma_start3A_21] : memref<10240x32xf32, #tpu.memory_space<vmem_shared>> -> memref<10240x32xf32, #tpu.memory_space<vmem_shared>>
    tpu.enqueue_indirect_dma source(%dma_start3A_22 : memref<10240x32xf32, #tpu.memory_space<vmem_shared>>) target(%arg9 : memref<80x32xf32, #tpu.memory_space<vmem>>) offsets(%dma_start3A_19 : memref<80xi32, #tpu.memory_space<vmem>>) semaphore(%arg22 : memref<!tpu.dma_semaphore, #tpu.memory_space<semaphore_mem>>)
    %dma_start3A_23 = arith.constant 2 : i32
    %dma_start3A_24 = arith.constant 0 : i32
    %dma_start3A_25 = tpu.memref_slice %arg6[%dma_start3A_23, %dma_start3A_24] : memref<250x80xi32, #tpu.memory_space<vmem>> -> memref<1x80xi32, #tpu.memory_space<vmem>>
    %dma_start3A_26 = tpu.memref_squeeze %dma_start3A_25 : memref<1x80xi32, #tpu.memory_space<vmem>> -> memref<80xi32, #tpu.memory_space<vmem>>
    %dma_start3A_27 = arith.constant 0 : i32
    %dma_start3A_28 = arith.constant 0 : i32
    %dma_start3A_29 = tpu.memref_slice %arg19[%dma_start3A_27, %dma_start3A_28] : memref<10240x32xf32, #tpu.memory_space<vmem_shared>> -> memref<10240x32xf32, #tpu.memory_space<vmem_shared>>
    tpu.enqueue_indirect_dma source(%dma_start3A_29 : memref<10240x32xf32, #tpu.memory_space<vmem_shared>>) target(%arg10 : memref<80x32xf32, #tpu.memory_space<vmem>>) offsets(%dma_start3A_26 : memref<80xi32, #tpu.memory_space<vmem>>) semaphore(%arg23 : memref<!tpu.dma_semaphore, #tpu.memory_space<semaphore_mem>>)
    %dma_start3A_30 = arith.constant 3 : i32
    %dma_start3A_31 = arith.constant 0 : i32
    %dma_start3A_32 = tpu.memref_slice %arg6[%dma_start3A_30, %dma_start3A_31] : memref<250x80xi32, #tpu.memory_space<vmem>> -> memref<1x80xi32, #tpu.memory_space<vmem>>
    %dma_start3A_33 = tpu.memref_squeeze %dma_start3A_32 : memref<1x80xi32, #tpu.memory_space<vmem>> -> memref<80xi32, #tpu.memory_space<vmem>>
    %dma_start3A_34 = arith.constant 0 : i32
    %dma_start3A_35 = arith.constant 0 : i32
    %dma_start3A_36 = tpu.memref_slice %arg19[%dma_start3A_34, %dma_start3A_35] : memref<10240x32xf32, #tpu.memory_space<vmem_shared>> -> memref<10240x32xf32, #tpu.memory_space<vmem_shared>>
    tpu.enqueue_indirect_dma source(%dma_start3A_36 : memref<10240x32xf32, #tpu.memory_space<vmem_shared>>) target(%arg11 : memref<80x32xf32, #tpu.memory_space<vmem>>) offsets(%dma_start3A_33 : memref<80xi32, #tpu.memory_space<vmem>>) semaphore(%arg24 : memref<!tpu.dma_semaphore, #tpu.memory_space<semaphore_mem>>)
    %dma_start3A_37 = arith.constant 4 : i32
    %dma_start3A_38 = arith.constant 0 : i32
    %dma_start3A_39 = tpu.memref_slice %arg6[%dma_start3A_37, %dma_start3A_38] : memref<250x80xi32, #tpu.memory_space<vmem>> -> memref<1x80xi32, #tpu.memory_space<vmem>>
    %dma_start3A_40 = tpu.memref_squeeze %dma_start3A_39 : memref<1x80xi32, #tpu.memory_space<vmem>> -> memref<80xi32, #tpu.memory_space<vmem>>
    %dma_start3A_41 = arith.constant 0 : i32
    %dma_start3A_42 = arith.constant 0 : i32
    %dma_start3A_43 = tpu.memref_slice %arg19[%dma_start3A_41, %dma_start3A_42] : memref<10240x32xf32, #tpu.memory_space<vmem_shared>> -> memref<10240x32xf32, #tpu.memory_space<vmem_shared>>
    tpu.enqueue_indirect_dma source(%dma_start3A_43 : memref<10240x32xf32, #tpu.memory_space<vmem_shared>>) target(%arg12 : memref<80x32xf32, #tpu.memory_space<vmem>>) offsets(%dma_start3A_40 : memref<80xi32, #tpu.memory_space<vmem>>) semaphore(%arg25 : memref<!tpu.dma_semaphore, #tpu.memory_space<semaphore_mem>>)
    %dma_start3A_44 = arith.constant 5 : i32
    %dma_start3A_45 = arith.constant 0 : i32
    %dma_start3A_46 = tpu.memref_slice %arg6[%dma_start3A_44, %dma_start3A_45] : memref<250x80xi32, #tpu.memory_space<vmem>> -> memref<1x80xi32, #tpu.memory_space<vmem>>
    %dma_start3A_47 = tpu.memref_squeeze %dma_start3A_46 : memref<1x80xi32, #tpu.memory_space<vmem>> -> memref<80xi32, #tpu.memory_space<vmem>>
    %dma_start3A_48 = arith.constant 0 : i32
    %dma_start3A_49 = arith.constant 0 : i32
    %dma_start3A_50 = tpu.memref_slice %arg19[%dma_start3A_48, %dma_start3A_49] : memref<10240x32xf32, #tpu.memory_space<vmem_shared>> -> memref<10240x32xf32, #tpu.memory_space<vmem_shared>>
    tpu.enqueue_indirect_dma source(%dma_start3A_50 : memref<10240x32xf32, #tpu.memory_space<vmem_shared>>) target(%arg13 : memref<80x32xf32, #tpu.memory_space<vmem>>) offsets(%dma_start3A_47 : memref<80xi32, #tpu.memory_space<vmem>>) semaphore(%arg26 : memref<!tpu.dma_semaphore, #tpu.memory_space<semaphore_mem>>)
    %dma_start3A_51 = arith.constant 6 : i32
    %dma_start3A_52 = arith.constant 0 : i32
    %dma_start3A_53 = tpu.memref_slice %arg6[%dma_start3A_51, %dma_start3A_52] : memref<250x80xi32, #tpu.memory_space<vmem>> -> memref<1x80xi32, #tpu.memory_space<vmem>>
    %dma_start3A_54 = tpu.memref_squeeze %dma_start3A_53 : memref<1x80xi32, #tpu.memory_space<vmem>> -> memref<80xi32, #tpu.memory_space<vmem>>
    %dma_start3A_55 = arith.constant 0 : i32
    %dma_start3A_56 = arith.constant 0 : i32
    %dma_start3A_57 = tpu.memref_slice %arg19[%dma_start3A_55, %dma_start3A_56] : memref<10240x32xf32, #tpu.memory_space<vmem_shared>> -> memref<10240x32xf32, #tpu.memory_space<vmem_shared>>
    tpu.enqueue_indirect_dma source(%dma_start3A_57 : memref<10240x32xf32, #tpu.memory_space<vmem_shared>>) target(%arg14 : memref<80x32xf32, #tpu.memory_space<vmem>>) offsets(%dma_start3A_54 : memref<80xi32, #tpu.memory_space<vmem>>) semaphore(%arg27 : memref<!tpu.dma_semaphore, #tpu.memory_space<semaphore_mem>>)
    %dma_start3A_58 = arith.constant 7 : i32
    %dma_start3A_59 = arith.constant 0 : i32
    %dma_start3A_60 = tpu.memref_slice %arg6[%dma_start3A_58, %dma_start3A_59] : memref<250x80xi32, #tpu.memory_space<vmem>> -> memref<1x80xi32, #tpu.memory_space<vmem>>
    %dma_start3A_61 = tpu.memref_squeeze %dma_start3A_60 : memref<1x80xi32, #tpu.memory_space<vmem>> -> memref<80xi32, #tpu.memory_space<vmem>>
    %dma_start3A_62 = arith.constant 0 : i32
    %dma_start3A_63 = arith.constant 0 : i32
    %dma_start3A_64 = tpu.memref_slice %arg19[%dma_start3A_62, %dma_start3A_63] : memref<10240x32xf32, #tpu.memory_space<vmem_shared>> -> memref<10240x32xf32, #tpu.memory_space<vmem_shared>>
    tpu.enqueue_indirect_dma source(%dma_start3A_64 : memref<10240x32xf32, #tpu.memory_space<vmem_shared>>) target(%arg15 : memref<80x32xf32, #tpu.memory_space<vmem>>) offsets(%dma_start3A_61 : memref<80xi32, #tpu.memory_space<vmem>>) semaphore(%arg28 : memref<!tpu.dma_semaphore, #tpu.memory_space<semaphore_mem>>)
    %dma_start3A_65 = arith.constant 8 : i32
    %dma_start3A_66 = arith.constant 0 : i32
    %dma_start3A_67 = tpu.memref_slice %arg6[%dma_start3A_65, %dma_start3A_66] : memref<250x80xi32, #tpu.memory_space<vmem>> -> memref<1x80xi32, #tpu.memory_space<vmem>>
    %dma_start3A_68 = tpu.memref_squeeze %dma_start3A_67 : memref<1x80xi32, #tpu.memory_space<vmem>> -> memref<80xi32, #tpu.memory_space<vmem>>
    %dma_start3A_69 = arith.constant 0 : i32
    %dma_start3A_70 = arith.constant 0 : i32
    %dma_start3A_71 = tpu.memref_slice %arg19[%dma_start3A_69, %dma_start3A_70] : memref<10240x32xf32, #tpu.memory_space<vmem_shared>> -> memref<10240x32xf32, #tpu.memory_space<vmem_shared>>
    tpu.enqueue_indirect_dma source(%dma_start3A_71 : memref<10240x32xf32, #tpu.memory_space<vmem_shared>>) target(%arg16 : memref<80x32xf32, #tpu.memory_space<vmem>>) offsets(%dma_start3A_68 : memref<80xi32, #tpu.memory_space<vmem>>) semaphore(%arg29 : memref<!tpu.dma_semaphore, #tpu.memory_space<semaphore_mem>>)
    %dma_start3A_72 = arith.constant 9 : i32
    %dma_start3A_73 = arith.constant 0 : i32
    %dma_start3A_74 = tpu.memref_slice %arg6[%dma_start3A_72, %dma_start3A_73] : memref<250x80xi32, #tpu.memory_space<vmem>> -> memref<1x80xi32, #tpu.memory_space<vmem>>
    %dma_start3A_75 = tpu.memref_squeeze %dma_start3A_74 : memref<1x80xi32, #tpu.memory_space<vmem>> -> memref<80xi32, #tpu.memory_space<vmem>>
    %dma_start3A_76 = arith.constant 0 : i32
    %dma_start3A_77 = arith.constant 0 : i32
    %dma_start3A_78 = tpu.memref_slice %arg19[%dma_start3A_76, %dma_start3A_77] : memref<10240x32xf32, #tpu.memory_space<vmem_shared>> -> memref<10240x32xf32, #tpu.memory_space<vmem_shared>>
    tpu.enqueue_indirect_dma source(%dma_start3A_78 : memref<10240x32xf32, #tpu.memory_space<vmem_shared>>) target(%arg17 : memref<80x32xf32, #tpu.memory_space<vmem>>) offsets(%dma_start3A_75 : memref<80xi32, #tpu.memory_space<vmem>>) semaphore(%arg30 : memref<!tpu.dma_semaphore, #tpu.memory_space<semaphore_mem>>)
    %scan3A = arith.constant 0 : i32
    %scan3A_79 = arith.constant 0 : i32
    %scan3A_80 = arith.constant 25 : i32
    %scan3A_81 = arith.addi %scan3A_79, %scan3A_80 : i32
    %scan3A_82 = arith.constant 1 : i32
    scf.for %scan3A_288 = %scan3A_79 to %scan3A_81 step %scan3A_82  : i32 {
      %mul3A_289 = arith.constant 10 : i32
      %mul3A_290 = arith.muli %scan3A_288, %mul3A_289 : i32
      %add3A_291 = arith.constant 0 : i32
      %add3A_292 = arith.addi %mul3A_290, %add3A_291 : i32
      %dma_wait3A_293 = arith.constant 0 : i32
      %dma_wait3A_294 = arith.constant 0 : i32
      %dma_wait3A_295 = tpu.memref_slice %arg2[%dma_wait3A_293, %dma_wait3A_294] : memref<10000x128xf32, #tpu.memory_space<hbm>> -> memref<80x32xf32, #tpu.memory_space<hbm>>
      %dma_wait3A_296 = arith.constant 0 : i32
      %dma_wait3A_297 = arith.constant 0 : i32
      %dma_wait3A_298 = tpu.memref_slice %arg2[%dma_wait3A_296, %dma_wait3A_297] : memref<10000x128xf32, #tpu.memory_space<hbm>> -> memref<80x32xf32, #tpu.memory_space<hbm>>
      tpu.wait_dma2 semaphore(%arg21 : memref<!tpu.dma_semaphore, #tpu.memory_space<semaphore_mem>>) src(%dma_wait3A_298 : memref<80x32xf32, #tpu.memory_space<hbm>>) dst(%arg8 : memref<80x32xf32, #tpu.memory_space<vmem>>)
      %dma_start3A_299 = arith.constant 0 : i32
      %dma_start3A_300 = tpu.memref_slice %arg7[%add3A_292, %dma_start3A_299] : memref<250x80xi32, #tpu.memory_space<vmem>> -> memref<1x80xi32, #tpu.memory_space<vmem>>
      %dma_start3A_301 = tpu.memref_squeeze %dma_start3A_300 : memref<1x80xi32, #tpu.memory_space<vmem>> -> memref<80xi32, #tpu.memory_space<vmem>>
      %dma_start3A_302 = arith.constant 0 : i32
      %dma_start3A_303 = arith.constant 0 : i32
      %dma_start3A_304 = tpu.memref_slice %arg20[%dma_start3A_302, %dma_start3A_303] : memref<10240x32xf32, #tpu.memory_space<vmem_shared>> -> memref<10240x32xf32, #tpu.memory_space<vmem_shared>>
      tpu.enqueue_indirect_dma source(%arg8 : memref<80x32xf32, #tpu.memory_space<vmem>>) target(%dma_start3A_304 : memref<10240x32xf32, #tpu.memory_space<vmem_shared>>) offsets(%dma_start3A_301 : memref<80xi32, #tpu.memory_space<vmem>>) semaphore(%arg31 : memref<!tpu.dma_semaphore, #tpu.memory_space<semaphore_mem>>) {add = true}
      %add3A_305 = arith.constant 10 : i32
      %add3A_306 = arith.addi %add3A_292, %add3A_305 : i32
      %sub3A = arith.constant 1 : i32
      %sub3A_307 = arith.subi %add3A_306, %sub3A : i32
      %ge3A = arith.constant 1 : i32
      %ge3A_308 = arith.cmpi sge, %add3A_292, %ge3A : i32
      %lt3A = arith.constant 250 : i32
      %lt3A_309 = arith.cmpi slt, %sub3A_307, %lt3A : i32
      %and3A = arith.andi %ge3A_308, %lt3A_309 : i1
      %convert_element_type3A = arith.extui %and3A : i1 to i32
      %cond3A = arith.constant 0 : i32
      %cond3A_310 = arith.cmpi ne, %convert_element_type3A, %cond3A : i32
      scf.if %cond3A_310 {
        %dma_wait3A_563 = arith.constant 0 : i32
        %dma_wait3A_564 = arith.constant 0 : i32
        %dma_wait3A_565 = tpu.memref_slice %arg2[%dma_wait3A_563, %dma_wait3A_564] : memref<10000x128xf32, #tpu.memory_space<hbm>> -> memref<80x32xf32, #tpu.memory_space<hbm>>
        %dma_wait3A_566 = arith.constant 0 : i32
        %dma_wait3A_567 = arith.constant 0 : i32
        %dma_wait3A_568 = tpu.memref_slice %arg2[%dma_wait3A_566, %dma_wait3A_567] : memref<10000x128xf32, #tpu.memory_space<hbm>> -> memref<80x32xf32, #tpu.memory_space<hbm>>
        tpu.wait_dma2 semaphore(%arg40 : memref<!tpu.dma_semaphore, #tpu.memory_space<semaphore_mem>>) src(%dma_wait3A_568 : memref<80x32xf32, #tpu.memory_space<hbm>>) dst(%arg17 : memref<80x32xf32, #tpu.memory_space<vmem>>)
        %dma_start3A_569 = arith.constant 0 : i32
        %dma_start3A_570 = tpu.memref_slice %arg6[%sub3A_307, %dma_start3A_569] : memref<250x80xi32, #tpu.memory_space<vmem>> -> memref<1x80xi32, #tpu.memory_space<vmem>>
        %dma_start3A_571 = tpu.memref_squeeze %dma_start3A_570 : memref<1x80xi32, #tpu.memory_space<vmem>> -> memref<80xi32, #tpu.memory_space<vmem>>
        %dma_start3A_572 = arith.constant 0 : i32
        %dma_start3A_573 = arith.constant 0 : i32
        %dma_start3A_574 = tpu.memref_slice %arg19[%dma_start3A_572, %dma_start3A_573] : memref<10240x32xf32, #tpu.memory_space<vmem_shared>> -> memref<10240x32xf32, #tpu.memory_space<vmem_shared>>
        tpu.enqueue_indirect_dma source(%dma_start3A_574 : memref<10240x32xf32, #tpu.memory_space<vmem_shared>>) target(%arg17 : memref<80x32xf32, #tpu.memory_space<vmem>>) offsets(%dma_start3A_571 : memref<80xi32, #tpu.memory_space<vmem>>) semaphore(%arg30 : memref<!tpu.dma_semaphore, #tpu.memory_space<semaphore_mem>>)
      } else {
      }
      %mul3A_311 = arith.constant 10 : i32
      %mul3A_312 = arith.muli %scan3A_288, %mul3A_311 : i32
      %add3A_313 = arith.constant 1 : i32
      %add3A_314 = arith.addi %mul3A_312, %add3A_313 : i32
      %dma_wait3A_315 = arith.constant 0 : i32
      %dma_wait3A_316 = arith.constant 0 : i32
      %dma_wait3A_317 = tpu.memref_slice %arg2[%dma_wait3A_315, %dma_wait3A_316] : memref<10000x128xf32, #tpu.memory_space<hbm>> -> memref<80x32xf32, #tpu.memory_space<hbm>>
      %dma_wait3A_318 = arith.constant 0 : i32
      %dma_wait3A_319 = arith.constant 0 : i32
      %dma_wait3A_320 = tpu.memref_slice %arg2[%dma_wait3A_318, %dma_wait3A_319] : memref<10000x128xf32, #tpu.memory_space<hbm>> -> memref<80x32xf32, #tpu.memory_space<hbm>>
      tpu.wait_dma2 semaphore(%arg22 : memref<!tpu.dma_semaphore, #tpu.memory_space<semaphore_mem>>) src(%dma_wait3A_320 : memref<80x32xf32, #tpu.memory_space<hbm>>) dst(%arg9 : memref<80x32xf32, #tpu.memory_space<vmem>>)
      %dma_start3A_321 = arith.constant 0 : i32
      %dma_start3A_322 = tpu.memref_slice %arg7[%add3A_314, %dma_start3A_321] : memref<250x80xi32, #tpu.memory_space<vmem>> -> memref<1x80xi32, #tpu.memory_space<vmem>>
      %dma_start3A_323 = tpu.memref_squeeze %dma_start3A_322 : memref<1x80xi32, #tpu.memory_space<vmem>> -> memref<80xi32, #tpu.memory_space<vmem>>
      %dma_start3A_324 = arith.constant 0 : i32
      %dma_start3A_325 = arith.constant 0 : i32
      %dma_start3A_326 = tpu.memref_slice %arg20[%dma_start3A_324, %dma_start3A_325] : memref<10240x32xf32, #tpu.memory_space<vmem_shared>> -> memref<10240x32xf32, #tpu.memory_space<vmem_shared>>
      tpu.enqueue_indirect_dma source(%arg9 : memref<80x32xf32, #tpu.memory_space<vmem>>) target(%dma_start3A_326 : memref<10240x32xf32, #tpu.memory_space<vmem_shared>>) offsets(%dma_start3A_323 : memref<80xi32, #tpu.memory_space<vmem>>) semaphore(%arg32 : memref<!tpu.dma_semaphore, #tpu.memory_space<semaphore_mem>>) {add = true}
      %add3A_327 = arith.constant 10 : i32
      %add3A_328 = arith.addi %add3A_314, %add3A_327 : i32
      %sub3A_329 = arith.constant 1 : i32
      %sub3A_330 = arith.subi %add3A_328, %sub3A_329 : i32
      %ge3A_331 = arith.constant 1 : i32
      %ge3A_332 = arith.cmpi sge, %add3A_314, %ge3A_331 : i32
      %lt3A_333 = arith.constant 250 : i32
      %lt3A_334 = arith.cmpi slt, %sub3A_330, %lt3A_333 : i32
      %and3A_335 = arith.andi %ge3A_332, %lt3A_334 : i1
      %convert_element_type3A_336 = arith.extui %and3A_335 : i1 to i32
      %cond3A_337 = arith.constant 0 : i32
      %cond3A_338 = arith.cmpi ne, %convert_element_type3A_336, %cond3A_337 : i32
      scf.if %cond3A_338 {
        %dma_wait3A_563 = arith.constant 0 : i32
        %dma_wait3A_564 = arith.constant 0 : i32
        %dma_wait3A_565 = tpu.memref_slice %arg2[%dma_wait3A_563, %dma_wait3A_564] : memref<10000x128xf32, #tpu.memory_space<hbm>> -> memref<80x32xf32, #tpu.memory_space<hbm>>
        %dma_wait3A_566 = arith.constant 0 : i32
        %dma_wait3A_567 = arith.constant 0 : i32
        %dma_wait3A_568 = tpu.memref_slice %arg2[%dma_wait3A_566, %dma_wait3A_567] : memref<10000x128xf32, #tpu.memory_space<hbm>> -> memref<80x32xf32, #tpu.memory_space<hbm>>
        tpu.wait_dma2 semaphore(%arg31 : memref<!tpu.dma_semaphore, #tpu.memory_space<semaphore_mem>>) src(%dma_wait3A_568 : memref<80x32xf32, #tpu.memory_space<hbm>>) dst(%arg8 : memref<80x32xf32, #tpu.memory_space<vmem>>)
        %dma_start3A_569 = arith.constant 0 : i32
        %dma_start3A_570 = tpu.memref_slice %arg6[%sub3A_330, %dma_start3A_569] : memref<250x80xi32, #tpu.memory_space<vmem>> -> memref<1x80xi32, #tpu.memory_space<vmem>>
        %dma_start3A_571 = tpu.memref_squeeze %dma_start3A_570 : memref<1x80xi32, #tpu.memory_space<vmem>> -> memref<80xi32, #tpu.memory_space<vmem>>
        %dma_start3A_572 = arith.constant 0 : i32
        %dma_start3A_573 = arith.constant 0 : i32
        %dma_start3A_574 = tpu.memref_slice %arg19[%dma_start3A_572, %dma_start3A_573] : memref<10240x32xf32, #tpu.memory_space<vmem_shared>> -> memref<10240x32xf32, #tpu.memory_space<vmem_shared>>
        tpu.enqueue_indirect_dma source(%dma_start3A_574 : memref<10240x32xf32, #tpu.memory_space<vmem_shared>>) target(%arg8 : memref<80x32xf32, #tpu.memory_space<vmem>>) offsets(%dma_start3A_571 : memref<80xi32, #tpu.memory_space<vmem>>) semaphore(%arg21 : memref<!tpu.dma_semaphore, #tpu.memory_space<semaphore_mem>>)
      } else {
      }
      %mul3A_339 = arith.constant 10 : i32
      %mul3A_340 = arith.muli %scan3A_288, %mul3A_339 : i32
      %add3A_341 = arith.constant 2 : i32
      %add3A_342 = arith.addi %mul3A_340, %add3A_341 : i32
      %dma_wait3A_343 = arith.constant 0 : i32
      %dma_wait3A_344 = arith.constant 0 : i32
      %dma_wait3A_345 = tpu.memref_slice %arg2[%dma_wait3A_343, %dma_wait3A_344] : memref<10000x128xf32, #tpu.memory_space<hbm>> -> memref<80x32xf32, #tpu.memory_space<hbm>>
      %dma_wait3A_346 = arith.constant 0 : i32
      %dma_wait3A_347 = arith.constant 0 : i32
      %dma_wait3A_348 = tpu.memref_slice %arg2[%dma_wait3A_346, %dma_wait3A_347] : memref<10000x128xf32, #tpu.memory_space<hbm>> -> memref<80x32xf32, #tpu.memory_space<hbm>>
      tpu.wait_dma2 semaphore(%arg23 : memref<!tpu.dma_semaphore, #tpu.memory_space<semaphore_mem>>) src(%dma_wait3A_348 : memref<80x32xf32, #tpu.memory_space<hbm>>) dst(%arg10 : memref<80x32xf32, #tpu.memory_space<vmem>>)
      %dma_start3A_349 = arith.constant 0 : i32
      %dma_start3A_350 = tpu.memref_slice %arg7[%add3A_342, %dma_start3A_349] : memref<250x80xi32, #tpu.memory_space<vmem>> -> memref<1x80xi32, #tpu.memory_space<vmem>>
      %dma_start3A_351 = tpu.memref_squeeze %dma_start3A_350 : memref<1x80xi32, #tpu.memory_space<vmem>> -> memref<80xi32, #tpu.memory_space<vmem>>
      %dma_start3A_352 = arith.constant 0 : i32
      %dma_start3A_353 = arith.constant 0 : i32
      %dma_start3A_354 = tpu.memref_slice %arg20[%dma_start3A_352, %dma_start3A_353] : memref<10240x32xf32, #tpu.memory_space<vmem_shared>> -> memref<10240x32xf32, #tpu.memory_space<vmem_shared>>
      tpu.enqueue_indirect_dma source(%arg10 : memref<80x32xf32, #tpu.memory_space<vmem>>) target(%dma_start3A_354 : memref<10240x32xf32, #tpu.memory_space<vmem_shared>>) offsets(%dma_start3A_351 : memref<80xi32, #tpu.memory_space<vmem>>) semaphore(%arg33 : memref<!tpu.dma_semaphore, #tpu.memory_space<semaphore_mem>>) {add = true}
      %add3A_355 = arith.constant 10 : i32
      %add3A_356 = arith.addi %add3A_342, %add3A_355 : i32
      %sub3A_357 = arith.constant 1 : i32
      %sub3A_358 = arith.subi %add3A_356, %sub3A_357 : i32
      %ge3A_359 = arith.constant 1 : i32
      %ge3A_360 = arith.cmpi sge, %add3A_342, %ge3A_359 : i32
      %lt3A_361 = arith.constant 250 : i32
      %lt3A_362 = arith.cmpi slt, %sub3A_358, %lt3A_361 : i32
      %and3A_363 = arith.andi %ge3A_360, %lt3A_362 : i1
      %convert_element_type3A_364 = arith.extui %and3A_363 : i1 to i32
      %cond3A_365 = arith.constant 0 : i32
      %cond3A_366 = arith.cmpi ne, %convert_element_type3A_364, %cond3A_365 : i32
      scf.if %cond3A_366 {
        %dma_wait3A_563 = arith.constant 0 : i32
        %dma_wait3A_564 = arith.constant 0 : i32
        %dma_wait3A_565 = tpu.memref_slice %arg2[%dma_wait3A_563, %dma_wait3A_564] : memref<10000x128xf32, #tpu.memory_space<hbm>> -> memref<80x32xf32, #tpu.memory_space<hbm>>
        %dma_wait3A_566 = arith.constant 0 : i32
        %dma_wait3A_567 = arith.constant 0 : i32
        %dma_wait3A_568 = tpu.memref_slice %arg2[%dma_wait3A_566, %dma_wait3A_567] : memref<10000x128xf32, #tpu.memory_space<hbm>> -> memref<80x32xf32, #tpu.memory_space<hbm>>
        tpu.wait_dma2 semaphore(%arg32 : memref<!tpu.dma_semaphore, #tpu.memory_space<semaphore_mem>>) src(%dma_wait3A_568 : memref<80x32xf32, #tpu.memory_space<hbm>>) dst(%arg9 : memref<80x32xf32, #tpu.memory_space<vmem>>)
        %dma_start3A_569 = arith.constant 0 : i32
        %dma_start3A_570 = tpu.memref_slice %arg6[%sub3A_358, %dma_start3A_569] : memref<250x80xi32, #tpu.memory_space<vmem>> -> memref<1x80xi32, #tpu.memory_space<vmem>>
        %dma_start3A_571 = tpu.memref_squeeze %dma_start3A_570 : memref<1x80xi32, #tpu.memory_space<vmem>> -> memref<80xi32, #tpu.memory_space<vmem>>
        %dma_start3A_572 = arith.constant 0 : i32
        %dma_start3A_573 = arith.constant 0 : i32
        %dma_start3A_574 = tpu.memref_slice %arg19[%dma_start3A_572, %dma_start3A_573] : memref<10240x32xf32, #tpu.memory_space<vmem_shared>> -> memref<10240x32xf32, #tpu.memory_space<vmem_shared>>
        tpu.enqueue_indirect_dma source(%dma_start3A_574 : memref<10240x32xf32, #tpu.memory_space<vmem_shared>>) target(%arg9 : memref<80x32xf32, #tpu.memory_space<vmem>>) offsets(%dma_start3A_571 : memref<80xi32, #tpu.memory_space<vmem>>) semaphore(%arg22 : memref<!tpu.dma_semaphore, #tpu.memory_space<semaphore_mem>>)
      } else {
      }
      %mul3A_367 = arith.constant 10 : i32
      %mul3A_368 = arith.muli %scan3A_288, %mul3A_367 : i32
      %add3A_369 = arith.constant 3 : i32
      %add3A_370 = arith.addi %mul3A_368, %add3A_369 : i32
      %dma_wait3A_371 = arith.constant 0 : i32
      %dma_wait3A_372 = arith.constant 0 : i32
      %dma_wait3A_373 = tpu.memref_slice %arg2[%dma_wait3A_371, %dma_wait3A_372] : memref<10000x128xf32, #tpu.memory_space<hbm>> -> memref<80x32xf32, #tpu.memory_space<hbm>>
      %dma_wait3A_374 = arith.constant 0 : i32
      %dma_wait3A_375 = arith.constant 0 : i32
      %dma_wait3A_376 = tpu.memref_slice %arg2[%dma_wait3A_374, %dma_wait3A_375] : memref<10000x128xf32, #tpu.memory_space<hbm>> -> memref<80x32xf32, #tpu.memory_space<hbm>>
      tpu.wait_dma2 semaphore(%arg24 : memref<!tpu.dma_semaphore, #tpu.memory_space<semaphore_mem>>) src(%dma_wait3A_376 : memref<80x32xf32, #tpu.memory_space<hbm>>) dst(%arg11 : memref<80x32xf32, #tpu.memory_space<vmem>>)
      %dma_start3A_377 = arith.constant 0 : i32
      %dma_start3A_378 = tpu.memref_slice %arg7[%add3A_370, %dma_start3A_377] : memref<250x80xi32, #tpu.memory_space<vmem>> -> memref<1x80xi32, #tpu.memory_space<vmem>>
      %dma_start3A_379 = tpu.memref_squeeze %dma_start3A_378 : memref<1x80xi32, #tpu.memory_space<vmem>> -> memref<80xi32, #tpu.memory_space<vmem>>
      %dma_start3A_380 = arith.constant 0 : i32
      %dma_start3A_381 = arith.constant 0 : i32
      %dma_start3A_382 = tpu.memref_slice %arg20[%dma_start3A_380, %dma_start3A_381] : memref<10240x32xf32, #tpu.memory_space<vmem_shared>> -> memref<10240x32xf32, #tpu.memory_space<vmem_shared>>
      tpu.enqueue_indirect_dma source(%arg11 : memref<80x32xf32, #tpu.memory_space<vmem>>) target(%dma_start3A_382 : memref<10240x32xf32, #tpu.memory_space<vmem_shared>>) offsets(%dma_start3A_379 : memref<80xi32, #tpu.memory_space<vmem>>) semaphore(%arg34 : memref<!tpu.dma_semaphore, #tpu.memory_space<semaphore_mem>>) {add = true}
      %add3A_383 = arith.constant 10 : i32
      %add3A_384 = arith.addi %add3A_370, %add3A_383 : i32
      %sub3A_385 = arith.constant 1 : i32
      %sub3A_386 = arith.subi %add3A_384, %sub3A_385 : i32
      %ge3A_387 = arith.constant 1 : i32
      %ge3A_388 = arith.cmpi sge, %add3A_370, %ge3A_387 : i32
      %lt3A_389 = arith.constant 250 : i32
      %lt3A_390 = arith.cmpi slt, %sub3A_386, %lt3A_389 : i32
      %and3A_391 = arith.andi %ge3A_388, %lt3A_390 : i1
      %convert_element_type3A_392 = arith.extui %and3A_391 : i1 to i32
      %cond3A_393 = arith.constant 0 : i32
      %cond3A_394 = arith.cmpi ne, %convert_element_type3A_392, %cond3A_393 : i32
      scf.if %cond3A_394 {
        %dma_wait3A_563 = arith.constant 0 : i32
        %dma_wait3A_564 = arith.constant 0 : i32
        %dma_wait3A_565 = tpu.memref_slice %arg2[%dma_wait3A_563, %dma_wait3A_564] : memref<10000x128xf32, #tpu.memory_space<hbm>> -> memref<80x32xf32, #tpu.memory_space<hbm>>
        %dma_wait3A_566 = arith.constant 0 : i32
        %dma_wait3A_567 = arith.constant 0 : i32
        %dma_wait3A_568 = tpu.memref_slice %arg2[%dma_wait3A_566, %dma_wait3A_567] : memref<10000x128xf32, #tpu.memory_space<hbm>> -> memref<80x32xf32, #tpu.memory_space<hbm>>
        tpu.wait_dma2 semaphore(%arg33 : memref<!tpu.dma_semaphore, #tpu.memory_space<semaphore_mem>>) src(%dma_wait3A_568 : memref<80x32xf32, #tpu.memory_space<hbm>>) dst(%arg10 : memref<80x32xf32, #tpu.memory_space<vmem>>)
        %dma_start3A_569 = arith.constant 0 : i32
        %dma_start3A_570 = tpu.memref_slice %arg6[%sub3A_386, %dma_start3A_569] : memref<250x80xi32, #tpu.memory_space<vmem>> -> memref<1x80xi32, #tpu.memory_space<vmem>>
        %dma_start3A_571 = tpu.memref_squeeze %dma_start3A_570 : memref<1x80xi32, #tpu.memory_space<vmem>> -> memref<80xi32, #tpu.memory_space<vmem>>
        %dma_start3A_572 = arith.constant 0 : i32
        %dma_start3A_573 = arith.constant 0 : i32
        %dma_start3A_574 = tpu.memref_slice %arg19[%dma_start3A_572, %dma_start3A_573] : memref<10240x32xf32, #tpu.memory_space<vmem_shared>> -> memref<10240x32xf32, #tpu.memory_space<vmem_shared>>
        tpu.enqueue_indirect_dma source(%dma_start3A_574 : memref<10240x32xf32, #tpu.memory_space<vmem_shared>>) target(%arg10 : memref<80x32xf32, #tpu.memory_space<vmem>>) offsets(%dma_start3A_571 : memref<80xi32, #tpu.memory_space<vmem>>) semaphore(%arg23 : memref<!tpu.dma_semaphore, #tpu.memory_space<semaphore_mem>>)
      } else {
      }
      %mul3A_395 = arith.constant 10 : i32
      %mul3A_396 = arith.muli %scan3A_288, %mul3A_395 : i32
      %add3A_397 = arith.constant 4 : i32
      %add3A_398 = arith.addi %mul3A_396, %add3A_397 : i32
      %dma_wait3A_399 = arith.constant 0 : i32
      %dma_wait3A_400 = arith.constant 0 : i32
      %dma_wait3A_401 = tpu.memref_slice %arg2[%dma_wait3A_399, %dma_wait3A_400] : memref<10000x128xf32, #tpu.memory_space<hbm>> -> memref<80x32xf32, #tpu.memory_space<hbm>>
      %dma_wait3A_402 = arith.constant 0 : i32
      %dma_wait3A_403 = arith.constant 0 : i32
      %dma_wait3A_404 = tpu.memref_slice %arg2[%dma_wait3A_402, %dma_wait3A_403] : memref<10000x128xf32, #tpu.memory_space<hbm>> -> memref<80x32xf32, #tpu.memory_space<hbm>>
      tpu.wait_dma2 semaphore(%arg25 : memref<!tpu.dma_semaphore, #tpu.memory_space<semaphore_mem>>) src(%dma_wait3A_404 : memref<80x32xf32, #tpu.memory_space<hbm>>) dst(%arg12 : memref<80x32xf32, #tpu.memory_space<vmem>>)
      %dma_start3A_405 = arith.constant 0 : i32
      %dma_start3A_406 = tpu.memref_slice %arg7[%add3A_398, %dma_start3A_405] : memref<250x80xi32, #tpu.memory_space<vmem>> -> memref<1x80xi32, #tpu.memory_space<vmem>>
      %dma_start3A_407 = tpu.memref_squeeze %dma_start3A_406 : memref<1x80xi32, #tpu.memory_space<vmem>> -> memref<80xi32, #tpu.memory_space<vmem>>
      %dma_start3A_408 = arith.constant 0 : i32
      %dma_start3A_409 = arith.constant 0 : i32
      %dma_start3A_410 = tpu.memref_slice %arg20[%dma_start3A_408, %dma_start3A_409] : memref<10240x32xf32, #tpu.memory_space<vmem_shared>> -> memref<10240x32xf32, #tpu.memory_space<vmem_shared>>
      tpu.enqueue_indirect_dma source(%arg12 : memref<80x32xf32, #tpu.memory_space<vmem>>) target(%dma_start3A_410 : memref<10240x32xf32, #tpu.memory_space<vmem_shared>>) offsets(%dma_start3A_407 : memref<80xi32, #tpu.memory_space<vmem>>) semaphore(%arg35 : memref<!tpu.dma_semaphore, #tpu.memory_space<semaphore_mem>>) {add = true}
      %add3A_411 = arith.constant 10 : i32
      %add3A_412 = arith.addi %add3A_398, %add3A_411 : i32
      %sub3A_413 = arith.constant 1 : i32
      %sub3A_414 = arith.subi %add3A_412, %sub3A_413 : i32
      %ge3A_415 = arith.constant 1 : i32
      %ge3A_416 = arith.cmpi sge, %add3A_398, %ge3A_415 : i32
      %lt3A_417 = arith.constant 250 : i32
      %lt3A_418 = arith.cmpi slt, %sub3A_414, %lt3A_417 : i32
      %and3A_419 = arith.andi %ge3A_416, %lt3A_418 : i1
      %convert_element_type3A_420 = arith.extui %and3A_419 : i1 to i32
      %cond3A_421 = arith.constant 0 : i32
      %cond3A_422 = arith.cmpi ne, %convert_element_type3A_420, %cond3A_421 : i32
      scf.if %cond3A_422 {
        %dma_wait3A_563 = arith.constant 0 : i32
        %dma_wait3A_564 = arith.constant 0 : i32
        %dma_wait3A_565 = tpu.memref_slice %arg2[%dma_wait3A_563, %dma_wait3A_564] : memref<10000x128xf32, #tpu.memory_space<hbm>> -> memref<80x32xf32, #tpu.memory_space<hbm>>
        %dma_wait3A_566 = arith.constant 0 : i32
        %dma_wait3A_567 = arith.constant 0 : i32
        %dma_wait3A_568 = tpu.memref_slice %arg2[%dma_wait3A_566, %dma_wait3A_567] : memref<10000x128xf32, #tpu.memory_space<hbm>> -> memref<80x32xf32, #tpu.memory_space<hbm>>
        tpu.wait_dma2 semaphore(%arg34 : memref<!tpu.dma_semaphore, #tpu.memory_space<semaphore_mem>>) src(%dma_wait3A_568 : memref<80x32xf32, #tpu.memory_space<hbm>>) dst(%arg11 : memref<80x32xf32, #tpu.memory_space<vmem>>)
        %dma_start3A_569 = arith.constant 0 : i32
        %dma_start3A_570 = tpu.memref_slice %arg6[%sub3A_414, %dma_start3A_569] : memref<250x80xi32, #tpu.memory_space<vmem>> -> memref<1x80xi32, #tpu.memory_space<vmem>>
        %dma_start3A_571 = tpu.memref_squeeze %dma_start3A_570 : memref<1x80xi32, #tpu.memory_space<vmem>> -> memref<80xi32, #tpu.memory_space<vmem>>
        %dma_start3A_572 = arith.constant 0 : i32
        %dma_start3A_573 = arith.constant 0 : i32
        %dma_start3A_574 = tpu.memref_slice %arg19[%dma_start3A_572, %dma_start3A_573] : memref<10240x32xf32, #tpu.memory_space<vmem_shared>> -> memref<10240x32xf32, #tpu.memory_space<vmem_shared>>
        tpu.enqueue_indirect_dma source(%dma_start3A_574 : memref<10240x32xf32, #tpu.memory_space<vmem_shared>>) target(%arg11 : memref<80x32xf32, #tpu.memory_space<vmem>>) offsets(%dma_start3A_571 : memref<80xi32, #tpu.memory_space<vmem>>) semaphore(%arg24 : memref<!tpu.dma_semaphore, #tpu.memory_space<semaphore_mem>>)
      } else {
      }
      %mul3A_423 = arith.constant 10 : i32
      %mul3A_424 = arith.muli %scan3A_288, %mul3A_423 : i32
      %add3A_425 = arith.constant 5 : i32
      %add3A_426 = arith.addi %mul3A_424, %add3A_425 : i32
      %dma_wait3A_427 = arith.constant 0 : i32
      %dma_wait3A_428 = arith.constant 0 : i32
      %dma_wait3A_429 = tpu.memref_slice %arg2[%dma_wait3A_427, %dma_wait3A_428] : memref<10000x128xf32, #tpu.memory_space<hbm>> -> memref<80x32xf32, #tpu.memory_space<hbm>>
      %dma_wait3A_430 = arith.constant 0 : i32
      %dma_wait3A_431 = arith.constant 0 : i32
      %dma_wait3A_432 = tpu.memref_slice %arg2[%dma_wait3A_430, %dma_wait3A_431] : memref<10000x128xf32, #tpu.memory_space<hbm>> -> memref<80x32xf32, #tpu.memory_space<hbm>>
      tpu.wait_dma2 semaphore(%arg26 : memref<!tpu.dma_semaphore, #tpu.memory_space<semaphore_mem>>) src(%dma_wait3A_432 : memref<80x32xf32, #tpu.memory_space<hbm>>) dst(%arg13 : memref<80x32xf32, #tpu.memory_space<vmem>>)
      %dma_start3A_433 = arith.constant 0 : i32
      %dma_start3A_434 = tpu.memref_slice %arg7[%add3A_426, %dma_start3A_433] : memref<250x80xi32, #tpu.memory_space<vmem>> -> memref<1x80xi32, #tpu.memory_space<vmem>>
      %dma_start3A_435 = tpu.memref_squeeze %dma_start3A_434 : memref<1x80xi32, #tpu.memory_space<vmem>> -> memref<80xi32, #tpu.memory_space<vmem>>
      %dma_start3A_436 = arith.constant 0 : i32
      %dma_start3A_437 = arith.constant 0 : i32
      %dma_start3A_438 = tpu.memref_slice %arg20[%dma_start3A_436, %dma_start3A_437] : memref<10240x32xf32, #tpu.memory_space<vmem_shared>> -> memref<10240x32xf32, #tpu.memory_space<vmem_shared>>
      tpu.enqueue_indirect_dma source(%arg13 : memref<80x32xf32, #tpu.memory_space<vmem>>) target(%dma_start3A_438 : memref<10240x32xf32, #tpu.memory_space<vmem_shared>>) offsets(%dma_start3A_435 : memref<80xi32, #tpu.memory_space<vmem>>) semaphore(%arg36 : memref<!tpu.dma_semaphore, #tpu.memory_space<semaphore_mem>>) {add = true}
      %add3A_439 = arith.constant 10 : i32
      %add3A_440 = arith.addi %add3A_426, %add3A_439 : i32
      %sub3A_441 = arith.constant 1 : i32
      %sub3A_442 = arith.subi %add3A_440, %sub3A_441 : i32
      %ge3A_443 = arith.constant 1 : i32
      %ge3A_444 = arith.cmpi sge, %add3A_426, %ge3A_443 : i32
      %lt3A_445 = arith.constant 250 : i32
      %lt3A_446 = arith.cmpi slt, %sub3A_442, %lt3A_445 : i32
      %and3A_447 = arith.andi %ge3A_444, %lt3A_446 : i1
      %convert_element_type3A_448 = arith.extui %and3A_447 : i1 to i32
      %cond3A_449 = arith.constant 0 : i32
      %cond3A_450 = arith.cmpi ne, %convert_element_type3A_448, %cond3A_449 : i32
      scf.if %cond3A_450 {
        %dma_wait3A_563 = arith.constant 0 : i32
        %dma_wait3A_564 = arith.constant 0 : i32
        %dma_wait3A_565 = tpu.memref_slice %arg2[%dma_wait3A_563, %dma_wait3A_564] : memref<10000x128xf32, #tpu.memory_space<hbm>> -> memref<80x32xf32, #tpu.memory_space<hbm>>
        %dma_wait3A_566 = arith.constant 0 : i32
        %dma_wait3A_567 = arith.constant 0 : i32
        %dma_wait3A_568 = tpu.memref_slice %arg2[%dma_wait3A_566, %dma_wait3A_567] : memref<10000x128xf32, #tpu.memory_space<hbm>> -> memref<80x32xf32, #tpu.memory_space<hbm>>
        tpu.wait_dma2 semaphore(%arg35 : memref<!tpu.dma_semaphore, #tpu.memory_space<semaphore_mem>>) src(%dma_wait3A_568 : memref<80x32xf32, #tpu.memory_space<hbm>>) dst(%arg12 : memref<80x32xf32, #tpu.memory_space<vmem>>)
        %dma_start3A_569 = arith.constant 0 : i32
        %dma_start3A_570 = tpu.memref_slice %arg6[%sub3A_442, %dma_start3A_569] : memref<250x80xi32, #tpu.memory_space<vmem>> -> memref<1x80xi32, #tpu.memory_space<vmem>>
        %dma_start3A_571 = tpu.memref_squeeze %dma_start3A_570 : memref<1x80xi32, #tpu.memory_space<vmem>> -> memref<80xi32, #tpu.memory_space<vmem>>
        %dma_start3A_572 = arith.constant 0 : i32
        %dma_start3A_573 = arith.constant 0 : i32
        %dma_start3A_574 = tpu.memref_slice %arg19[%dma_start3A_572, %dma_start3A_573] : memref<10240x32xf32, #tpu.memory_space<vmem_shared>> -> memref<10240x32xf32, #tpu.memory_space<vmem_shared>>
        tpu.enqueue_indirect_dma source(%dma_start3A_574 : memref<10240x32xf32, #tpu.memory_space<vmem_shared>>) target(%arg12 : memref<80x32xf32, #tpu.memory_space<vmem>>) offsets(%dma_start3A_571 : memref<80xi32, #tpu.memory_space<vmem>>) semaphore(%arg25 : memref<!tpu.dma_semaphore, #tpu.memory_space<semaphore_mem>>)
      } else {
      }
      %mul3A_451 = arith.constant 10 : i32
      %mul3A_452 = arith.muli %scan3A_288, %mul3A_451 : i32
      %add3A_453 = arith.constant 6 : i32
      %add3A_454 = arith.addi %mul3A_452, %add3A_453 : i32
      %dma_wait3A_455 = arith.constant 0 : i32
      %dma_wait3A_456 = arith.constant 0 : i32
      %dma_wait3A_457 = tpu.memref_slice %arg2[%dma_wait3A_455, %dma_wait3A_456] : memref<10000x128xf32, #tpu.memory_space<hbm>> -> memref<80x32xf32, #tpu.memory_space<hbm>>
      %dma_wait3A_458 = arith.constant 0 : i32
      %dma_wait3A_459 = arith.constant 0 : i32
      %dma_wait3A_460 = tpu.memref_slice %arg2[%dma_wait3A_458, %dma_wait3A_459] : memref<10000x128xf32, #tpu.memory_space<hbm>> -> memref<80x32xf32, #tpu.memory_space<hbm>>
      tpu.wait_dma2 semaphore(%arg27 : memref<!tpu.dma_semaphore, #tpu.memory_space<semaphore_mem>>) src(%dma_wait3A_460 : memref<80x32xf32, #tpu.memory_space<hbm>>) dst(%arg14 : memref<80x32xf32, #tpu.memory_space<vmem>>)
      %dma_start3A_461 = arith.constant 0 : i32
      %dma_start3A_462 = tpu.memref_slice %arg7[%add3A_454, %dma_start3A_461] : memref<250x80xi32, #tpu.memory_space<vmem>> -> memref<1x80xi32, #tpu.memory_space<vmem>>
      %dma_start3A_463 = tpu.memref_squeeze %dma_start3A_462 : memref<1x80xi32, #tpu.memory_space<vmem>> -> memref<80xi32, #tpu.memory_space<vmem>>
      %dma_start3A_464 = arith.constant 0 : i32
      %dma_start3A_465 = arith.constant 0 : i32
      %dma_start3A_466 = tpu.memref_slice %arg20[%dma_start3A_464, %dma_start3A_465] : memref<10240x32xf32, #tpu.memory_space<vmem_shared>> -> memref<10240x32xf32, #tpu.memory_space<vmem_shared>>
      tpu.enqueue_indirect_dma source(%arg14 : memref<80x32xf32, #tpu.memory_space<vmem>>) target(%dma_start3A_466 : memref<10240x32xf32, #tpu.memory_space<vmem_shared>>) offsets(%dma_start3A_463 : memref<80xi32, #tpu.memory_space<vmem>>) semaphore(%arg37 : memref<!tpu.dma_semaphore, #tpu.memory_space<semaphore_mem>>) {add = true}
      %add3A_467 = arith.constant 10 : i32
      %add3A_468 = arith.addi %add3A_454, %add3A_467 : i32
      %sub3A_469 = arith.constant 1 : i32
      %sub3A_470 = arith.subi %add3A_468, %sub3A_469 : i32
      %ge3A_471 = arith.constant 1 : i32
      %ge3A_472 = arith.cmpi sge, %add3A_454, %ge3A_471 : i32
      %lt3A_473 = arith.constant 250 : i32
      %lt3A_474 = arith.cmpi slt, %sub3A_470, %lt3A_473 : i32
      %and3A_475 = arith.andi %ge3A_472, %lt3A_474 : i1
      %convert_element_type3A_476 = arith.extui %and3A_475 : i1 to i32
      %cond3A_477 = arith.constant 0 : i32
      %cond3A_478 = arith.cmpi ne, %convert_element_type3A_476, %cond3A_477 : i32
      scf.if %cond3A_478 {
        %dma_wait3A_563 = arith.constant 0 : i32
        %dma_wait3A_564 = arith.constant 0 : i32
        %dma_wait3A_565 = tpu.memref_slice %arg2[%dma_wait3A_563, %dma_wait3A_564] : memref<10000x128xf32, #tpu.memory_space<hbm>> -> memref<80x32xf32, #tpu.memory_space<hbm>>
        %dma_wait3A_566 = arith.constant 0 : i32
        %dma_wait3A_567 = arith.constant 0 : i32
        %dma_wait3A_568 = tpu.memref_slice %arg2[%dma_wait3A_566, %dma_wait3A_567] : memref<10000x128xf32, #tpu.memory_space<hbm>> -> memref<80x32xf32, #tpu.memory_space<hbm>>
        tpu.wait_dma2 semaphore(%arg36 : memref<!tpu.dma_semaphore, #tpu.memory_space<semaphore_mem>>) src(%dma_wait3A_568 : memref<80x32xf32, #tpu.memory_space<hbm>>) dst(%arg13 : memref<80x32xf32, #tpu.memory_space<vmem>>)
        %dma_start3A_569 = arith.constant 0 : i32
        %dma_start3A_570 = tpu.memref_slice %arg6[%sub3A_470, %dma_start3A_569] : memref<250x80xi32, #tpu.memory_space<vmem>> -> memref<1x80xi32, #tpu.memory_space<vmem>>
        %dma_start3A_571 = tpu.memref_squeeze %dma_start3A_570 : memref<1x80xi32, #tpu.memory_space<vmem>> -> memref<80xi32, #tpu.memory_space<vmem>>
        %dma_start3A_572 = arith.constant 0 : i32
        %dma_start3A_573 = arith.constant 0 : i32
        %dma_start3A_574 = tpu.memref_slice %arg19[%dma_start3A_572, %dma_start3A_573] : memref<10240x32xf32, #tpu.memory_space<vmem_shared>> -> memref<10240x32xf32, #tpu.memory_space<vmem_shared>>
        tpu.enqueue_indirect_dma source(%dma_start3A_574 : memref<10240x32xf32, #tpu.memory_space<vmem_shared>>) target(%arg13 : memref<80x32xf32, #tpu.memory_space<vmem>>) offsets(%dma_start3A_571 : memref<80xi32, #tpu.memory_space<vmem>>) semaphore(%arg26 : memref<!tpu.dma_semaphore, #tpu.memory_space<semaphore_mem>>)
      } else {
      }
      %mul3A_479 = arith.constant 10 : i32
      %mul3A_480 = arith.muli %scan3A_288, %mul3A_479 : i32
      %add3A_481 = arith.constant 7 : i32
      %add3A_482 = arith.addi %mul3A_480, %add3A_481 : i32
      %dma_wait3A_483 = arith.constant 0 : i32
      %dma_wait3A_484 = arith.constant 0 : i32
      %dma_wait3A_485 = tpu.memref_slice %arg2[%dma_wait3A_483, %dma_wait3A_484] : memref<10000x128xf32, #tpu.memory_space<hbm>> -> memref<80x32xf32, #tpu.memory_space<hbm>>
      %dma_wait3A_486 = arith.constant 0 : i32
      %dma_wait3A_487 = arith.constant 0 : i32
      %dma_wait3A_488 = tpu.memref_slice %arg2[%dma_wait3A_486, %dma_wait3A_487] : memref<10000x128xf32, #tpu.memory_space<hbm>> -> memref<80x32xf32, #tpu.memory_space<hbm>>
      tpu.wait_dma2 semaphore(%arg28 : memref<!tpu.dma_semaphore, #tpu.memory_space<semaphore_mem>>) src(%dma_wait3A_488 : memref<80x32xf32, #tpu.memory_space<hbm>>) dst(%arg15 : memref<80x32xf32, #tpu.memory_space<vmem>>)
      %dma_start3A_489 = arith.constant 0 : i32
      %dma_start3A_490 = tpu.memref_slice %arg7[%add3A_482, %dma_start3A_489] : memref<250x80xi32, #tpu.memory_space<vmem>> -> memref<1x80xi32, #tpu.memory_space<vmem>>
      %dma_start3A_491 = tpu.memref_squeeze %dma_start3A_490 : memref<1x80xi32, #tpu.memory_space<vmem>> -> memref<80xi32, #tpu.memory_space<vmem>>
      %dma_start3A_492 = arith.constant 0 : i32
      %dma_start3A_493 = arith.constant 0 : i32
      %dma_start3A_494 = tpu.memref_slice %arg20[%dma_start3A_492, %dma_start3A_493] : memref<10240x32xf32, #tpu.memory_space<vmem_shared>> -> memref<10240x32xf32, #tpu.memory_space<vmem_shared>>
      tpu.enqueue_indirect_dma source(%arg15 : memref<80x32xf32, #tpu.memory_space<vmem>>) target(%dma_start3A_494 : memref<10240x32xf32, #tpu.memory_space<vmem_shared>>) offsets(%dma_start3A_491 : memref<80xi32, #tpu.memory_space<vmem>>) semaphore(%arg38 : memref<!tpu.dma_semaphore, #tpu.memory_space<semaphore_mem>>) {add = true}
      %add3A_495 = arith.constant 10 : i32
      %add3A_496 = arith.addi %add3A_482, %add3A_495 : i32
      %sub3A_497 = arith.constant 1 : i32
      %sub3A_498 = arith.subi %add3A_496, %sub3A_497 : i32
      %ge3A_499 = arith.constant 1 : i32
      %ge3A_500 = arith.cmpi sge, %add3A_482, %ge3A_499 : i32
      %lt3A_501 = arith.constant 250 : i32
      %lt3A_502 = arith.cmpi slt, %sub3A_498, %lt3A_501 : i32
      %and3A_503 = arith.andi %ge3A_500, %lt3A_502 : i1
      %convert_element_type3A_504 = arith.extui %and3A_503 : i1 to i32
      %cond3A_505 = arith.constant 0 : i32
      %cond3A_506 = arith.cmpi ne, %convert_element_type3A_504, %cond3A_505 : i32
      scf.if %cond3A_506 {
        %dma_wait3A_563 = arith.constant 0 : i32
        %dma_wait3A_564 = arith.constant 0 : i32
        %dma_wait3A_565 = tpu.memref_slice %arg2[%dma_wait3A_563, %dma_wait3A_564] : memref<10000x128xf32, #tpu.memory_space<hbm>> -> memref<80x32xf32, #tpu.memory_space<hbm>>
        %dma_wait3A_566 = arith.constant 0 : i32
        %dma_wait3A_567 = arith.constant 0 : i32
        %dma_wait3A_568 = tpu.memref_slice %arg2[%dma_wait3A_566, %dma_wait3A_567] : memref<10000x128xf32, #tpu.memory_space<hbm>> -> memref<80x32xf32, #tpu.memory_space<hbm>>
        tpu.wait_dma2 semaphore(%arg37 : memref<!tpu.dma_semaphore, #tpu.memory_space<semaphore_mem>>) src(%dma_wait3A_568 : memref<80x32xf32, #tpu.memory_space<hbm>>) dst(%arg14 : memref<80x32xf32, #tpu.memory_space<vmem>>)
        %dma_start3A_569 = arith.constant 0 : i32
        %dma_start3A_570 = tpu.memref_slice %arg6[%sub3A_498, %dma_start3A_569] : memref<250x80xi32, #tpu.memory_space<vmem>> -> memref<1x80xi32, #tpu.memory_space<vmem>>
        %dma_start3A_571 = tpu.memref_squeeze %dma_start3A_570 : memref<1x80xi32, #tpu.memory_space<vmem>> -> memref<80xi32, #tpu.memory_space<vmem>>
        %dma_start3A_572 = arith.constant 0 : i32
        %dma_start3A_573 = arith.constant 0 : i32
        %dma_start3A_574 = tpu.memref_slice %arg19[%dma_start3A_572, %dma_start3A_573] : memref<10240x32xf32, #tpu.memory_space<vmem_shared>> -> memref<10240x32xf32, #tpu.memory_space<vmem_shared>>
        tpu.enqueue_indirect_dma source(%dma_start3A_574 : memref<10240x32xf32, #tpu.memory_space<vmem_shared>>) target(%arg14 : memref<80x32xf32, #tpu.memory_space<vmem>>) offsets(%dma_start3A_571 : memref<80xi32, #tpu.memory_space<vmem>>) semaphore(%arg27 : memref<!tpu.dma_semaphore, #tpu.memory_space<semaphore_mem>>)
      } else {
      }
      %mul3A_507 = arith.constant 10 : i32
      %mul3A_508 = arith.muli %scan3A_288, %mul3A_507 : i32
      %add3A_509 = arith.constant 8 : i32
      %add3A_510 = arith.addi %mul3A_508, %add3A_509 : i32
      %dma_wait3A_511 = arith.constant 0 : i32
      %dma_wait3A_512 = arith.constant 0 : i32
      %dma_wait3A_513 = tpu.memref_slice %arg2[%dma_wait3A_511, %dma_wait3A_512] : memref<10000x128xf32, #tpu.memory_space<hbm>> -> memref<80x32xf32, #tpu.memory_space<hbm>>
      %dma_wait3A_514 = arith.constant 0 : i32
      %dma_wait3A_515 = arith.constant 0 : i32
      %dma_wait3A_516 = tpu.memref_slice %arg2[%dma_wait3A_514, %dma_wait3A_515] : memref<10000x128xf32, #tpu.memory_space<hbm>> -> memref<80x32xf32, #tpu.memory_space<hbm>>
      tpu.wait_dma2 semaphore(%arg29 : memref<!tpu.dma_semaphore, #tpu.memory_space<semaphore_mem>>) src(%dma_wait3A_516 : memref<80x32xf32, #tpu.memory_space<hbm>>) dst(%arg16 : memref<80x32xf32, #tpu.memory_space<vmem>>)
      %dma_start3A_517 = arith.constant 0 : i32
      %dma_start3A_518 = tpu.memref_slice %arg7[%add3A_510, %dma_start3A_517] : memref<250x80xi32, #tpu.memory_space<vmem>> -> memref<1x80xi32, #tpu.memory_space<vmem>>
      %dma_start3A_519 = tpu.memref_squeeze %dma_start3A_518 : memref<1x80xi32, #tpu.memory_space<vmem>> -> memref<80xi32, #tpu.memory_space<vmem>>
      %dma_start3A_520 = arith.constant 0 : i32
      %dma_start3A_521 = arith.constant 0 : i32
      %dma_start3A_522 = tpu.memref_slice %arg20[%dma_start3A_520, %dma_start3A_521] : memref<10240x32xf32, #tpu.memory_space<vmem_shared>> -> memref<10240x32xf32, #tpu.memory_space<vmem_shared>>
      tpu.enqueue_indirect_dma source(%arg16 : memref<80x32xf32, #tpu.memory_space<vmem>>) target(%dma_start3A_522 : memref<10240x32xf32, #tpu.memory_space<vmem_shared>>) offsets(%dma_start3A_519 : memref<80xi32, #tpu.memory_space<vmem>>) semaphore(%arg39 : memref<!tpu.dma_semaphore, #tpu.memory_space<semaphore_mem>>) {add = true}
      %add3A_523 = arith.constant 10 : i32
      %add3A_524 = arith.addi %add3A_510, %add3A_523 : i32
      %sub3A_525 = arith.constant 1 : i32
      %sub3A_526 = arith.subi %add3A_524, %sub3A_525 : i32
      %ge3A_527 = arith.constant 1 : i32
      %ge3A_528 = arith.cmpi sge, %add3A_510, %ge3A_527 : i32
      %lt3A_529 = arith.constant 250 : i32
      %lt3A_530 = arith.cmpi slt, %sub3A_526, %lt3A_529 : i32
      %and3A_531 = arith.andi %ge3A_528, %lt3A_530 : i1
      %convert_element_type3A_532 = arith.extui %and3A_531 : i1 to i32
      %cond3A_533 = arith.constant 0 : i32
      %cond3A_534 = arith.cmpi ne, %convert_element_type3A_532, %cond3A_533 : i32
      scf.if %cond3A_534 {
        %dma_wait3A_563 = arith.constant 0 : i32
        %dma_wait3A_564 = arith.constant 0 : i32
        %dma_wait3A_565 = tpu.memref_slice %arg2[%dma_wait3A_563, %dma_wait3A_564] : memref<10000x128xf32, #tpu.memory_space<hbm>> -> memref<80x32xf32, #tpu.memory_space<hbm>>
        %dma_wait3A_566 = arith.constant 0 : i32
        %dma_wait3A_567 = arith.constant 0 : i32
        %dma_wait3A_568 = tpu.memref_slice %arg2[%dma_wait3A_566, %dma_wait3A_567] : memref<10000x128xf32, #tpu.memory_space<hbm>> -> memref<80x32xf32, #tpu.memory_space<hbm>>
        tpu.wait_dma2 semaphore(%arg38 : memref<!tpu.dma_semaphore, #tpu.memory_space<semaphore_mem>>) src(%dma_wait3A_568 : memref<80x32xf32, #tpu.memory_space<hbm>>) dst(%arg15 : memref<80x32xf32, #tpu.memory_space<vmem>>)
        %dma_start3A_569 = arith.constant 0 : i32
        %dma_start3A_570 = tpu.memref_slice %arg6[%sub3A_526, %dma_start3A_569] : memref<250x80xi32, #tpu.memory_space<vmem>> -> memref<1x80xi32, #tpu.memory_space<vmem>>
        %dma_start3A_571 = tpu.memref_squeeze %dma_start3A_570 : memref<1x80xi32, #tpu.memory_space<vmem>> -> memref<80xi32, #tpu.memory_space<vmem>>
        %dma_start3A_572 = arith.constant 0 : i32
        %dma_start3A_573 = arith.constant 0 : i32
        %dma_start3A_574 = tpu.memref_slice %arg19[%dma_start3A_572, %dma_start3A_573] : memref<10240x32xf32, #tpu.memory_space<vmem_shared>> -> memref<10240x32xf32, #tpu.memory_space<vmem_shared>>
        tpu.enqueue_indirect_dma source(%dma_start3A_574 : memref<10240x32xf32, #tpu.memory_space<vmem_shared>>) target(%arg15 : memref<80x32xf32, #tpu.memory_space<vmem>>) offsets(%dma_start3A_571 : memref<80xi32, #tpu.memory_space<vmem>>) semaphore(%arg28 : memref<!tpu.dma_semaphore, #tpu.memory_space<semaphore_mem>>)
      } else {
      }
      %mul3A_535 = arith.constant 10 : i32
      %mul3A_536 = arith.muli %scan3A_288, %mul3A_535 : i32
      %add3A_537 = arith.constant 9 : i32
      %add3A_538 = arith.addi %mul3A_536, %add3A_537 : i32
      %dma_wait3A_539 = arith.constant 0 : i32
      %dma_wait3A_540 = arith.constant 0 : i32
      %dma_wait3A_541 = tpu.memref_slice %arg2[%dma_wait3A_539, %dma_wait3A_540] : memref<10000x128xf32, #tpu.memory_space<hbm>> -> memref<80x32xf32, #tpu.memory_space<hbm>>
      %dma_wait3A_542 = arith.constant 0 : i32
      %dma_wait3A_543 = arith.constant 0 : i32
      %dma_wait3A_544 = tpu.memref_slice %arg2[%dma_wait3A_542, %dma_wait3A_543] : memref<10000x128xf32, #tpu.memory_space<hbm>> -> memref<80x32xf32, #tpu.memory_space<hbm>>
      tpu.wait_dma2 semaphore(%arg30 : memref<!tpu.dma_semaphore, #tpu.memory_space<semaphore_mem>>) src(%dma_wait3A_544 : memref<80x32xf32, #tpu.memory_space<hbm>>) dst(%arg17 : memref<80x32xf32, #tpu.memory_space<vmem>>)
      %dma_start3A_545 = arith.constant 0 : i32
      %dma_start3A_546 = tpu.memref_slice %arg7[%add3A_538, %dma_start3A_545] : memref<250x80xi32, #tpu.memory_space<vmem>> -> memref<1x80xi32, #tpu.memory_space<vmem>>
      %dma_start3A_547 = tpu.memref_squeeze %dma_start3A_546 : memref<1x80xi32, #tpu.memory_space<vmem>> -> memref<80xi32, #tpu.memory_space<vmem>>
      %dma_start3A_548 = arith.constant 0 : i32
      %dma_start3A_549 = arith.constant 0 : i32
      %dma_start3A_550 = tpu.memref_slice %arg20[%dma_start3A_548, %dma_start3A_549] : memref<10240x32xf32, #tpu.memory_space<vmem_shared>> -> memref<10240x32xf32, #tpu.memory_space<vmem_shared>>
      tpu.enqueue_indirect_dma source(%arg17 : memref<80x32xf32, #tpu.memory_space<vmem>>) target(%dma_start3A_550 : memref<10240x32xf32, #tpu.memory_space<vmem_shared>>) offsets(%dma_start3A_547 : memref<80xi32, #tpu.memory_space<vmem>>) semaphore(%arg40 : memref<!tpu.dma_semaphore, #tpu.memory_space<semaphore_mem>>) {add = true}
      %add3A_551 = arith.constant 10 : i32
      %add3A_552 = arith.addi %add3A_538, %add3A_551 : i32
      %sub3A_553 = arith.constant 1 : i32
      %sub3A_554 = arith.subi %add3A_552, %sub3A_553 : i32
      %ge3A_555 = arith.constant 1 : i32
      %ge3A_556 = arith.cmpi sge, %add3A_538, %ge3A_555 : i32
      %lt3A_557 = arith.constant 250 : i32
      %lt3A_558 = arith.cmpi slt, %sub3A_554, %lt3A_557 : i32
      %and3A_559 = arith.andi %ge3A_556, %lt3A_558 : i1
      %convert_element_type3A_560 = arith.extui %and3A_559 : i1 to i32
      %cond3A_561 = arith.constant 0 : i32
      %cond3A_562 = arith.cmpi ne, %convert_element_type3A_560, %cond3A_561 : i32
      scf.if %cond3A_562 {
        %dma_wait3A_563 = arith.constant 0 : i32
        %dma_wait3A_564 = arith.constant 0 : i32
        %dma_wait3A_565 = tpu.memref_slice %arg2[%dma_wait3A_563, %dma_wait3A_564] : memref<10000x128xf32, #tpu.memory_space<hbm>> -> memref<80x32xf32, #tpu.memory_space<hbm>>
        %dma_wait3A_566 = arith.constant 0 : i32
        %dma_wait3A_567 = arith.constant 0 : i32
        %dma_wait3A_568 = tpu.memref_slice %arg2[%dma_wait3A_566, %dma_wait3A_567] : memref<10000x128xf32, #tpu.memory_space<hbm>> -> memref<80x32xf32, #tpu.memory_space<hbm>>
        tpu.wait_dma2 semaphore(%arg39 : memref<!tpu.dma_semaphore, #tpu.memory_space<semaphore_mem>>) src(%dma_wait3A_568 : memref<80x32xf32, #tpu.memory_space<hbm>>) dst(%arg16 : memref<80x32xf32, #tpu.memory_space<vmem>>)
        %dma_start3A_569 = arith.constant 0 : i32
        %dma_start3A_570 = tpu.memref_slice %arg6[%sub3A_554, %dma_start3A_569] : memref<250x80xi32, #tpu.memory_space<vmem>> -> memref<1x80xi32, #tpu.memory_space<vmem>>
        %dma_start3A_571 = tpu.memref_squeeze %dma_start3A_570 : memref<1x80xi32, #tpu.memory_space<vmem>> -> memref<80xi32, #tpu.memory_space<vmem>>
        %dma_start3A_572 = arith.constant 0 : i32
        %dma_start3A_573 = arith.constant 0 : i32
        %dma_start3A_574 = tpu.memref_slice %arg19[%dma_start3A_572, %dma_start3A_573] : memref<10240x32xf32, #tpu.memory_space<vmem_shared>> -> memref<10240x32xf32, #tpu.memory_space<vmem_shared>>
        tpu.enqueue_indirect_dma source(%dma_start3A_574 : memref<10240x32xf32, #tpu.memory_space<vmem_shared>>) target(%arg16 : memref<80x32xf32, #tpu.memory_space<vmem>>) offsets(%dma_start3A_571 : memref<80xi32, #tpu.memory_space<vmem>>) semaphore(%arg29 : memref<!tpu.dma_semaphore, #tpu.memory_space<semaphore_mem>>)
      } else {
      }
    }
    %scan3A_83 = arith.constant 25 : i32
    %dma_wait3A = arith.constant 0 : i32
    %dma_wait3A_84 = arith.constant 0 : i32
    %dma_wait3A_85 = tpu.memref_slice %arg2[%dma_wait3A, %dma_wait3A_84] : memref<10000x128xf32, #tpu.memory_space<hbm>> -> memref<80x32xf32, #tpu.memory_space<hbm>>
    %dma_wait3A_86 = arith.constant 0 : i32
    %dma_wait3A_87 = arith.constant 0 : i32
    %dma_wait3A_88 = tpu.memref_slice %arg2[%dma_wait3A_86, %dma_wait3A_87] : memref<10000x128xf32, #tpu.memory_space<hbm>> -> memref<80x32xf32, #tpu.memory_space<hbm>>
    tpu.wait_dma2 semaphore(%arg31 : memref<!tpu.dma_semaphore, #tpu.memory_space<semaphore_mem>>) src(%dma_wait3A_88 : memref<80x32xf32, #tpu.memory_space<hbm>>) dst(%arg8 : memref<80x32xf32, #tpu.memory_space<vmem>>)
    %dma_wait3A_89 = arith.constant 0 : i32
    %dma_wait3A_90 = arith.constant 0 : i32
    %dma_wait3A_91 = tpu.memref_slice %arg2[%dma_wait3A_89, %dma_wait3A_90] : memref<10000x128xf32, #tpu.memory_space<hbm>> -> memref<80x32xf32, #tpu.memory_space<hbm>>
    %dma_wait3A_92 = arith.constant 0 : i32
    %dma_wait3A_93 = arith.constant 0 : i32
    %dma_wait3A_94 = tpu.memref_slice %arg2[%dma_wait3A_92, %dma_wait3A_93] : memref<10000x128xf32, #tpu.memory_space<hbm>> -> memref<80x32xf32, #tpu.memory_space<hbm>>
    tpu.wait_dma2 semaphore(%arg32 : memref<!tpu.dma_semaphore, #tpu.memory_space<semaphore_mem>>) src(%dma_wait3A_94 : memref<80x32xf32, #tpu.memory_space<hbm>>) dst(%arg9 : memref<80x32xf32, #tpu.memory_space<vmem>>)
    %dma_wait3A_95 = arith.constant 0 : i32
    %dma_wait3A_96 = arith.constant 0 : i32
    %dma_wait3A_97 = tpu.memref_slice %arg2[%dma_wait3A_95, %dma_wait3A_96] : memref<10000x128xf32, #tpu.memory_space<hbm>> -> memref<80x32xf32, #tpu.memory_space<hbm>>
    %dma_wait3A_98 = arith.constant 0 : i32
    %dma_wait3A_99 = arith.constant 0 : i32
    %dma_wait3A_100 = tpu.memref_slice %arg2[%dma_wait3A_98, %dma_wait3A_99] : memref<10000x128xf32, #tpu.memory_space<hbm>> -> memref<80x32xf32, #tpu.memory_space<hbm>>
    tpu.wait_dma2 semaphore(%arg33 : memref<!tpu.dma_semaphore, #tpu.memory_space<semaphore_mem>>) src(%dma_wait3A_100 : memref<80x32xf32, #tpu.memory_space<hbm>>) dst(%arg10 : memref<80x32xf32, #tpu.memory_space<vmem>>)
    %dma_wait3A_101 = arith.constant 0 : i32
    %dma_wait3A_102 = arith.constant 0 : i32
    %dma_wait3A_103 = tpu.memref_slice %arg2[%dma_wait3A_101, %dma_wait3A_102] : memref<10000x128xf32, #tpu.memory_space<hbm>> -> memref<80x32xf32, #tpu.memory_space<hbm>>
    %dma_wait3A_104 = arith.constant 0 : i32
    %dma_wait3A_105 = arith.constant 0 : i32
    %dma_wait3A_106 = tpu.memref_slice %arg2[%dma_wait3A_104, %dma_wait3A_105] : memref<10000x128xf32, #tpu.memory_space<hbm>> -> memref<80x32xf32, #tpu.memory_space<hbm>>
    tpu.wait_dma2 semaphore(%arg34 : memref<!tpu.dma_semaphore, #tpu.memory_space<semaphore_mem>>) src(%dma_wait3A_106 : memref<80x32xf32, #tpu.memory_space<hbm>>) dst(%arg11 : memref<80x32xf32, #tpu.memory_space<vmem>>)
    %dma_wait3A_107 = arith.constant 0 : i32
    %dma_wait3A_108 = arith.constant 0 : i32
    %dma_wait3A_109 = tpu.memref_slice %arg2[%dma_wait3A_107, %dma_wait3A_108] : memref<10000x128xf32, #tpu.memory_space<hbm>> -> memref<80x32xf32, #tpu.memory_space<hbm>>
    %dma_wait3A_110 = arith.constant 0 : i32
    %dma_wait3A_111 = arith.constant 0 : i32
    %dma_wait3A_112 = tpu.memref_slice %arg2[%dma_wait3A_110, %dma_wait3A_111] : memref<10000x128xf32, #tpu.memory_space<hbm>> -> memref<80x32xf32, #tpu.memory_space<hbm>>
    tpu.wait_dma2 semaphore(%arg35 : memref<!tpu.dma_semaphore, #tpu.memory_space<semaphore_mem>>) src(%dma_wait3A_112 : memref<80x32xf32, #tpu.memory_space<hbm>>) dst(%arg12 : memref<80x32xf32, #tpu.memory_space<vmem>>)
    %dma_wait3A_113 = arith.constant 0 : i32
    %dma_wait3A_114 = arith.constant 0 : i32
    %dma_wait3A_115 = tpu.memref_slice %arg2[%dma_wait3A_113, %dma_wait3A_114] : memref<10000x128xf32, #tpu.memory_space<hbm>> -> memref<80x32xf32, #tpu.memory_space<hbm>>
    %dma_wait3A_116 = arith.constant 0 : i32
    %dma_wait3A_117 = arith.constant 0 : i32
    %dma_wait3A_118 = tpu.memref_slice %arg2[%dma_wait3A_116, %dma_wait3A_117] : memref<10000x128xf32, #tpu.memory_space<hbm>> -> memref<80x32xf32, #tpu.memory_space<hbm>>
    tpu.wait_dma2 semaphore(%arg36 : memref<!tpu.dma_semaphore, #tpu.memory_space<semaphore_mem>>) src(%dma_wait3A_118 : memref<80x32xf32, #tpu.memory_space<hbm>>) dst(%arg13 : memref<80x32xf32, #tpu.memory_space<vmem>>)
    %dma_wait3A_119 = arith.constant 0 : i32
    %dma_wait3A_120 = arith.constant 0 : i32
    %dma_wait3A_121 = tpu.memref_slice %arg2[%dma_wait3A_119, %dma_wait3A_120] : memref<10000x128xf32, #tpu.memory_space<hbm>> -> memref<80x32xf32, #tpu.memory_space<hbm>>
    %dma_wait3A_122 = arith.constant 0 : i32
    %dma_wait3A_123 = arith.constant 0 : i32
    %dma_wait3A_124 = tpu.memref_slice %arg2[%dma_wait3A_122, %dma_wait3A_123] : memref<10000x128xf32, #tpu.memory_space<hbm>> -> memref<80x32xf32, #tpu.memory_space<hbm>>
    tpu.wait_dma2 semaphore(%arg37 : memref<!tpu.dma_semaphore, #tpu.memory_space<semaphore_mem>>) src(%dma_wait3A_124 : memref<80x32xf32, #tpu.memory_space<hbm>>) dst(%arg14 : memref<80x32xf32, #tpu.memory_space<vmem>>)
    %dma_wait3A_125 = arith.constant 0 : i32
    %dma_wait3A_126 = arith.constant 0 : i32
    %dma_wait3A_127 = tpu.memref_slice %arg2[%dma_wait3A_125, %dma_wait3A_126] : memref<10000x128xf32, #tpu.memory_space<hbm>> -> memref<80x32xf32, #tpu.memory_space<hbm>>
    %dma_wait3A_128 = arith.constant 0 : i32
    %dma_wait3A_129 = arith.constant 0 : i32
    %dma_wait3A_130 = tpu.memref_slice %arg2[%dma_wait3A_128, %dma_wait3A_129] : memref<10000x128xf32, #tpu.memory_space<hbm>> -> memref<80x32xf32, #tpu.memory_space<hbm>>
    tpu.wait_dma2 semaphore(%arg38 : memref<!tpu.dma_semaphore, #tpu.memory_space<semaphore_mem>>) src(%dma_wait3A_130 : memref<80x32xf32, #tpu.memory_space<hbm>>) dst(%arg15 : memref<80x32xf32, #tpu.memory_space<vmem>>)
    %dma_wait3A_131 = arith.constant 0 : i32
    %dma_wait3A_132 = arith.constant 0 : i32
    %dma_wait3A_133 = tpu.memref_slice %arg2[%dma_wait3A_131, %dma_wait3A_132] : memref<10000x128xf32, #tpu.memory_space<hbm>> -> memref<80x32xf32, #tpu.memory_space<hbm>>
    %dma_wait3A_134 = arith.constant 0 : i32
    %dma_wait3A_135 = arith.constant 0 : i32
    %dma_wait3A_136 = tpu.memref_slice %arg2[%dma_wait3A_134, %dma_wait3A_135] : memref<10000x128xf32, #tpu.memory_space<hbm>> -> memref<80x32xf32, #tpu.memory_space<hbm>>
    tpu.wait_dma2 semaphore(%arg39 : memref<!tpu.dma_semaphore, #tpu.memory_space<semaphore_mem>>) src(%dma_wait3A_136 : memref<80x32xf32, #tpu.memory_space<hbm>>) dst(%arg16 : memref<80x32xf32, #tpu.memory_space<vmem>>)
    %dma_wait3A_137 = arith.constant 0 : i32
    %dma_wait3A_138 = arith.constant 0 : i32
    %dma_wait3A_139 = tpu.memref_slice %arg2[%dma_wait3A_137, %dma_wait3A_138] : memref<10000x128xf32, #tpu.memory_space<hbm>> -> memref<80x32xf32, #tpu.memory_space<hbm>>
    %dma_wait3A_140 = arith.constant 0 : i32
    %dma_wait3A_141 = arith.constant 0 : i32
    %dma_wait3A_142 = tpu.memref_slice %arg2[%dma_wait3A_140, %dma_wait3A_141] : memref<10000x128xf32, #tpu.memory_space<hbm>> -> memref<80x32xf32, #tpu.memory_space<hbm>>
    tpu.wait_dma2 semaphore(%arg40 : memref<!tpu.dma_semaphore, #tpu.memory_space<semaphore_mem>>) src(%dma_wait3A_142 : memref<80x32xf32, #tpu.memory_space<hbm>>) dst(%arg17 : memref<80x32xf32, #tpu.memory_space<vmem>>)
    %barrier3A_143 = arith.constant 0 : index
    tpu.barrier barrier_id(%barrier3A_143)
    "tpu.region"() ({
      %run_scoped3A_288 = tpu.sem_alloc : memref<!tpu.dma_semaphore, #tpu.memory_space<semaphore_mem>>
      %dma_start3A_289 = arith.constant 0 : i32
      %dma_start3A_290 = tpu.memref_slice %arg5[%add3A_7, %mul3A_0, %dma_start3A_289] : memref<4x10240x32xf32, #tpu.memory_space<hbm>> -> memref<1x640x32xf32, #tpu.memory_space<hbm>>
      %dma_start3A_291 = tpu.memref_squeeze %dma_start3A_290 : memref<1x640x32xf32, #tpu.memory_space<hbm>> -> memref<640x32xf32, #tpu.memory_space<hbm>>
      %dma_start3A_292 = arith.constant 0 : i32
      %dma_start3A_293 = tpu.memref_slice %arg20[%mul3A_0, %dma_start3A_292] : memref<10240x32xf32, #tpu.memory_space<vmem_shared>> -> memref<640x32xf32, #tpu.memory_space<vmem_shared>>
      tpu.enqueue_dma source(%dma_start3A_293 : memref<640x32xf32, #tpu.memory_space<vmem_shared>>) target(%dma_start3A_291 : memref<640x32xf32, #tpu.memory_space<hbm>>) target_semaphore(%run_scoped3A_288 : memref<!tpu.dma_semaphore, #tpu.memory_space<semaphore_mem>>)
      %dma_wait3A_294 = arith.constant 0 : i32
      %dma_wait3A_295 = tpu.memref_slice %arg5[%add3A_7, %mul3A_0, %dma_wait3A_294] : memref<4x10240x32xf32, #tpu.memory_space<hbm>> -> memref<1x640x32xf32, #tpu.memory_space<hbm>>
      %dma_wait3A_296 = tpu.memref_squeeze %dma_wait3A_295 : memref<1x640x32xf32, #tpu.memory_space<hbm>> -> memref<640x32xf32, #tpu.memory_space<hbm>>
      %dma_wait3A_297 = arith.constant 0 : i32
      %dma_wait3A_298 = tpu.memref_slice %arg20[%mul3A_0, %dma_wait3A_297] : memref<10240x32xf32, #tpu.memory_space<vmem_shared>> -> memref<640x32xf32, #tpu.memory_space<vmem_shared>>
      tpu.wait_dma2 semaphore(%run_scoped3A_288 : memref<!tpu.dma_semaphore, #tpu.memory_space<semaphore_mem>>) src(%dma_wait3A_298 : memref<640x32xf32, #tpu.memory_space<vmem_shared>>) dst(%dma_wait3A_296 : memref<640x32xf32, #tpu.memory_space<hbm>>)
      tpu.yield
    }) : () -> ()
    %mul3A_144 = arith.constant 2 : i32
    %mul3A_145 = arith.muli %arg0, %mul3A_144 : i32
    %add3A_146 = arith.constant 1 : i32
    %add3A_147 = arith.addi %mul3A_145, %add3A_146 : i32
    %mul3A_148 = arith.constant 32 : i32
    %mul3A_149 = arith.muli %add3A_147, %mul3A_148 : i32
    "tpu.region"() ({
      %run_scoped3A_288 = tpu.sem_alloc : memref<!tpu.dma_semaphore, #tpu.memory_space<semaphore_mem>>
      %dma_start3A_289 = arith.constant 0 : i32
      %dma_start3A_290 = tpu.memref_slice %arg19[%mul3A_2, %dma_start3A_289] : memref<10240x32xf32, #tpu.memory_space<vmem_shared>> -> memref<625x32xf32, #tpu.memory_space<vmem_shared>>
      %dma_start3A_291 = tpu.memref_slice %arg2[%mul3A_2, %mul3A_149] : memref<10000x128xf32, #tpu.memory_space<hbm>> -> memref<625x32xf32, #tpu.memory_space<hbm>>
      tpu.enqueue_dma source(%dma_start3A_291 : memref<625x32xf32, #tpu.memory_space<hbm>>) target(%dma_start3A_290 : memref<625x32xf32, #tpu.memory_space<vmem_shared>>) target_semaphore(%run_scoped3A_288 : memref<!tpu.dma_semaphore, #tpu.memory_space<semaphore_mem>>)
      %dma_wait3A_292 = arith.constant 0 : i32
      %dma_wait3A_293 = tpu.memref_slice %arg19[%mul3A_2, %dma_wait3A_292] : memref<10240x32xf32, #tpu.memory_space<vmem_shared>> -> memref<625x32xf32, #tpu.memory_space<vmem_shared>>
      %dma_wait3A_294 = tpu.memref_slice %arg2[%mul3A_2, %mul3A_149] : memref<10000x128xf32, #tpu.memory_space<hbm>> -> memref<625x32xf32, #tpu.memory_space<hbm>>
      tpu.wait_dma2 semaphore(%run_scoped3A_288 : memref<!tpu.dma_semaphore, #tpu.memory_space<semaphore_mem>>) src(%dma_wait3A_294 : memref<625x32xf32, #tpu.memory_space<hbm>>) dst(%dma_wait3A_293 : memref<625x32xf32, #tpu.memory_space<vmem_shared>>)
      tpu.yield
    }) : () -> ()
    "tpu.region"() ({
      %run_scoped3A_288 = tpu.sem_alloc : memref<!tpu.dma_semaphore, #tpu.memory_space<semaphore_mem>>
      %dma_start3A_289 = arith.constant 0 : i32
      %dma_start3A_290 = tpu.memref_slice %arg20[%mul3A_0, %dma_start3A_289] : memref<10240x32xf32, #tpu.memory_space<vmem_shared>> -> memref<640x32xf32, #tpu.memory_space<vmem_shared>>
      %dma_start3A_291 = arith.constant 0 : i32
      %dma_start3A_292 = tpu.memref_slice %arg4[%mul3A_0, %dma_start3A_291] : memref<10240x32xf32, #tpu.memory_space<hbm>> -> memref<640x32xf32, #tpu.memory_space<hbm>>
      tpu.enqueue_dma source(%dma_start3A_292 : memref<640x32xf32, #tpu.memory_space<hbm>>) target(%dma_start3A_290 : memref<640x32xf32, #tpu.memory_space<vmem_shared>>) target_semaphore(%run_scoped3A_288 : memref<!tpu.dma_semaphore, #tpu.memory_space<semaphore_mem>>)
      %dma_wait3A_293 = arith.constant 0 : i32
      %dma_wait3A_294 = tpu.memref_slice %arg20[%mul3A_0, %dma_wait3A_293] : memref<10240x32xf32, #tpu.memory_space<vmem_shared>> -> memref<640x32xf32, #tpu.memory_space<vmem_shared>>
      %dma_wait3A_295 = arith.constant 0 : i32
      %dma_wait3A_296 = tpu.memref_slice %arg4[%mul3A_0, %dma_wait3A_295] : memref<10240x32xf32, #tpu.memory_space<hbm>> -> memref<640x32xf32, #tpu.memory_space<hbm>>
      tpu.wait_dma2 semaphore(%run_scoped3A_288 : memref<!tpu.dma_semaphore, #tpu.memory_space<semaphore_mem>>) src(%dma_wait3A_296 : memref<640x32xf32, #tpu.memory_space<hbm>>) dst(%dma_wait3A_294 : memref<640x32xf32, #tpu.memory_space<vmem_shared>>)
      tpu.yield
    }) : () -> ()
    %barrier3A_150 = arith.constant 0 : index
    tpu.barrier barrier_id(%barrier3A_150)
    %dma_start3A_151 = arith.constant 0 : i32
    %dma_start3A_152 = arith.constant 0 : i32
    %dma_start3A_153 = tpu.memref_slice %arg6[%dma_start3A_151, %dma_start3A_152] : memref<250x80xi32, #tpu.memory_space<vmem>> -> memref<1x80xi32, #tpu.memory_space<vmem>>
    %dma_start3A_154 = tpu.memref_squeeze %dma_start3A_153 : memref<1x80xi32, #tpu.memory_space<vmem>> -> memref<80xi32, #tpu.memory_space<vmem>>
    %dma_start3A_155 = arith.constant 0 : i32
    %dma_start3A_156 = arith.constant 0 : i32
    %dma_start3A_157 = tpu.memref_slice %arg19[%dma_start3A_155, %dma_start3A_156] : memref<10240x32xf32, #tpu.memory_space<vmem_shared>> -> memref<10240x32xf32, #tpu.memory_space<vmem_shared>>
    tpu.enqueue_indirect_dma source(%dma_start3A_157 : memref<10240x32xf32, #tpu.memory_space<vmem_shared>>) target(%arg8 : memref<80x32xf32, #tpu.memory_space<vmem>>) offsets(%dma_start3A_154 : memref<80xi32, #tpu.memory_space<vmem>>) semaphore(%arg21 : memref<!tpu.dma_semaphore, #tpu.memory_space<semaphore_mem>>)
    %dma_start3A_158 = arith.constant 1 : i32
    %dma_start3A_159 = arith.constant 0 : i32
    %dma_start3A_160 = tpu.memref_slice %arg6[%dma_start3A_158, %dma_start3A_159] : memref<250x80xi32, #tpu.memory_space<vmem>> -> memref<1x80xi32, #tpu.memory_space<vmem>>
    %dma_start3A_161 = tpu.memref_squeeze %dma_start3A_160 : memref<1x80xi32, #tpu.memory_space<vmem>> -> memref<80xi32, #tpu.memory_space<vmem>>
    %dma_start3A_162 = arith.constant 0 : i32
    %dma_start3A_163 = arith.constant 0 : i32
    %dma_start3A_164 = tpu.memref_slice %arg19[%dma_start3A_162, %dma_start3A_163] : memref<10240x32xf32, #tpu.memory_space<vmem_shared>> -> memref<10240x32xf32, #tpu.memory_space<vmem_shared>>
    tpu.enqueue_indirect_dma source(%dma_start3A_164 : memref<10240x32xf32, #tpu.memory_space<vmem_shared>>) target(%arg9 : memref<80x32xf32, #tpu.memory_space<vmem>>) offsets(%dma_start3A_161 : memref<80xi32, #tpu.memory_space<vmem>>) semaphore(%arg22 : memref<!tpu.dma_semaphore, #tpu.memory_space<semaphore_mem>>)
    %dma_start3A_165 = arith.constant 2 : i32
    %dma_start3A_166 = arith.constant 0 : i32
    %dma_start3A_167 = tpu.memref_slice %arg6[%dma_start3A_165, %dma_start3A_166] : memref<250x80xi32, #tpu.memory_space<vmem>> -> memref<1x80xi32, #tpu.memory_space<vmem>>
    %dma_start3A_168 = tpu.memref_squeeze %dma_start3A_167 : memref<1x80xi32, #tpu.memory_space<vmem>> -> memref<80xi32, #tpu.memory_space<vmem>>
    %dma_start3A_169 = arith.constant 0 : i32
    %dma_start3A_170 = arith.constant 0 : i32
    %dma_start3A_171 = tpu.memref_slice %arg19[%dma_start3A_169, %dma_start3A_170] : memref<10240x32xf32, #tpu.memory_space<vmem_shared>> -> memref<10240x32xf32, #tpu.memory_space<vmem_shared>>
    tpu.enqueue_indirect_dma source(%dma_start3A_171 : memref<10240x32xf32, #tpu.memory_space<vmem_shared>>) target(%arg10 : memref<80x32xf32, #tpu.memory_space<vmem>>) offsets(%dma_start3A_168 : memref<80xi32, #tpu.memory_space<vmem>>) semaphore(%arg23 : memref<!tpu.dma_semaphore, #tpu.memory_space<semaphore_mem>>)
    %dma_start3A_172 = arith.constant 3 : i32
    %dma_start3A_173 = arith.constant 0 : i32
    %dma_start3A_174 = tpu.memref_slice %arg6[%dma_start3A_172, %dma_start3A_173] : memref<250x80xi32, #tpu.memory_space<vmem>> -> memref<1x80xi32, #tpu.memory_space<vmem>>
    %dma_start3A_175 = tpu.memref_squeeze %dma_start3A_174 : memref<1x80xi32, #tpu.memory_space<vmem>> -> memref<80xi32, #tpu.memory_space<vmem>>
    %dma_start3A_176 = arith.constant 0 : i32
    %dma_start3A_177 = arith.constant 0 : i32
    %dma_start3A_178 = tpu.memref_slice %arg19[%dma_start3A_176, %dma_start3A_177] : memref<10240x32xf32, #tpu.memory_space<vmem_shared>> -> memref<10240x32xf32, #tpu.memory_space<vmem_shared>>
    tpu.enqueue_indirect_dma source(%dma_start3A_178 : memref<10240x32xf32, #tpu.memory_space<vmem_shared>>) target(%arg11 : memref<80x32xf32, #tpu.memory_space<vmem>>) offsets(%dma_start3A_175 : memref<80xi32, #tpu.memory_space<vmem>>) semaphore(%arg24 : memref<!tpu.dma_semaphore, #tpu.memory_space<semaphore_mem>>)
    %dma_start3A_179 = arith.constant 4 : i32
    %dma_start3A_180 = arith.constant 0 : i32
    %dma_start3A_181 = tpu.memref_slice %arg6[%dma_start3A_179, %dma_start3A_180] : memref<250x80xi32, #tpu.memory_space<vmem>> -> memref<1x80xi32, #tpu.memory_space<vmem>>
    %dma_start3A_182 = tpu.memref_squeeze %dma_start3A_181 : memref<1x80xi32, #tpu.memory_space<vmem>> -> memref<80xi32, #tpu.memory_space<vmem>>
    %dma_start3A_183 = arith.constant 0 : i32
    %dma_start3A_184 = arith.constant 0 : i32
    %dma_start3A_185 = tpu.memref_slice %arg19[%dma_start3A_183, %dma_start3A_184] : memref<10240x32xf32, #tpu.memory_space<vmem_shared>> -> memref<10240x32xf32, #tpu.memory_space<vmem_shared>>
    tpu.enqueue_indirect_dma source(%dma_start3A_185 : memref<10240x32xf32, #tpu.memory_space<vmem_shared>>) target(%arg12 : memref<80x32xf32, #tpu.memory_space<vmem>>) offsets(%dma_start3A_182 : memref<80xi32, #tpu.memory_space<vmem>>) semaphore(%arg25 : memref<!tpu.dma_semaphore, #tpu.memory_space<semaphore_mem>>)
    %dma_start3A_186 = arith.constant 5 : i32
    %dma_start3A_187 = arith.constant 0 : i32
    %dma_start3A_188 = tpu.memref_slice %arg6[%dma_start3A_186, %dma_start3A_187] : memref<250x80xi32, #tpu.memory_space<vmem>> -> memref<1x80xi32, #tpu.memory_space<vmem>>
    %dma_start3A_189 = tpu.memref_squeeze %dma_start3A_188 : memref<1x80xi32, #tpu.memory_space<vmem>> -> memref<80xi32, #tpu.memory_space<vmem>>
    %dma_start3A_190 = arith.constant 0 : i32
    %dma_start3A_191 = arith.constant 0 : i32
    %dma_start3A_192 = tpu.memref_slice %arg19[%dma_start3A_190, %dma_start3A_191] : memref<10240x32xf32, #tpu.memory_space<vmem_shared>> -> memref<10240x32xf32, #tpu.memory_space<vmem_shared>>
    tpu.enqueue_indirect_dma source(%dma_start3A_192 : memref<10240x32xf32, #tpu.memory_space<vmem_shared>>) target(%arg13 : memref<80x32xf32, #tpu.memory_space<vmem>>) offsets(%dma_start3A_189 : memref<80xi32, #tpu.memory_space<vmem>>) semaphore(%arg26 : memref<!tpu.dma_semaphore, #tpu.memory_space<semaphore_mem>>)
    %dma_start3A_193 = arith.constant 6 : i32
    %dma_start3A_194 = arith.constant 0 : i32
    %dma_start3A_195 = tpu.memref_slice %arg6[%dma_start3A_193, %dma_start3A_194] : memref<250x80xi32, #tpu.memory_space<vmem>> -> memref<1x80xi32, #tpu.memory_space<vmem>>
    %dma_start3A_196 = tpu.memref_squeeze %dma_start3A_195 : memref<1x80xi32, #tpu.memory_space<vmem>> -> memref<80xi32, #tpu.memory_space<vmem>>
    %dma_start3A_197 = arith.constant 0 : i32
    %dma_start3A_198 = arith.constant 0 : i32
    %dma_start3A_199 = tpu.memref_slice %arg19[%dma_start3A_197, %dma_start3A_198] : memref<10240x32xf32, #tpu.memory_space<vmem_shared>> -> memref<10240x32xf32, #tpu.memory_space<vmem_shared>>
    tpu.enqueue_indirect_dma source(%dma_start3A_199 : memref<10240x32xf32, #tpu.memory_space<vmem_shared>>) target(%arg14 : memref<80x32xf32, #tpu.memory_space<vmem>>) offsets(%dma_start3A_196 : memref<80xi32, #tpu.memory_space<vmem>>) semaphore(%arg27 : memref<!tpu.dma_semaphore, #tpu.memory_space<semaphore_mem>>)
    %dma_start3A_200 = arith.constant 7 : i32
    %dma_start3A_201 = arith.constant 0 : i32
    %dma_start3A_202 = tpu.memref_slice %arg6[%dma_start3A_200, %dma_start3A_201] : memref<250x80xi32, #tpu.memory_space<vmem>> -> memref<1x80xi32, #tpu.memory_space<vmem>>
    %dma_start3A_203 = tpu.memref_squeeze %dma_start3A_202 : memref<1x80xi32, #tpu.memory_space<vmem>> -> memref<80xi32, #tpu.memory_space<vmem>>
    %dma_start3A_204 = arith.constant 0 : i32
    %dma_start3A_205 = arith.constant 0 : i32
    %dma_start3A_206 = tpu.memref_slice %arg19[%dma_start3A_204, %dma_start3A_205] : memref<10240x32xf32, #tpu.memory_space<vmem_shared>> -> memref<10240x32xf32, #tpu.memory_space<vmem_shared>>
    tpu.enqueue_indirect_dma source(%dma_start3A_206 : memref<10240x32xf32, #tpu.memory_space<vmem_shared>>) target(%arg15 : memref<80x32xf32, #tpu.memory_space<vmem>>) offsets(%dma_start3A_203 : memref<80xi32, #tpu.memory_space<vmem>>) semaphore(%arg28 : memref<!tpu.dma_semaphore, #tpu.memory_space<semaphore_mem>>)
    %dma_start3A_207 = arith.constant 8 : i32
    %dma_start3A_208 = arith.constant 0 : i32
    %dma_start3A_209 = tpu.memref_slice %arg6[%dma_start3A_207, %dma_start3A_208] : memref<250x80xi32, #tpu.memory_space<vmem>> -> memref<1x80xi32, #tpu.memory_space<vmem>>
    %dma_start3A_210 = tpu.memref_squeeze %dma_start3A_209 : memref<1x80xi32, #tpu.memory_space<vmem>> -> memref<80xi32, #tpu.memory_space<vmem>>
    %dma_start3A_211 = arith.constant 0 : i32
    %dma_start3A_212 = arith.constant 0 : i32
    %dma_start3A_213 = tpu.memref_slice %arg19[%dma_start3A_211, %dma_start3A_212] : memref<10240x32xf32, #tpu.memory_space<vmem_shared>> -> memref<10240x32xf32, #tpu.memory_space<vmem_shared>>
    tpu.enqueue_indirect_dma source(%dma_start3A_213 : memref<10240x32xf32, #tpu.memory_space<vmem_shared>>) target(%arg16 : memref<80x32xf32, #tpu.memory_space<vmem>>) offsets(%dma_start3A_210 : memref<80xi32, #tpu.memory_space<vmem>>) semaphore(%arg29 : memref<!tpu.dma_semaphore, #tpu.memory_space<semaphore_mem>>)
    %dma_start3A_214 = arith.constant 9 : i32
    %dma_start3A_215 = arith.constant 0 : i32
    %dma_start3A_216 = tpu.memref_slice %arg6[%dma_start3A_214, %dma_start3A_215] : memref<250x80xi32, #tpu.memory_space<vmem>> -> memref<1x80xi32, #tpu.memory_space<vmem>>
    %dma_start3A_217 = tpu.memref_squeeze %dma_start3A_216 : memref<1x80xi32, #tpu.memory_space<vmem>> -> memref<80xi32, #tpu.memory_space<vmem>>
    %dma_start3A_218 = arith.constant 0 : i32
    %dma_start3A_219 = arith.constant 0 : i32
    %dma_start3A_220 = tpu.memref_slice %arg19[%dma_start3A_218, %dma_start3A_219] : memref<10240x32xf32, #tpu.memory_space<vmem_shared>> -> memref<10240x32xf32, #tpu.memory_space<vmem_shared>>
    tpu.enqueue_indirect_dma source(%dma_start3A_220 : memref<10240x32xf32, #tpu.memory_space<vmem_shared>>) target(%arg17 : memref<80x32xf32, #tpu.memory_space<vmem>>) offsets(%dma_start3A_217 : memref<80xi32, #tpu.memory_space<vmem>>) semaphore(%arg30 : memref<!tpu.dma_semaphore, #tpu.memory_space<semaphore_mem>>)
    %scan3A_221 = arith.constant 0 : i32
    %scan3A_222 = arith.constant 0 : i32
    %scan3A_223 = arith.constant 25 : i32
    %scan3A_224 = arith.addi %scan3A_222, %scan3A_223 : i32
    %scan3A_225 = arith.constant 1 : i32
    scf.for %scan3A_288 = %scan3A_222 to %scan3A_224 step %scan3A_225  : i32 {
      %mul3A_289 = arith.constant 10 : i32
      %mul3A_290 = arith.muli %scan3A_288, %mul3A_289 : i32
      %add3A_291 = arith.constant 0 : i32
      %add3A_292 = arith.addi %mul3A_290, %add3A_291 : i32
      %dma_wait3A_293 = arith.constant 0 : i32
      %dma_wait3A_294 = arith.constant 0 : i32
      %dma_wait3A_295 = tpu.memref_slice %arg2[%dma_wait3A_293, %dma_wait3A_294] : memref<10000x128xf32, #tpu.memory_space<hbm>> -> memref<80x32xf32, #tpu.memory_space<hbm>>
      %dma_wait3A_296 = arith.constant 0 : i32
      %dma_wait3A_297 = arith.constant 0 : i32
      %dma_wait3A_298 = tpu.memref_slice %arg2[%dma_wait3A_296, %dma_wait3A_297] : memref<10000x128xf32, #tpu.memory_space<hbm>> -> memref<80x32xf32, #tpu.memory_space<hbm>>
      tpu.wait_dma2 semaphore(%arg21 : memref<!tpu.dma_semaphore, #tpu.memory_space<semaphore_mem>>) src(%dma_wait3A_298 : memref<80x32xf32, #tpu.memory_space<hbm>>) dst(%arg8 : memref<80x32xf32, #tpu.memory_space<vmem>>)
      %dma_start3A_299 = arith.constant 0 : i32
      %dma_start3A_300 = tpu.memref_slice %arg7[%add3A_292, %dma_start3A_299] : memref<250x80xi32, #tpu.memory_space<vmem>> -> memref<1x80xi32, #tpu.memory_space<vmem>>
      %dma_start3A_301 = tpu.memref_squeeze %dma_start3A_300 : memref<1x80xi32, #tpu.memory_space<vmem>> -> memref<80xi32, #tpu.memory_space<vmem>>
      %dma_start3A_302 = arith.constant 0 : i32
      %dma_start3A_303 = arith.constant 0 : i32
      %dma_start3A_304 = tpu.memref_slice %arg20[%dma_start3A_302, %dma_start3A_303] : memref<10240x32xf32, #tpu.memory_space<vmem_shared>> -> memref<10240x32xf32, #tpu.memory_space<vmem_shared>>
      tpu.enqueue_indirect_dma source(%arg8 : memref<80x32xf32, #tpu.memory_space<vmem>>) target(%dma_start3A_304 : memref<10240x32xf32, #tpu.memory_space<vmem_shared>>) offsets(%dma_start3A_301 : memref<80xi32, #tpu.memory_space<vmem>>) semaphore(%arg31 : memref<!tpu.dma_semaphore, #tpu.memory_space<semaphore_mem>>) {add = true}
      %add3A_305 = arith.constant 10 : i32
      %add3A_306 = arith.addi %add3A_292, %add3A_305 : i32
      %sub3A = arith.constant 1 : i32
      %sub3A_307 = arith.subi %add3A_306, %sub3A : i32
      %ge3A = arith.constant 1 : i32
      %ge3A_308 = arith.cmpi sge, %add3A_292, %ge3A : i32
      %lt3A = arith.constant 250 : i32
      %lt3A_309 = arith.cmpi slt, %sub3A_307, %lt3A : i32
      %and3A = arith.andi %ge3A_308, %lt3A_309 : i1
      %convert_element_type3A = arith.extui %and3A : i1 to i32
      %cond3A = arith.constant 0 : i32
      %cond3A_310 = arith.cmpi ne, %convert_element_type3A, %cond3A : i32
      scf.if %cond3A_310 {
        %dma_wait3A_563 = arith.constant 0 : i32
        %dma_wait3A_564 = arith.constant 0 : i32
        %dma_wait3A_565 = tpu.memref_slice %arg2[%dma_wait3A_563, %dma_wait3A_564] : memref<10000x128xf32, #tpu.memory_space<hbm>> -> memref<80x32xf32, #tpu.memory_space<hbm>>
        %dma_wait3A_566 = arith.constant 0 : i32
        %dma_wait3A_567 = arith.constant 0 : i32
        %dma_wait3A_568 = tpu.memref_slice %arg2[%dma_wait3A_566, %dma_wait3A_567] : memref<10000x128xf32, #tpu.memory_space<hbm>> -> memref<80x32xf32, #tpu.memory_space<hbm>>
        tpu.wait_dma2 semaphore(%arg40 : memref<!tpu.dma_semaphore, #tpu.memory_space<semaphore_mem>>) src(%dma_wait3A_568 : memref<80x32xf32, #tpu.memory_space<hbm>>) dst(%arg17 : memref<80x32xf32, #tpu.memory_space<vmem>>)
        %dma_start3A_569 = arith.constant 0 : i32
        %dma_start3A_570 = tpu.memref_slice %arg6[%sub3A_307, %dma_start3A_569] : memref<250x80xi32, #tpu.memory_space<vmem>> -> memref<1x80xi32, #tpu.memory_space<vmem>>
        %dma_start3A_571 = tpu.memref_squeeze %dma_start3A_570 : memref<1x80xi32, #tpu.memory_space<vmem>> -> memref<80xi32, #tpu.memory_space<vmem>>
        %dma_start3A_572 = arith.constant 0 : i32
        %dma_start3A_573 = arith.constant 0 : i32
        %dma_start3A_574 = tpu.memref_slice %arg19[%dma_start3A_572, %dma_start3A_573] : memref<10240x32xf32, #tpu.memory_space<vmem_shared>> -> memref<10240x32xf32, #tpu.memory_space<vmem_shared>>
        tpu.enqueue_indirect_dma source(%dma_start3A_574 : memref<10240x32xf32, #tpu.memory_space<vmem_shared>>) target(%arg17 : memref<80x32xf32, #tpu.memory_space<vmem>>) offsets(%dma_start3A_571 : memref<80xi32, #tpu.memory_space<vmem>>) semaphore(%arg30 : memref<!tpu.dma_semaphore, #tpu.memory_space<semaphore_mem>>)
      } else {
      }
      %mul3A_311 = arith.constant 10 : i32
      %mul3A_312 = arith.muli %scan3A_288, %mul3A_311 : i32
      %add3A_313 = arith.constant 1 : i32
      %add3A_314 = arith.addi %mul3A_312, %add3A_313 : i32
      %dma_wait3A_315 = arith.constant 0 : i32
      %dma_wait3A_316 = arith.constant 0 : i32
      %dma_wait3A_317 = tpu.memref_slice %arg2[%dma_wait3A_315, %dma_wait3A_316] : memref<10000x128xf32, #tpu.memory_space<hbm>> -> memref<80x32xf32, #tpu.memory_space<hbm>>
      %dma_wait3A_318 = arith.constant 0 : i32
      %dma_wait3A_319 = arith.constant 0 : i32
      %dma_wait3A_320 = tpu.memref_slice %arg2[%dma_wait3A_318, %dma_wait3A_319] : memref<10000x128xf32, #tpu.memory_space<hbm>> -> memref<80x32xf32, #tpu.memory_space<hbm>>
      tpu.wait_dma2 semaphore(%arg22 : memref<!tpu.dma_semaphore, #tpu.memory_space<semaphore_mem>>) src(%dma_wait3A_320 : memref<80x32xf32, #tpu.memory_space<hbm>>) dst(%arg9 : memref<80x32xf32, #tpu.memory_space<vmem>>)
      %dma_start3A_321 = arith.constant 0 : i32
      %dma_start3A_322 = tpu.memref_slice %arg7[%add3A_314, %dma_start3A_321] : memref<250x80xi32, #tpu.memory_space<vmem>> -> memref<1x80xi32, #tpu.memory_space<vmem>>
      %dma_start3A_323 = tpu.memref_squeeze %dma_start3A_322 : memref<1x80xi32, #tpu.memory_space<vmem>> -> memref<80xi32, #tpu.memory_space<vmem>>
      %dma_start3A_324 = arith.constant 0 : i32
      %dma_start3A_325 = arith.constant 0 : i32
      %dma_start3A_326 = tpu.memref_slice %arg20[%dma_start3A_324, %dma_start3A_325] : memref<10240x32xf32, #tpu.memory_space<vmem_shared>> -> memref<10240x32xf32, #tpu.memory_space<vmem_shared>>
      tpu.enqueue_indirect_dma source(%arg9 : memref<80x32xf32, #tpu.memory_space<vmem>>) target(%dma_start3A_326 : memref<10240x32xf32, #tpu.memory_space<vmem_shared>>) offsets(%dma_start3A_323 : memref<80xi32, #tpu.memory_space<vmem>>) semaphore(%arg32 : memref<!tpu.dma_semaphore, #tpu.memory_space<semaphore_mem>>) {add = true}
      %add3A_327 = arith.constant 10 : i32
      %add3A_328 = arith.addi %add3A_314, %add3A_327 : i32
      %sub3A_329 = arith.constant 1 : i32
      %sub3A_330 = arith.subi %add3A_328, %sub3A_329 : i32
      %ge3A_331 = arith.constant 1 : i32
      %ge3A_332 = arith.cmpi sge, %add3A_314, %ge3A_331 : i32
      %lt3A_333 = arith.constant 250 : i32
      %lt3A_334 = arith.cmpi slt, %sub3A_330, %lt3A_333 : i32
      %and3A_335 = arith.andi %ge3A_332, %lt3A_334 : i1
      %convert_element_type3A_336 = arith.extui %and3A_335 : i1 to i32
      %cond3A_337 = arith.constant 0 : i32
      %cond3A_338 = arith.cmpi ne, %convert_element_type3A_336, %cond3A_337 : i32
      scf.if %cond3A_338 {
        %dma_wait3A_563 = arith.constant 0 : i32
        %dma_wait3A_564 = arith.constant 0 : i32
        %dma_wait3A_565 = tpu.memref_slice %arg2[%dma_wait3A_563, %dma_wait3A_564] : memref<10000x128xf32, #tpu.memory_space<hbm>> -> memref<80x32xf32, #tpu.memory_space<hbm>>
        %dma_wait3A_566 = arith.constant 0 : i32
        %dma_wait3A_567 = arith.constant 0 : i32
        %dma_wait3A_568 = tpu.memref_slice %arg2[%dma_wait3A_566, %dma_wait3A_567] : memref<10000x128xf32, #tpu.memory_space<hbm>> -> memref<80x32xf32, #tpu.memory_space<hbm>>
        tpu.wait_dma2 semaphore(%arg31 : memref<!tpu.dma_semaphore, #tpu.memory_space<semaphore_mem>>) src(%dma_wait3A_568 : memref<80x32xf32, #tpu.memory_space<hbm>>) dst(%arg8 : memref<80x32xf32, #tpu.memory_space<vmem>>)
        %dma_start3A_569 = arith.constant 0 : i32
        %dma_start3A_570 = tpu.memref_slice %arg6[%sub3A_330, %dma_start3A_569] : memref<250x80xi32, #tpu.memory_space<vmem>> -> memref<1x80xi32, #tpu.memory_space<vmem>>
        %dma_start3A_571 = tpu.memref_squeeze %dma_start3A_570 : memref<1x80xi32, #tpu.memory_space<vmem>> -> memref<80xi32, #tpu.memory_space<vmem>>
        %dma_start3A_572 = arith.constant 0 : i32
        %dma_start3A_573 = arith.constant 0 : i32
        %dma_start3A_574 = tpu.memref_slice %arg19[%dma_start3A_572, %dma_start3A_573] : memref<10240x32xf32, #tpu.memory_space<vmem_shared>> -> memref<10240x32xf32, #tpu.memory_space<vmem_shared>>
        tpu.enqueue_indirect_dma source(%dma_start3A_574 : memref<10240x32xf32, #tpu.memory_space<vmem_shared>>) target(%arg8 : memref<80x32xf32, #tpu.memory_space<vmem>>) offsets(%dma_start3A_571 : memref<80xi32, #tpu.memory_space<vmem>>) semaphore(%arg21 : memref<!tpu.dma_semaphore, #tpu.memory_space<semaphore_mem>>)
      } else {
      }
      %mul3A_339 = arith.constant 10 : i32
      %mul3A_340 = arith.muli %scan3A_288, %mul3A_339 : i32
      %add3A_341 = arith.constant 2 : i32
      %add3A_342 = arith.addi %mul3A_340, %add3A_341 : i32
      %dma_wait3A_343 = arith.constant 0 : i32
      %dma_wait3A_344 = arith.constant 0 : i32
      %dma_wait3A_345 = tpu.memref_slice %arg2[%dma_wait3A_343, %dma_wait3A_344] : memref<10000x128xf32, #tpu.memory_space<hbm>> -> memref<80x32xf32, #tpu.memory_space<hbm>>
      %dma_wait3A_346 = arith.constant 0 : i32
      %dma_wait3A_347 = arith.constant 0 : i32
      %dma_wait3A_348 = tpu.memref_slice %arg2[%dma_wait3A_346, %dma_wait3A_347] : memref<10000x128xf32, #tpu.memory_space<hbm>> -> memref<80x32xf32, #tpu.memory_space<hbm>>
      tpu.wait_dma2 semaphore(%arg23 : memref<!tpu.dma_semaphore, #tpu.memory_space<semaphore_mem>>) src(%dma_wait3A_348 : memref<80x32xf32, #tpu.memory_space<hbm>>) dst(%arg10 : memref<80x32xf32, #tpu.memory_space<vmem>>)
      %dma_start3A_349 = arith.constant 0 : i32
      %dma_start3A_350 = tpu.memref_slice %arg7[%add3A_342, %dma_start3A_349] : memref<250x80xi32, #tpu.memory_space<vmem>> -> memref<1x80xi32, #tpu.memory_space<vmem>>
      %dma_start3A_351 = tpu.memref_squeeze %dma_start3A_350 : memref<1x80xi32, #tpu.memory_space<vmem>> -> memref<80xi32, #tpu.memory_space<vmem>>
      %dma_start3A_352 = arith.constant 0 : i32
      %dma_start3A_353 = arith.constant 0 : i32
      %dma_start3A_354 = tpu.memref_slice %arg20[%dma_start3A_352, %dma_start3A_353] : memref<10240x32xf32, #tpu.memory_space<vmem_shared>> -> memref<10240x32xf32, #tpu.memory_space<vmem_shared>>
      tpu.enqueue_indirect_dma source(%arg10 : memref<80x32xf32, #tpu.memory_space<vmem>>) target(%dma_start3A_354 : memref<10240x32xf32, #tpu.memory_space<vmem_shared>>) offsets(%dma_start3A_351 : memref<80xi32, #tpu.memory_space<vmem>>) semaphore(%arg33 : memref<!tpu.dma_semaphore, #tpu.memory_space<semaphore_mem>>) {add = true}
      %add3A_355 = arith.constant 10 : i32
      %add3A_356 = arith.addi %add3A_342, %add3A_355 : i32
      %sub3A_357 = arith.constant 1 : i32
      %sub3A_358 = arith.subi %add3A_356, %sub3A_357 : i32
      %ge3A_359 = arith.constant 1 : i32
      %ge3A_360 = arith.cmpi sge, %add3A_342, %ge3A_359 : i32
      %lt3A_361 = arith.constant 250 : i32
      %lt3A_362 = arith.cmpi slt, %sub3A_358, %lt3A_361 : i32
      %and3A_363 = arith.andi %ge3A_360, %lt3A_362 : i1
      %convert_element_type3A_364 = arith.extui %and3A_363 : i1 to i32
      %cond3A_365 = arith.constant 0 : i32
      %cond3A_366 = arith.cmpi ne, %convert_element_type3A_364, %cond3A_365 : i32
      scf.if %cond3A_366 {
        %dma_wait3A_563 = arith.constant 0 : i32
        %dma_wait3A_564 = arith.constant 0 : i32
        %dma_wait3A_565 = tpu.memref_slice %arg2[%dma_wait3A_563, %dma_wait3A_564] : memref<10000x128xf32, #tpu.memory_space<hbm>> -> memref<80x32xf32, #tpu.memory_space<hbm>>
        %dma_wait3A_566 = arith.constant 0 : i32
        %dma_wait3A_567 = arith.constant 0 : i32
        %dma_wait3A_568 = tpu.memref_slice %arg2[%dma_wait3A_566, %dma_wait3A_567] : memref<10000x128xf32, #tpu.memory_space<hbm>> -> memref<80x32xf32, #tpu.memory_space<hbm>>
        tpu.wait_dma2 semaphore(%arg32 : memref<!tpu.dma_semaphore, #tpu.memory_space<semaphore_mem>>) src(%dma_wait3A_568 : memref<80x32xf32, #tpu.memory_space<hbm>>) dst(%arg9 : memref<80x32xf32, #tpu.memory_space<vmem>>)
        %dma_start3A_569 = arith.constant 0 : i32
        %dma_start3A_570 = tpu.memref_slice %arg6[%sub3A_358, %dma_start3A_569] : memref<250x80xi32, #tpu.memory_space<vmem>> -> memref<1x80xi32, #tpu.memory_space<vmem>>
        %dma_start3A_571 = tpu.memref_squeeze %dma_start3A_570 : memref<1x80xi32, #tpu.memory_space<vmem>> -> memref<80xi32, #tpu.memory_space<vmem>>
        %dma_start3A_572 = arith.constant 0 : i32
        %dma_start3A_573 = arith.constant 0 : i32
        %dma_start3A_574 = tpu.memref_slice %arg19[%dma_start3A_572, %dma_start3A_573] : memref<10240x32xf32, #tpu.memory_space<vmem_shared>> -> memref<10240x32xf32, #tpu.memory_space<vmem_shared>>
        tpu.enqueue_indirect_dma source(%dma_start3A_574 : memref<10240x32xf32, #tpu.memory_space<vmem_shared>>) target(%arg9 : memref<80x32xf32, #tpu.memory_space<vmem>>) offsets(%dma_start3A_571 : memref<80xi32, #tpu.memory_space<vmem>>) semaphore(%arg22 : memref<!tpu.dma_semaphore, #tpu.memory_space<semaphore_mem>>)
      } else {
      }
      %mul3A_367 = arith.constant 10 : i32
      %mul3A_368 = arith.muli %scan3A_288, %mul3A_367 : i32
      %add3A_369 = arith.constant 3 : i32
      %add3A_370 = arith.addi %mul3A_368, %add3A_369 : i32
      %dma_wait3A_371 = arith.constant 0 : i32
      %dma_wait3A_372 = arith.constant 0 : i32
      %dma_wait3A_373 = tpu.memref_slice %arg2[%dma_wait3A_371, %dma_wait3A_372] : memref<10000x128xf32, #tpu.memory_space<hbm>> -> memref<80x32xf32, #tpu.memory_space<hbm>>
      %dma_wait3A_374 = arith.constant 0 : i32
      %dma_wait3A_375 = arith.constant 0 : i32
      %dma_wait3A_376 = tpu.memref_slice %arg2[%dma_wait3A_374, %dma_wait3A_375] : memref<10000x128xf32, #tpu.memory_space<hbm>> -> memref<80x32xf32, #tpu.memory_space<hbm>>
      tpu.wait_dma2 semaphore(%arg24 : memref<!tpu.dma_semaphore, #tpu.memory_space<semaphore_mem>>) src(%dma_wait3A_376 : memref<80x32xf32, #tpu.memory_space<hbm>>) dst(%arg11 : memref<80x32xf32, #tpu.memory_space<vmem>>)
      %dma_start3A_377 = arith.constant 0 : i32
      %dma_start3A_378 = tpu.memref_slice %arg7[%add3A_370, %dma_start3A_377] : memref<250x80xi32, #tpu.memory_space<vmem>> -> memref<1x80xi32, #tpu.memory_space<vmem>>
      %dma_start3A_379 = tpu.memref_squeeze %dma_start3A_378 : memref<1x80xi32, #tpu.memory_space<vmem>> -> memref<80xi32, #tpu.memory_space<vmem>>
      %dma_start3A_380 = arith.constant 0 : i32
      %dma_start3A_381 = arith.constant 0 : i32
      %dma_start3A_382 = tpu.memref_slice %arg20[%dma_start3A_380, %dma_start3A_381] : memref<10240x32xf32, #tpu.memory_space<vmem_shared>> -> memref<10240x32xf32, #tpu.memory_space<vmem_shared>>
      tpu.enqueue_indirect_dma source(%arg11 : memref<80x32xf32, #tpu.memory_space<vmem>>) target(%dma_start3A_382 : memref<10240x32xf32, #tpu.memory_space<vmem_shared>>) offsets(%dma_start3A_379 : memref<80xi32, #tpu.memory_space<vmem>>) semaphore(%arg34 : memref<!tpu.dma_semaphore, #tpu.memory_space<semaphore_mem>>) {add = true}
      %add3A_383 = arith.constant 10 : i32
      %add3A_384 = arith.addi %add3A_370, %add3A_383 : i32
      %sub3A_385 = arith.constant 1 : i32
      %sub3A_386 = arith.subi %add3A_384, %sub3A_385 : i32
      %ge3A_387 = arith.constant 1 : i32
      %ge3A_388 = arith.cmpi sge, %add3A_370, %ge3A_387 : i32
      %lt3A_389 = arith.constant 250 : i32
      %lt3A_390 = arith.cmpi slt, %sub3A_386, %lt3A_389 : i32
      %and3A_391 = arith.andi %ge3A_388, %lt3A_390 : i1
      %convert_element_type3A_392 = arith.extui %and3A_391 : i1 to i32
      %cond3A_393 = arith.constant 0 : i32
      %cond3A_394 = arith.cmpi ne, %convert_element_type3A_392, %cond3A_393 : i32
      scf.if %cond3A_394 {
        %dma_wait3A_563 = arith.constant 0 : i32
        %dma_wait3A_564 = arith.constant 0 : i32
        %dma_wait3A_565 = tpu.memref_slice %arg2[%dma_wait3A_563, %dma_wait3A_564] : memref<10000x128xf32, #tpu.memory_space<hbm>> -> memref<80x32xf32, #tpu.memory_space<hbm>>
        %dma_wait3A_566 = arith.constant 0 : i32
        %dma_wait3A_567 = arith.constant 0 : i32
        %dma_wait3A_568 = tpu.memref_slice %arg2[%dma_wait3A_566, %dma_wait3A_567] : memref<10000x128xf32, #tpu.memory_space<hbm>> -> memref<80x32xf32, #tpu.memory_space<hbm>>
        tpu.wait_dma2 semaphore(%arg33 : memref<!tpu.dma_semaphore, #tpu.memory_space<semaphore_mem>>) src(%dma_wait3A_568 : memref<80x32xf32, #tpu.memory_space<hbm>>) dst(%arg10 : memref<80x32xf32, #tpu.memory_space<vmem>>)
        %dma_start3A_569 = arith.constant 0 : i32
        %dma_start3A_570 = tpu.memref_slice %arg6[%sub3A_386, %dma_start3A_569] : memref<250x80xi32, #tpu.memory_space<vmem>> -> memref<1x80xi32, #tpu.memory_space<vmem>>
        %dma_start3A_571 = tpu.memref_squeeze %dma_start3A_570 : memref<1x80xi32, #tpu.memory_space<vmem>> -> memref<80xi32, #tpu.memory_space<vmem>>
        %dma_start3A_572 = arith.constant 0 : i32
        %dma_start3A_573 = arith.constant 0 : i32
        %dma_start3A_574 = tpu.memref_slice %arg19[%dma_start3A_572, %dma_start3A_573] : memref<10240x32xf32, #tpu.memory_space<vmem_shared>> -> memref<10240x32xf32, #tpu.memory_space<vmem_shared>>
        tpu.enqueue_indirect_dma source(%dma_start3A_574 : memref<10240x32xf32, #tpu.memory_space<vmem_shared>>) target(%arg10 : memref<80x32xf32, #tpu.memory_space<vmem>>) offsets(%dma_start3A_571 : memref<80xi32, #tpu.memory_space<vmem>>) semaphore(%arg23 : memref<!tpu.dma_semaphore, #tpu.memory_space<semaphore_mem>>)
      } else {
      }
      %mul3A_395 = arith.constant 10 : i32
      %mul3A_396 = arith.muli %scan3A_288, %mul3A_395 : i32
      %add3A_397 = arith.constant 4 : i32
      %add3A_398 = arith.addi %mul3A_396, %add3A_397 : i32
      %dma_wait3A_399 = arith.constant 0 : i32
      %dma_wait3A_400 = arith.constant 0 : i32
      %dma_wait3A_401 = tpu.memref_slice %arg2[%dma_wait3A_399, %dma_wait3A_400] : memref<10000x128xf32, #tpu.memory_space<hbm>> -> memref<80x32xf32, #tpu.memory_space<hbm>>
      %dma_wait3A_402 = arith.constant 0 : i32
      %dma_wait3A_403 = arith.constant 0 : i32
      %dma_wait3A_404 = tpu.memref_slice %arg2[%dma_wait3A_402, %dma_wait3A_403] : memref<10000x128xf32, #tpu.memory_space<hbm>> -> memref<80x32xf32, #tpu.memory_space<hbm>>
      tpu.wait_dma2 semaphore(%arg25 : memref<!tpu.dma_semaphore, #tpu.memory_space<semaphore_mem>>) src(%dma_wait3A_404 : memref<80x32xf32, #tpu.memory_space<hbm>>) dst(%arg12 : memref<80x32xf32, #tpu.memory_space<vmem>>)
      %dma_start3A_405 = arith.constant 0 : i32
      %dma_start3A_406 = tpu.memref_slice %arg7[%add3A_398, %dma_start3A_405] : memref<250x80xi32, #tpu.memory_space<vmem>> -> memref<1x80xi32, #tpu.memory_space<vmem>>
      %dma_start3A_407 = tpu.memref_squeeze %dma_start3A_406 : memref<1x80xi32, #tpu.memory_space<vmem>> -> memref<80xi32, #tpu.memory_space<vmem>>
      %dma_start3A_408 = arith.constant 0 : i32
      %dma_start3A_409 = arith.constant 0 : i32
      %dma_start3A_410 = tpu.memref_slice %arg20[%dma_start3A_408, %dma_start3A_409] : memref<10240x32xf32, #tpu.memory_space<vmem_shared>> -> memref<10240x32xf32, #tpu.memory_space<vmem_shared>>
      tpu.enqueue_indirect_dma source(%arg12 : memref<80x32xf32, #tpu.memory_space<vmem>>) target(%dma_start3A_410 : memref<10240x32xf32, #tpu.memory_space<vmem_shared>>) offsets(%dma_start3A_407 : memref<80xi32, #tpu.memory_space<vmem>>) semaphore(%arg35 : memref<!tpu.dma_semaphore, #tpu.memory_space<semaphore_mem>>) {add = true}
      %add3A_411 = arith.constant 10 : i32
      %add3A_412 = arith.addi %add3A_398, %add3A_411 : i32
      %sub3A_413 = arith.constant 1 : i32
      %sub3A_414 = arith.subi %add3A_412, %sub3A_413 : i32
      %ge3A_415 = arith.constant 1 : i32
      %ge3A_416 = arith.cmpi sge, %add3A_398, %ge3A_415 : i32
      %lt3A_417 = arith.constant 250 : i32
      %lt3A_418 = arith.cmpi slt, %sub3A_414, %lt3A_417 : i32
      %and3A_419 = arith.andi %ge3A_416, %lt3A_418 : i1
      %convert_element_type3A_420 = arith.extui %and3A_419 : i1 to i32
      %cond3A_421 = arith.constant 0 : i32
      %cond3A_422 = arith.cmpi ne, %convert_element_type3A_420, %cond3A_421 : i32
      scf.if %cond3A_422 {
        %dma_wait3A_563 = arith.constant 0 : i32
        %dma_wait3A_564 = arith.constant 0 : i32
        %dma_wait3A_565 = tpu.memref_slice %arg2[%dma_wait3A_563, %dma_wait3A_564] : memref<10000x128xf32, #tpu.memory_space<hbm>> -> memref<80x32xf32, #tpu.memory_space<hbm>>
        %dma_wait3A_566 = arith.constant 0 : i32
        %dma_wait3A_567 = arith.constant 0 : i32
        %dma_wait3A_568 = tpu.memref_slice %arg2[%dma_wait3A_566, %dma_wait3A_567] : memref<10000x128xf32, #tpu.memory_space<hbm>> -> memref<80x32xf32, #tpu.memory_space<hbm>>
        tpu.wait_dma2 semaphore(%arg34 : memref<!tpu.dma_semaphore, #tpu.memory_space<semaphore_mem>>) src(%dma_wait3A_568 : memref<80x32xf32, #tpu.memory_space<hbm>>) dst(%arg11 : memref<80x32xf32, #tpu.memory_space<vmem>>)
        %dma_start3A_569 = arith.constant 0 : i32
        %dma_start3A_570 = tpu.memref_slice %arg6[%sub3A_414, %dma_start3A_569] : memref<250x80xi32, #tpu.memory_space<vmem>> -> memref<1x80xi32, #tpu.memory_space<vmem>>
        %dma_start3A_571 = tpu.memref_squeeze %dma_start3A_570 : memref<1x80xi32, #tpu.memory_space<vmem>> -> memref<80xi32, #tpu.memory_space<vmem>>
        %dma_start3A_572 = arith.constant 0 : i32
        %dma_start3A_573 = arith.constant 0 : i32
        %dma_start3A_574 = tpu.memref_slice %arg19[%dma_start3A_572, %dma_start3A_573] : memref<10240x32xf32, #tpu.memory_space<vmem_shared>> -> memref<10240x32xf32, #tpu.memory_space<vmem_shared>>
        tpu.enqueue_indirect_dma source(%dma_start3A_574 : memref<10240x32xf32, #tpu.memory_space<vmem_shared>>) target(%arg11 : memref<80x32xf32, #tpu.memory_space<vmem>>) offsets(%dma_start3A_571 : memref<80xi32, #tpu.memory_space<vmem>>) semaphore(%arg24 : memref<!tpu.dma_semaphore, #tpu.memory_space<semaphore_mem>>)
      } else {
      }
      %mul3A_423 = arith.constant 10 : i32
      %mul3A_424 = arith.muli %scan3A_288, %mul3A_423 : i32
      %add3A_425 = arith.constant 5 : i32
      %add3A_426 = arith.addi %mul3A_424, %add3A_425 : i32
      %dma_wait3A_427 = arith.constant 0 : i32
      %dma_wait3A_428 = arith.constant 0 : i32
      %dma_wait3A_429 = tpu.memref_slice %arg2[%dma_wait3A_427, %dma_wait3A_428] : memref<10000x128xf32, #tpu.memory_space<hbm>> -> memref<80x32xf32, #tpu.memory_space<hbm>>
      %dma_wait3A_430 = arith.constant 0 : i32
      %dma_wait3A_431 = arith.constant 0 : i32
      %dma_wait3A_432 = tpu.memref_slice %arg2[%dma_wait3A_430, %dma_wait3A_431] : memref<10000x128xf32, #tpu.memory_space<hbm>> -> memref<80x32xf32, #tpu.memory_space<hbm>>
      tpu.wait_dma2 semaphore(%arg26 : memref<!tpu.dma_semaphore, #tpu.memory_space<semaphore_mem>>) src(%dma_wait3A_432 : memref<80x32xf32, #tpu.memory_space<hbm>>) dst(%arg13 : memref<80x32xf32, #tpu.memory_space<vmem>>)
      %dma_start3A_433 = arith.constant 0 : i32
      %dma_start3A_434 = tpu.memref_slice %arg7[%add3A_426, %dma_start3A_433] : memref<250x80xi32, #tpu.memory_space<vmem>> -> memref<1x80xi32, #tpu.memory_space<vmem>>
      %dma_start3A_435 = tpu.memref_squeeze %dma_start3A_434 : memref<1x80xi32, #tpu.memory_space<vmem>> -> memref<80xi32, #tpu.memory_space<vmem>>
      %dma_start3A_436 = arith.constant 0 : i32
      %dma_start3A_437 = arith.constant 0 : i32
      %dma_start3A_438 = tpu.memref_slice %arg20[%dma_start3A_436, %dma_start3A_437] : memref<10240x32xf32, #tpu.memory_space<vmem_shared>> -> memref<10240x32xf32, #tpu.memory_space<vmem_shared>>
      tpu.enqueue_indirect_dma source(%arg13 : memref<80x32xf32, #tpu.memory_space<vmem>>) target(%dma_start3A_438 : memref<10240x32xf32, #tpu.memory_space<vmem_shared>>) offsets(%dma_start3A_435 : memref<80xi32, #tpu.memory_space<vmem>>) semaphore(%arg36 : memref<!tpu.dma_semaphore, #tpu.memory_space<semaphore_mem>>) {add = true}
      %add3A_439 = arith.constant 10 : i32
      %add3A_440 = arith.addi %add3A_426, %add3A_439 : i32
      %sub3A_441 = arith.constant 1 : i32
      %sub3A_442 = arith.subi %add3A_440, %sub3A_441 : i32
      %ge3A_443 = arith.constant 1 : i32
      %ge3A_444 = arith.cmpi sge, %add3A_426, %ge3A_443 : i32
      %lt3A_445 = arith.constant 250 : i32
      %lt3A_446 = arith.cmpi slt, %sub3A_442, %lt3A_445 : i32
      %and3A_447 = arith.andi %ge3A_444, %lt3A_446 : i1
      %convert_element_type3A_448 = arith.extui %and3A_447 : i1 to i32
      %cond3A_449 = arith.constant 0 : i32
      %cond3A_450 = arith.cmpi ne, %convert_element_type3A_448, %cond3A_449 : i32
      scf.if %cond3A_450 {
        %dma_wait3A_563 = arith.constant 0 : i32
        %dma_wait3A_564 = arith.constant 0 : i32
        %dma_wait3A_565 = tpu.memref_slice %arg2[%dma_wait3A_563, %dma_wait3A_564] : memref<10000x128xf32, #tpu.memory_space<hbm>> -> memref<80x32xf32, #tpu.memory_space<hbm>>
        %dma_wait3A_566 = arith.constant 0 : i32
        %dma_wait3A_567 = arith.constant 0 : i32
        %dma_wait3A_568 = tpu.memref_slice %arg2[%dma_wait3A_566, %dma_wait3A_567] : memref<10000x128xf32, #tpu.memory_space<hbm>> -> memref<80x32xf32, #tpu.memory_space<hbm>>
        tpu.wait_dma2 semaphore(%arg35 : memref<!tpu.dma_semaphore, #tpu.memory_space<semaphore_mem>>) src(%dma_wait3A_568 : memref<80x32xf32, #tpu.memory_space<hbm>>) dst(%arg12 : memref<80x32xf32, #tpu.memory_space<vmem>>)
        %dma_start3A_569 = arith.constant 0 : i32
        %dma_start3A_570 = tpu.memref_slice %arg6[%sub3A_442, %dma_start3A_569] : memref<250x80xi32, #tpu.memory_space<vmem>> -> memref<1x80xi32, #tpu.memory_space<vmem>>
        %dma_start3A_571 = tpu.memref_squeeze %dma_start3A_570 : memref<1x80xi32, #tpu.memory_space<vmem>> -> memref<80xi32, #tpu.memory_space<vmem>>
        %dma_start3A_572 = arith.constant 0 : i32
        %dma_start3A_573 = arith.constant 0 : i32
        %dma_start3A_574 = tpu.memref_slice %arg19[%dma_start3A_572, %dma_start3A_573] : memref<10240x32xf32, #tpu.memory_space<vmem_shared>> -> memref<10240x32xf32, #tpu.memory_space<vmem_shared>>
        tpu.enqueue_indirect_dma source(%dma_start3A_574 : memref<10240x32xf32, #tpu.memory_space<vmem_shared>>) target(%arg12 : memref<80x32xf32, #tpu.memory_space<vmem>>) offsets(%dma_start3A_571 : memref<80xi32, #tpu.memory_space<vmem>>) semaphore(%arg25 : memref<!tpu.dma_semaphore, #tpu.memory_space<semaphore_mem>>)
      } else {
      }
      %mul3A_451 = arith.constant 10 : i32
      %mul3A_452 = arith.muli %scan3A_288, %mul3A_451 : i32
      %add3A_453 = arith.constant 6 : i32
      %add3A_454 = arith.addi %mul3A_452, %add3A_453 : i32
      %dma_wait3A_455 = arith.constant 0 : i32
      %dma_wait3A_456 = arith.constant 0 : i32
      %dma_wait3A_457 = tpu.memref_slice %arg2[%dma_wait3A_455, %dma_wait3A_456] : memref<10000x128xf32, #tpu.memory_space<hbm>> -> memref<80x32xf32, #tpu.memory_space<hbm>>
      %dma_wait3A_458 = arith.constant 0 : i32
      %dma_wait3A_459 = arith.constant 0 : i32
      %dma_wait3A_460 = tpu.memref_slice %arg2[%dma_wait3A_458, %dma_wait3A_459] : memref<10000x128xf32, #tpu.memory_space<hbm>> -> memref<80x32xf32, #tpu.memory_space<hbm>>
      tpu.wait_dma2 semaphore(%arg27 : memref<!tpu.dma_semaphore, #tpu.memory_space<semaphore_mem>>) src(%dma_wait3A_460 : memref<80x32xf32, #tpu.memory_space<hbm>>) dst(%arg14 : memref<80x32xf32, #tpu.memory_space<vmem>>)
      %dma_start3A_461 = arith.constant 0 : i32
      %dma_start3A_462 = tpu.memref_slice %arg7[%add3A_454, %dma_start3A_461] : memref<250x80xi32, #tpu.memory_space<vmem>> -> memref<1x80xi32, #tpu.memory_space<vmem>>
      %dma_start3A_463 = tpu.memref_squeeze %dma_start3A_462 : memref<1x80xi32, #tpu.memory_space<vmem>> -> memref<80xi32, #tpu.memory_space<vmem>>
      %dma_start3A_464 = arith.constant 0 : i32
      %dma_start3A_465 = arith.constant 0 : i32
      %dma_start3A_466 = tpu.memref_slice %arg20[%dma_start3A_464, %dma_start3A_465] : memref<10240x32xf32, #tpu.memory_space<vmem_shared>> -> memref<10240x32xf32, #tpu.memory_space<vmem_shared>>
      tpu.enqueue_indirect_dma source(%arg14 : memref<80x32xf32, #tpu.memory_space<vmem>>) target(%dma_start3A_466 : memref<10240x32xf32, #tpu.memory_space<vmem_shared>>) offsets(%dma_start3A_463 : memref<80xi32, #tpu.memory_space<vmem>>) semaphore(%arg37 : memref<!tpu.dma_semaphore, #tpu.memory_space<semaphore_mem>>) {add = true}
      %add3A_467 = arith.constant 10 : i32
      %add3A_468 = arith.addi %add3A_454, %add3A_467 : i32
      %sub3A_469 = arith.constant 1 : i32
      %sub3A_470 = arith.subi %add3A_468, %sub3A_469 : i32
      %ge3A_471 = arith.constant 1 : i32
      %ge3A_472 = arith.cmpi sge, %add3A_454, %ge3A_471 : i32
      %lt3A_473 = arith.constant 250 : i32
      %lt3A_474 = arith.cmpi slt, %sub3A_470, %lt3A_473 : i32
      %and3A_475 = arith.andi %ge3A_472, %lt3A_474 : i1
      %convert_element_type3A_476 = arith.extui %and3A_475 : i1 to i32
      %cond3A_477 = arith.constant 0 : i32
      %cond3A_478 = arith.cmpi ne, %convert_element_type3A_476, %cond3A_477 : i32
      scf.if %cond3A_478 {
        %dma_wait3A_563 = arith.constant 0 : i32
        %dma_wait3A_564 = arith.constant 0 : i32
        %dma_wait3A_565 = tpu.memref_slice %arg2[%dma_wait3A_563, %dma_wait3A_564] : memref<10000x128xf32, #tpu.memory_space<hbm>> -> memref<80x32xf32, #tpu.memory_space<hbm>>
        %dma_wait3A_566 = arith.constant 0 : i32
        %dma_wait3A_567 = arith.constant 0 : i32
        %dma_wait3A_568 = tpu.memref_slice %arg2[%dma_wait3A_566, %dma_wait3A_567] : memref<10000x128xf32, #tpu.memory_space<hbm>> -> memref<80x32xf32, #tpu.memory_space<hbm>>
        tpu.wait_dma2 semaphore(%arg36 : memref<!tpu.dma_semaphore, #tpu.memory_space<semaphore_mem>>) src(%dma_wait3A_568 : memref<80x32xf32, #tpu.memory_space<hbm>>) dst(%arg13 : memref<80x32xf32, #tpu.memory_space<vmem>>)
        %dma_start3A_569 = arith.constant 0 : i32
        %dma_start3A_570 = tpu.memref_slice %arg6[%sub3A_470, %dma_start3A_569] : memref<250x80xi32, #tpu.memory_space<vmem>> -> memref<1x80xi32, #tpu.memory_space<vmem>>
        %dma_start3A_571 = tpu.memref_squeeze %dma_start3A_570 : memref<1x80xi32, #tpu.memory_space<vmem>> -> memref<80xi32, #tpu.memory_space<vmem>>
        %dma_start3A_572 = arith.constant 0 : i32
        %dma_start3A_573 = arith.constant 0 : i32
        %dma_start3A_574 = tpu.memref_slice %arg19[%dma_start3A_572, %dma_start3A_573] : memref<10240x32xf32, #tpu.memory_space<vmem_shared>> -> memref<10240x32xf32, #tpu.memory_space<vmem_shared>>
        tpu.enqueue_indirect_dma source(%dma_start3A_574 : memref<10240x32xf32, #tpu.memory_space<vmem_shared>>) target(%arg13 : memref<80x32xf32, #tpu.memory_space<vmem>>) offsets(%dma_start3A_571 : memref<80xi32, #tpu.memory_space<vmem>>) semaphore(%arg26 : memref<!tpu.dma_semaphore, #tpu.memory_space<semaphore_mem>>)
      } else {
      }
      %mul3A_479 = arith.constant 10 : i32
      %mul3A_480 = arith.muli %scan3A_288, %mul3A_479 : i32
      %add3A_481 = arith.constant 7 : i32
      %add3A_482 = arith.addi %mul3A_480, %add3A_481 : i32
      %dma_wait3A_483 = arith.constant 0 : i32
      %dma_wait3A_484 = arith.constant 0 : i32
      %dma_wait3A_485 = tpu.memref_slice %arg2[%dma_wait3A_483, %dma_wait3A_484] : memref<10000x128xf32, #tpu.memory_space<hbm>> -> memref<80x32xf32, #tpu.memory_space<hbm>>
      %dma_wait3A_486 = arith.constant 0 : i32
      %dma_wait3A_487 = arith.constant 0 : i32
      %dma_wait3A_488 = tpu.memref_slice %arg2[%dma_wait3A_486, %dma_wait3A_487] : memref<10000x128xf32, #tpu.memory_space<hbm>> -> memref<80x32xf32, #tpu.memory_space<hbm>>
      tpu.wait_dma2 semaphore(%arg28 : memref<!tpu.dma_semaphore, #tpu.memory_space<semaphore_mem>>) src(%dma_wait3A_488 : memref<80x32xf32, #tpu.memory_space<hbm>>) dst(%arg15 : memref<80x32xf32, #tpu.memory_space<vmem>>)
      %dma_start3A_489 = arith.constant 0 : i32
      %dma_start3A_490 = tpu.memref_slice %arg7[%add3A_482, %dma_start3A_489] : memref<250x80xi32, #tpu.memory_space<vmem>> -> memref<1x80xi32, #tpu.memory_space<vmem>>
      %dma_start3A_491 = tpu.memref_squeeze %dma_start3A_490 : memref<1x80xi32, #tpu.memory_space<vmem>> -> memref<80xi32, #tpu.memory_space<vmem>>
      %dma_start3A_492 = arith.constant 0 : i32
      %dma_start3A_493 = arith.constant 0 : i32
      %dma_start3A_494 = tpu.memref_slice %arg20[%dma_start3A_492, %dma_start3A_493] : memref<10240x32xf32, #tpu.memory_space<vmem_shared>> -> memref<10240x32xf32, #tpu.memory_space<vmem_shared>>
      tpu.enqueue_indirect_dma source(%arg15 : memref<80x32xf32, #tpu.memory_space<vmem>>) target(%dma_start3A_494 : memref<10240x32xf32, #tpu.memory_space<vmem_shared>>) offsets(%dma_start3A_491 : memref<80xi32, #tpu.memory_space<vmem>>) semaphore(%arg38 : memref<!tpu.dma_semaphore, #tpu.memory_space<semaphore_mem>>) {add = true}
      %add3A_495 = arith.constant 10 : i32
      %add3A_496 = arith.addi %add3A_482, %add3A_495 : i32
      %sub3A_497 = arith.constant 1 : i32
      %sub3A_498 = arith.subi %add3A_496, %sub3A_497 : i32
      %ge3A_499 = arith.constant 1 : i32
      %ge3A_500 = arith.cmpi sge, %add3A_482, %ge3A_499 : i32
      %lt3A_501 = arith.constant 250 : i32
      %lt3A_502 = arith.cmpi slt, %sub3A_498, %lt3A_501 : i32
      %and3A_503 = arith.andi %ge3A_500, %lt3A_502 : i1
      %convert_element_type3A_504 = arith.extui %and3A_503 : i1 to i32
      %cond3A_505 = arith.constant 0 : i32
      %cond3A_506 = arith.cmpi ne, %convert_element_type3A_504, %cond3A_505 : i32
      scf.if %cond3A_506 {
        %dma_wait3A_563 = arith.constant 0 : i32
        %dma_wait3A_564 = arith.constant 0 : i32
        %dma_wait3A_565 = tpu.memref_slice %arg2[%dma_wait3A_563, %dma_wait3A_564] : memref<10000x128xf32, #tpu.memory_space<hbm>> -> memref<80x32xf32, #tpu.memory_space<hbm>>
        %dma_wait3A_566 = arith.constant 0 : i32
        %dma_wait3A_567 = arith.constant 0 : i32
        %dma_wait3A_568 = tpu.memref_slice %arg2[%dma_wait3A_566, %dma_wait3A_567] : memref<10000x128xf32, #tpu.memory_space<hbm>> -> memref<80x32xf32, #tpu.memory_space<hbm>>
        tpu.wait_dma2 semaphore(%arg37 : memref<!tpu.dma_semaphore, #tpu.memory_space<semaphore_mem>>) src(%dma_wait3A_568 : memref<80x32xf32, #tpu.memory_space<hbm>>) dst(%arg14 : memref<80x32xf32, #tpu.memory_space<vmem>>)
        %dma_start3A_569 = arith.constant 0 : i32
        %dma_start3A_570 = tpu.memref_slice %arg6[%sub3A_498, %dma_start3A_569] : memref<250x80xi32, #tpu.memory_space<vmem>> -> memref<1x80xi32, #tpu.memory_space<vmem>>
        %dma_start3A_571 = tpu.memref_squeeze %dma_start3A_570 : memref<1x80xi32, #tpu.memory_space<vmem>> -> memref<80xi32, #tpu.memory_space<vmem>>
        %dma_start3A_572 = arith.constant 0 : i32
        %dma_start3A_573 = arith.constant 0 : i32
        %dma_start3A_574 = tpu.memref_slice %arg19[%dma_start3A_572, %dma_start3A_573] : memref<10240x32xf32, #tpu.memory_space<vmem_shared>> -> memref<10240x32xf32, #tpu.memory_space<vmem_shared>>
        tpu.enqueue_indirect_dma source(%dma_start3A_574 : memref<10240x32xf32, #tpu.memory_space<vmem_shared>>) target(%arg14 : memref<80x32xf32, #tpu.memory_space<vmem>>) offsets(%dma_start3A_571 : memref<80xi32, #tpu.memory_space<vmem>>) semaphore(%arg27 : memref<!tpu.dma_semaphore, #tpu.memory_space<semaphore_mem>>)
      } else {
      }
      %mul3A_507 = arith.constant 10 : i32
      %mul3A_508 = arith.muli %scan3A_288, %mul3A_507 : i32
      %add3A_509 = arith.constant 8 : i32
      %add3A_510 = arith.addi %mul3A_508, %add3A_509 : i32
      %dma_wait3A_511 = arith.constant 0 : i32
      %dma_wait3A_512 = arith.constant 0 : i32
      %dma_wait3A_513 = tpu.memref_slice %arg2[%dma_wait3A_511, %dma_wait3A_512] : memref<10000x128xf32, #tpu.memory_space<hbm>> -> memref<80x32xf32, #tpu.memory_space<hbm>>
      %dma_wait3A_514 = arith.constant 0 : i32
      %dma_wait3A_515 = arith.constant 0 : i32
      %dma_wait3A_516 = tpu.memref_slice %arg2[%dma_wait3A_514, %dma_wait3A_515] : memref<10000x128xf32, #tpu.memory_space<hbm>> -> memref<80x32xf32, #tpu.memory_space<hbm>>
      tpu.wait_dma2 semaphore(%arg29 : memref<!tpu.dma_semaphore, #tpu.memory_space<semaphore_mem>>) src(%dma_wait3A_516 : memref<80x32xf32, #tpu.memory_space<hbm>>) dst(%arg16 : memref<80x32xf32, #tpu.memory_space<vmem>>)
      %dma_start3A_517 = arith.constant 0 : i32
      %dma_start3A_518 = tpu.memref_slice %arg7[%add3A_510, %dma_start3A_517] : memref<250x80xi32, #tpu.memory_space<vmem>> -> memref<1x80xi32, #tpu.memory_space<vmem>>
      %dma_start3A_519 = tpu.memref_squeeze %dma_start3A_518 : memref<1x80xi32, #tpu.memory_space<vmem>> -> memref<80xi32, #tpu.memory_space<vmem>>
      %dma_start3A_520 = arith.constant 0 : i32
      %dma_start3A_521 = arith.constant 0 : i32
      %dma_start3A_522 = tpu.memref_slice %arg20[%dma_start3A_520, %dma_start3A_521] : memref<10240x32xf32, #tpu.memory_space<vmem_shared>> -> memref<10240x32xf32, #tpu.memory_space<vmem_shared>>
      tpu.enqueue_indirect_dma source(%arg16 : memref<80x32xf32, #tpu.memory_space<vmem>>) target(%dma_start3A_522 : memref<10240x32xf32, #tpu.memory_space<vmem_shared>>) offsets(%dma_start3A_519 : memref<80xi32, #tpu.memory_space<vmem>>) semaphore(%arg39 : memref<!tpu.dma_semaphore, #tpu.memory_space<semaphore_mem>>) {add = true}
      %add3A_523 = arith.constant 10 : i32
      %add3A_524 = arith.addi %add3A_510, %add3A_523 : i32
      %sub3A_525 = arith.constant 1 : i32
      %sub3A_526 = arith.subi %add3A_524, %sub3A_525 : i32
      %ge3A_527 = arith.constant 1 : i32
      %ge3A_528 = arith.cmpi sge, %add3A_510, %ge3A_527 : i32
      %lt3A_529 = arith.constant 250 : i32
      %lt3A_530 = arith.cmpi slt, %sub3A_526, %lt3A_529 : i32
      %and3A_531 = arith.andi %ge3A_528, %lt3A_530 : i1
      %convert_element_type3A_532 = arith.extui %and3A_531 : i1 to i32
      %cond3A_533 = arith.constant 0 : i32
      %cond3A_534 = arith.cmpi ne, %convert_element_type3A_532, %cond3A_533 : i32
      scf.if %cond3A_534 {
        %dma_wait3A_563 = arith.constant 0 : i32
        %dma_wait3A_564 = arith.constant 0 : i32
        %dma_wait3A_565 = tpu.memref_slice %arg2[%dma_wait3A_563, %dma_wait3A_564] : memref<10000x128xf32, #tpu.memory_space<hbm>> -> memref<80x32xf32, #tpu.memory_space<hbm>>
        %dma_wait3A_566 = arith.constant 0 : i32
        %dma_wait3A_567 = arith.constant 0 : i32
        %dma_wait3A_568 = tpu.memref_slice %arg2[%dma_wait3A_566, %dma_wait3A_567] : memref<10000x128xf32, #tpu.memory_space<hbm>> -> memref<80x32xf32, #tpu.memory_space<hbm>>
        tpu.wait_dma2 semaphore(%arg38 : memref<!tpu.dma_semaphore, #tpu.memory_space<semaphore_mem>>) src(%dma_wait3A_568 : memref<80x32xf32, #tpu.memory_space<hbm>>) dst(%arg15 : memref<80x32xf32, #tpu.memory_space<vmem>>)
        %dma_start3A_569 = arith.constant 0 : i32
        %dma_start3A_570 = tpu.memref_slice %arg6[%sub3A_526, %dma_start3A_569] : memref<250x80xi32, #tpu.memory_space<vmem>> -> memref<1x80xi32, #tpu.memory_space<vmem>>
        %dma_start3A_571 = tpu.memref_squeeze %dma_start3A_570 : memref<1x80xi32, #tpu.memory_space<vmem>> -> memref<80xi32, #tpu.memory_space<vmem>>
        %dma_start3A_572 = arith.constant 0 : i32
        %dma_start3A_573 = arith.constant 0 : i32
        %dma_start3A_574 = tpu.memref_slice %arg19[%dma_start3A_572, %dma_start3A_573] : memref<10240x32xf32, #tpu.memory_space<vmem_shared>> -> memref<10240x32xf32, #tpu.memory_space<vmem_shared>>
        tpu.enqueue_indirect_dma source(%dma_start3A_574 : memref<10240x32xf32, #tpu.memory_space<vmem_shared>>) target(%arg15 : memref<80x32xf32, #tpu.memory_space<vmem>>) offsets(%dma_start3A_571 : memref<80xi32, #tpu.memory_space<vmem>>) semaphore(%arg28 : memref<!tpu.dma_semaphore, #tpu.memory_space<semaphore_mem>>)
      } else {
      }
      %mul3A_535 = arith.constant 10 : i32
      %mul3A_536 = arith.muli %scan3A_288, %mul3A_535 : i32
      %add3A_537 = arith.constant 9 : i32
      %add3A_538 = arith.addi %mul3A_536, %add3A_537 : i32
      %dma_wait3A_539 = arith.constant 0 : i32
      %dma_wait3A_540 = arith.constant 0 : i32
      %dma_wait3A_541 = tpu.memref_slice %arg2[%dma_wait3A_539, %dma_wait3A_540] : memref<10000x128xf32, #tpu.memory_space<hbm>> -> memref<80x32xf32, #tpu.memory_space<hbm>>
      %dma_wait3A_542 = arith.constant 0 : i32
      %dma_wait3A_543 = arith.constant 0 : i32
      %dma_wait3A_544 = tpu.memref_slice %arg2[%dma_wait3A_542, %dma_wait3A_543] : memref<10000x128xf32, #tpu.memory_space<hbm>> -> memref<80x32xf32, #tpu.memory_space<hbm>>
      tpu.wait_dma2 semaphore(%arg30 : memref<!tpu.dma_semaphore, #tpu.memory_space<semaphore_mem>>) src(%dma_wait3A_544 : memref<80x32xf32, #tpu.memory_space<hbm>>) dst(%arg17 : memref<80x32xf32, #tpu.memory_space<vmem>>)
      %dma_start3A_545 = arith.constant 0 : i32
      %dma_start3A_546 = tpu.memref_slice %arg7[%add3A_538, %dma_start3A_545] : memref<250x80xi32, #tpu.memory_space<vmem>> -> memref<1x80xi32, #tpu.memory_space<vmem>>
      %dma_start3A_547 = tpu.memref_squeeze %dma_start3A_546 : memref<1x80xi32, #tpu.memory_space<vmem>> -> memref<80xi32, #tpu.memory_space<vmem>>
      %dma_start3A_548 = arith.constant 0 : i32
      %dma_start3A_549 = arith.constant 0 : i32
      %dma_start3A_550 = tpu.memref_slice %arg20[%dma_start3A_548, %dma_start3A_549] : memref<10240x32xf32, #tpu.memory_space<vmem_shared>> -> memref<10240x32xf32, #tpu.memory_space<vmem_shared>>
      tpu.enqueue_indirect_dma source(%arg17 : memref<80x32xf32, #tpu.memory_space<vmem>>) target(%dma_start3A_550 : memref<10240x32xf32, #tpu.memory_space<vmem_shared>>) offsets(%dma_start3A_547 : memref<80xi32, #tpu.memory_space<vmem>>) semaphore(%arg40 : memref<!tpu.dma_semaphore, #tpu.memory_space<semaphore_mem>>) {add = true}
      %add3A_551 = arith.constant 10 : i32
      %add3A_552 = arith.addi %add3A_538, %add3A_551 : i32
      %sub3A_553 = arith.constant 1 : i32
      %sub3A_554 = arith.subi %add3A_552, %sub3A_553 : i32
      %ge3A_555 = arith.constant 1 : i32
      %ge3A_556 = arith.cmpi sge, %add3A_538, %ge3A_555 : i32
      %lt3A_557 = arith.constant 250 : i32
      %lt3A_558 = arith.cmpi slt, %sub3A_554, %lt3A_557 : i32
      %and3A_559 = arith.andi %ge3A_556, %lt3A_558 : i1
      %convert_element_type3A_560 = arith.extui %and3A_559 : i1 to i32
      %cond3A_561 = arith.constant 0 : i32
      %cond3A_562 = arith.cmpi ne, %convert_element_type3A_560, %cond3A_561 : i32
      scf.if %cond3A_562 {
        %dma_wait3A_563 = arith.constant 0 : i32
        %dma_wait3A_564 = arith.constant 0 : i32
        %dma_wait3A_565 = tpu.memref_slice %arg2[%dma_wait3A_563, %dma_wait3A_564] : memref<10000x128xf32, #tpu.memory_space<hbm>> -> memref<80x32xf32, #tpu.memory_space<hbm>>
        %dma_wait3A_566 = arith.constant 0 : i32
        %dma_wait3A_567 = arith.constant 0 : i32
        %dma_wait3A_568 = tpu.memref_slice %arg2[%dma_wait3A_566, %dma_wait3A_567] : memref<10000x128xf32, #tpu.memory_space<hbm>> -> memref<80x32xf32, #tpu.memory_space<hbm>>
        tpu.wait_dma2 semaphore(%arg39 : memref<!tpu.dma_semaphore, #tpu.memory_space<semaphore_mem>>) src(%dma_wait3A_568 : memref<80x32xf32, #tpu.memory_space<hbm>>) dst(%arg16 : memref<80x32xf32, #tpu.memory_space<vmem>>)
        %dma_start3A_569 = arith.constant 0 : i32
        %dma_start3A_570 = tpu.memref_slice %arg6[%sub3A_554, %dma_start3A_569] : memref<250x80xi32, #tpu.memory_space<vmem>> -> memref<1x80xi32, #tpu.memory_space<vmem>>
        %dma_start3A_571 = tpu.memref_squeeze %dma_start3A_570 : memref<1x80xi32, #tpu.memory_space<vmem>> -> memref<80xi32, #tpu.memory_space<vmem>>
        %dma_start3A_572 = arith.constant 0 : i32
        %dma_start3A_573 = arith.constant 0 : i32
        %dma_start3A_574 = tpu.memref_slice %arg19[%dma_start3A_572, %dma_start3A_573] : memref<10240x32xf32, #tpu.memory_space<vmem_shared>> -> memref<10240x32xf32, #tpu.memory_space<vmem_shared>>
        tpu.enqueue_indirect_dma source(%dma_start3A_574 : memref<10240x32xf32, #tpu.memory_space<vmem_shared>>) target(%arg16 : memref<80x32xf32, #tpu.memory_space<vmem>>) offsets(%dma_start3A_571 : memref<80xi32, #tpu.memory_space<vmem>>) semaphore(%arg29 : memref<!tpu.dma_semaphore, #tpu.memory_space<semaphore_mem>>)
      } else {
      }
    }
    %scan3A_226 = arith.constant 25 : i32
    %dma_wait3A_227 = arith.constant 0 : i32
    %dma_wait3A_228 = arith.constant 0 : i32
    %dma_wait3A_229 = tpu.memref_slice %arg2[%dma_wait3A_227, %dma_wait3A_228] : memref<10000x128xf32, #tpu.memory_space<hbm>> -> memref<80x32xf32, #tpu.memory_space<hbm>>
    %dma_wait3A_230 = arith.constant 0 : i32
    %dma_wait3A_231 = arith.constant 0 : i32
    %dma_wait3A_232 = tpu.memref_slice %arg2[%dma_wait3A_230, %dma_wait3A_231] : memref<10000x128xf32, #tpu.memory_space<hbm>> -> memref<80x32xf32, #tpu.memory_space<hbm>>
    tpu.wait_dma2 semaphore(%arg31 : memref<!tpu.dma_semaphore, #tpu.memory_space<semaphore_mem>>) src(%dma_wait3A_232 : memref<80x32xf32, #tpu.memory_space<hbm>>) dst(%arg8 : memref<80x32xf32, #tpu.memory_space<vmem>>)
    %dma_wait3A_233 = arith.constant 0 : i32
    %dma_wait3A_234 = arith.constant 0 : i32
    %dma_wait3A_235 = tpu.memref_slice %arg2[%dma_wait3A_233, %dma_wait3A_234] : memref<10000x128xf32, #tpu.memory_space<hbm>> -> memref<80x32xf32, #tpu.memory_space<hbm>>
    %dma_wait3A_236 = arith.constant 0 : i32
    %dma_wait3A_237 = arith.constant 0 : i32
    %dma_wait3A_238 = tpu.memref_slice %arg2[%dma_wait3A_236, %dma_wait3A_237] : memref<10000x128xf32, #tpu.memory_space<hbm>> -> memref<80x32xf32, #tpu.memory_space<hbm>>
    tpu.wait_dma2 semaphore(%arg32 : memref<!tpu.dma_semaphore, #tpu.memory_space<semaphore_mem>>) src(%dma_wait3A_238 : memref<80x32xf32, #tpu.memory_space<hbm>>) dst(%arg9 : memref<80x32xf32, #tpu.memory_space<vmem>>)
    %dma_wait3A_239 = arith.constant 0 : i32
    %dma_wait3A_240 = arith.constant 0 : i32
    %dma_wait3A_241 = tpu.memref_slice %arg2[%dma_wait3A_239, %dma_wait3A_240] : memref<10000x128xf32, #tpu.memory_space<hbm>> -> memref<80x32xf32, #tpu.memory_space<hbm>>
    %dma_wait3A_242 = arith.constant 0 : i32
    %dma_wait3A_243 = arith.constant 0 : i32
    %dma_wait3A_244 = tpu.memref_slice %arg2[%dma_wait3A_242, %dma_wait3A_243] : memref<10000x128xf32, #tpu.memory_space<hbm>> -> memref<80x32xf32, #tpu.memory_space<hbm>>
    tpu.wait_dma2 semaphore(%arg33 : memref<!tpu.dma_semaphore, #tpu.memory_space<semaphore_mem>>) src(%dma_wait3A_244 : memref<80x32xf32, #tpu.memory_space<hbm>>) dst(%arg10 : memref<80x32xf32, #tpu.memory_space<vmem>>)
    %dma_wait3A_245 = arith.constant 0 : i32
    %dma_wait3A_246 = arith.constant 0 : i32
    %dma_wait3A_247 = tpu.memref_slice %arg2[%dma_wait3A_245, %dma_wait3A_246] : memref<10000x128xf32, #tpu.memory_space<hbm>> -> memref<80x32xf32, #tpu.memory_space<hbm>>
    %dma_wait3A_248 = arith.constant 0 : i32
    %dma_wait3A_249 = arith.constant 0 : i32
    %dma_wait3A_250 = tpu.memref_slice %arg2[%dma_wait3A_248, %dma_wait3A_249] : memref<10000x128xf32, #tpu.memory_space<hbm>> -> memref<80x32xf32, #tpu.memory_space<hbm>>
    tpu.wait_dma2 semaphore(%arg34 : memref<!tpu.dma_semaphore, #tpu.memory_space<semaphore_mem>>) src(%dma_wait3A_250 : memref<80x32xf32, #tpu.memory_space<hbm>>) dst(%arg11 : memref<80x32xf32, #tpu.memory_space<vmem>>)
    %dma_wait3A_251 = arith.constant 0 : i32
    %dma_wait3A_252 = arith.constant 0 : i32
    %dma_wait3A_253 = tpu.memref_slice %arg2[%dma_wait3A_251, %dma_wait3A_252] : memref<10000x128xf32, #tpu.memory_space<hbm>> -> memref<80x32xf32, #tpu.memory_space<hbm>>
    %dma_wait3A_254 = arith.constant 0 : i32
    %dma_wait3A_255 = arith.constant 0 : i32
    %dma_wait3A_256 = tpu.memref_slice %arg2[%dma_wait3A_254, %dma_wait3A_255] : memref<10000x128xf32, #tpu.memory_space<hbm>> -> memref<80x32xf32, #tpu.memory_space<hbm>>
    tpu.wait_dma2 semaphore(%arg35 : memref<!tpu.dma_semaphore, #tpu.memory_space<semaphore_mem>>) src(%dma_wait3A_256 : memref<80x32xf32, #tpu.memory_space<hbm>>) dst(%arg12 : memref<80x32xf32, #tpu.memory_space<vmem>>)
    %dma_wait3A_257 = arith.constant 0 : i32
    %dma_wait3A_258 = arith.constant 0 : i32
    %dma_wait3A_259 = tpu.memref_slice %arg2[%dma_wait3A_257, %dma_wait3A_258] : memref<10000x128xf32, #tpu.memory_space<hbm>> -> memref<80x32xf32, #tpu.memory_space<hbm>>
    %dma_wait3A_260 = arith.constant 0 : i32
    %dma_wait3A_261 = arith.constant 0 : i32
    %dma_wait3A_262 = tpu.memref_slice %arg2[%dma_wait3A_260, %dma_wait3A_261] : memref<10000x128xf32, #tpu.memory_space<hbm>> -> memref<80x32xf32, #tpu.memory_space<hbm>>
    tpu.wait_dma2 semaphore(%arg36 : memref<!tpu.dma_semaphore, #tpu.memory_space<semaphore_mem>>) src(%dma_wait3A_262 : memref<80x32xf32, #tpu.memory_space<hbm>>) dst(%arg13 : memref<80x32xf32, #tpu.memory_space<vmem>>)
    %dma_wait3A_263 = arith.constant 0 : i32
    %dma_wait3A_264 = arith.constant 0 : i32
    %dma_wait3A_265 = tpu.memref_slice %arg2[%dma_wait3A_263, %dma_wait3A_264] : memref<10000x128xf32, #tpu.memory_space<hbm>> -> memref<80x32xf32, #tpu.memory_space<hbm>>
    %dma_wait3A_266 = arith.constant 0 : i32
    %dma_wait3A_267 = arith.constant 0 : i32
    %dma_wait3A_268 = tpu.memref_slice %arg2[%dma_wait3A_266, %dma_wait3A_267] : memref<10000x128xf32, #tpu.memory_space<hbm>> -> memref<80x32xf32, #tpu.memory_space<hbm>>
    tpu.wait_dma2 semaphore(%arg37 : memref<!tpu.dma_semaphore, #tpu.memory_space<semaphore_mem>>) src(%dma_wait3A_268 : memref<80x32xf32, #tpu.memory_space<hbm>>) dst(%arg14 : memref<80x32xf32, #tpu.memory_space<vmem>>)
    %dma_wait3A_269 = arith.constant 0 : i32
    %dma_wait3A_270 = arith.constant 0 : i32
    %dma_wait3A_271 = tpu.memref_slice %arg2[%dma_wait3A_269, %dma_wait3A_270] : memref<10000x128xf32, #tpu.memory_space<hbm>> -> memref<80x32xf32, #tpu.memory_space<hbm>>
    %dma_wait3A_272 = arith.constant 0 : i32
    %dma_wait3A_273 = arith.constant 0 : i32
    %dma_wait3A_274 = tpu.memref_slice %arg2[%dma_wait3A_272, %dma_wait3A_273] : memref<10000x128xf32, #tpu.memory_space<hbm>> -> memref<80x32xf32, #tpu.memory_space<hbm>>
    tpu.wait_dma2 semaphore(%arg38 : memref<!tpu.dma_semaphore, #tpu.memory_space<semaphore_mem>>) src(%dma_wait3A_274 : memref<80x32xf32, #tpu.memory_space<hbm>>) dst(%arg15 : memref<80x32xf32, #tpu.memory_space<vmem>>)
    %dma_wait3A_275 = arith.constant 0 : i32
    %dma_wait3A_276 = arith.constant 0 : i32
    %dma_wait3A_277 = tpu.memref_slice %arg2[%dma_wait3A_275, %dma_wait3A_276] : memref<10000x128xf32, #tpu.memory_space<hbm>> -> memref<80x32xf32, #tpu.memory_space<hbm>>
    %dma_wait3A_278 = arith.constant 0 : i32
    %dma_wait3A_279 = arith.constant 0 : i32
    %dma_wait3A_280 = tpu.memref_slice %arg2[%dma_wait3A_278, %dma_wait3A_279] : memref<10000x128xf32, #tpu.memory_space<hbm>> -> memref<80x32xf32, #tpu.memory_space<hbm>>
    tpu.wait_dma2 semaphore(%arg39 : memref<!tpu.dma_semaphore, #tpu.memory_space<semaphore_mem>>) src(%dma_wait3A_280 : memref<80x32xf32, #tpu.memory_space<hbm>>) dst(%arg16 : memref<80x32xf32, #tpu.memory_space<vmem>>)
    %dma_wait3A_281 = arith.constant 0 : i32
    %dma_wait3A_282 = arith.constant 0 : i32
    %dma_wait3A_283 = tpu.memref_slice %arg2[%dma_wait3A_281, %dma_wait3A_282] : memref<10000x128xf32, #tpu.memory_space<hbm>> -> memref<80x32xf32, #tpu.memory_space<hbm>>
    %dma_wait3A_284 = arith.constant 0 : i32
    %dma_wait3A_285 = arith.constant 0 : i32
    %dma_wait3A_286 = tpu.memref_slice %arg2[%dma_wait3A_284, %dma_wait3A_285] : memref<10000x128xf32, #tpu.memory_space<hbm>> -> memref<80x32xf32, #tpu.memory_space<hbm>>
    tpu.wait_dma2 semaphore(%arg40 : memref<!tpu.dma_semaphore, #tpu.memory_space<semaphore_mem>>) src(%dma_wait3A_286 : memref<80x32xf32, #tpu.memory_space<hbm>>) dst(%arg17 : memref<80x32xf32, #tpu.memory_space<vmem>>)
    %barrier3A_287 = arith.constant 0 : index
    tpu.barrier barrier_id(%barrier3A_287)
    "tpu.region"() ({
      %run_scoped3A_288 = tpu.sem_alloc : memref<!tpu.dma_semaphore, #tpu.memory_space<semaphore_mem>>
      %dma_start3A_289 = arith.constant 0 : i32
      %dma_start3A_290 = tpu.memref_slice %arg5[%add3A_147, %mul3A_0, %dma_start3A_289] : memref<4x10240x32xf32, #tpu.memory_space<hbm>> -> memref<1x640x32xf32, #tpu.memory_space<hbm>>
      %dma_start3A_291 = tpu.memref_squeeze %dma_start3A_290 : memref<1x640x32xf32, #tpu.memory_space<hbm>> -> memref<640x32xf32, #tpu.memory_space<hbm>>
      %dma_start3A_292 = arith.constant 0 : i32
      %dma_start3A_293 = tpu.memref_slice %arg20[%mul3A_0, %dma_start3A_292] : memref<10240x32xf32, #tpu.memory_space<vmem_shared>> -> memref<640x32xf32, #tpu.memory_space<vmem_shared>>
      tpu.enqueue_dma source(%dma_start3A_293 : memref<640x32xf32, #tpu.memory_space<vmem_shared>>) target(%dma_start3A_291 : memref<640x32xf32, #tpu.memory_space<hbm>>) target_semaphore(%run_scoped3A_288 : memref<!tpu.dma_semaphore, #tpu.memory_space<semaphore_mem>>)
      %dma_wait3A_294 = arith.constant 0 : i32
      %dma_wait3A_295 = tpu.memref_slice %arg5[%add3A_147, %mul3A_0, %dma_wait3A_294] : memref<4x10240x32xf32, #tpu.memory_space<hbm>> -> memref<1x640x32xf32, #tpu.memory_space<hbm>>
      %dma_wait3A_296 = tpu.memref_squeeze %dma_wait3A_295 : memref<1x640x32xf32, #tpu.memory_space<hbm>> -> memref<640x32xf32, #tpu.memory_space<hbm>>
      %dma_wait3A_297 = arith.constant 0 : i32
      %dma_wait3A_298 = tpu.memref_slice %arg20[%mul3A_0, %dma_wait3A_297] : memref<10240x32xf32, #tpu.memory_space<vmem_shared>> -> memref<640x32xf32, #tpu.memory_space<vmem_shared>>
      tpu.wait_dma2 semaphore(%run_scoped3A_288 : memref<!tpu.dma_semaphore, #tpu.memory_space<semaphore_mem>>) src(%dma_wait3A_298 : memref<640x32xf32, #tpu.memory_space<vmem_shared>>) dst(%dma_wait3A_296 : memref<640x32xf32, #tpu.memory_space<hbm>>)
      tpu.yield
    }) : () -> ()
    return
  }
}

#map = affine_map<(d0, d1) -> (0, 0)>
#map1 = affine_map<(d0, d1) -> (0, 0, 0, 0)>
#map2 = affine_map<(d0, d1) -> (0, 0, 0)>
module attributes {stable_mosaic.version = 14 : i64} {
  func.func @body(%arg0: i32, %arg1: i32, %arg2: memref<10000x128xf32, #tpu.memory_space<hbm>>, %arg3: memref<2x16x250x80xi32, #tpu.memory_space<hbm>>, %arg4: memref<10240x32xf32, #tpu.memory_space<hbm>>, %arg5: memref<4x10240x32xf32, #tpu.memory_space<hbm>>, %arg6: memref<16x10240xf32, #tpu.memory_space<hbm>>, %arg7: memref<250x80xi32, #tpu.memory_space<vmem>>, %arg8: memref<250x80xi32, #tpu.memory_space<vmem>>, %arg9: memref<80x32xf32, #tpu.memory_space<vmem>>, %arg10: memref<80x32xf32, #tpu.memory_space<vmem>>, %arg11: memref<80x32xf32, #tpu.memory_space<vmem>>, %arg12: memref<80x32xf32, #tpu.memory_space<vmem>>, %arg13: memref<80x32xf32, #tpu.memory_space<vmem>>, %arg14: memref<80x32xf32, #tpu.memory_space<vmem>>, %arg15: memref<80x32xf32, #tpu.memory_space<vmem>>, %arg16: memref<80x32xf32, #tpu.memory_space<vmem>>, %arg17: memref<80x32xf32, #tpu.memory_space<vmem>>, %arg18: memref<80x32xf32, #tpu.memory_space<vmem>>, %arg19: memref<10240xf32, #tpu.memory_space<vmem>>, %arg20: memref<10240x32xf32, #tpu.memory_space<vmem_shared>>, %arg21: memref<10240x32xf32, #tpu.memory_space<vmem_shared>>, %arg22: memref<!tpu.dma_semaphore, #tpu.memory_space<semaphore_mem>>, %arg23: memref<!tpu.dma_semaphore, #tpu.memory_space<semaphore_mem>>, %arg24: memref<!tpu.dma_semaphore, #tpu.memory_space<semaphore_mem>>, %arg25: memref<!tpu.dma_semaphore, #tpu.memory_space<semaphore_mem>>, %arg26: memref<!tpu.dma_semaphore, #tpu.memory_space<semaphore_mem>>, %arg27: memref<!tpu.dma_semaphore, #tpu.memory_space<semaphore_mem>>, %arg28: memref<!tpu.dma_semaphore, #tpu.memory_space<semaphore_mem>>, %arg29: memref<!tpu.dma_semaphore, #tpu.memory_space<semaphore_mem>>, %arg30: memref<!tpu.dma_semaphore, #tpu.memory_space<semaphore_mem>>, %arg31: memref<!tpu.dma_semaphore, #tpu.memory_space<semaphore_mem>>, %arg32: memref<!tpu.dma_semaphore, #tpu.memory_space<semaphore_mem>>, %arg33: memref<!tpu.dma_semaphore, #tpu.memory_space<semaphore_mem>>, %arg34: memref<!tpu.dma_semaphore, #tpu.memory_space<semaphore_mem>>, %arg35: memref<!tpu.dma_semaphore, #tpu.memory_space<semaphore_mem>>, %arg36: memref<!tpu.dma_semaphore, #tpu.memory_space<semaphore_mem>>, %arg37: memref<!tpu.dma_semaphore, #tpu.memory_space<semaphore_mem>>, %arg38: memref<!tpu.dma_semaphore, #tpu.memory_space<semaphore_mem>>, %arg39: memref<!tpu.dma_semaphore, #tpu.memory_space<semaphore_mem>>, %arg40: memref<!tpu.dma_semaphore, #tpu.memory_space<semaphore_mem>>, %arg41: memref<!tpu.dma_semaphore, #tpu.memory_space<semaphore_mem>>) attributes {dimension_semantics = [#tpu.dimension_semantics<core_parallel>, #tpu.dimension_semantics<subcore_parallel>], iteration_bounds = array<i64: 2, 16>, scalar_prefetch = 0 : i64, scratch_operands = 35 : i64, tpu.core_type = #tpu.core_type<sc_vector_subcore>, window_params = [{transform_indices = #map}, {transform_indices = #map1}, {transform_indices = #map}, {transform_indices = #map2}, {transform_indices = #map}]} {
    %mul3A = arith.constant 640 : i32
    %mul3A_0 = arith.muli %arg1, %mul3A : i32
    %mul3A_1 = arith.constant 625 : i32
    %mul3A_2 = arith.muli %arg1, %mul3A_1 : i32
    %run_scoped3A = arith.constant 0 : i32
    "tpu.region"() ({
      %run_scoped3A_298 = tpu.sem_alloc : memref<!tpu.dma_semaphore, #tpu.memory_space<semaphore_mem>>
      %dma_start3A_299 = arith.constant 0 : i32
      %dma_start3A_300 = arith.constant 0 : i32
      %dma_start3A_301 = tpu.memref_slice %arg3[%run_scoped3A, %arg1, %dma_start3A_299, %dma_start3A_300] : memref<2x16x250x80xi32, #tpu.memory_space<hbm>> -> memref<1x1x250x80xi32, #tpu.memory_space<hbm>>
      %dma_start3A_302 = tpu.memref_squeeze %dma_start3A_301 : memref<1x1x250x80xi32, #tpu.memory_space<hbm>> -> memref<250x80xi32, #tpu.memory_space<hbm>>
      %dma_start3A_303 = arith.constant 0 : i32
      %dma_start3A_304 = arith.constant 0 : i32
      %dma_start3A_305 = tpu.memref_slice %arg3[%run_scoped3A, %arg1, %dma_start3A_303, %dma_start3A_304] : memref<2x16x250x80xi32, #tpu.memory_space<hbm>> -> memref<1x1x250x80xi32, #tpu.memory_space<hbm>>
      %dma_start3A_306 = tpu.memref_squeeze %dma_start3A_305 : memref<1x1x250x80xi32, #tpu.memory_space<hbm>> -> memref<250x80xi32, #tpu.memory_space<hbm>>
      tpu.enqueue_dma source(%dma_start3A_306 : memref<250x80xi32, #tpu.memory_space<hbm>>) target(%arg7 : memref<250x80xi32, #tpu.memory_space<vmem>>) target_semaphore(%run_scoped3A_298 : memref<!tpu.dma_semaphore, #tpu.memory_space<semaphore_mem>>)
      %dma_wait3A_307 = arith.constant 0 : i32
      %dma_wait3A_308 = arith.constant 0 : i32
      %dma_wait3A_309 = tpu.memref_slice %arg3[%run_scoped3A, %arg1, %dma_wait3A_307, %dma_wait3A_308] : memref<2x16x250x80xi32, #tpu.memory_space<hbm>> -> memref<1x1x250x80xi32, #tpu.memory_space<hbm>>
      %dma_wait3A_310 = tpu.memref_squeeze %dma_wait3A_309 : memref<1x1x250x80xi32, #tpu.memory_space<hbm>> -> memref<250x80xi32, #tpu.memory_space<hbm>>
      %dma_wait3A_311 = arith.constant 0 : i32
      %dma_wait3A_312 = arith.constant 0 : i32
      %dma_wait3A_313 = tpu.memref_slice %arg3[%run_scoped3A, %arg1, %dma_wait3A_311, %dma_wait3A_312] : memref<2x16x250x80xi32, #tpu.memory_space<hbm>> -> memref<1x1x250x80xi32, #tpu.memory_space<hbm>>
      %dma_wait3A_314 = tpu.memref_squeeze %dma_wait3A_313 : memref<1x1x250x80xi32, #tpu.memory_space<hbm>> -> memref<250x80xi32, #tpu.memory_space<hbm>>
      tpu.wait_dma2 semaphore(%run_scoped3A_298 : memref<!tpu.dma_semaphore, #tpu.memory_space<semaphore_mem>>) src(%dma_wait3A_314 : memref<250x80xi32, #tpu.memory_space<hbm>>) dst(%arg7 : memref<250x80xi32, #tpu.memory_space<vmem>>)
      tpu.yield
    }) : () -> ()
    %run_scoped3A_3 = arith.constant 1 : i32
    "tpu.region"() ({
      %run_scoped3A_298 = tpu.sem_alloc : memref<!tpu.dma_semaphore, #tpu.memory_space<semaphore_mem>>
      %dma_start3A_299 = arith.constant 0 : i32
      %dma_start3A_300 = arith.constant 0 : i32
      %dma_start3A_301 = tpu.memref_slice %arg3[%run_scoped3A_3, %arg1, %dma_start3A_299, %dma_start3A_300] : memref<2x16x250x80xi32, #tpu.memory_space<hbm>> -> memref<1x1x250x80xi32, #tpu.memory_space<hbm>>
      %dma_start3A_302 = tpu.memref_squeeze %dma_start3A_301 : memref<1x1x250x80xi32, #tpu.memory_space<hbm>> -> memref<250x80xi32, #tpu.memory_space<hbm>>
      %dma_start3A_303 = arith.constant 0 : i32
      %dma_start3A_304 = arith.constant 0 : i32
      %dma_start3A_305 = tpu.memref_slice %arg3[%run_scoped3A_3, %arg1, %dma_start3A_303, %dma_start3A_304] : memref<2x16x250x80xi32, #tpu.memory_space<hbm>> -> memref<1x1x250x80xi32, #tpu.memory_space<hbm>>
      %dma_start3A_306 = tpu.memref_squeeze %dma_start3A_305 : memref<1x1x250x80xi32, #tpu.memory_space<hbm>> -> memref<250x80xi32, #tpu.memory_space<hbm>>
      tpu.enqueue_dma source(%dma_start3A_306 : memref<250x80xi32, #tpu.memory_space<hbm>>) target(%arg8 : memref<250x80xi32, #tpu.memory_space<vmem>>) target_semaphore(%run_scoped3A_298 : memref<!tpu.dma_semaphore, #tpu.memory_space<semaphore_mem>>)
      %dma_wait3A_307 = arith.constant 0 : i32
      %dma_wait3A_308 = arith.constant 0 : i32
      %dma_wait3A_309 = tpu.memref_slice %arg3[%run_scoped3A_3, %arg1, %dma_wait3A_307, %dma_wait3A_308] : memref<2x16x250x80xi32, #tpu.memory_space<hbm>> -> memref<1x1x250x80xi32, #tpu.memory_space<hbm>>
      %dma_wait3A_310 = tpu.memref_squeeze %dma_wait3A_309 : memref<1x1x250x80xi32, #tpu.memory_space<hbm>> -> memref<250x80xi32, #tpu.memory_space<hbm>>
      %dma_wait3A_311 = arith.constant 0 : i32
      %dma_wait3A_312 = arith.constant 0 : i32
      %dma_wait3A_313 = tpu.memref_slice %arg3[%run_scoped3A_3, %arg1, %dma_wait3A_311, %dma_wait3A_312] : memref<2x16x250x80xi32, #tpu.memory_space<hbm>> -> memref<1x1x250x80xi32, #tpu.memory_space<hbm>>
      %dma_wait3A_314 = tpu.memref_squeeze %dma_wait3A_313 : memref<1x1x250x80xi32, #tpu.memory_space<hbm>> -> memref<250x80xi32, #tpu.memory_space<hbm>>
      tpu.wait_dma2 semaphore(%run_scoped3A_298 : memref<!tpu.dma_semaphore, #tpu.memory_space<semaphore_mem>>) src(%dma_wait3A_314 : memref<250x80xi32, #tpu.memory_space<hbm>>) dst(%arg8 : memref<250x80xi32, #tpu.memory_space<vmem>>)
      tpu.yield
    }) : () -> ()
    %broadcast_in_dim3A = arith.constant 0.000000e+00 : f32
    %broadcast_in_dim3A_4 = vector.broadcast %broadcast_in_dim3A : f32 to vector<16xf32>
    %scan3A = arith.constant 0 : i32
    %scan3A_5 = arith.constant 0 : i32
    %scan3A_6 = arith.constant 640 : i32
    %scan3A_7 = arith.addi %scan3A_5, %scan3A_6 : i32
    %scan3A_8 = arith.constant 1 : i32
    scf.for %scan3A_298 = %scan3A_5 to %scan3A_7 step %scan3A_8  : i32 {
      %mul3A_299 = arith.constant 16 : i32
      %mul3A_300 = arith.muli %scan3A_298, %mul3A_299 : i32
      %swap3A = arith.index_cast %mul3A_300 : i32 to index
      %swap3A_301 = tpu.vector_load %arg19[%swap3A] {strides = array<i32>} : memref<10240xf32, #tpu.memory_space<vmem>>, vector<16xf32>,
      tpu.vector_store %arg19[%swap3A], %broadcast_in_dim3A_4 {strides = array<i32>} : memref<10240xf32, #tpu.memory_space<vmem>>, vector<16xf32>,
    }
    %scan3A_9 = arith.constant 640 : i32
    %broadcast_in_dim3A_10 = arith.constant 1.000000e+00 : f32
    %broadcast_in_dim3A_11 = vector.broadcast %broadcast_in_dim3A_10 : f32 to vector<16xf32>
    %mul3A_12 = arith.constant 2 : i32
    %mul3A_13 = arith.muli %arg0, %mul3A_12 : i32
    %add3A = arith.constant 0 : i32
    %add3A_14 = arith.addi %mul3A_13, %add3A : i32
    %mul3A_15 = arith.constant 32 : i32
    %mul3A_16 = arith.muli %add3A_14, %mul3A_15 : i32
    "tpu.region"() ({
      %run_scoped3A_298 = tpu.sem_alloc : memref<!tpu.dma_semaphore, #tpu.memory_space<semaphore_mem>>
      %dma_start3A_299 = arith.constant 0 : i32
      %dma_start3A_300 = tpu.memref_slice %arg20[%mul3A_2, %dma_start3A_299] : memref<10240x32xf32, #tpu.memory_space<vmem_shared>> -> memref<625x32xf32, #tpu.memory_space<vmem_shared>>
      %dma_start3A_301 = tpu.memref_slice %arg2[%mul3A_2, %mul3A_16] : memref<10000x128xf32, #tpu.memory_space<hbm>> -> memref<625x32xf32, #tpu.memory_space<hbm>>
      tpu.enqueue_dma source(%dma_start3A_301 : memref<625x32xf32, #tpu.memory_space<hbm>>) target(%dma_start3A_300 : memref<625x32xf32, #tpu.memory_space<vmem_shared>>) target_semaphore(%run_scoped3A_298 : memref<!tpu.dma_semaphore, #tpu.memory_space<semaphore_mem>>)
      %dma_wait3A_302 = arith.constant 0 : i32
      %dma_wait3A_303 = tpu.memref_slice %arg20[%mul3A_2, %dma_wait3A_302] : memref<10240x32xf32, #tpu.memory_space<vmem_shared>> -> memref<625x32xf32, #tpu.memory_space<vmem_shared>>
      %dma_wait3A_304 = tpu.memref_slice %arg2[%mul3A_2, %mul3A_16] : memref<10000x128xf32, #tpu.memory_space<hbm>> -> memref<625x32xf32, #tpu.memory_space<hbm>>
      tpu.wait_dma2 semaphore(%run_scoped3A_298 : memref<!tpu.dma_semaphore, #tpu.memory_space<semaphore_mem>>) src(%dma_wait3A_304 : memref<625x32xf32, #tpu.memory_space<hbm>>) dst(%dma_wait3A_303 : memref<625x32xf32, #tpu.memory_space<vmem_shared>>)
      tpu.yield
    }) : () -> ()
    "tpu.region"() ({
      %run_scoped3A_298 = tpu.sem_alloc : memref<!tpu.dma_semaphore, #tpu.memory_space<semaphore_mem>>
      %dma_start3A_299 = arith.constant 0 : i32
      %dma_start3A_300 = tpu.memref_slice %arg21[%mul3A_0, %dma_start3A_299] : memref<10240x32xf32, #tpu.memory_space<vmem_shared>> -> memref<640x32xf32, #tpu.memory_space<vmem_shared>>
      %dma_start3A_301 = arith.constant 0 : i32
      %dma_start3A_302 = tpu.memref_slice %arg4[%mul3A_0, %dma_start3A_301] : memref<10240x32xf32, #tpu.memory_space<hbm>> -> memref<640x32xf32, #tpu.memory_space<hbm>>
      tpu.enqueue_dma source(%dma_start3A_302 : memref<640x32xf32, #tpu.memory_space<hbm>>) target(%dma_start3A_300 : memref<640x32xf32, #tpu.memory_space<vmem_shared>>) target_semaphore(%run_scoped3A_298 : memref<!tpu.dma_semaphore, #tpu.memory_space<semaphore_mem>>)
      %dma_wait3A_303 = arith.constant 0 : i32
      %dma_wait3A_304 = tpu.memref_slice %arg21[%mul3A_0, %dma_wait3A_303] : memref<10240x32xf32, #tpu.memory_space<vmem_shared>> -> memref<640x32xf32, #tpu.memory_space<vmem_shared>>
      %dma_wait3A_305 = arith.constant 0 : i32
      %dma_wait3A_306 = tpu.memref_slice %arg4[%mul3A_0, %dma_wait3A_305] : memref<10240x32xf32, #tpu.memory_space<hbm>> -> memref<640x32xf32, #tpu.memory_space<hbm>>
      tpu.wait_dma2 semaphore(%run_scoped3A_298 : memref<!tpu.dma_semaphore, #tpu.memory_space<semaphore_mem>>) src(%dma_wait3A_306 : memref<640x32xf32, #tpu.memory_space<hbm>>) dst(%dma_wait3A_304 : memref<640x32xf32, #tpu.memory_space<vmem_shared>>)
      tpu.yield
    }) : () -> ()
    %barrier3A = arith.constant 0 : index
    tpu.barrier barrier_id(%barrier3A)
    %dma_start3A = arith.constant 0 : i32
    %dma_start3A_17 = arith.constant 0 : i32
    %dma_start3A_18 = tpu.memref_slice %arg7[%dma_start3A, %dma_start3A_17] : memref<250x80xi32, #tpu.memory_space<vmem>> -> memref<1x80xi32, #tpu.memory_space<vmem>>
    %dma_start3A_19 = tpu.memref_squeeze %dma_start3A_18 : memref<1x80xi32, #tpu.memory_space<vmem>> -> memref<80xi32, #tpu.memory_space<vmem>>
    %dma_start3A_20 = arith.constant 0 : i32
    %dma_start3A_21 = arith.constant 0 : i32
    %dma_start3A_22 = tpu.memref_slice %arg20[%dma_start3A_20, %dma_start3A_21] : memref<10240x32xf32, #tpu.memory_space<vmem_shared>> -> memref<10240x32xf32, #tpu.memory_space<vmem_shared>>
    tpu.enqueue_indirect_dma source(%dma_start3A_22 : memref<10240x32xf32, #tpu.memory_space<vmem_shared>>) target(%arg9 : memref<80x32xf32, #tpu.memory_space<vmem>>) offsets(%dma_start3A_19 : memref<80xi32, #tpu.memory_space<vmem>>) semaphore(%arg22 : memref<!tpu.dma_semaphore, #tpu.memory_space<semaphore_mem>>)
    %dma_start3A_23 = arith.constant 1 : i32
    %dma_start3A_24 = arith.constant 0 : i32
    %dma_start3A_25 = tpu.memref_slice %arg7[%dma_start3A_23, %dma_start3A_24] : memref<250x80xi32, #tpu.memory_space<vmem>> -> memref<1x80xi32, #tpu.memory_space<vmem>>
    %dma_start3A_26 = tpu.memref_squeeze %dma_start3A_25 : memref<1x80xi32, #tpu.memory_space<vmem>> -> memref<80xi32, #tpu.memory_space<vmem>>
    %dma_start3A_27 = arith.constant 0 : i32
    %dma_start3A_28 = arith.constant 0 : i32
    %dma_start3A_29 = tpu.memref_slice %arg20[%dma_start3A_27, %dma_start3A_28] : memref<10240x32xf32, #tpu.memory_space<vmem_shared>> -> memref<10240x32xf32, #tpu.memory_space<vmem_shared>>
    tpu.enqueue_indirect_dma source(%dma_start3A_29 : memref<10240x32xf32, #tpu.memory_space<vmem_shared>>) target(%arg10 : memref<80x32xf32, #tpu.memory_space<vmem>>) offsets(%dma_start3A_26 : memref<80xi32, #tpu.memory_space<vmem>>) semaphore(%arg23 : memref<!tpu.dma_semaphore, #tpu.memory_space<semaphore_mem>>)
    %dma_start3A_30 = arith.constant 2 : i32
    %dma_start3A_31 = arith.constant 0 : i32
    %dma_start3A_32 = tpu.memref_slice %arg7[%dma_start3A_30, %dma_start3A_31] : memref<250x80xi32, #tpu.memory_space<vmem>> -> memref<1x80xi32, #tpu.memory_space<vmem>>
    %dma_start3A_33 = tpu.memref_squeeze %dma_start3A_32 : memref<1x80xi32, #tpu.memory_space<vmem>> -> memref<80xi32, #tpu.memory_space<vmem>>
    %dma_start3A_34 = arith.constant 0 : i32
    %dma_start3A_35 = arith.constant 0 : i32
    %dma_start3A_36 = tpu.memref_slice %arg20[%dma_start3A_34, %dma_start3A_35] : memref<10240x32xf32, #tpu.memory_space<vmem_shared>> -> memref<10240x32xf32, #tpu.memory_space<vmem_shared>>
    tpu.enqueue_indirect_dma source(%dma_start3A_36 : memref<10240x32xf32, #tpu.memory_space<vmem_shared>>) target(%arg11 : memref<80x32xf32, #tpu.memory_space<vmem>>) offsets(%dma_start3A_33 : memref<80xi32, #tpu.memory_space<vmem>>) semaphore(%arg24 : memref<!tpu.dma_semaphore, #tpu.memory_space<semaphore_mem>>)
    %dma_start3A_37 = arith.constant 3 : i32
    %dma_start3A_38 = arith.constant 0 : i32
    %dma_start3A_39 = tpu.memref_slice %arg7[%dma_start3A_37, %dma_start3A_38] : memref<250x80xi32, #tpu.memory_space<vmem>> -> memref<1x80xi32, #tpu.memory_space<vmem>>
    %dma_start3A_40 = tpu.memref_squeeze %dma_start3A_39 : memref<1x80xi32, #tpu.memory_space<vmem>> -> memref<80xi32, #tpu.memory_space<vmem>>
    %dma_start3A_41 = arith.constant 0 : i32
    %dma_start3A_42 = arith.constant 0 : i32
    %dma_start3A_43 = tpu.memref_slice %arg20[%dma_start3A_41, %dma_start3A_42] : memref<10240x32xf32, #tpu.memory_space<vmem_shared>> -> memref<10240x32xf32, #tpu.memory_space<vmem_shared>>
    tpu.enqueue_indirect_dma source(%dma_start3A_43 : memref<10240x32xf32, #tpu.memory_space<vmem_shared>>) target(%arg12 : memref<80x32xf32, #tpu.memory_space<vmem>>) offsets(%dma_start3A_40 : memref<80xi32, #tpu.memory_space<vmem>>) semaphore(%arg25 : memref<!tpu.dma_semaphore, #tpu.memory_space<semaphore_mem>>)
    %dma_start3A_44 = arith.constant 4 : i32
    %dma_start3A_45 = arith.constant 0 : i32
    %dma_start3A_46 = tpu.memref_slice %arg7[%dma_start3A_44, %dma_start3A_45] : memref<250x80xi32, #tpu.memory_space<vmem>> -> memref<1x80xi32, #tpu.memory_space<vmem>>
    %dma_start3A_47 = tpu.memref_squeeze %dma_start3A_46 : memref<1x80xi32, #tpu.memory_space<vmem>> -> memref<80xi32, #tpu.memory_space<vmem>>
    %dma_start3A_48 = arith.constant 0 : i32
    %dma_start3A_49 = arith.constant 0 : i32
    %dma_start3A_50 = tpu.memref_slice %arg20[%dma_start3A_48, %dma_start3A_49] : memref<10240x32xf32, #tpu.memory_space<vmem_shared>> -> memref<10240x32xf32, #tpu.memory_space<vmem_shared>>
    tpu.enqueue_indirect_dma source(%dma_start3A_50 : memref<10240x32xf32, #tpu.memory_space<vmem_shared>>) target(%arg13 : memref<80x32xf32, #tpu.memory_space<vmem>>) offsets(%dma_start3A_47 : memref<80xi32, #tpu.memory_space<vmem>>) semaphore(%arg26 : memref<!tpu.dma_semaphore, #tpu.memory_space<semaphore_mem>>)
    %dma_start3A_51 = arith.constant 5 : i32
    %dma_start3A_52 = arith.constant 0 : i32
    %dma_start3A_53 = tpu.memref_slice %arg7[%dma_start3A_51, %dma_start3A_52] : memref<250x80xi32, #tpu.memory_space<vmem>> -> memref<1x80xi32, #tpu.memory_space<vmem>>
    %dma_start3A_54 = tpu.memref_squeeze %dma_start3A_53 : memref<1x80xi32, #tpu.memory_space<vmem>> -> memref<80xi32, #tpu.memory_space<vmem>>
    %dma_start3A_55 = arith.constant 0 : i32
    %dma_start3A_56 = arith.constant 0 : i32
    %dma_start3A_57 = tpu.memref_slice %arg20[%dma_start3A_55, %dma_start3A_56] : memref<10240x32xf32, #tpu.memory_space<vmem_shared>> -> memref<10240x32xf32, #tpu.memory_space<vmem_shared>>
    tpu.enqueue_indirect_dma source(%dma_start3A_57 : memref<10240x32xf32, #tpu.memory_space<vmem_shared>>) target(%arg14 : memref<80x32xf32, #tpu.memory_space<vmem>>) offsets(%dma_start3A_54 : memref<80xi32, #tpu.memory_space<vmem>>) semaphore(%arg27 : memref<!tpu.dma_semaphore, #tpu.memory_space<semaphore_mem>>)
    %dma_start3A_58 = arith.constant 6 : i32
    %dma_start3A_59 = arith.constant 0 : i32
    %dma_start3A_60 = tpu.memref_slice %arg7[%dma_start3A_58, %dma_start3A_59] : memref<250x80xi32, #tpu.memory_space<vmem>> -> memref<1x80xi32, #tpu.memory_space<vmem>>
    %dma_start3A_61 = tpu.memref_squeeze %dma_start3A_60 : memref<1x80xi32, #tpu.memory_space<vmem>> -> memref<80xi32, #tpu.memory_space<vmem>>
    %dma_start3A_62 = arith.constant 0 : i32
    %dma_start3A_63 = arith.constant 0 : i32
    %dma_start3A_64 = tpu.memref_slice %arg20[%dma_start3A_62, %dma_start3A_63] : memref<10240x32xf32, #tpu.memory_space<vmem_shared>> -> memref<10240x32xf32, #tpu.memory_space<vmem_shared>>
    tpu.enqueue_indirect_dma source(%dma_start3A_64 : memref<10240x32xf32, #tpu.memory_space<vmem_shared>>) target(%arg15 : memref<80x32xf32, #tpu.memory_space<vmem>>) offsets(%dma_start3A_61 : memref<80xi32, #tpu.memory_space<vmem>>) semaphore(%arg28 : memref<!tpu.dma_semaphore, #tpu.memory_space<semaphore_mem>>)
    %dma_start3A_65 = arith.constant 7 : i32
    %dma_start3A_66 = arith.constant 0 : i32
    %dma_start3A_67 = tpu.memref_slice %arg7[%dma_start3A_65, %dma_start3A_66] : memref<250x80xi32, #tpu.memory_space<vmem>> -> memref<1x80xi32, #tpu.memory_space<vmem>>
    %dma_start3A_68 = tpu.memref_squeeze %dma_start3A_67 : memref<1x80xi32, #tpu.memory_space<vmem>> -> memref<80xi32, #tpu.memory_space<vmem>>
    %dma_start3A_69 = arith.constant 0 : i32
    %dma_start3A_70 = arith.constant 0 : i32
    %dma_start3A_71 = tpu.memref_slice %arg20[%dma_start3A_69, %dma_start3A_70] : memref<10240x32xf32, #tpu.memory_space<vmem_shared>> -> memref<10240x32xf32, #tpu.memory_space<vmem_shared>>
    tpu.enqueue_indirect_dma source(%dma_start3A_71 : memref<10240x32xf32, #tpu.memory_space<vmem_shared>>) target(%arg16 : memref<80x32xf32, #tpu.memory_space<vmem>>) offsets(%dma_start3A_68 : memref<80xi32, #tpu.memory_space<vmem>>) semaphore(%arg29 : memref<!tpu.dma_semaphore, #tpu.memory_space<semaphore_mem>>)
    %dma_start3A_72 = arith.constant 8 : i32
    %dma_start3A_73 = arith.constant 0 : i32
    %dma_start3A_74 = tpu.memref_slice %arg7[%dma_start3A_72, %dma_start3A_73] : memref<250x80xi32, #tpu.memory_space<vmem>> -> memref<1x80xi32, #tpu.memory_space<vmem>>
    %dma_start3A_75 = tpu.memref_squeeze %dma_start3A_74 : memref<1x80xi32, #tpu.memory_space<vmem>> -> memref<80xi32, #tpu.memory_space<vmem>>
    %dma_start3A_76 = arith.constant 0 : i32
    %dma_start3A_77 = arith.constant 0 : i32
    %dma_start3A_78 = tpu.memref_slice %arg20[%dma_start3A_76, %dma_start3A_77] : memref<10240x32xf32, #tpu.memory_space<vmem_shared>> -> memref<10240x32xf32, #tpu.memory_space<vmem_shared>>
    tpu.enqueue_indirect_dma source(%dma_start3A_78 : memref<10240x32xf32, #tpu.memory_space<vmem_shared>>) target(%arg17 : memref<80x32xf32, #tpu.memory_space<vmem>>) offsets(%dma_start3A_75 : memref<80xi32, #tpu.memory_space<vmem>>) semaphore(%arg30 : memref<!tpu.dma_semaphore, #tpu.memory_space<semaphore_mem>>)
    %dma_start3A_79 = arith.constant 9 : i32
    %dma_start3A_80 = arith.constant 0 : i32
    %dma_start3A_81 = tpu.memref_slice %arg7[%dma_start3A_79, %dma_start3A_80] : memref<250x80xi32, #tpu.memory_space<vmem>> -> memref<1x80xi32, #tpu.memory_space<vmem>>
    %dma_start3A_82 = tpu.memref_squeeze %dma_start3A_81 : memref<1x80xi32, #tpu.memory_space<vmem>> -> memref<80xi32, #tpu.memory_space<vmem>>
    %dma_start3A_83 = arith.constant 0 : i32
    %dma_start3A_84 = arith.constant 0 : i32
    %dma_start3A_85 = tpu.memref_slice %arg20[%dma_start3A_83, %dma_start3A_84] : memref<10240x32xf32, #tpu.memory_space<vmem_shared>> -> memref<10240x32xf32, #tpu.memory_space<vmem_shared>>
    tpu.enqueue_indirect_dma source(%dma_start3A_85 : memref<10240x32xf32, #tpu.memory_space<vmem_shared>>) target(%arg18 : memref<80x32xf32, #tpu.memory_space<vmem>>) offsets(%dma_start3A_82 : memref<80xi32, #tpu.memory_space<vmem>>) semaphore(%arg31 : memref<!tpu.dma_semaphore, #tpu.memory_space<semaphore_mem>>)
    %scan3A_86 = arith.constant 0 : i32
    %scan3A_87 = arith.constant 0 : i32
    %scan3A_88 = arith.constant 25 : i32
    %scan3A_89 = arith.addi %scan3A_87, %scan3A_88 : i32
    %scan3A_90 = arith.constant 1 : i32
    scf.for %scan3A_298 = %scan3A_87 to %scan3A_89 step %scan3A_90  : i32 {
      %mul3A_299 = arith.constant 10 : i32
      %mul3A_300 = arith.muli %scan3A_298, %mul3A_299 : i32
      %add3A_301 = arith.constant 0 : i32
      %add3A_302 = arith.addi %mul3A_300, %add3A_301 : i32
      %dma_wait3A_303 = arith.constant 0 : i32
      %dma_wait3A_304 = arith.constant 0 : i32
      %dma_wait3A_305 = tpu.memref_slice %arg2[%dma_wait3A_303, %dma_wait3A_304] : memref<10000x128xf32, #tpu.memory_space<hbm>> -> memref<80x32xf32, #tpu.memory_space<hbm>>
      %dma_wait3A_306 = arith.constant 0 : i32
      %dma_wait3A_307 = arith.constant 0 : i32
      %dma_wait3A_308 = tpu.memref_slice %arg2[%dma_wait3A_306, %dma_wait3A_307] : memref<10000x128xf32, #tpu.memory_space<hbm>> -> memref<80x32xf32, #tpu.memory_space<hbm>>
      tpu.wait_dma2 semaphore(%arg22 : memref<!tpu.dma_semaphore, #tpu.memory_space<semaphore_mem>>) src(%dma_wait3A_308 : memref<80x32xf32, #tpu.memory_space<hbm>>) dst(%arg9 : memref<80x32xf32, #tpu.memory_space<vmem>>)
      %dma_start3A_309 = arith.constant 0 : i32
      %dma_start3A_310 = tpu.memref_slice %arg8[%add3A_302, %dma_start3A_309] : memref<250x80xi32, #tpu.memory_space<vmem>> -> memref<1x80xi32, #tpu.memory_space<vmem>>
      %dma_start3A_311 = tpu.memref_squeeze %dma_start3A_310 : memref<1x80xi32, #tpu.memory_space<vmem>> -> memref<80xi32, #tpu.memory_space<vmem>>
      %dma_start3A_312 = arith.constant 0 : i32
      %dma_start3A_313 = arith.constant 0 : i32
      %dma_start3A_314 = tpu.memref_slice %arg21[%dma_start3A_312, %dma_start3A_313] : memref<10240x32xf32, #tpu.memory_space<vmem_shared>> -> memref<10240x32xf32, #tpu.memory_space<vmem_shared>>
      tpu.enqueue_indirect_dma source(%arg9 : memref<80x32xf32, #tpu.memory_space<vmem>>) target(%dma_start3A_314 : memref<10240x32xf32, #tpu.memory_space<vmem_shared>>) offsets(%dma_start3A_311 : memref<80xi32, #tpu.memory_space<vmem>>) semaphore(%arg32 : memref<!tpu.dma_semaphore, #tpu.memory_space<semaphore_mem>>) {add = true}
      %eq3A_315 = arith.constant 0 : i32
      %eq3A_316 = arith.cmpi eq, %arg0, %eq3A_315 : i32
      %convert_element_type3A_317 = arith.extui %eq3A_316 : i1 to i32
      %cond3A_318 = arith.constant 0 : i32
      %cond3A_319 = arith.cmpi ne, %convert_element_type3A_317, %cond3A_318 : i32
      scf.if %cond3A_319 {
        %get3A = arith.index_cast %add3A_302 : i32 to index
        %get3A_625 = arith.constant 0 : index
        %get3A_626 = tpu.vector_load %arg8[%get3A, %get3A_625] {strides = array<i32>} : memref<250x80xi32, #tpu.memory_space<vmem>>, vector<16xi32>,
        tpu.vector_store_idx %arg19[%get3A_626], %broadcast_in_dim3A_11 {add = true} : memref<10240xf32, #tpu.memory_space<vmem>>[vector<16xi32>], vector<16xf32>,
        %get3A_627 = arith.index_cast %add3A_302 : i32 to index
        %get3A_628 = arith.constant 16 : index
        %get3A_629 = tpu.vector_load %arg8[%get3A_627, %get3A_628] {strides = array<i32>} : memref<250x80xi32, #tpu.memory_space<vmem>>, vector<16xi32>,
        tpu.vector_store_idx %arg19[%get3A_629], %broadcast_in_dim3A_11 {add = true} : memref<10240xf32, #tpu.memory_space<vmem>>[vector<16xi32>], vector<16xf32>,
        %get3A_630 = arith.index_cast %add3A_302 : i32 to index
        %get3A_631 = arith.constant 32 : index
        %get3A_632 = tpu.vector_load %arg8[%get3A_630, %get3A_631] {strides = array<i32>} : memref<250x80xi32, #tpu.memory_space<vmem>>, vector<16xi32>,
        tpu.vector_store_idx %arg19[%get3A_632], %broadcast_in_dim3A_11 {add = true} : memref<10240xf32, #tpu.memory_space<vmem>>[vector<16xi32>], vector<16xf32>,
        %get3A_633 = arith.index_cast %add3A_302 : i32 to index
        %get3A_634 = arith.constant 48 : index
        %get3A_635 = tpu.vector_load %arg8[%get3A_633, %get3A_634] {strides = array<i32>} : memref<250x80xi32, #tpu.memory_space<vmem>>, vector<16xi32>,
        tpu.vector_store_idx %arg19[%get3A_635], %broadcast_in_dim3A_11 {add = true} : memref<10240xf32, #tpu.memory_space<vmem>>[vector<16xi32>], vector<16xf32>,
        %get3A_636 = arith.index_cast %add3A_302 : i32 to index
        %get3A_637 = arith.constant 64 : index
        %get3A_638 = tpu.vector_load %arg8[%get3A_636, %get3A_637] {strides = array<i32>} : memref<250x80xi32, #tpu.memory_space<vmem>>, vector<16xi32>,
        tpu.vector_store_idx %arg19[%get3A_638], %broadcast_in_dim3A_11 {add = true} : memref<10240xf32, #tpu.memory_space<vmem>>[vector<16xi32>], vector<16xf32>,
      } else {
      }
      %add3A_320 = arith.constant 10 : i32
      %add3A_321 = arith.addi %add3A_302, %add3A_320 : i32
      %sub3A = arith.constant 1 : i32
      %sub3A_322 = arith.subi %add3A_321, %sub3A : i32
      %ge3A = arith.constant 1 : i32
      %ge3A_323 = arith.cmpi sge, %add3A_302, %ge3A : i32
      %lt3A = arith.constant 250 : i32
      %lt3A_324 = arith.cmpi slt, %sub3A_322, %lt3A : i32
      %and3A = arith.andi %ge3A_323, %lt3A_324 : i1
      %convert_element_type3A_325 = arith.extui %and3A : i1 to i32
      %cond3A_326 = arith.constant 0 : i32
      %cond3A_327 = arith.cmpi ne, %convert_element_type3A_325, %cond3A_326 : i32
      scf.if %cond3A_327 {
        %dma_wait3A_625 = arith.constant 0 : i32
        %dma_wait3A_626 = arith.constant 0 : i32
        %dma_wait3A_627 = tpu.memref_slice %arg2[%dma_wait3A_625, %dma_wait3A_626] : memref<10000x128xf32, #tpu.memory_space<hbm>> -> memref<80x32xf32, #tpu.memory_space<hbm>>
        %dma_wait3A_628 = arith.constant 0 : i32
        %dma_wait3A_629 = arith.constant 0 : i32
        %dma_wait3A_630 = tpu.memref_slice %arg2[%dma_wait3A_628, %dma_wait3A_629] : memref<10000x128xf32, #tpu.memory_space<hbm>> -> memref<80x32xf32, #tpu.memory_space<hbm>>
        tpu.wait_dma2 semaphore(%arg41 : memref<!tpu.dma_semaphore, #tpu.memory_space<semaphore_mem>>) src(%dma_wait3A_630 : memref<80x32xf32, #tpu.memory_space<hbm>>) dst(%arg18 : memref<80x32xf32, #tpu.memory_space<vmem>>)
        %dma_start3A_631 = arith.constant 0 : i32
        %dma_start3A_632 = tpu.memref_slice %arg7[%sub3A_322, %dma_start3A_631] : memref<250x80xi32, #tpu.memory_space<vmem>> -> memref<1x80xi32, #tpu.memory_space<vmem>>
        %dma_start3A_633 = tpu.memref_squeeze %dma_start3A_632 : memref<1x80xi32, #tpu.memory_space<vmem>> -> memref<80xi32, #tpu.memory_space<vmem>>
        %dma_start3A_634 = arith.constant 0 : i32
        %dma_start3A_635 = arith.constant 0 : i32
        %dma_start3A_636 = tpu.memref_slice %arg20[%dma_start3A_634, %dma_start3A_635] : memref<10240x32xf32, #tpu.memory_space<vmem_shared>> -> memref<10240x32xf32, #tpu.memory_space<vmem_shared>>
        tpu.enqueue_indirect_dma source(%dma_start3A_636 : memref<10240x32xf32, #tpu.memory_space<vmem_shared>>) target(%arg18 : memref<80x32xf32, #tpu.memory_space<vmem>>) offsets(%dma_start3A_633 : memref<80xi32, #tpu.memory_space<vmem>>) semaphore(%arg31 : memref<!tpu.dma_semaphore, #tpu.memory_space<semaphore_mem>>)
      } else {
      }
      %mul3A_328 = arith.constant 10 : i32
      %mul3A_329 = arith.muli %scan3A_298, %mul3A_328 : i32
      %add3A_330 = arith.constant 1 : i32
      %add3A_331 = arith.addi %mul3A_329, %add3A_330 : i32
      %dma_wait3A_332 = arith.constant 0 : i32
      %dma_wait3A_333 = arith.constant 0 : i32
      %dma_wait3A_334 = tpu.memref_slice %arg2[%dma_wait3A_332, %dma_wait3A_333] : memref<10000x128xf32, #tpu.memory_space<hbm>> -> memref<80x32xf32, #tpu.memory_space<hbm>>
      %dma_wait3A_335 = arith.constant 0 : i32
      %dma_wait3A_336 = arith.constant 0 : i32
      %dma_wait3A_337 = tpu.memref_slice %arg2[%dma_wait3A_335, %dma_wait3A_336] : memref<10000x128xf32, #tpu.memory_space<hbm>> -> memref<80x32xf32, #tpu.memory_space<hbm>>
      tpu.wait_dma2 semaphore(%arg23 : memref<!tpu.dma_semaphore, #tpu.memory_space<semaphore_mem>>) src(%dma_wait3A_337 : memref<80x32xf32, #tpu.memory_space<hbm>>) dst(%arg10 : memref<80x32xf32, #tpu.memory_space<vmem>>)
      %dma_start3A_338 = arith.constant 0 : i32
      %dma_start3A_339 = tpu.memref_slice %arg8[%add3A_331, %dma_start3A_338] : memref<250x80xi32, #tpu.memory_space<vmem>> -> memref<1x80xi32, #tpu.memory_space<vmem>>
      %dma_start3A_340 = tpu.memref_squeeze %dma_start3A_339 : memref<1x80xi32, #tpu.memory_space<vmem>> -> memref<80xi32, #tpu.memory_space<vmem>>
      %dma_start3A_341 = arith.constant 0 : i32
      %dma_start3A_342 = arith.constant 0 : i32
      %dma_start3A_343 = tpu.memref_slice %arg21[%dma_start3A_341, %dma_start3A_342] : memref<10240x32xf32, #tpu.memory_space<vmem_shared>> -> memref<10240x32xf32, #tpu.memory_space<vmem_shared>>
      tpu.enqueue_indirect_dma source(%arg10 : memref<80x32xf32, #tpu.memory_space<vmem>>) target(%dma_start3A_343 : memref<10240x32xf32, #tpu.memory_space<vmem_shared>>) offsets(%dma_start3A_340 : memref<80xi32, #tpu.memory_space<vmem>>) semaphore(%arg33 : memref<!tpu.dma_semaphore, #tpu.memory_space<semaphore_mem>>) {add = true}
      %eq3A_344 = arith.constant 0 : i32
      %eq3A_345 = arith.cmpi eq, %arg0, %eq3A_344 : i32
      %convert_element_type3A_346 = arith.extui %eq3A_345 : i1 to i32
      %cond3A_347 = arith.constant 0 : i32
      %cond3A_348 = arith.cmpi ne, %convert_element_type3A_346, %cond3A_347 : i32
      scf.if %cond3A_348 {
        %get3A = arith.index_cast %add3A_331 : i32 to index
        %get3A_625 = arith.constant 0 : index
        %get3A_626 = tpu.vector_load %arg8[%get3A, %get3A_625] {strides = array<i32>} : memref<250x80xi32, #tpu.memory_space<vmem>>, vector<16xi32>,
        tpu.vector_store_idx %arg19[%get3A_626], %broadcast_in_dim3A_11 {add = true} : memref<10240xf32, #tpu.memory_space<vmem>>[vector<16xi32>], vector<16xf32>,
        %get3A_627 = arith.index_cast %add3A_331 : i32 to index
        %get3A_628 = arith.constant 16 : index
        %get3A_629 = tpu.vector_load %arg8[%get3A_627, %get3A_628] {strides = array<i32>} : memref<250x80xi32, #tpu.memory_space<vmem>>, vector<16xi32>,
        tpu.vector_store_idx %arg19[%get3A_629], %broadcast_in_dim3A_11 {add = true} : memref<10240xf32, #tpu.memory_space<vmem>>[vector<16xi32>], vector<16xf32>,
        %get3A_630 = arith.index_cast %add3A_331 : i32 to index
        %get3A_631 = arith.constant 32 : index
        %get3A_632 = tpu.vector_load %arg8[%get3A_630, %get3A_631] {strides = array<i32>} : memref<250x80xi32, #tpu.memory_space<vmem>>, vector<16xi32>,
        tpu.vector_store_idx %arg19[%get3A_632], %broadcast_in_dim3A_11 {add = true} : memref<10240xf32, #tpu.memory_space<vmem>>[vector<16xi32>], vector<16xf32>,
        %get3A_633 = arith.index_cast %add3A_331 : i32 to index
        %get3A_634 = arith.constant 48 : index
        %get3A_635 = tpu.vector_load %arg8[%get3A_633, %get3A_634] {strides = array<i32>} : memref<250x80xi32, #tpu.memory_space<vmem>>, vector<16xi32>,
        tpu.vector_store_idx %arg19[%get3A_635], %broadcast_in_dim3A_11 {add = true} : memref<10240xf32, #tpu.memory_space<vmem>>[vector<16xi32>], vector<16xf32>,
        %get3A_636 = arith.index_cast %add3A_331 : i32 to index
        %get3A_637 = arith.constant 64 : index
        %get3A_638 = tpu.vector_load %arg8[%get3A_636, %get3A_637] {strides = array<i32>} : memref<250x80xi32, #tpu.memory_space<vmem>>, vector<16xi32>,
        tpu.vector_store_idx %arg19[%get3A_638], %broadcast_in_dim3A_11 {add = true} : memref<10240xf32, #tpu.memory_space<vmem>>[vector<16xi32>], vector<16xf32>,
      } else {
      }
      %add3A_349 = arith.constant 10 : i32
      %add3A_350 = arith.addi %add3A_331, %add3A_349 : i32
      %sub3A_351 = arith.constant 1 : i32
      %sub3A_352 = arith.subi %add3A_350, %sub3A_351 : i32
      %ge3A_353 = arith.constant 1 : i32
      %ge3A_354 = arith.cmpi sge, %add3A_331, %ge3A_353 : i32
      %lt3A_355 = arith.constant 250 : i32
      %lt3A_356 = arith.cmpi slt, %sub3A_352, %lt3A_355 : i32
      %and3A_357 = arith.andi %ge3A_354, %lt3A_356 : i1
      %convert_element_type3A_358 = arith.extui %and3A_357 : i1 to i32
      %cond3A_359 = arith.constant 0 : i32
      %cond3A_360 = arith.cmpi ne, %convert_element_type3A_358, %cond3A_359 : i32
      scf.if %cond3A_360 {
        %dma_wait3A_625 = arith.constant 0 : i32
        %dma_wait3A_626 = arith.constant 0 : i32
        %dma_wait3A_627 = tpu.memref_slice %arg2[%dma_wait3A_625, %dma_wait3A_626] : memref<10000x128xf32, #tpu.memory_space<hbm>> -> memref<80x32xf32, #tpu.memory_space<hbm>>
        %dma_wait3A_628 = arith.constant 0 : i32
        %dma_wait3A_629 = arith.constant 0 : i32
        %dma_wait3A_630 = tpu.memref_slice %arg2[%dma_wait3A_628, %dma_wait3A_629] : memref<10000x128xf32, #tpu.memory_space<hbm>> -> memref<80x32xf32, #tpu.memory_space<hbm>>
        tpu.wait_dma2 semaphore(%arg32 : memref<!tpu.dma_semaphore, #tpu.memory_space<semaphore_mem>>) src(%dma_wait3A_630 : memref<80x32xf32, #tpu.memory_space<hbm>>) dst(%arg9 : memref<80x32xf32, #tpu.memory_space<vmem>>)
        %dma_start3A_631 = arith.constant 0 : i32
        %dma_start3A_632 = tpu.memref_slice %arg7[%sub3A_352, %dma_start3A_631] : memref<250x80xi32, #tpu.memory_space<vmem>> -> memref<1x80xi32, #tpu.memory_space<vmem>>
        %dma_start3A_633 = tpu.memref_squeeze %dma_start3A_632 : memref<1x80xi32, #tpu.memory_space<vmem>> -> memref<80xi32, #tpu.memory_space<vmem>>
        %dma_start3A_634 = arith.constant 0 : i32
        %dma_start3A_635 = arith.constant 0 : i32
        %dma_start3A_636 = tpu.memref_slice %arg20[%dma_start3A_634, %dma_start3A_635] : memref<10240x32xf32, #tpu.memory_space<vmem_shared>> -> memref<10240x32xf32, #tpu.memory_space<vmem_shared>>
        tpu.enqueue_indirect_dma source(%dma_start3A_636 : memref<10240x32xf32, #tpu.memory_space<vmem_shared>>) target(%arg9 : memref<80x32xf32, #tpu.memory_space<vmem>>) offsets(%dma_start3A_633 : memref<80xi32, #tpu.memory_space<vmem>>) semaphore(%arg22 : memref<!tpu.dma_semaphore, #tpu.memory_space<semaphore_mem>>)
      } else {
      }
      %mul3A_361 = arith.constant 10 : i32
      %mul3A_362 = arith.muli %scan3A_298, %mul3A_361 : i32
      %add3A_363 = arith.constant 2 : i32
      %add3A_364 = arith.addi %mul3A_362, %add3A_363 : i32
      %dma_wait3A_365 = arith.constant 0 : i32
      %dma_wait3A_366 = arith.constant 0 : i32
      %dma_wait3A_367 = tpu.memref_slice %arg2[%dma_wait3A_365, %dma_wait3A_366] : memref<10000x128xf32, #tpu.memory_space<hbm>> -> memref<80x32xf32, #tpu.memory_space<hbm>>
      %dma_wait3A_368 = arith.constant 0 : i32
      %dma_wait3A_369 = arith.constant 0 : i32
      %dma_wait3A_370 = tpu.memref_slice %arg2[%dma_wait3A_368, %dma_wait3A_369] : memref<10000x128xf32, #tpu.memory_space<hbm>> -> memref<80x32xf32, #tpu.memory_space<hbm>>
      tpu.wait_dma2 semaphore(%arg24 : memref<!tpu.dma_semaphore, #tpu.memory_space<semaphore_mem>>) src(%dma_wait3A_370 : memref<80x32xf32, #tpu.memory_space<hbm>>) dst(%arg11 : memref<80x32xf32, #tpu.memory_space<vmem>>)
      %dma_start3A_371 = arith.constant 0 : i32
      %dma_start3A_372 = tpu.memref_slice %arg8[%add3A_364, %dma_start3A_371] : memref<250x80xi32, #tpu.memory_space<vmem>> -> memref<1x80xi32, #tpu.memory_space<vmem>>
      %dma_start3A_373 = tpu.memref_squeeze %dma_start3A_372 : memref<1x80xi32, #tpu.memory_space<vmem>> -> memref<80xi32, #tpu.memory_space<vmem>>
      %dma_start3A_374 = arith.constant 0 : i32
      %dma_start3A_375 = arith.constant 0 : i32
      %dma_start3A_376 = tpu.memref_slice %arg21[%dma_start3A_374, %dma_start3A_375] : memref<10240x32xf32, #tpu.memory_space<vmem_shared>> -> memref<10240x32xf32, #tpu.memory_space<vmem_shared>>
      tpu.enqueue_indirect_dma source(%arg11 : memref<80x32xf32, #tpu.memory_space<vmem>>) target(%dma_start3A_376 : memref<10240x32xf32, #tpu.memory_space<vmem_shared>>) offsets(%dma_start3A_373 : memref<80xi32, #tpu.memory_space<vmem>>) semaphore(%arg34 : memref<!tpu.dma_semaphore, #tpu.memory_space<semaphore_mem>>) {add = true}
      %eq3A_377 = arith.constant 0 : i32
      %eq3A_378 = arith.cmpi eq, %arg0, %eq3A_377 : i32
      %convert_element_type3A_379 = arith.extui %eq3A_378 : i1 to i32
      %cond3A_380 = arith.constant 0 : i32
      %cond3A_381 = arith.cmpi ne, %convert_element_type3A_379, %cond3A_380 : i32
      scf.if %cond3A_381 {
        %get3A = arith.index_cast %add3A_364 : i32 to index
        %get3A_625 = arith.constant 0 : index
        %get3A_626 = tpu.vector_load %arg8[%get3A, %get3A_625] {strides = array<i32>} : memref<250x80xi32, #tpu.memory_space<vmem>>, vector<16xi32>,
        tpu.vector_store_idx %arg19[%get3A_626], %broadcast_in_dim3A_11 {add = true} : memref<10240xf32, #tpu.memory_space<vmem>>[vector<16xi32>], vector<16xf32>,
        %get3A_627 = arith.index_cast %add3A_364 : i32 to index
        %get3A_628 = arith.constant 16 : index
        %get3A_629 = tpu.vector_load %arg8[%get3A_627, %get3A_628] {strides = array<i32>} : memref<250x80xi32, #tpu.memory_space<vmem>>, vector<16xi32>,
        tpu.vector_store_idx %arg19[%get3A_629], %broadcast_in_dim3A_11 {add = true} : memref<10240xf32, #tpu.memory_space<vmem>>[vector<16xi32>], vector<16xf32>,
        %get3A_630 = arith.index_cast %add3A_364 : i32 to index
        %get3A_631 = arith.constant 32 : index
        %get3A_632 = tpu.vector_load %arg8[%get3A_630, %get3A_631] {strides = array<i32>} : memref<250x80xi32, #tpu.memory_space<vmem>>, vector<16xi32>,
        tpu.vector_store_idx %arg19[%get3A_632], %broadcast_in_dim3A_11 {add = true} : memref<10240xf32, #tpu.memory_space<vmem>>[vector<16xi32>], vector<16xf32>,
        %get3A_633 = arith.index_cast %add3A_364 : i32 to index
        %get3A_634 = arith.constant 48 : index
        %get3A_635 = tpu.vector_load %arg8[%get3A_633, %get3A_634] {strides = array<i32>} : memref<250x80xi32, #tpu.memory_space<vmem>>, vector<16xi32>,
        tpu.vector_store_idx %arg19[%get3A_635], %broadcast_in_dim3A_11 {add = true} : memref<10240xf32, #tpu.memory_space<vmem>>[vector<16xi32>], vector<16xf32>,
        %get3A_636 = arith.index_cast %add3A_364 : i32 to index
        %get3A_637 = arith.constant 64 : index
        %get3A_638 = tpu.vector_load %arg8[%get3A_636, %get3A_637] {strides = array<i32>} : memref<250x80xi32, #tpu.memory_space<vmem>>, vector<16xi32>,
        tpu.vector_store_idx %arg19[%get3A_638], %broadcast_in_dim3A_11 {add = true} : memref<10240xf32, #tpu.memory_space<vmem>>[vector<16xi32>], vector<16xf32>,
      } else {
      }
      %add3A_382 = arith.constant 10 : i32
      %add3A_383 = arith.addi %add3A_364, %add3A_382 : i32
      %sub3A_384 = arith.constant 1 : i32
      %sub3A_385 = arith.subi %add3A_383, %sub3A_384 : i32
      %ge3A_386 = arith.constant 1 : i32
      %ge3A_387 = arith.cmpi sge, %add3A_364, %ge3A_386 : i32
      %lt3A_388 = arith.constant 250 : i32
      %lt3A_389 = arith.cmpi slt, %sub3A_385, %lt3A_388 : i32
      %and3A_390 = arith.andi %ge3A_387, %lt3A_389 : i1
      %convert_element_type3A_391 = arith.extui %and3A_390 : i1 to i32
      %cond3A_392 = arith.constant 0 : i32
      %cond3A_393 = arith.cmpi ne, %convert_element_type3A_391, %cond3A_392 : i32
      scf.if %cond3A_393 {
        %dma_wait3A_625 = arith.constant 0 : i32
        %dma_wait3A_626 = arith.constant 0 : i32
        %dma_wait3A_627 = tpu.memref_slice %arg2[%dma_wait3A_625, %dma_wait3A_626] : memref<10000x128xf32, #tpu.memory_space<hbm>> -> memref<80x32xf32, #tpu.memory_space<hbm>>
        %dma_wait3A_628 = arith.constant 0 : i32
        %dma_wait3A_629 = arith.constant 0 : i32
        %dma_wait3A_630 = tpu.memref_slice %arg2[%dma_wait3A_628, %dma_wait3A_629] : memref<10000x128xf32, #tpu.memory_space<hbm>> -> memref<80x32xf32, #tpu.memory_space<hbm>>
        tpu.wait_dma2 semaphore(%arg33 : memref<!tpu.dma_semaphore, #tpu.memory_space<semaphore_mem>>) src(%dma_wait3A_630 : memref<80x32xf32, #tpu.memory_space<hbm>>) dst(%arg10 : memref<80x32xf32, #tpu.memory_space<vmem>>)
        %dma_start3A_631 = arith.constant 0 : i32
        %dma_start3A_632 = tpu.memref_slice %arg7[%sub3A_385, %dma_start3A_631] : memref<250x80xi32, #tpu.memory_space<vmem>> -> memref<1x80xi32, #tpu.memory_space<vmem>>
        %dma_start3A_633 = tpu.memref_squeeze %dma_start3A_632 : memref<1x80xi32, #tpu.memory_space<vmem>> -> memref<80xi32, #tpu.memory_space<vmem>>
        %dma_start3A_634 = arith.constant 0 : i32
        %dma_start3A_635 = arith.constant 0 : i32
        %dma_start3A_636 = tpu.memref_slice %arg20[%dma_start3A_634, %dma_start3A_635] : memref<10240x32xf32, #tpu.memory_space<vmem_shared>> -> memref<10240x32xf32, #tpu.memory_space<vmem_shared>>
        tpu.enqueue_indirect_dma source(%dma_start3A_636 : memref<10240x32xf32, #tpu.memory_space<vmem_shared>>) target(%arg10 : memref<80x32xf32, #tpu.memory_space<vmem>>) offsets(%dma_start3A_633 : memref<80xi32, #tpu.memory_space<vmem>>) semaphore(%arg23 : memref<!tpu.dma_semaphore, #tpu.memory_space<semaphore_mem>>)
      } else {
      }
      %mul3A_394 = arith.constant 10 : i32
      %mul3A_395 = arith.muli %scan3A_298, %mul3A_394 : i32
      %add3A_396 = arith.constant 3 : i32
      %add3A_397 = arith.addi %mul3A_395, %add3A_396 : i32
      %dma_wait3A_398 = arith.constant 0 : i32
      %dma_wait3A_399 = arith.constant 0 : i32
      %dma_wait3A_400 = tpu.memref_slice %arg2[%dma_wait3A_398, %dma_wait3A_399] : memref<10000x128xf32, #tpu.memory_space<hbm>> -> memref<80x32xf32, #tpu.memory_space<hbm>>
      %dma_wait3A_401 = arith.constant 0 : i32
      %dma_wait3A_402 = arith.constant 0 : i32
      %dma_wait3A_403 = tpu.memref_slice %arg2[%dma_wait3A_401, %dma_wait3A_402] : memref<10000x128xf32, #tpu.memory_space<hbm>> -> memref<80x32xf32, #tpu.memory_space<hbm>>
      tpu.wait_dma2 semaphore(%arg25 : memref<!tpu.dma_semaphore, #tpu.memory_space<semaphore_mem>>) src(%dma_wait3A_403 : memref<80x32xf32, #tpu.memory_space<hbm>>) dst(%arg12 : memref<80x32xf32, #tpu.memory_space<vmem>>)
      %dma_start3A_404 = arith.constant 0 : i32
      %dma_start3A_405 = tpu.memref_slice %arg8[%add3A_397, %dma_start3A_404] : memref<250x80xi32, #tpu.memory_space<vmem>> -> memref<1x80xi32, #tpu.memory_space<vmem>>
      %dma_start3A_406 = tpu.memref_squeeze %dma_start3A_405 : memref<1x80xi32, #tpu.memory_space<vmem>> -> memref<80xi32, #tpu.memory_space<vmem>>
      %dma_start3A_407 = arith.constant 0 : i32
      %dma_start3A_408 = arith.constant 0 : i32
      %dma_start3A_409 = tpu.memref_slice %arg21[%dma_start3A_407, %dma_start3A_408] : memref<10240x32xf32, #tpu.memory_space<vmem_shared>> -> memref<10240x32xf32, #tpu.memory_space<vmem_shared>>
      tpu.enqueue_indirect_dma source(%arg12 : memref<80x32xf32, #tpu.memory_space<vmem>>) target(%dma_start3A_409 : memref<10240x32xf32, #tpu.memory_space<vmem_shared>>) offsets(%dma_start3A_406 : memref<80xi32, #tpu.memory_space<vmem>>) semaphore(%arg35 : memref<!tpu.dma_semaphore, #tpu.memory_space<semaphore_mem>>) {add = true}
      %eq3A_410 = arith.constant 0 : i32
      %eq3A_411 = arith.cmpi eq, %arg0, %eq3A_410 : i32
      %convert_element_type3A_412 = arith.extui %eq3A_411 : i1 to i32
      %cond3A_413 = arith.constant 0 : i32
      %cond3A_414 = arith.cmpi ne, %convert_element_type3A_412, %cond3A_413 : i32
      scf.if %cond3A_414 {
        %get3A = arith.index_cast %add3A_397 : i32 to index
        %get3A_625 = arith.constant 0 : index
        %get3A_626 = tpu.vector_load %arg8[%get3A, %get3A_625] {strides = array<i32>} : memref<250x80xi32, #tpu.memory_space<vmem>>, vector<16xi32>,
        tpu.vector_store_idx %arg19[%get3A_626], %broadcast_in_dim3A_11 {add = true} : memref<10240xf32, #tpu.memory_space<vmem>>[vector<16xi32>], vector<16xf32>,
        %get3A_627 = arith.index_cast %add3A_397 : i32 to index
        %get3A_628 = arith.constant 16 : index
        %get3A_629 = tpu.vector_load %arg8[%get3A_627, %get3A_628] {strides = array<i32>} : memref<250x80xi32, #tpu.memory_space<vmem>>, vector<16xi32>,
        tpu.vector_store_idx %arg19[%get3A_629], %broadcast_in_dim3A_11 {add = true} : memref<10240xf32, #tpu.memory_space<vmem>>[vector<16xi32>], vector<16xf32>,
        %get3A_630 = arith.index_cast %add3A_397 : i32 to index
        %get3A_631 = arith.constant 32 : index
        %get3A_632 = tpu.vector_load %arg8[%get3A_630, %get3A_631] {strides = array<i32>} : memref<250x80xi32, #tpu.memory_space<vmem>>, vector<16xi32>,
        tpu.vector_store_idx %arg19[%get3A_632], %broadcast_in_dim3A_11 {add = true} : memref<10240xf32, #tpu.memory_space<vmem>>[vector<16xi32>], vector<16xf32>,
        %get3A_633 = arith.index_cast %add3A_397 : i32 to index
        %get3A_634 = arith.constant 48 : index
        %get3A_635 = tpu.vector_load %arg8[%get3A_633, %get3A_634] {strides = array<i32>} : memref<250x80xi32, #tpu.memory_space<vmem>>, vector<16xi32>,
        tpu.vector_store_idx %arg19[%get3A_635], %broadcast_in_dim3A_11 {add = true} : memref<10240xf32, #tpu.memory_space<vmem>>[vector<16xi32>], vector<16xf32>,
        %get3A_636 = arith.index_cast %add3A_397 : i32 to index
        %get3A_637 = arith.constant 64 : index
        %get3A_638 = tpu.vector_load %arg8[%get3A_636, %get3A_637] {strides = array<i32>} : memref<250x80xi32, #tpu.memory_space<vmem>>, vector<16xi32>,
        tpu.vector_store_idx %arg19[%get3A_638], %broadcast_in_dim3A_11 {add = true} : memref<10240xf32, #tpu.memory_space<vmem>>[vector<16xi32>], vector<16xf32>,
      } else {
      }
      %add3A_415 = arith.constant 10 : i32
      %add3A_416 = arith.addi %add3A_397, %add3A_415 : i32
      %sub3A_417 = arith.constant 1 : i32
      %sub3A_418 = arith.subi %add3A_416, %sub3A_417 : i32
      %ge3A_419 = arith.constant 1 : i32
      %ge3A_420 = arith.cmpi sge, %add3A_397, %ge3A_419 : i32
      %lt3A_421 = arith.constant 250 : i32
      %lt3A_422 = arith.cmpi slt, %sub3A_418, %lt3A_421 : i32
      %and3A_423 = arith.andi %ge3A_420, %lt3A_422 : i1
      %convert_element_type3A_424 = arith.extui %and3A_423 : i1 to i32
      %cond3A_425 = arith.constant 0 : i32
      %cond3A_426 = arith.cmpi ne, %convert_element_type3A_424, %cond3A_425 : i32
      scf.if %cond3A_426 {
        %dma_wait3A_625 = arith.constant 0 : i32
        %dma_wait3A_626 = arith.constant 0 : i32
        %dma_wait3A_627 = tpu.memref_slice %arg2[%dma_wait3A_625, %dma_wait3A_626] : memref<10000x128xf32, #tpu.memory_space<hbm>> -> memref<80x32xf32, #tpu.memory_space<hbm>>
        %dma_wait3A_628 = arith.constant 0 : i32
        %dma_wait3A_629 = arith.constant 0 : i32
        %dma_wait3A_630 = tpu.memref_slice %arg2[%dma_wait3A_628, %dma_wait3A_629] : memref<10000x128xf32, #tpu.memory_space<hbm>> -> memref<80x32xf32, #tpu.memory_space<hbm>>
        tpu.wait_dma2 semaphore(%arg34 : memref<!tpu.dma_semaphore, #tpu.memory_space<semaphore_mem>>) src(%dma_wait3A_630 : memref<80x32xf32, #tpu.memory_space<hbm>>) dst(%arg11 : memref<80x32xf32, #tpu.memory_space<vmem>>)
        %dma_start3A_631 = arith.constant 0 : i32
        %dma_start3A_632 = tpu.memref_slice %arg7[%sub3A_418, %dma_start3A_631] : memref<250x80xi32, #tpu.memory_space<vmem>> -> memref<1x80xi32, #tpu.memory_space<vmem>>
        %dma_start3A_633 = tpu.memref_squeeze %dma_start3A_632 : memref<1x80xi32, #tpu.memory_space<vmem>> -> memref<80xi32, #tpu.memory_space<vmem>>
        %dma_start3A_634 = arith.constant 0 : i32
        %dma_start3A_635 = arith.constant 0 : i32
        %dma_start3A_636 = tpu.memref_slice %arg20[%dma_start3A_634, %dma_start3A_635] : memref<10240x32xf32, #tpu.memory_space<vmem_shared>> -> memref<10240x32xf32, #tpu.memory_space<vmem_shared>>
        tpu.enqueue_indirect_dma source(%dma_start3A_636 : memref<10240x32xf32, #tpu.memory_space<vmem_shared>>) target(%arg11 : memref<80x32xf32, #tpu.memory_space<vmem>>) offsets(%dma_start3A_633 : memref<80xi32, #tpu.memory_space<vmem>>) semaphore(%arg24 : memref<!tpu.dma_semaphore, #tpu.memory_space<semaphore_mem>>)
      } else {
      }
      %mul3A_427 = arith.constant 10 : i32
      %mul3A_428 = arith.muli %scan3A_298, %mul3A_427 : i32
      %add3A_429 = arith.constant 4 : i32
      %add3A_430 = arith.addi %mul3A_428, %add3A_429 : i32
      %dma_wait3A_431 = arith.constant 0 : i32
      %dma_wait3A_432 = arith.constant 0 : i32
      %dma_wait3A_433 = tpu.memref_slice %arg2[%dma_wait3A_431, %dma_wait3A_432] : memref<10000x128xf32, #tpu.memory_space<hbm>> -> memref<80x32xf32, #tpu.memory_space<hbm>>
      %dma_wait3A_434 = arith.constant 0 : i32
      %dma_wait3A_435 = arith.constant 0 : i32
      %dma_wait3A_436 = tpu.memref_slice %arg2[%dma_wait3A_434, %dma_wait3A_435] : memref<10000x128xf32, #tpu.memory_space<hbm>> -> memref<80x32xf32, #tpu.memory_space<hbm>>
      tpu.wait_dma2 semaphore(%arg26 : memref<!tpu.dma_semaphore, #tpu.memory_space<semaphore_mem>>) src(%dma_wait3A_436 : memref<80x32xf32, #tpu.memory_space<hbm>>) dst(%arg13 : memref<80x32xf32, #tpu.memory_space<vmem>>)
      %dma_start3A_437 = arith.constant 0 : i32
      %dma_start3A_438 = tpu.memref_slice %arg8[%add3A_430, %dma_start3A_437] : memref<250x80xi32, #tpu.memory_space<vmem>> -> memref<1x80xi32, #tpu.memory_space<vmem>>
      %dma_start3A_439 = tpu.memref_squeeze %dma_start3A_438 : memref<1x80xi32, #tpu.memory_space<vmem>> -> memref<80xi32, #tpu.memory_space<vmem>>
      %dma_start3A_440 = arith.constant 0 : i32
      %dma_start3A_441 = arith.constant 0 : i32
      %dma_start3A_442 = tpu.memref_slice %arg21[%dma_start3A_440, %dma_start3A_441] : memref<10240x32xf32, #tpu.memory_space<vmem_shared>> -> memref<10240x32xf32, #tpu.memory_space<vmem_shared>>
      tpu.enqueue_indirect_dma source(%arg13 : memref<80x32xf32, #tpu.memory_space<vmem>>) target(%dma_start3A_442 : memref<10240x32xf32, #tpu.memory_space<vmem_shared>>) offsets(%dma_start3A_439 : memref<80xi32, #tpu.memory_space<vmem>>) semaphore(%arg36 : memref<!tpu.dma_semaphore, #tpu.memory_space<semaphore_mem>>) {add = true}
      %eq3A_443 = arith.constant 0 : i32
      %eq3A_444 = arith.cmpi eq, %arg0, %eq3A_443 : i32
      %convert_element_type3A_445 = arith.extui %eq3A_444 : i1 to i32
      %cond3A_446 = arith.constant 0 : i32
      %cond3A_447 = arith.cmpi ne, %convert_element_type3A_445, %cond3A_446 : i32
      scf.if %cond3A_447 {
        %get3A = arith.index_cast %add3A_430 : i32 to index
        %get3A_625 = arith.constant 0 : index
        %get3A_626 = tpu.vector_load %arg8[%get3A, %get3A_625] {strides = array<i32>} : memref<250x80xi32, #tpu.memory_space<vmem>>, vector<16xi32>,
        tpu.vector_store_idx %arg19[%get3A_626], %broadcast_in_dim3A_11 {add = true} : memref<10240xf32, #tpu.memory_space<vmem>>[vector<16xi32>], vector<16xf32>,
        %get3A_627 = arith.index_cast %add3A_430 : i32 to index
        %get3A_628 = arith.constant 16 : index
        %get3A_629 = tpu.vector_load %arg8[%get3A_627, %get3A_628] {strides = array<i32>} : memref<250x80xi32, #tpu.memory_space<vmem>>, vector<16xi32>,
        tpu.vector_store_idx %arg19[%get3A_629], %broadcast_in_dim3A_11 {add = true} : memref<10240xf32, #tpu.memory_space<vmem>>[vector<16xi32>], vector<16xf32>,
        %get3A_630 = arith.index_cast %add3A_430 : i32 to index
        %get3A_631 = arith.constant 32 : index
        %get3A_632 = tpu.vector_load %arg8[%get3A_630, %get3A_631] {strides = array<i32>} : memref<250x80xi32, #tpu.memory_space<vmem>>, vector<16xi32>,
        tpu.vector_store_idx %arg19[%get3A_632], %broadcast_in_dim3A_11 {add = true} : memref<10240xf32, #tpu.memory_space<vmem>>[vector<16xi32>], vector<16xf32>,
        %get3A_633 = arith.index_cast %add3A_430 : i32 to index
        %get3A_634 = arith.constant 48 : index
        %get3A_635 = tpu.vector_load %arg8[%get3A_633, %get3A_634] {strides = array<i32>} : memref<250x80xi32, #tpu.memory_space<vmem>>, vector<16xi32>,
        tpu.vector_store_idx %arg19[%get3A_635], %broadcast_in_dim3A_11 {add = true} : memref<10240xf32, #tpu.memory_space<vmem>>[vector<16xi32>], vector<16xf32>,
        %get3A_636 = arith.index_cast %add3A_430 : i32 to index
        %get3A_637 = arith.constant 64 : index
        %get3A_638 = tpu.vector_load %arg8[%get3A_636, %get3A_637] {strides = array<i32>} : memref<250x80xi32, #tpu.memory_space<vmem>>, vector<16xi32>,
        tpu.vector_store_idx %arg19[%get3A_638], %broadcast_in_dim3A_11 {add = true} : memref<10240xf32, #tpu.memory_space<vmem>>[vector<16xi32>], vector<16xf32>,
      } else {
      }
      %add3A_448 = arith.constant 10 : i32
      %add3A_449 = arith.addi %add3A_430, %add3A_448 : i32
      %sub3A_450 = arith.constant 1 : i32
      %sub3A_451 = arith.subi %add3A_449, %sub3A_450 : i32
      %ge3A_452 = arith.constant 1 : i32
      %ge3A_453 = arith.cmpi sge, %add3A_430, %ge3A_452 : i32
      %lt3A_454 = arith.constant 250 : i32
      %lt3A_455 = arith.cmpi slt, %sub3A_451, %lt3A_454 : i32
      %and3A_456 = arith.andi %ge3A_453, %lt3A_455 : i1
      %convert_element_type3A_457 = arith.extui %and3A_456 : i1 to i32
      %cond3A_458 = arith.constant 0 : i32
      %cond3A_459 = arith.cmpi ne, %convert_element_type3A_457, %cond3A_458 : i32
      scf.if %cond3A_459 {
        %dma_wait3A_625 = arith.constant 0 : i32
        %dma_wait3A_626 = arith.constant 0 : i32
        %dma_wait3A_627 = tpu.memref_slice %arg2[%dma_wait3A_625, %dma_wait3A_626] : memref<10000x128xf32, #tpu.memory_space<hbm>> -> memref<80x32xf32, #tpu.memory_space<hbm>>
        %dma_wait3A_628 = arith.constant 0 : i32
        %dma_wait3A_629 = arith.constant 0 : i32
        %dma_wait3A_630 = tpu.memref_slice %arg2[%dma_wait3A_628, %dma_wait3A_629] : memref<10000x128xf32, #tpu.memory_space<hbm>> -> memref<80x32xf32, #tpu.memory_space<hbm>>
        tpu.wait_dma2 semaphore(%arg35 : memref<!tpu.dma_semaphore, #tpu.memory_space<semaphore_mem>>) src(%dma_wait3A_630 : memref<80x32xf32, #tpu.memory_space<hbm>>) dst(%arg12 : memref<80x32xf32, #tpu.memory_space<vmem>>)
        %dma_start3A_631 = arith.constant 0 : i32
        %dma_start3A_632 = tpu.memref_slice %arg7[%sub3A_451, %dma_start3A_631] : memref<250x80xi32, #tpu.memory_space<vmem>> -> memref<1x80xi32, #tpu.memory_space<vmem>>
        %dma_start3A_633 = tpu.memref_squeeze %dma_start3A_632 : memref<1x80xi32, #tpu.memory_space<vmem>> -> memref<80xi32, #tpu.memory_space<vmem>>
        %dma_start3A_634 = arith.constant 0 : i32
        %dma_start3A_635 = arith.constant 0 : i32
        %dma_start3A_636 = tpu.memref_slice %arg20[%dma_start3A_634, %dma_start3A_635] : memref<10240x32xf32, #tpu.memory_space<vmem_shared>> -> memref<10240x32xf32, #tpu.memory_space<vmem_shared>>
        tpu.enqueue_indirect_dma source(%dma_start3A_636 : memref<10240x32xf32, #tpu.memory_space<vmem_shared>>) target(%arg12 : memref<80x32xf32, #tpu.memory_space<vmem>>) offsets(%dma_start3A_633 : memref<80xi32, #tpu.memory_space<vmem>>) semaphore(%arg25 : memref<!tpu.dma_semaphore, #tpu.memory_space<semaphore_mem>>)
      } else {
      }
      %mul3A_460 = arith.constant 10 : i32
      %mul3A_461 = arith.muli %scan3A_298, %mul3A_460 : i32
      %add3A_462 = arith.constant 5 : i32
      %add3A_463 = arith.addi %mul3A_461, %add3A_462 : i32
      %dma_wait3A_464 = arith.constant 0 : i32
      %dma_wait3A_465 = arith.constant 0 : i32
      %dma_wait3A_466 = tpu.memref_slice %arg2[%dma_wait3A_464, %dma_wait3A_465] : memref<10000x128xf32, #tpu.memory_space<hbm>> -> memref<80x32xf32, #tpu.memory_space<hbm>>
      %dma_wait3A_467 = arith.constant 0 : i32
      %dma_wait3A_468 = arith.constant 0 : i32
      %dma_wait3A_469 = tpu.memref_slice %arg2[%dma_wait3A_467, %dma_wait3A_468] : memref<10000x128xf32, #tpu.memory_space<hbm>> -> memref<80x32xf32, #tpu.memory_space<hbm>>
      tpu.wait_dma2 semaphore(%arg27 : memref<!tpu.dma_semaphore, #tpu.memory_space<semaphore_mem>>) src(%dma_wait3A_469 : memref<80x32xf32, #tpu.memory_space<hbm>>) dst(%arg14 : memref<80x32xf32, #tpu.memory_space<vmem>>)
      %dma_start3A_470 = arith.constant 0 : i32
      %dma_start3A_471 = tpu.memref_slice %arg8[%add3A_463, %dma_start3A_470] : memref<250x80xi32, #tpu.memory_space<vmem>> -> memref<1x80xi32, #tpu.memory_space<vmem>>
      %dma_start3A_472 = tpu.memref_squeeze %dma_start3A_471 : memref<1x80xi32, #tpu.memory_space<vmem>> -> memref<80xi32, #tpu.memory_space<vmem>>
      %dma_start3A_473 = arith.constant 0 : i32
      %dma_start3A_474 = arith.constant 0 : i32
      %dma_start3A_475 = tpu.memref_slice %arg21[%dma_start3A_473, %dma_start3A_474] : memref<10240x32xf32, #tpu.memory_space<vmem_shared>> -> memref<10240x32xf32, #tpu.memory_space<vmem_shared>>
      tpu.enqueue_indirect_dma source(%arg14 : memref<80x32xf32, #tpu.memory_space<vmem>>) target(%dma_start3A_475 : memref<10240x32xf32, #tpu.memory_space<vmem_shared>>) offsets(%dma_start3A_472 : memref<80xi32, #tpu.memory_space<vmem>>) semaphore(%arg37 : memref<!tpu.dma_semaphore, #tpu.memory_space<semaphore_mem>>) {add = true}
      %eq3A_476 = arith.constant 0 : i32
      %eq3A_477 = arith.cmpi eq, %arg0, %eq3A_476 : i32
      %convert_element_type3A_478 = arith.extui %eq3A_477 : i1 to i32
      %cond3A_479 = arith.constant 0 : i32
      %cond3A_480 = arith.cmpi ne, %convert_element_type3A_478, %cond3A_479 : i32
      scf.if %cond3A_480 {
        %get3A = arith.index_cast %add3A_463 : i32 to index
        %get3A_625 = arith.constant 0 : index
        %get3A_626 = tpu.vector_load %arg8[%get3A, %get3A_625] {strides = array<i32>} : memref<250x80xi32, #tpu.memory_space<vmem>>, vector<16xi32>,
        tpu.vector_store_idx %arg19[%get3A_626], %broadcast_in_dim3A_11 {add = true} : memref<10240xf32, #tpu.memory_space<vmem>>[vector<16xi32>], vector<16xf32>,
        %get3A_627 = arith.index_cast %add3A_463 : i32 to index
        %get3A_628 = arith.constant 16 : index
        %get3A_629 = tpu.vector_load %arg8[%get3A_627, %get3A_628] {strides = array<i32>} : memref<250x80xi32, #tpu.memory_space<vmem>>, vector<16xi32>,
        tpu.vector_store_idx %arg19[%get3A_629], %broadcast_in_dim3A_11 {add = true} : memref<10240xf32, #tpu.memory_space<vmem>>[vector<16xi32>], vector<16xf32>,
        %get3A_630 = arith.index_cast %add3A_463 : i32 to index
        %get3A_631 = arith.constant 32 : index
        %get3A_632 = tpu.vector_load %arg8[%get3A_630, %get3A_631] {strides = array<i32>} : memref<250x80xi32, #tpu.memory_space<vmem>>, vector<16xi32>,
        tpu.vector_store_idx %arg19[%get3A_632], %broadcast_in_dim3A_11 {add = true} : memref<10240xf32, #tpu.memory_space<vmem>>[vector<16xi32>], vector<16xf32>,
        %get3A_633 = arith.index_cast %add3A_463 : i32 to index
        %get3A_634 = arith.constant 48 : index
        %get3A_635 = tpu.vector_load %arg8[%get3A_633, %get3A_634] {strides = array<i32>} : memref<250x80xi32, #tpu.memory_space<vmem>>, vector<16xi32>,
        tpu.vector_store_idx %arg19[%get3A_635], %broadcast_in_dim3A_11 {add = true} : memref<10240xf32, #tpu.memory_space<vmem>>[vector<16xi32>], vector<16xf32>,
        %get3A_636 = arith.index_cast %add3A_463 : i32 to index
        %get3A_637 = arith.constant 64 : index
        %get3A_638 = tpu.vector_load %arg8[%get3A_636, %get3A_637] {strides = array<i32>} : memref<250x80xi32, #tpu.memory_space<vmem>>, vector<16xi32>,
        tpu.vector_store_idx %arg19[%get3A_638], %broadcast_in_dim3A_11 {add = true} : memref<10240xf32, #tpu.memory_space<vmem>>[vector<16xi32>], vector<16xf32>,
      } else {
      }
      %add3A_481 = arith.constant 10 : i32
      %add3A_482 = arith.addi %add3A_463, %add3A_481 : i32
      %sub3A_483 = arith.constant 1 : i32
      %sub3A_484 = arith.subi %add3A_482, %sub3A_483 : i32
      %ge3A_485 = arith.constant 1 : i32
      %ge3A_486 = arith.cmpi sge, %add3A_463, %ge3A_485 : i32
      %lt3A_487 = arith.constant 250 : i32
      %lt3A_488 = arith.cmpi slt, %sub3A_484, %lt3A_487 : i32
      %and3A_489 = arith.andi %ge3A_486, %lt3A_488 : i1
      %convert_element_type3A_490 = arith.extui %and3A_489 : i1 to i32
      %cond3A_491 = arith.constant 0 : i32
      %cond3A_492 = arith.cmpi ne, %convert_element_type3A_490, %cond3A_491 : i32
      scf.if %cond3A_492 {
        %dma_wait3A_625 = arith.constant 0 : i32
        %dma_wait3A_626 = arith.constant 0 : i32
        %dma_wait3A_627 = tpu.memref_slice %arg2[%dma_wait3A_625, %dma_wait3A_626] : memref<10000x128xf32, #tpu.memory_space<hbm>> -> memref<80x32xf32, #tpu.memory_space<hbm>>
        %dma_wait3A_628 = arith.constant 0 : i32
        %dma_wait3A_629 = arith.constant 0 : i32
        %dma_wait3A_630 = tpu.memref_slice %arg2[%dma_wait3A_628, %dma_wait3A_629] : memref<10000x128xf32, #tpu.memory_space<hbm>> -> memref<80x32xf32, #tpu.memory_space<hbm>>
        tpu.wait_dma2 semaphore(%arg36 : memref<!tpu.dma_semaphore, #tpu.memory_space<semaphore_mem>>) src(%dma_wait3A_630 : memref<80x32xf32, #tpu.memory_space<hbm>>) dst(%arg13 : memref<80x32xf32, #tpu.memory_space<vmem>>)
        %dma_start3A_631 = arith.constant 0 : i32
        %dma_start3A_632 = tpu.memref_slice %arg7[%sub3A_484, %dma_start3A_631] : memref<250x80xi32, #tpu.memory_space<vmem>> -> memref<1x80xi32, #tpu.memory_space<vmem>>
        %dma_start3A_633 = tpu.memref_squeeze %dma_start3A_632 : memref<1x80xi32, #tpu.memory_space<vmem>> -> memref<80xi32, #tpu.memory_space<vmem>>
        %dma_start3A_634 = arith.constant 0 : i32
        %dma_start3A_635 = arith.constant 0 : i32
        %dma_start3A_636 = tpu.memref_slice %arg20[%dma_start3A_634, %dma_start3A_635] : memref<10240x32xf32, #tpu.memory_space<vmem_shared>> -> memref<10240x32xf32, #tpu.memory_space<vmem_shared>>
        tpu.enqueue_indirect_dma source(%dma_start3A_636 : memref<10240x32xf32, #tpu.memory_space<vmem_shared>>) target(%arg13 : memref<80x32xf32, #tpu.memory_space<vmem>>) offsets(%dma_start3A_633 : memref<80xi32, #tpu.memory_space<vmem>>) semaphore(%arg26 : memref<!tpu.dma_semaphore, #tpu.memory_space<semaphore_mem>>)
      } else {
      }
      %mul3A_493 = arith.constant 10 : i32
      %mul3A_494 = arith.muli %scan3A_298, %mul3A_493 : i32
      %add3A_495 = arith.constant 6 : i32
      %add3A_496 = arith.addi %mul3A_494, %add3A_495 : i32
      %dma_wait3A_497 = arith.constant 0 : i32
      %dma_wait3A_498 = arith.constant 0 : i32
      %dma_wait3A_499 = tpu.memref_slice %arg2[%dma_wait3A_497, %dma_wait3A_498] : memref<10000x128xf32, #tpu.memory_space<hbm>> -> memref<80x32xf32, #tpu.memory_space<hbm>>
      %dma_wait3A_500 = arith.constant 0 : i32
      %dma_wait3A_501 = arith.constant 0 : i32
      %dma_wait3A_502 = tpu.memref_slice %arg2[%dma_wait3A_500, %dma_wait3A_501] : memref<10000x128xf32, #tpu.memory_space<hbm>> -> memref<80x32xf32, #tpu.memory_space<hbm>>
      tpu.wait_dma2 semaphore(%arg28 : memref<!tpu.dma_semaphore, #tpu.memory_space<semaphore_mem>>) src(%dma_wait3A_502 : memref<80x32xf32, #tpu.memory_space<hbm>>) dst(%arg15 : memref<80x32xf32, #tpu.memory_space<vmem>>)
      %dma_start3A_503 = arith.constant 0 : i32
      %dma_start3A_504 = tpu.memref_slice %arg8[%add3A_496, %dma_start3A_503] : memref<250x80xi32, #tpu.memory_space<vmem>> -> memref<1x80xi32, #tpu.memory_space<vmem>>
      %dma_start3A_505 = tpu.memref_squeeze %dma_start3A_504 : memref<1x80xi32, #tpu.memory_space<vmem>> -> memref<80xi32, #tpu.memory_space<vmem>>
      %dma_start3A_506 = arith.constant 0 : i32
      %dma_start3A_507 = arith.constant 0 : i32
      %dma_start3A_508 = tpu.memref_slice %arg21[%dma_start3A_506, %dma_start3A_507] : memref<10240x32xf32, #tpu.memory_space<vmem_shared>> -> memref<10240x32xf32, #tpu.memory_space<vmem_shared>>
      tpu.enqueue_indirect_dma source(%arg15 : memref<80x32xf32, #tpu.memory_space<vmem>>) target(%dma_start3A_508 : memref<10240x32xf32, #tpu.memory_space<vmem_shared>>) offsets(%dma_start3A_505 : memref<80xi32, #tpu.memory_space<vmem>>) semaphore(%arg38 : memref<!tpu.dma_semaphore, #tpu.memory_space<semaphore_mem>>) {add = true}
      %eq3A_509 = arith.constant 0 : i32
      %eq3A_510 = arith.cmpi eq, %arg0, %eq3A_509 : i32
      %convert_element_type3A_511 = arith.extui %eq3A_510 : i1 to i32
      %cond3A_512 = arith.constant 0 : i32
      %cond3A_513 = arith.cmpi ne, %convert_element_type3A_511, %cond3A_512 : i32
      scf.if %cond3A_513 {
        %get3A = arith.index_cast %add3A_496 : i32 to index
        %get3A_625 = arith.constant 0 : index
        %get3A_626 = tpu.vector_load %arg8[%get3A, %get3A_625] {strides = array<i32>} : memref<250x80xi32, #tpu.memory_space<vmem>>, vector<16xi32>,
        tpu.vector_store_idx %arg19[%get3A_626], %broadcast_in_dim3A_11 {add = true} : memref<10240xf32, #tpu.memory_space<vmem>>[vector<16xi32>], vector<16xf32>,
        %get3A_627 = arith.index_cast %add3A_496 : i32 to index
        %get3A_628 = arith.constant 16 : index
        %get3A_629 = tpu.vector_load %arg8[%get3A_627, %get3A_628] {strides = array<i32>} : memref<250x80xi32, #tpu.memory_space<vmem>>, vector<16xi32>,
        tpu.vector_store_idx %arg19[%get3A_629], %broadcast_in_dim3A_11 {add = true} : memref<10240xf32, #tpu.memory_space<vmem>>[vector<16xi32>], vector<16xf32>,
        %get3A_630 = arith.index_cast %add3A_496 : i32 to index
        %get3A_631 = arith.constant 32 : index
        %get3A_632 = tpu.vector_load %arg8[%get3A_630, %get3A_631] {strides = array<i32>} : memref<250x80xi32, #tpu.memory_space<vmem>>, vector<16xi32>,
        tpu.vector_store_idx %arg19[%get3A_632], %broadcast_in_dim3A_11 {add = true} : memref<10240xf32, #tpu.memory_space<vmem>>[vector<16xi32>], vector<16xf32>,
        %get3A_633 = arith.index_cast %add3A_496 : i32 to index
        %get3A_634 = arith.constant 48 : index
        %get3A_635 = tpu.vector_load %arg8[%get3A_633, %get3A_634] {strides = array<i32>} : memref<250x80xi32, #tpu.memory_space<vmem>>, vector<16xi32>,
        tpu.vector_store_idx %arg19[%get3A_635], %broadcast_in_dim3A_11 {add = true} : memref<10240xf32, #tpu.memory_space<vmem>>[vector<16xi32>], vector<16xf32>,
        %get3A_636 = arith.index_cast %add3A_496 : i32 to index
        %get3A_637 = arith.constant 64 : index
        %get3A_638 = tpu.vector_load %arg8[%get3A_636, %get3A_637] {strides = array<i32>} : memref<250x80xi32, #tpu.memory_space<vmem>>, vector<16xi32>,
        tpu.vector_store_idx %arg19[%get3A_638], %broadcast_in_dim3A_11 {add = true} : memref<10240xf32, #tpu.memory_space<vmem>>[vector<16xi32>], vector<16xf32>,
      } else {
      }
      %add3A_514 = arith.constant 10 : i32
      %add3A_515 = arith.addi %add3A_496, %add3A_514 : i32
      %sub3A_516 = arith.constant 1 : i32
      %sub3A_517 = arith.subi %add3A_515, %sub3A_516 : i32
      %ge3A_518 = arith.constant 1 : i32
      %ge3A_519 = arith.cmpi sge, %add3A_496, %ge3A_518 : i32
      %lt3A_520 = arith.constant 250 : i32
      %lt3A_521 = arith.cmpi slt, %sub3A_517, %lt3A_520 : i32
      %and3A_522 = arith.andi %ge3A_519, %lt3A_521 : i1
      %convert_element_type3A_523 = arith.extui %and3A_522 : i1 to i32
      %cond3A_524 = arith.constant 0 : i32
      %cond3A_525 = arith.cmpi ne, %convert_element_type3A_523, %cond3A_524 : i32
      scf.if %cond3A_525 {
        %dma_wait3A_625 = arith.constant 0 : i32
        %dma_wait3A_626 = arith.constant 0 : i32
        %dma_wait3A_627 = tpu.memref_slice %arg2[%dma_wait3A_625, %dma_wait3A_626] : memref<10000x128xf32, #tpu.memory_space<hbm>> -> memref<80x32xf32, #tpu.memory_space<hbm>>
        %dma_wait3A_628 = arith.constant 0 : i32
        %dma_wait3A_629 = arith.constant 0 : i32
        %dma_wait3A_630 = tpu.memref_slice %arg2[%dma_wait3A_628, %dma_wait3A_629] : memref<10000x128xf32, #tpu.memory_space<hbm>> -> memref<80x32xf32, #tpu.memory_space<hbm>>
        tpu.wait_dma2 semaphore(%arg37 : memref<!tpu.dma_semaphore, #tpu.memory_space<semaphore_mem>>) src(%dma_wait3A_630 : memref<80x32xf32, #tpu.memory_space<hbm>>) dst(%arg14 : memref<80x32xf32, #tpu.memory_space<vmem>>)
        %dma_start3A_631 = arith.constant 0 : i32
        %dma_start3A_632 = tpu.memref_slice %arg7[%sub3A_517, %dma_start3A_631] : memref<250x80xi32, #tpu.memory_space<vmem>> -> memref<1x80xi32, #tpu.memory_space<vmem>>
        %dma_start3A_633 = tpu.memref_squeeze %dma_start3A_632 : memref<1x80xi32, #tpu.memory_space<vmem>> -> memref<80xi32, #tpu.memory_space<vmem>>
        %dma_start3A_634 = arith.constant 0 : i32
        %dma_start3A_635 = arith.constant 0 : i32
        %dma_start3A_636 = tpu.memref_slice %arg20[%dma_start3A_634, %dma_start3A_635] : memref<10240x32xf32, #tpu.memory_space<vmem_shared>> -> memref<10240x32xf32, #tpu.memory_space<vmem_shared>>
        tpu.enqueue_indirect_dma source(%dma_start3A_636 : memref<10240x32xf32, #tpu.memory_space<vmem_shared>>) target(%arg14 : memref<80x32xf32, #tpu.memory_space<vmem>>) offsets(%dma_start3A_633 : memref<80xi32, #tpu.memory_space<vmem>>) semaphore(%arg27 : memref<!tpu.dma_semaphore, #tpu.memory_space<semaphore_mem>>)
      } else {
      }
      %mul3A_526 = arith.constant 10 : i32
      %mul3A_527 = arith.muli %scan3A_298, %mul3A_526 : i32
      %add3A_528 = arith.constant 7 : i32
      %add3A_529 = arith.addi %mul3A_527, %add3A_528 : i32
      %dma_wait3A_530 = arith.constant 0 : i32
      %dma_wait3A_531 = arith.constant 0 : i32
      %dma_wait3A_532 = tpu.memref_slice %arg2[%dma_wait3A_530, %dma_wait3A_531] : memref<10000x128xf32, #tpu.memory_space<hbm>> -> memref<80x32xf32, #tpu.memory_space<hbm>>
      %dma_wait3A_533 = arith.constant 0 : i32
      %dma_wait3A_534 = arith.constant 0 : i32
      %dma_wait3A_535 = tpu.memref_slice %arg2[%dma_wait3A_533, %dma_wait3A_534] : memref<10000x128xf32, #tpu.memory_space<hbm>> -> memref<80x32xf32, #tpu.memory_space<hbm>>
      tpu.wait_dma2 semaphore(%arg29 : memref<!tpu.dma_semaphore, #tpu.memory_space<semaphore_mem>>) src(%dma_wait3A_535 : memref<80x32xf32, #tpu.memory_space<hbm>>) dst(%arg16 : memref<80x32xf32, #tpu.memory_space<vmem>>)
      %dma_start3A_536 = arith.constant 0 : i32
      %dma_start3A_537 = tpu.memref_slice %arg8[%add3A_529, %dma_start3A_536] : memref<250x80xi32, #tpu.memory_space<vmem>> -> memref<1x80xi32, #tpu.memory_space<vmem>>
      %dma_start3A_538 = tpu.memref_squeeze %dma_start3A_537 : memref<1x80xi32, #tpu.memory_space<vmem>> -> memref<80xi32, #tpu.memory_space<vmem>>
      %dma_start3A_539 = arith.constant 0 : i32
      %dma_start3A_540 = arith.constant 0 : i32
      %dma_start3A_541 = tpu.memref_slice %arg21[%dma_start3A_539, %dma_start3A_540] : memref<10240x32xf32, #tpu.memory_space<vmem_shared>> -> memref<10240x32xf32, #tpu.memory_space<vmem_shared>>
      tpu.enqueue_indirect_dma source(%arg16 : memref<80x32xf32, #tpu.memory_space<vmem>>) target(%dma_start3A_541 : memref<10240x32xf32, #tpu.memory_space<vmem_shared>>) offsets(%dma_start3A_538 : memref<80xi32, #tpu.memory_space<vmem>>) semaphore(%arg39 : memref<!tpu.dma_semaphore, #tpu.memory_space<semaphore_mem>>) {add = true}
      %eq3A_542 = arith.constant 0 : i32
      %eq3A_543 = arith.cmpi eq, %arg0, %eq3A_542 : i32
      %convert_element_type3A_544 = arith.extui %eq3A_543 : i1 to i32
      %cond3A_545 = arith.constant 0 : i32
      %cond3A_546 = arith.cmpi ne, %convert_element_type3A_544, %cond3A_545 : i32
      scf.if %cond3A_546 {
        %get3A = arith.index_cast %add3A_529 : i32 to index
        %get3A_625 = arith.constant 0 : index
        %get3A_626 = tpu.vector_load %arg8[%get3A, %get3A_625] {strides = array<i32>} : memref<250x80xi32, #tpu.memory_space<vmem>>, vector<16xi32>,
        tpu.vector_store_idx %arg19[%get3A_626], %broadcast_in_dim3A_11 {add = true} : memref<10240xf32, #tpu.memory_space<vmem>>[vector<16xi32>], vector<16xf32>,
        %get3A_627 = arith.index_cast %add3A_529 : i32 to index
        %get3A_628 = arith.constant 16 : index
        %get3A_629 = tpu.vector_load %arg8[%get3A_627, %get3A_628] {strides = array<i32>} : memref<250x80xi32, #tpu.memory_space<vmem>>, vector<16xi32>,
        tpu.vector_store_idx %arg19[%get3A_629], %broadcast_in_dim3A_11 {add = true} : memref<10240xf32, #tpu.memory_space<vmem>>[vector<16xi32>], vector<16xf32>,
        %get3A_630 = arith.index_cast %add3A_529 : i32 to index
        %get3A_631 = arith.constant 32 : index
        %get3A_632 = tpu.vector_load %arg8[%get3A_630, %get3A_631] {strides = array<i32>} : memref<250x80xi32, #tpu.memory_space<vmem>>, vector<16xi32>,
        tpu.vector_store_idx %arg19[%get3A_632], %broadcast_in_dim3A_11 {add = true} : memref<10240xf32, #tpu.memory_space<vmem>>[vector<16xi32>], vector<16xf32>,
        %get3A_633 = arith.index_cast %add3A_529 : i32 to index
        %get3A_634 = arith.constant 48 : index
        %get3A_635 = tpu.vector_load %arg8[%get3A_633, %get3A_634] {strides = array<i32>} : memref<250x80xi32, #tpu.memory_space<vmem>>, vector<16xi32>,
        tpu.vector_store_idx %arg19[%get3A_635], %broadcast_in_dim3A_11 {add = true} : memref<10240xf32, #tpu.memory_space<vmem>>[vector<16xi32>], vector<16xf32>,
        %get3A_636 = arith.index_cast %add3A_529 : i32 to index
        %get3A_637 = arith.constant 64 : index
        %get3A_638 = tpu.vector_load %arg8[%get3A_636, %get3A_637] {strides = array<i32>} : memref<250x80xi32, #tpu.memory_space<vmem>>, vector<16xi32>,
        tpu.vector_store_idx %arg19[%get3A_638], %broadcast_in_dim3A_11 {add = true} : memref<10240xf32, #tpu.memory_space<vmem>>[vector<16xi32>], vector<16xf32>,
      } else {
      }
      %add3A_547 = arith.constant 10 : i32
      %add3A_548 = arith.addi %add3A_529, %add3A_547 : i32
      %sub3A_549 = arith.constant 1 : i32
      %sub3A_550 = arith.subi %add3A_548, %sub3A_549 : i32
      %ge3A_551 = arith.constant 1 : i32
      %ge3A_552 = arith.cmpi sge, %add3A_529, %ge3A_551 : i32
      %lt3A_553 = arith.constant 250 : i32
      %lt3A_554 = arith.cmpi slt, %sub3A_550, %lt3A_553 : i32
      %and3A_555 = arith.andi %ge3A_552, %lt3A_554 : i1
      %convert_element_type3A_556 = arith.extui %and3A_555 : i1 to i32
      %cond3A_557 = arith.constant 0 : i32
      %cond3A_558 = arith.cmpi ne, %convert_element_type3A_556, %cond3A_557 : i32
      scf.if %cond3A_558 {
        %dma_wait3A_625 = arith.constant 0 : i32
        %dma_wait3A_626 = arith.constant 0 : i32
        %dma_wait3A_627 = tpu.memref_slice %arg2[%dma_wait3A_625, %dma_wait3A_626] : memref<10000x128xf32, #tpu.memory_space<hbm>> -> memref<80x32xf32, #tpu.memory_space<hbm>>
        %dma_wait3A_628 = arith.constant 0 : i32
        %dma_wait3A_629 = arith.constant 0 : i32
        %dma_wait3A_630 = tpu.memref_slice %arg2[%dma_wait3A_628, %dma_wait3A_629] : memref<10000x128xf32, #tpu.memory_space<hbm>> -> memref<80x32xf32, #tpu.memory_space<hbm>>
        tpu.wait_dma2 semaphore(%arg38 : memref<!tpu.dma_semaphore, #tpu.memory_space<semaphore_mem>>) src(%dma_wait3A_630 : memref<80x32xf32, #tpu.memory_space<hbm>>) dst(%arg15 : memref<80x32xf32, #tpu.memory_space<vmem>>)
        %dma_start3A_631 = arith.constant 0 : i32
        %dma_start3A_632 = tpu.memref_slice %arg7[%sub3A_550, %dma_start3A_631] : memref<250x80xi32, #tpu.memory_space<vmem>> -> memref<1x80xi32, #tpu.memory_space<vmem>>
        %dma_start3A_633 = tpu.memref_squeeze %dma_start3A_632 : memref<1x80xi32, #tpu.memory_space<vmem>> -> memref<80xi32, #tpu.memory_space<vmem>>
        %dma_start3A_634 = arith.constant 0 : i32
        %dma_start3A_635 = arith.constant 0 : i32
        %dma_start3A_636 = tpu.memref_slice %arg20[%dma_start3A_634, %dma_start3A_635] : memref<10240x32xf32, #tpu.memory_space<vmem_shared>> -> memref<10240x32xf32, #tpu.memory_space<vmem_shared>>
        tpu.enqueue_indirect_dma source(%dma_start3A_636 : memref<10240x32xf32, #tpu.memory_space<vmem_shared>>) target(%arg15 : memref<80x32xf32, #tpu.memory_space<vmem>>) offsets(%dma_start3A_633 : memref<80xi32, #tpu.memory_space<vmem>>) semaphore(%arg28 : memref<!tpu.dma_semaphore, #tpu.memory_space<semaphore_mem>>)
      } else {
      }
      %mul3A_559 = arith.constant 10 : i32
      %mul3A_560 = arith.muli %scan3A_298, %mul3A_559 : i32
      %add3A_561 = arith.constant 8 : i32
      %add3A_562 = arith.addi %mul3A_560, %add3A_561 : i32
      %dma_wait3A_563 = arith.constant 0 : i32
      %dma_wait3A_564 = arith.constant 0 : i32
      %dma_wait3A_565 = tpu.memref_slice %arg2[%dma_wait3A_563, %dma_wait3A_564] : memref<10000x128xf32, #tpu.memory_space<hbm>> -> memref<80x32xf32, #tpu.memory_space<hbm>>
      %dma_wait3A_566 = arith.constant 0 : i32
      %dma_wait3A_567 = arith.constant 0 : i32
      %dma_wait3A_568 = tpu.memref_slice %arg2[%dma_wait3A_566, %dma_wait3A_567] : memref<10000x128xf32, #tpu.memory_space<hbm>> -> memref<80x32xf32, #tpu.memory_space<hbm>>
      tpu.wait_dma2 semaphore(%arg30 : memref<!tpu.dma_semaphore, #tpu.memory_space<semaphore_mem>>) src(%dma_wait3A_568 : memref<80x32xf32, #tpu.memory_space<hbm>>) dst(%arg17 : memref<80x32xf32, #tpu.memory_space<vmem>>)
      %dma_start3A_569 = arith.constant 0 : i32
      %dma_start3A_570 = tpu.memref_slice %arg8[%add3A_562, %dma_start3A_569] : memref<250x80xi32, #tpu.memory_space<vmem>> -> memref<1x80xi32, #tpu.memory_space<vmem>>
      %dma_start3A_571 = tpu.memref_squeeze %dma_start3A_570 : memref<1x80xi32, #tpu.memory_space<vmem>> -> memref<80xi32, #tpu.memory_space<vmem>>
      %dma_start3A_572 = arith.constant 0 : i32
      %dma_start3A_573 = arith.constant 0 : i32
      %dma_start3A_574 = tpu.memref_slice %arg21[%dma_start3A_572, %dma_start3A_573] : memref<10240x32xf32, #tpu.memory_space<vmem_shared>> -> memref<10240x32xf32, #tpu.memory_space<vmem_shared>>
      tpu.enqueue_indirect_dma source(%arg17 : memref<80x32xf32, #tpu.memory_space<vmem>>) target(%dma_start3A_574 : memref<10240x32xf32, #tpu.memory_space<vmem_shared>>) offsets(%dma_start3A_571 : memref<80xi32, #tpu.memory_space<vmem>>) semaphore(%arg40 : memref<!tpu.dma_semaphore, #tpu.memory_space<semaphore_mem>>) {add = true}
      %eq3A_575 = arith.constant 0 : i32
      %eq3A_576 = arith.cmpi eq, %arg0, %eq3A_575 : i32
      %convert_element_type3A_577 = arith.extui %eq3A_576 : i1 to i32
      %cond3A_578 = arith.constant 0 : i32
      %cond3A_579 = arith.cmpi ne, %convert_element_type3A_577, %cond3A_578 : i32
      scf.if %cond3A_579 {
        %get3A = arith.index_cast %add3A_562 : i32 to index
        %get3A_625 = arith.constant 0 : index
        %get3A_626 = tpu.vector_load %arg8[%get3A, %get3A_625] {strides = array<i32>} : memref<250x80xi32, #tpu.memory_space<vmem>>, vector<16xi32>,
        tpu.vector_store_idx %arg19[%get3A_626], %broadcast_in_dim3A_11 {add = true} : memref<10240xf32, #tpu.memory_space<vmem>>[vector<16xi32>], vector<16xf32>,
        %get3A_627 = arith.index_cast %add3A_562 : i32 to index
        %get3A_628 = arith.constant 16 : index
        %get3A_629 = tpu.vector_load %arg8[%get3A_627, %get3A_628] {strides = array<i32>} : memref<250x80xi32, #tpu.memory_space<vmem>>, vector<16xi32>,
        tpu.vector_store_idx %arg19[%get3A_629], %broadcast_in_dim3A_11 {add = true} : memref<10240xf32, #tpu.memory_space<vmem>>[vector<16xi32>], vector<16xf32>,
        %get3A_630 = arith.index_cast %add3A_562 : i32 to index
        %get3A_631 = arith.constant 32 : index
        %get3A_632 = tpu.vector_load %arg8[%get3A_630, %get3A_631] {strides = array<i32>} : memref<250x80xi32, #tpu.memory_space<vmem>>, vector<16xi32>,
        tpu.vector_store_idx %arg19[%get3A_632], %broadcast_in_dim3A_11 {add = true} : memref<10240xf32, #tpu.memory_space<vmem>>[vector<16xi32>], vector<16xf32>,
        %get3A_633 = arith.index_cast %add3A_562 : i32 to index
        %get3A_634 = arith.constant 48 : index
        %get3A_635 = tpu.vector_load %arg8[%get3A_633, %get3A_634] {strides = array<i32>} : memref<250x80xi32, #tpu.memory_space<vmem>>, vector<16xi32>,
        tpu.vector_store_idx %arg19[%get3A_635], %broadcast_in_dim3A_11 {add = true} : memref<10240xf32, #tpu.memory_space<vmem>>[vector<16xi32>], vector<16xf32>,
        %get3A_636 = arith.index_cast %add3A_562 : i32 to index
        %get3A_637 = arith.constant 64 : index
        %get3A_638 = tpu.vector_load %arg8[%get3A_636, %get3A_637] {strides = array<i32>} : memref<250x80xi32, #tpu.memory_space<vmem>>, vector<16xi32>,
        tpu.vector_store_idx %arg19[%get3A_638], %broadcast_in_dim3A_11 {add = true} : memref<10240xf32, #tpu.memory_space<vmem>>[vector<16xi32>], vector<16xf32>,
      } else {
      }
      %add3A_580 = arith.constant 10 : i32
      %add3A_581 = arith.addi %add3A_562, %add3A_580 : i32
      %sub3A_582 = arith.constant 1 : i32
      %sub3A_583 = arith.subi %add3A_581, %sub3A_582 : i32
      %ge3A_584 = arith.constant 1 : i32
      %ge3A_585 = arith.cmpi sge, %add3A_562, %ge3A_584 : i32
      %lt3A_586 = arith.constant 250 : i32
      %lt3A_587 = arith.cmpi slt, %sub3A_583, %lt3A_586 : i32
      %and3A_588 = arith.andi %ge3A_585, %lt3A_587 : i1
      %convert_element_type3A_589 = arith.extui %and3A_588 : i1 to i32
      %cond3A_590 = arith.constant 0 : i32
      %cond3A_591 = arith.cmpi ne, %convert_element_type3A_589, %cond3A_590 : i32
      scf.if %cond3A_591 {
        %dma_wait3A_625 = arith.constant 0 : i32
        %dma_wait3A_626 = arith.constant 0 : i32
        %dma_wait3A_627 = tpu.memref_slice %arg2[%dma_wait3A_625, %dma_wait3A_626] : memref<10000x128xf32, #tpu.memory_space<hbm>> -> memref<80x32xf32, #tpu.memory_space<hbm>>
        %dma_wait3A_628 = arith.constant 0 : i32
        %dma_wait3A_629 = arith.constant 0 : i32
        %dma_wait3A_630 = tpu.memref_slice %arg2[%dma_wait3A_628, %dma_wait3A_629] : memref<10000x128xf32, #tpu.memory_space<hbm>> -> memref<80x32xf32, #tpu.memory_space<hbm>>
        tpu.wait_dma2 semaphore(%arg39 : memref<!tpu.dma_semaphore, #tpu.memory_space<semaphore_mem>>) src(%dma_wait3A_630 : memref<80x32xf32, #tpu.memory_space<hbm>>) dst(%arg16 : memref<80x32xf32, #tpu.memory_space<vmem>>)
        %dma_start3A_631 = arith.constant 0 : i32
        %dma_start3A_632 = tpu.memref_slice %arg7[%sub3A_583, %dma_start3A_631] : memref<250x80xi32, #tpu.memory_space<vmem>> -> memref<1x80xi32, #tpu.memory_space<vmem>>
        %dma_start3A_633 = tpu.memref_squeeze %dma_start3A_632 : memref<1x80xi32, #tpu.memory_space<vmem>> -> memref<80xi32, #tpu.memory_space<vmem>>
        %dma_start3A_634 = arith.constant 0 : i32
        %dma_start3A_635 = arith.constant 0 : i32
        %dma_start3A_636 = tpu.memref_slice %arg20[%dma_start3A_634, %dma_start3A_635] : memref<10240x32xf32, #tpu.memory_space<vmem_shared>> -> memref<10240x32xf32, #tpu.memory_space<vmem_shared>>
        tpu.enqueue_indirect_dma source(%dma_start3A_636 : memref<10240x32xf32, #tpu.memory_space<vmem_shared>>) target(%arg16 : memref<80x32xf32, #tpu.memory_space<vmem>>) offsets(%dma_start3A_633 : memref<80xi32, #tpu.memory_space<vmem>>) semaphore(%arg29 : memref<!tpu.dma_semaphore, #tpu.memory_space<semaphore_mem>>)
      } else {
      }
      %mul3A_592 = arith.constant 10 : i32
      %mul3A_593 = arith.muli %scan3A_298, %mul3A_592 : i32
      %add3A_594 = arith.constant 9 : i32
      %add3A_595 = arith.addi %mul3A_593, %add3A_594 : i32
      %dma_wait3A_596 = arith.constant 0 : i32
      %dma_wait3A_597 = arith.constant 0 : i32
      %dma_wait3A_598 = tpu.memref_slice %arg2[%dma_wait3A_596, %dma_wait3A_597] : memref<10000x128xf32, #tpu.memory_space<hbm>> -> memref<80x32xf32, #tpu.memory_space<hbm>>
      %dma_wait3A_599 = arith.constant 0 : i32
      %dma_wait3A_600 = arith.constant 0 : i32
      %dma_wait3A_601 = tpu.memref_slice %arg2[%dma_wait3A_599, %dma_wait3A_600] : memref<10000x128xf32, #tpu.memory_space<hbm>> -> memref<80x32xf32, #tpu.memory_space<hbm>>
      tpu.wait_dma2 semaphore(%arg31 : memref<!tpu.dma_semaphore, #tpu.memory_space<semaphore_mem>>) src(%dma_wait3A_601 : memref<80x32xf32, #tpu.memory_space<hbm>>) dst(%arg18 : memref<80x32xf32, #tpu.memory_space<vmem>>)
      %dma_start3A_602 = arith.constant 0 : i32
      %dma_start3A_603 = tpu.memref_slice %arg8[%add3A_595, %dma_start3A_602] : memref<250x80xi32, #tpu.memory_space<vmem>> -> memref<1x80xi32, #tpu.memory_space<vmem>>
      %dma_start3A_604 = tpu.memref_squeeze %dma_start3A_603 : memref<1x80xi32, #tpu.memory_space<vmem>> -> memref<80xi32, #tpu.memory_space<vmem>>
      %dma_start3A_605 = arith.constant 0 : i32
      %dma_start3A_606 = arith.constant 0 : i32
      %dma_start3A_607 = tpu.memref_slice %arg21[%dma_start3A_605, %dma_start3A_606] : memref<10240x32xf32, #tpu.memory_space<vmem_shared>> -> memref<10240x32xf32, #tpu.memory_space<vmem_shared>>
      tpu.enqueue_indirect_dma source(%arg18 : memref<80x32xf32, #tpu.memory_space<vmem>>) target(%dma_start3A_607 : memref<10240x32xf32, #tpu.memory_space<vmem_shared>>) offsets(%dma_start3A_604 : memref<80xi32, #tpu.memory_space<vmem>>) semaphore(%arg41 : memref<!tpu.dma_semaphore, #tpu.memory_space<semaphore_mem>>) {add = true}
      %eq3A_608 = arith.constant 0 : i32
      %eq3A_609 = arith.cmpi eq, %arg0, %eq3A_608 : i32
      %convert_element_type3A_610 = arith.extui %eq3A_609 : i1 to i32
      %cond3A_611 = arith.constant 0 : i32
      %cond3A_612 = arith.cmpi ne, %convert_element_type3A_610, %cond3A_611 : i32
      scf.if %cond3A_612 {
        %get3A = arith.index_cast %add3A_595 : i32 to index
        %get3A_625 = arith.constant 0 : index
        %get3A_626 = tpu.vector_load %arg8[%get3A, %get3A_625] {strides = array<i32>} : memref<250x80xi32, #tpu.memory_space<vmem>>, vector<16xi32>,
        tpu.vector_store_idx %arg19[%get3A_626], %broadcast_in_dim3A_11 {add = true} : memref<10240xf32, #tpu.memory_space<vmem>>[vector<16xi32>], vector<16xf32>,
        %get3A_627 = arith.index_cast %add3A_595 : i32 to index
        %get3A_628 = arith.constant 16 : index
        %get3A_629 = tpu.vector_load %arg8[%get3A_627, %get3A_628] {strides = array<i32>} : memref<250x80xi32, #tpu.memory_space<vmem>>, vector<16xi32>,
        tpu.vector_store_idx %arg19[%get3A_629], %broadcast_in_dim3A_11 {add = true} : memref<10240xf32, #tpu.memory_space<vmem>>[vector<16xi32>], vector<16xf32>,
        %get3A_630 = arith.index_cast %add3A_595 : i32 to index
        %get3A_631 = arith.constant 32 : index
        %get3A_632 = tpu.vector_load %arg8[%get3A_630, %get3A_631] {strides = array<i32>} : memref<250x80xi32, #tpu.memory_space<vmem>>, vector<16xi32>,
        tpu.vector_store_idx %arg19[%get3A_632], %broadcast_in_dim3A_11 {add = true} : memref<10240xf32, #tpu.memory_space<vmem>>[vector<16xi32>], vector<16xf32>,
        %get3A_633 = arith.index_cast %add3A_595 : i32 to index
        %get3A_634 = arith.constant 48 : index
        %get3A_635 = tpu.vector_load %arg8[%get3A_633, %get3A_634] {strides = array<i32>} : memref<250x80xi32, #tpu.memory_space<vmem>>, vector<16xi32>,
        tpu.vector_store_idx %arg19[%get3A_635], %broadcast_in_dim3A_11 {add = true} : memref<10240xf32, #tpu.memory_space<vmem>>[vector<16xi32>], vector<16xf32>,
        %get3A_636 = arith.index_cast %add3A_595 : i32 to index
        %get3A_637 = arith.constant 64 : index
        %get3A_638 = tpu.vector_load %arg8[%get3A_636, %get3A_637] {strides = array<i32>} : memref<250x80xi32, #tpu.memory_space<vmem>>, vector<16xi32>,
        tpu.vector_store_idx %arg19[%get3A_638], %broadcast_in_dim3A_11 {add = true} : memref<10240xf32, #tpu.memory_space<vmem>>[vector<16xi32>], vector<16xf32>,
      } else {
      }
      %add3A_613 = arith.constant 10 : i32
      %add3A_614 = arith.addi %add3A_595, %add3A_613 : i32
      %sub3A_615 = arith.constant 1 : i32
      %sub3A_616 = arith.subi %add3A_614, %sub3A_615 : i32
      %ge3A_617 = arith.constant 1 : i32
      %ge3A_618 = arith.cmpi sge, %add3A_595, %ge3A_617 : i32
      %lt3A_619 = arith.constant 250 : i32
      %lt3A_620 = arith.cmpi slt, %sub3A_616, %lt3A_619 : i32
      %and3A_621 = arith.andi %ge3A_618, %lt3A_620 : i1
      %convert_element_type3A_622 = arith.extui %and3A_621 : i1 to i32
      %cond3A_623 = arith.constant 0 : i32
      %cond3A_624 = arith.cmpi ne, %convert_element_type3A_622, %cond3A_623 : i32
      scf.if %cond3A_624 {
        %dma_wait3A_625 = arith.constant 0 : i32
        %dma_wait3A_626 = arith.constant 0 : i32
        %dma_wait3A_627 = tpu.memref_slice %arg2[%dma_wait3A_625, %dma_wait3A_626] : memref<10000x128xf32, #tpu.memory_space<hbm>> -> memref<80x32xf32, #tpu.memory_space<hbm>>
        %dma_wait3A_628 = arith.constant 0 : i32
        %dma_wait3A_629 = arith.constant 0 : i32
        %dma_wait3A_630 = tpu.memref_slice %arg2[%dma_wait3A_628, %dma_wait3A_629] : memref<10000x128xf32, #tpu.memory_space<hbm>> -> memref<80x32xf32, #tpu.memory_space<hbm>>
        tpu.wait_dma2 semaphore(%arg40 : memref<!tpu.dma_semaphore, #tpu.memory_space<semaphore_mem>>) src(%dma_wait3A_630 : memref<80x32xf32, #tpu.memory_space<hbm>>) dst(%arg17 : memref<80x32xf32, #tpu.memory_space<vmem>>)
        %dma_start3A_631 = arith.constant 0 : i32
        %dma_start3A_632 = tpu.memref_slice %arg7[%sub3A_616, %dma_start3A_631] : memref<250x80xi32, #tpu.memory_space<vmem>> -> memref<1x80xi32, #tpu.memory_space<vmem>>
        %dma_start3A_633 = tpu.memref_squeeze %dma_start3A_632 : memref<1x80xi32, #tpu.memory_space<vmem>> -> memref<80xi32, #tpu.memory_space<vmem>>
        %dma_start3A_634 = arith.constant 0 : i32
        %dma_start3A_635 = arith.constant 0 : i32
        %dma_start3A_636 = tpu.memref_slice %arg20[%dma_start3A_634, %dma_start3A_635] : memref<10240x32xf32, #tpu.memory_space<vmem_shared>> -> memref<10240x32xf32, #tpu.memory_space<vmem_shared>>
        tpu.enqueue_indirect_dma source(%dma_start3A_636 : memref<10240x32xf32, #tpu.memory_space<vmem_shared>>) target(%arg17 : memref<80x32xf32, #tpu.memory_space<vmem>>) offsets(%dma_start3A_633 : memref<80xi32, #tpu.memory_space<vmem>>) semaphore(%arg30 : memref<!tpu.dma_semaphore, #tpu.memory_space<semaphore_mem>>)
      } else {
      }
    }
    %scan3A_91 = arith.constant 25 : i32
    %dma_wait3A = arith.constant 0 : i32
    %dma_wait3A_92 = arith.constant 0 : i32
    %dma_wait3A_93 = tpu.memref_slice %arg2[%dma_wait3A, %dma_wait3A_92] : memref<10000x128xf32, #tpu.memory_space<hbm>> -> memref<80x32xf32, #tpu.memory_space<hbm>>
    %dma_wait3A_94 = arith.constant 0 : i32
    %dma_wait3A_95 = arith.constant 0 : i32
    %dma_wait3A_96 = tpu.memref_slice %arg2[%dma_wait3A_94, %dma_wait3A_95] : memref<10000x128xf32, #tpu.memory_space<hbm>> -> memref<80x32xf32, #tpu.memory_space<hbm>>
    tpu.wait_dma2 semaphore(%arg32 : memref<!tpu.dma_semaphore, #tpu.memory_space<semaphore_mem>>) src(%dma_wait3A_96 : memref<80x32xf32, #tpu.memory_space<hbm>>) dst(%arg9 : memref<80x32xf32, #tpu.memory_space<vmem>>)
    %dma_wait3A_97 = arith.constant 0 : i32
    %dma_wait3A_98 = arith.constant 0 : i32
    %dma_wait3A_99 = tpu.memref_slice %arg2[%dma_wait3A_97, %dma_wait3A_98] : memref<10000x128xf32, #tpu.memory_space<hbm>> -> memref<80x32xf32, #tpu.memory_space<hbm>>
    %dma_wait3A_100 = arith.constant 0 : i32
    %dma_wait3A_101 = arith.constant 0 : i32
    %dma_wait3A_102 = tpu.memref_slice %arg2[%dma_wait3A_100, %dma_wait3A_101] : memref<10000x128xf32, #tpu.memory_space<hbm>> -> memref<80x32xf32, #tpu.memory_space<hbm>>
    tpu.wait_dma2 semaphore(%arg33 : memref<!tpu.dma_semaphore, #tpu.memory_space<semaphore_mem>>) src(%dma_wait3A_102 : memref<80x32xf32, #tpu.memory_space<hbm>>) dst(%arg10 : memref<80x32xf32, #tpu.memory_space<vmem>>)
    %dma_wait3A_103 = arith.constant 0 : i32
    %dma_wait3A_104 = arith.constant 0 : i32
    %dma_wait3A_105 = tpu.memref_slice %arg2[%dma_wait3A_103, %dma_wait3A_104] : memref<10000x128xf32, #tpu.memory_space<hbm>> -> memref<80x32xf32, #tpu.memory_space<hbm>>
    %dma_wait3A_106 = arith.constant 0 : i32
    %dma_wait3A_107 = arith.constant 0 : i32
    %dma_wait3A_108 = tpu.memref_slice %arg2[%dma_wait3A_106, %dma_wait3A_107] : memref<10000x128xf32, #tpu.memory_space<hbm>> -> memref<80x32xf32, #tpu.memory_space<hbm>>
    tpu.wait_dma2 semaphore(%arg34 : memref<!tpu.dma_semaphore, #tpu.memory_space<semaphore_mem>>) src(%dma_wait3A_108 : memref<80x32xf32, #tpu.memory_space<hbm>>) dst(%arg11 : memref<80x32xf32, #tpu.memory_space<vmem>>)
    %dma_wait3A_109 = arith.constant 0 : i32
    %dma_wait3A_110 = arith.constant 0 : i32
    %dma_wait3A_111 = tpu.memref_slice %arg2[%dma_wait3A_109, %dma_wait3A_110] : memref<10000x128xf32, #tpu.memory_space<hbm>> -> memref<80x32xf32, #tpu.memory_space<hbm>>
    %dma_wait3A_112 = arith.constant 0 : i32
    %dma_wait3A_113 = arith.constant 0 : i32
    %dma_wait3A_114 = tpu.memref_slice %arg2[%dma_wait3A_112, %dma_wait3A_113] : memref<10000x128xf32, #tpu.memory_space<hbm>> -> memref<80x32xf32, #tpu.memory_space<hbm>>
    tpu.wait_dma2 semaphore(%arg35 : memref<!tpu.dma_semaphore, #tpu.memory_space<semaphore_mem>>) src(%dma_wait3A_114 : memref<80x32xf32, #tpu.memory_space<hbm>>) dst(%arg12 : memref<80x32xf32, #tpu.memory_space<vmem>>)
    %dma_wait3A_115 = arith.constant 0 : i32
    %dma_wait3A_116 = arith.constant 0 : i32
    %dma_wait3A_117 = tpu.memref_slice %arg2[%dma_wait3A_115, %dma_wait3A_116] : memref<10000x128xf32, #tpu.memory_space<hbm>> -> memref<80x32xf32, #tpu.memory_space<hbm>>
    %dma_wait3A_118 = arith.constant 0 : i32
    %dma_wait3A_119 = arith.constant 0 : i32
    %dma_wait3A_120 = tpu.memref_slice %arg2[%dma_wait3A_118, %dma_wait3A_119] : memref<10000x128xf32, #tpu.memory_space<hbm>> -> memref<80x32xf32, #tpu.memory_space<hbm>>
    tpu.wait_dma2 semaphore(%arg36 : memref<!tpu.dma_semaphore, #tpu.memory_space<semaphore_mem>>) src(%dma_wait3A_120 : memref<80x32xf32, #tpu.memory_space<hbm>>) dst(%arg13 : memref<80x32xf32, #tpu.memory_space<vmem>>)
    %dma_wait3A_121 = arith.constant 0 : i32
    %dma_wait3A_122 = arith.constant 0 : i32
    %dma_wait3A_123 = tpu.memref_slice %arg2[%dma_wait3A_121, %dma_wait3A_122] : memref<10000x128xf32, #tpu.memory_space<hbm>> -> memref<80x32xf32, #tpu.memory_space<hbm>>
    %dma_wait3A_124 = arith.constant 0 : i32
    %dma_wait3A_125 = arith.constant 0 : i32
    %dma_wait3A_126 = tpu.memref_slice %arg2[%dma_wait3A_124, %dma_wait3A_125] : memref<10000x128xf32, #tpu.memory_space<hbm>> -> memref<80x32xf32, #tpu.memory_space<hbm>>
    tpu.wait_dma2 semaphore(%arg37 : memref<!tpu.dma_semaphore, #tpu.memory_space<semaphore_mem>>) src(%dma_wait3A_126 : memref<80x32xf32, #tpu.memory_space<hbm>>) dst(%arg14 : memref<80x32xf32, #tpu.memory_space<vmem>>)
    %dma_wait3A_127 = arith.constant 0 : i32
    %dma_wait3A_128 = arith.constant 0 : i32
    %dma_wait3A_129 = tpu.memref_slice %arg2[%dma_wait3A_127, %dma_wait3A_128] : memref<10000x128xf32, #tpu.memory_space<hbm>> -> memref<80x32xf32, #tpu.memory_space<hbm>>
    %dma_wait3A_130 = arith.constant 0 : i32
    %dma_wait3A_131 = arith.constant 0 : i32
    %dma_wait3A_132 = tpu.memref_slice %arg2[%dma_wait3A_130, %dma_wait3A_131] : memref<10000x128xf32, #tpu.memory_space<hbm>> -> memref<80x32xf32, #tpu.memory_space<hbm>>
    tpu.wait_dma2 semaphore(%arg38 : memref<!tpu.dma_semaphore, #tpu.memory_space<semaphore_mem>>) src(%dma_wait3A_132 : memref<80x32xf32, #tpu.memory_space<hbm>>) dst(%arg15 : memref<80x32xf32, #tpu.memory_space<vmem>>)
    %dma_wait3A_133 = arith.constant 0 : i32
    %dma_wait3A_134 = arith.constant 0 : i32
    %dma_wait3A_135 = tpu.memref_slice %arg2[%dma_wait3A_133, %dma_wait3A_134] : memref<10000x128xf32, #tpu.memory_space<hbm>> -> memref<80x32xf32, #tpu.memory_space<hbm>>
    %dma_wait3A_136 = arith.constant 0 : i32
    %dma_wait3A_137 = arith.constant 0 : i32
    %dma_wait3A_138 = tpu.memref_slice %arg2[%dma_wait3A_136, %dma_wait3A_137] : memref<10000x128xf32, #tpu.memory_space<hbm>> -> memref<80x32xf32, #tpu.memory_space<hbm>>
    tpu.wait_dma2 semaphore(%arg39 : memref<!tpu.dma_semaphore, #tpu.memory_space<semaphore_mem>>) src(%dma_wait3A_138 : memref<80x32xf32, #tpu.memory_space<hbm>>) dst(%arg16 : memref<80x32xf32, #tpu.memory_space<vmem>>)
    %dma_wait3A_139 = arith.constant 0 : i32
    %dma_wait3A_140 = arith.constant 0 : i32
    %dma_wait3A_141 = tpu.memref_slice %arg2[%dma_wait3A_139, %dma_wait3A_140] : memref<10000x128xf32, #tpu.memory_space<hbm>> -> memref<80x32xf32, #tpu.memory_space<hbm>>
    %dma_wait3A_142 = arith.constant 0 : i32
    %dma_wait3A_143 = arith.constant 0 : i32
    %dma_wait3A_144 = tpu.memref_slice %arg2[%dma_wait3A_142, %dma_wait3A_143] : memref<10000x128xf32, #tpu.memory_space<hbm>> -> memref<80x32xf32, #tpu.memory_space<hbm>>
    tpu.wait_dma2 semaphore(%arg40 : memref<!tpu.dma_semaphore, #tpu.memory_space<semaphore_mem>>) src(%dma_wait3A_144 : memref<80x32xf32, #tpu.memory_space<hbm>>) dst(%arg17 : memref<80x32xf32, #tpu.memory_space<vmem>>)
    %dma_wait3A_145 = arith.constant 0 : i32
    %dma_wait3A_146 = arith.constant 0 : i32
    %dma_wait3A_147 = tpu.memref_slice %arg2[%dma_wait3A_145, %dma_wait3A_146] : memref<10000x128xf32, #tpu.memory_space<hbm>> -> memref<80x32xf32, #tpu.memory_space<hbm>>
    %dma_wait3A_148 = arith.constant 0 : i32
    %dma_wait3A_149 = arith.constant 0 : i32
    %dma_wait3A_150 = tpu.memref_slice %arg2[%dma_wait3A_148, %dma_wait3A_149] : memref<10000x128xf32, #tpu.memory_space<hbm>> -> memref<80x32xf32, #tpu.memory_space<hbm>>
    tpu.wait_dma2 semaphore(%arg41 : memref<!tpu.dma_semaphore, #tpu.memory_space<semaphore_mem>>) src(%dma_wait3A_150 : memref<80x32xf32, #tpu.memory_space<hbm>>) dst(%arg18 : memref<80x32xf32, #tpu.memory_space<vmem>>)
    %barrier3A_151 = arith.constant 0 : index
    tpu.barrier barrier_id(%barrier3A_151)
    "tpu.region"() ({
      %run_scoped3A_298 = tpu.sem_alloc : memref<!tpu.dma_semaphore, #tpu.memory_space<semaphore_mem>>
      %dma_start3A_299 = arith.constant 0 : i32
      %dma_start3A_300 = tpu.memref_slice %arg5[%add3A_14, %mul3A_0, %dma_start3A_299] : memref<4x10240x32xf32, #tpu.memory_space<hbm>> -> memref<1x640x32xf32, #tpu.memory_space<hbm>>
      %dma_start3A_301 = tpu.memref_squeeze %dma_start3A_300 : memref<1x640x32xf32, #tpu.memory_space<hbm>> -> memref<640x32xf32, #tpu.memory_space<hbm>>
      %dma_start3A_302 = arith.constant 0 : i32
      %dma_start3A_303 = tpu.memref_slice %arg21[%mul3A_0, %dma_start3A_302] : memref<10240x32xf32, #tpu.memory_space<vmem_shared>> -> memref<640x32xf32, #tpu.memory_space<vmem_shared>>
      tpu.enqueue_dma source(%dma_start3A_303 : memref<640x32xf32, #tpu.memory_space<vmem_shared>>) target(%dma_start3A_301 : memref<640x32xf32, #tpu.memory_space<hbm>>) target_semaphore(%run_scoped3A_298 : memref<!tpu.dma_semaphore, #tpu.memory_space<semaphore_mem>>)
      %dma_wait3A_304 = arith.constant 0 : i32
      %dma_wait3A_305 = tpu.memref_slice %arg5[%add3A_14, %mul3A_0, %dma_wait3A_304] : memref<4x10240x32xf32, #tpu.memory_space<hbm>> -> memref<1x640x32xf32, #tpu.memory_space<hbm>>
      %dma_wait3A_306 = tpu.memref_squeeze %dma_wait3A_305 : memref<1x640x32xf32, #tpu.memory_space<hbm>> -> memref<640x32xf32, #tpu.memory_space<hbm>>
      %dma_wait3A_307 = arith.constant 0 : i32
      %dma_wait3A_308 = tpu.memref_slice %arg21[%mul3A_0, %dma_wait3A_307] : memref<10240x32xf32, #tpu.memory_space<vmem_shared>> -> memref<640x32xf32, #tpu.memory_space<vmem_shared>>
      tpu.wait_dma2 semaphore(%run_scoped3A_298 : memref<!tpu.dma_semaphore, #tpu.memory_space<semaphore_mem>>) src(%dma_wait3A_308 : memref<640x32xf32, #tpu.memory_space<vmem_shared>>) dst(%dma_wait3A_306 : memref<640x32xf32, #tpu.memory_space<hbm>>)
      tpu.yield
    }) : () -> ()
    %mul3A_152 = arith.constant 2 : i32
    %mul3A_153 = arith.muli %arg0, %mul3A_152 : i32
    %add3A_154 = arith.constant 1 : i32
    %add3A_155 = arith.addi %mul3A_153, %add3A_154 : i32
    %mul3A_156 = arith.constant 32 : i32
    %mul3A_157 = arith.muli %add3A_155, %mul3A_156 : i32
    "tpu.region"() ({
      %run_scoped3A_298 = tpu.sem_alloc : memref<!tpu.dma_semaphore, #tpu.memory_space<semaphore_mem>>
      %dma_start3A_299 = arith.constant 0 : i32
      %dma_start3A_300 = tpu.memref_slice %arg20[%mul3A_2, %dma_start3A_299] : memref<10240x32xf32, #tpu.memory_space<vmem_shared>> -> memref<625x32xf32, #tpu.memory_space<vmem_shared>>
      %dma_start3A_301 = tpu.memref_slice %arg2[%mul3A_2, %mul3A_157] : memref<10000x128xf32, #tpu.memory_space<hbm>> -> memref<625x32xf32, #tpu.memory_space<hbm>>
      tpu.enqueue_dma source(%dma_start3A_301 : memref<625x32xf32, #tpu.memory_space<hbm>>) target(%dma_start3A_300 : memref<625x32xf32, #tpu.memory_space<vmem_shared>>) target_semaphore(%run_scoped3A_298 : memref<!tpu.dma_semaphore, #tpu.memory_space<semaphore_mem>>)
      %dma_wait3A_302 = arith.constant 0 : i32
      %dma_wait3A_303 = tpu.memref_slice %arg20[%mul3A_2, %dma_wait3A_302] : memref<10240x32xf32, #tpu.memory_space<vmem_shared>> -> memref<625x32xf32, #tpu.memory_space<vmem_shared>>
      %dma_wait3A_304 = tpu.memref_slice %arg2[%mul3A_2, %mul3A_157] : memref<10000x128xf32, #tpu.memory_space<hbm>> -> memref<625x32xf32, #tpu.memory_space<hbm>>
      tpu.wait_dma2 semaphore(%run_scoped3A_298 : memref<!tpu.dma_semaphore, #tpu.memory_space<semaphore_mem>>) src(%dma_wait3A_304 : memref<625x32xf32, #tpu.memory_space<hbm>>) dst(%dma_wait3A_303 : memref<625x32xf32, #tpu.memory_space<vmem_shared>>)
      tpu.yield
    }) : () -> ()
    "tpu.region"() ({
      %run_scoped3A_298 = tpu.sem_alloc : memref<!tpu.dma_semaphore, #tpu.memory_space<semaphore_mem>>
      %dma_start3A_299 = arith.constant 0 : i32
      %dma_start3A_300 = tpu.memref_slice %arg21[%mul3A_0, %dma_start3A_299] : memref<10240x32xf32, #tpu.memory_space<vmem_shared>> -> memref<640x32xf32, #tpu.memory_space<vmem_shared>>
      %dma_start3A_301 = arith.constant 0 : i32
      %dma_start3A_302 = tpu.memref_slice %arg4[%mul3A_0, %dma_start3A_301] : memref<10240x32xf32, #tpu.memory_space<hbm>> -> memref<640x32xf32, #tpu.memory_space<hbm>>
      tpu.enqueue_dma source(%dma_start3A_302 : memref<640x32xf32, #tpu.memory_space<hbm>>) target(%dma_start3A_300 : memref<640x32xf32, #tpu.memory_space<vmem_shared>>) target_semaphore(%run_scoped3A_298 : memref<!tpu.dma_semaphore, #tpu.memory_space<semaphore_mem>>)
      %dma_wait3A_303 = arith.constant 0 : i32
      %dma_wait3A_304 = tpu.memref_slice %arg21[%mul3A_0, %dma_wait3A_303] : memref<10240x32xf32, #tpu.memory_space<vmem_shared>> -> memref<640x32xf32, #tpu.memory_space<vmem_shared>>
      %dma_wait3A_305 = arith.constant 0 : i32
      %dma_wait3A_306 = tpu.memref_slice %arg4[%mul3A_0, %dma_wait3A_305] : memref<10240x32xf32, #tpu.memory_space<hbm>> -> memref<640x32xf32, #tpu.memory_space<hbm>>
      tpu.wait_dma2 semaphore(%run_scoped3A_298 : memref<!tpu.dma_semaphore, #tpu.memory_space<semaphore_mem>>) src(%dma_wait3A_306 : memref<640x32xf32, #tpu.memory_space<hbm>>) dst(%dma_wait3A_304 : memref<640x32xf32, #tpu.memory_space<vmem_shared>>)
      tpu.yield
    }) : () -> ()
    %barrier3A_158 = arith.constant 0 : index
    tpu.barrier barrier_id(%barrier3A_158)
    %dma_start3A_159 = arith.constant 0 : i32
    %dma_start3A_160 = arith.constant 0 : i32
    %dma_start3A_161 = tpu.memref_slice %arg7[%dma_start3A_159, %dma_start3A_160] : memref<250x80xi32, #tpu.memory_space<vmem>> -> memref<1x80xi32, #tpu.memory_space<vmem>>
    %dma_start3A_162 = tpu.memref_squeeze %dma_start3A_161 : memref<1x80xi32, #tpu.memory_space<vmem>> -> memref<80xi32, #tpu.memory_space<vmem>>
    %dma_start3A_163 = arith.constant 0 : i32
    %dma_start3A_164 = arith.constant 0 : i32
    %dma_start3A_165 = tpu.memref_slice %arg20[%dma_start3A_163, %dma_start3A_164] : memref<10240x32xf32, #tpu.memory_space<vmem_shared>> -> memref<10240x32xf32, #tpu.memory_space<vmem_shared>>
    tpu.enqueue_indirect_dma source(%dma_start3A_165 : memref<10240x32xf32, #tpu.memory_space<vmem_shared>>) target(%arg9 : memref<80x32xf32, #tpu.memory_space<vmem>>) offsets(%dma_start3A_162 : memref<80xi32, #tpu.memory_space<vmem>>) semaphore(%arg22 : memref<!tpu.dma_semaphore, #tpu.memory_space<semaphore_mem>>)
    %dma_start3A_166 = arith.constant 1 : i32
    %dma_start3A_167 = arith.constant 0 : i32
    %dma_start3A_168 = tpu.memref_slice %arg7[%dma_start3A_166, %dma_start3A_167] : memref<250x80xi32, #tpu.memory_space<vmem>> -> memref<1x80xi32, #tpu.memory_space<vmem>>
    %dma_start3A_169 = tpu.memref_squeeze %dma_start3A_168 : memref<1x80xi32, #tpu.memory_space<vmem>> -> memref<80xi32, #tpu.memory_space<vmem>>
    %dma_start3A_170 = arith.constant 0 : i32
    %dma_start3A_171 = arith.constant 0 : i32
    %dma_start3A_172 = tpu.memref_slice %arg20[%dma_start3A_170, %dma_start3A_171] : memref<10240x32xf32, #tpu.memory_space<vmem_shared>> -> memref<10240x32xf32, #tpu.memory_space<vmem_shared>>
    tpu.enqueue_indirect_dma source(%dma_start3A_172 : memref<10240x32xf32, #tpu.memory_space<vmem_shared>>) target(%arg10 : memref<80x32xf32, #tpu.memory_space<vmem>>) offsets(%dma_start3A_169 : memref<80xi32, #tpu.memory_space<vmem>>) semaphore(%arg23 : memref<!tpu.dma_semaphore, #tpu.memory_space<semaphore_mem>>)
    %dma_start3A_173 = arith.constant 2 : i32
    %dma_start3A_174 = arith.constant 0 : i32
    %dma_start3A_175 = tpu.memref_slice %arg7[%dma_start3A_173, %dma_start3A_174] : memref<250x80xi32, #tpu.memory_space<vmem>> -> memref<1x80xi32, #tpu.memory_space<vmem>>
    %dma_start3A_176 = tpu.memref_squeeze %dma_start3A_175 : memref<1x80xi32, #tpu.memory_space<vmem>> -> memref<80xi32, #tpu.memory_space<vmem>>
    %dma_start3A_177 = arith.constant 0 : i32
    %dma_start3A_178 = arith.constant 0 : i32
    %dma_start3A_179 = tpu.memref_slice %arg20[%dma_start3A_177, %dma_start3A_178] : memref<10240x32xf32, #tpu.memory_space<vmem_shared>> -> memref<10240x32xf32, #tpu.memory_space<vmem_shared>>
    tpu.enqueue_indirect_dma source(%dma_start3A_179 : memref<10240x32xf32, #tpu.memory_space<vmem_shared>>) target(%arg11 : memref<80x32xf32, #tpu.memory_space<vmem>>) offsets(%dma_start3A_176 : memref<80xi32, #tpu.memory_space<vmem>>) semaphore(%arg24 : memref<!tpu.dma_semaphore, #tpu.memory_space<semaphore_mem>>)
    %dma_start3A_180 = arith.constant 3 : i32
    %dma_start3A_181 = arith.constant 0 : i32
    %dma_start3A_182 = tpu.memref_slice %arg7[%dma_start3A_180, %dma_start3A_181] : memref<250x80xi32, #tpu.memory_space<vmem>> -> memref<1x80xi32, #tpu.memory_space<vmem>>
    %dma_start3A_183 = tpu.memref_squeeze %dma_start3A_182 : memref<1x80xi32, #tpu.memory_space<vmem>> -> memref<80xi32, #tpu.memory_space<vmem>>
    %dma_start3A_184 = arith.constant 0 : i32
    %dma_start3A_185 = arith.constant 0 : i32
    %dma_start3A_186 = tpu.memref_slice %arg20[%dma_start3A_184, %dma_start3A_185] : memref<10240x32xf32, #tpu.memory_space<vmem_shared>> -> memref<10240x32xf32, #tpu.memory_space<vmem_shared>>
    tpu.enqueue_indirect_dma source(%dma_start3A_186 : memref<10240x32xf32, #tpu.memory_space<vmem_shared>>) target(%arg12 : memref<80x32xf32, #tpu.memory_space<vmem>>) offsets(%dma_start3A_183 : memref<80xi32, #tpu.memory_space<vmem>>) semaphore(%arg25 : memref<!tpu.dma_semaphore, #tpu.memory_space<semaphore_mem>>)
    %dma_start3A_187 = arith.constant 4 : i32
    %dma_start3A_188 = arith.constant 0 : i32
    %dma_start3A_189 = tpu.memref_slice %arg7[%dma_start3A_187, %dma_start3A_188] : memref<250x80xi32, #tpu.memory_space<vmem>> -> memref<1x80xi32, #tpu.memory_space<vmem>>
    %dma_start3A_190 = tpu.memref_squeeze %dma_start3A_189 : memref<1x80xi32, #tpu.memory_space<vmem>> -> memref<80xi32, #tpu.memory_space<vmem>>
    %dma_start3A_191 = arith.constant 0 : i32
    %dma_start3A_192 = arith.constant 0 : i32
    %dma_start3A_193 = tpu.memref_slice %arg20[%dma_start3A_191, %dma_start3A_192] : memref<10240x32xf32, #tpu.memory_space<vmem_shared>> -> memref<10240x32xf32, #tpu.memory_space<vmem_shared>>
    tpu.enqueue_indirect_dma source(%dma_start3A_193 : memref<10240x32xf32, #tpu.memory_space<vmem_shared>>) target(%arg13 : memref<80x32xf32, #tpu.memory_space<vmem>>) offsets(%dma_start3A_190 : memref<80xi32, #tpu.memory_space<vmem>>) semaphore(%arg26 : memref<!tpu.dma_semaphore, #tpu.memory_space<semaphore_mem>>)
    %dma_start3A_194 = arith.constant 5 : i32
    %dma_start3A_195 = arith.constant 0 : i32
    %dma_start3A_196 = tpu.memref_slice %arg7[%dma_start3A_194, %dma_start3A_195] : memref<250x80xi32, #tpu.memory_space<vmem>> -> memref<1x80xi32, #tpu.memory_space<vmem>>
    %dma_start3A_197 = tpu.memref_squeeze %dma_start3A_196 : memref<1x80xi32, #tpu.memory_space<vmem>> -> memref<80xi32, #tpu.memory_space<vmem>>
    %dma_start3A_198 = arith.constant 0 : i32
    %dma_start3A_199 = arith.constant 0 : i32
    %dma_start3A_200 = tpu.memref_slice %arg20[%dma_start3A_198, %dma_start3A_199] : memref<10240x32xf32, #tpu.memory_space<vmem_shared>> -> memref<10240x32xf32, #tpu.memory_space<vmem_shared>>
    tpu.enqueue_indirect_dma source(%dma_start3A_200 : memref<10240x32xf32, #tpu.memory_space<vmem_shared>>) target(%arg14 : memref<80x32xf32, #tpu.memory_space<vmem>>) offsets(%dma_start3A_197 : memref<80xi32, #tpu.memory_space<vmem>>) semaphore(%arg27 : memref<!tpu.dma_semaphore, #tpu.memory_space<semaphore_mem>>)
    %dma_start3A_201 = arith.constant 6 : i32
    %dma_start3A_202 = arith.constant 0 : i32
    %dma_start3A_203 = tpu.memref_slice %arg7[%dma_start3A_201, %dma_start3A_202] : memref<250x80xi32, #tpu.memory_space<vmem>> -> memref<1x80xi32, #tpu.memory_space<vmem>>
    %dma_start3A_204 = tpu.memref_squeeze %dma_start3A_203 : memref<1x80xi32, #tpu.memory_space<vmem>> -> memref<80xi32, #tpu.memory_space<vmem>>
    %dma_start3A_205 = arith.constant 0 : i32
    %dma_start3A_206 = arith.constant 0 : i32
    %dma_start3A_207 = tpu.memref_slice %arg20[%dma_start3A_205, %dma_start3A_206] : memref<10240x32xf32, #tpu.memory_space<vmem_shared>> -> memref<10240x32xf32, #tpu.memory_space<vmem_shared>>
    tpu.enqueue_indirect_dma source(%dma_start3A_207 : memref<10240x32xf32, #tpu.memory_space<vmem_shared>>) target(%arg15 : memref<80x32xf32, #tpu.memory_space<vmem>>) offsets(%dma_start3A_204 : memref<80xi32, #tpu.memory_space<vmem>>) semaphore(%arg28 : memref<!tpu.dma_semaphore, #tpu.memory_space<semaphore_mem>>)
    %dma_start3A_208 = arith.constant 7 : i32
    %dma_start3A_209 = arith.constant 0 : i32
    %dma_start3A_210 = tpu.memref_slice %arg7[%dma_start3A_208, %dma_start3A_209] : memref<250x80xi32, #tpu.memory_space<vmem>> -> memref<1x80xi32, #tpu.memory_space<vmem>>
    %dma_start3A_211 = tpu.memref_squeeze %dma_start3A_210 : memref<1x80xi32, #tpu.memory_space<vmem>> -> memref<80xi32, #tpu.memory_space<vmem>>
    %dma_start3A_212 = arith.constant 0 : i32
    %dma_start3A_213 = arith.constant 0 : i32
    %dma_start3A_214 = tpu.memref_slice %arg20[%dma_start3A_212, %dma_start3A_213] : memref<10240x32xf32, #tpu.memory_space<vmem_shared>> -> memref<10240x32xf32, #tpu.memory_space<vmem_shared>>
    tpu.enqueue_indirect_dma source(%dma_start3A_214 : memref<10240x32xf32, #tpu.memory_space<vmem_shared>>) target(%arg16 : memref<80x32xf32, #tpu.memory_space<vmem>>) offsets(%dma_start3A_211 : memref<80xi32, #tpu.memory_space<vmem>>) semaphore(%arg29 : memref<!tpu.dma_semaphore, #tpu.memory_space<semaphore_mem>>)
    %dma_start3A_215 = arith.constant 8 : i32
    %dma_start3A_216 = arith.constant 0 : i32
    %dma_start3A_217 = tpu.memref_slice %arg7[%dma_start3A_215, %dma_start3A_216] : memref<250x80xi32, #tpu.memory_space<vmem>> -> memref<1x80xi32, #tpu.memory_space<vmem>>
    %dma_start3A_218 = tpu.memref_squeeze %dma_start3A_217 : memref<1x80xi32, #tpu.memory_space<vmem>> -> memref<80xi32, #tpu.memory_space<vmem>>
    %dma_start3A_219 = arith.constant 0 : i32
    %dma_start3A_220 = arith.constant 0 : i32
    %dma_start3A_221 = tpu.memref_slice %arg20[%dma_start3A_219, %dma_start3A_220] : memref<10240x32xf32, #tpu.memory_space<vmem_shared>> -> memref<10240x32xf32, #tpu.memory_space<vmem_shared>>
    tpu.enqueue_indirect_dma source(%dma_start3A_221 : memref<10240x32xf32, #tpu.memory_space<vmem_shared>>) target(%arg17 : memref<80x32xf32, #tpu.memory_space<vmem>>) offsets(%dma_start3A_218 : memref<80xi32, #tpu.memory_space<vmem>>) semaphore(%arg30 : memref<!tpu.dma_semaphore, #tpu.memory_space<semaphore_mem>>)
    %dma_start3A_222 = arith.constant 9 : i32
    %dma_start3A_223 = arith.constant 0 : i32
    %dma_start3A_224 = tpu.memref_slice %arg7[%dma_start3A_222, %dma_start3A_223] : memref<250x80xi32, #tpu.memory_space<vmem>> -> memref<1x80xi32, #tpu.memory_space<vmem>>
    %dma_start3A_225 = tpu.memref_squeeze %dma_start3A_224 : memref<1x80xi32, #tpu.memory_space<vmem>> -> memref<80xi32, #tpu.memory_space<vmem>>
    %dma_start3A_226 = arith.constant 0 : i32
    %dma_start3A_227 = arith.constant 0 : i32
    %dma_start3A_228 = tpu.memref_slice %arg20[%dma_start3A_226, %dma_start3A_227] : memref<10240x32xf32, #tpu.memory_space<vmem_shared>> -> memref<10240x32xf32, #tpu.memory_space<vmem_shared>>
    tpu.enqueue_indirect_dma source(%dma_start3A_228 : memref<10240x32xf32, #tpu.memory_space<vmem_shared>>) target(%arg18 : memref<80x32xf32, #tpu.memory_space<vmem>>) offsets(%dma_start3A_225 : memref<80xi32, #tpu.memory_space<vmem>>) semaphore(%arg31 : memref<!tpu.dma_semaphore, #tpu.memory_space<semaphore_mem>>)
    %scan3A_229 = arith.constant 0 : i32
    %scan3A_230 = arith.constant 0 : i32
    %scan3A_231 = arith.constant 25 : i32
    %scan3A_232 = arith.addi %scan3A_230, %scan3A_231 : i32
    %scan3A_233 = arith.constant 1 : i32
    scf.for %scan3A_298 = %scan3A_230 to %scan3A_232 step %scan3A_233  : i32 {
      %mul3A_299 = arith.constant 10 : i32
      %mul3A_300 = arith.muli %scan3A_298, %mul3A_299 : i32
      %add3A_301 = arith.constant 0 : i32
      %add3A_302 = arith.addi %mul3A_300, %add3A_301 : i32
      %dma_wait3A_303 = arith.constant 0 : i32
      %dma_wait3A_304 = arith.constant 0 : i32
      %dma_wait3A_305 = tpu.memref_slice %arg2[%dma_wait3A_303, %dma_wait3A_304] : memref<10000x128xf32, #tpu.memory_space<hbm>> -> memref<80x32xf32, #tpu.memory_space<hbm>>
      %dma_wait3A_306 = arith.constant 0 : i32
      %dma_wait3A_307 = arith.constant 0 : i32
      %dma_wait3A_308 = tpu.memref_slice %arg2[%dma_wait3A_306, %dma_wait3A_307] : memref<10000x128xf32, #tpu.memory_space<hbm>> -> memref<80x32xf32, #tpu.memory_space<hbm>>
      tpu.wait_dma2 semaphore(%arg22 : memref<!tpu.dma_semaphore, #tpu.memory_space<semaphore_mem>>) src(%dma_wait3A_308 : memref<80x32xf32, #tpu.memory_space<hbm>>) dst(%arg9 : memref<80x32xf32, #tpu.memory_space<vmem>>)
      %dma_start3A_309 = arith.constant 0 : i32
      %dma_start3A_310 = tpu.memref_slice %arg8[%add3A_302, %dma_start3A_309] : memref<250x80xi32, #tpu.memory_space<vmem>> -> memref<1x80xi32, #tpu.memory_space<vmem>>
      %dma_start3A_311 = tpu.memref_squeeze %dma_start3A_310 : memref<1x80xi32, #tpu.memory_space<vmem>> -> memref<80xi32, #tpu.memory_space<vmem>>
      %dma_start3A_312 = arith.constant 0 : i32
      %dma_start3A_313 = arith.constant 0 : i32
      %dma_start3A_314 = tpu.memref_slice %arg21[%dma_start3A_312, %dma_start3A_313] : memref<10240x32xf32, #tpu.memory_space<vmem_shared>> -> memref<10240x32xf32, #tpu.memory_space<vmem_shared>>
      tpu.enqueue_indirect_dma source(%arg9 : memref<80x32xf32, #tpu.memory_space<vmem>>) target(%dma_start3A_314 : memref<10240x32xf32, #tpu.memory_space<vmem_shared>>) offsets(%dma_start3A_311 : memref<80xi32, #tpu.memory_space<vmem>>) semaphore(%arg32 : memref<!tpu.dma_semaphore, #tpu.memory_space<semaphore_mem>>) {add = true}
      %add3A_315 = arith.constant 10 : i32
      %add3A_316 = arith.addi %add3A_302, %add3A_315 : i32
      %sub3A = arith.constant 1 : i32
      %sub3A_317 = arith.subi %add3A_316, %sub3A : i32
      %ge3A = arith.constant 1 : i32
      %ge3A_318 = arith.cmpi sge, %add3A_302, %ge3A : i32
      %lt3A = arith.constant 250 : i32
      %lt3A_319 = arith.cmpi slt, %sub3A_317, %lt3A : i32
      %and3A = arith.andi %ge3A_318, %lt3A_319 : i1
      %convert_element_type3A_320 = arith.extui %and3A : i1 to i32
      %cond3A_321 = arith.constant 0 : i32
      %cond3A_322 = arith.cmpi ne, %convert_element_type3A_320, %cond3A_321 : i32
      scf.if %cond3A_322 {
        %dma_wait3A_575 = arith.constant 0 : i32
        %dma_wait3A_576 = arith.constant 0 : i32
        %dma_wait3A_577 = tpu.memref_slice %arg2[%dma_wait3A_575, %dma_wait3A_576] : memref<10000x128xf32, #tpu.memory_space<hbm>> -> memref<80x32xf32, #tpu.memory_space<hbm>>
        %dma_wait3A_578 = arith.constant 0 : i32
        %dma_wait3A_579 = arith.constant 0 : i32
        %dma_wait3A_580 = tpu.memref_slice %arg2[%dma_wait3A_578, %dma_wait3A_579] : memref<10000x128xf32, #tpu.memory_space<hbm>> -> memref<80x32xf32, #tpu.memory_space<hbm>>
        tpu.wait_dma2 semaphore(%arg41 : memref<!tpu.dma_semaphore, #tpu.memory_space<semaphore_mem>>) src(%dma_wait3A_580 : memref<80x32xf32, #tpu.memory_space<hbm>>) dst(%arg18 : memref<80x32xf32, #tpu.memory_space<vmem>>)
        %dma_start3A_581 = arith.constant 0 : i32
        %dma_start3A_582 = tpu.memref_slice %arg7[%sub3A_317, %dma_start3A_581] : memref<250x80xi32, #tpu.memory_space<vmem>> -> memref<1x80xi32, #tpu.memory_space<vmem>>
        %dma_start3A_583 = tpu.memref_squeeze %dma_start3A_582 : memref<1x80xi32, #tpu.memory_space<vmem>> -> memref<80xi32, #tpu.memory_space<vmem>>
        %dma_start3A_584 = arith.constant 0 : i32
        %dma_start3A_585 = arith.constant 0 : i32
        %dma_start3A_586 = tpu.memref_slice %arg20[%dma_start3A_584, %dma_start3A_585] : memref<10240x32xf32, #tpu.memory_space<vmem_shared>> -> memref<10240x32xf32, #tpu.memory_space<vmem_shared>>
        tpu.enqueue_indirect_dma source(%dma_start3A_586 : memref<10240x32xf32, #tpu.memory_space<vmem_shared>>) target(%arg18 : memref<80x32xf32, #tpu.memory_space<vmem>>) offsets(%dma_start3A_583 : memref<80xi32, #tpu.memory_space<vmem>>) semaphore(%arg31 : memref<!tpu.dma_semaphore, #tpu.memory_space<semaphore_mem>>)
      } else {
      }
      %mul3A_323 = arith.constant 10 : i32
      %mul3A_324 = arith.muli %scan3A_298, %mul3A_323 : i32
      %add3A_325 = arith.constant 1 : i32
      %add3A_326 = arith.addi %mul3A_324, %add3A_325 : i32
      %dma_wait3A_327 = arith.constant 0 : i32
      %dma_wait3A_328 = arith.constant 0 : i32
      %dma_wait3A_329 = tpu.memref_slice %arg2[%dma_wait3A_327, %dma_wait3A_328] : memref<10000x128xf32, #tpu.memory_space<hbm>> -> memref<80x32xf32, #tpu.memory_space<hbm>>
      %dma_wait3A_330 = arith.constant 0 : i32
      %dma_wait3A_331 = arith.constant 0 : i32
      %dma_wait3A_332 = tpu.memref_slice %arg2[%dma_wait3A_330, %dma_wait3A_331] : memref<10000x128xf32, #tpu.memory_space<hbm>> -> memref<80x32xf32, #tpu.memory_space<hbm>>
      tpu.wait_dma2 semaphore(%arg23 : memref<!tpu.dma_semaphore, #tpu.memory_space<semaphore_mem>>) src(%dma_wait3A_332 : memref<80x32xf32, #tpu.memory_space<hbm>>) dst(%arg10 : memref<80x32xf32, #tpu.memory_space<vmem>>)
      %dma_start3A_333 = arith.constant 0 : i32
      %dma_start3A_334 = tpu.memref_slice %arg8[%add3A_326, %dma_start3A_333] : memref<250x80xi32, #tpu.memory_space<vmem>> -> memref<1x80xi32, #tpu.memory_space<vmem>>
      %dma_start3A_335 = tpu.memref_squeeze %dma_start3A_334 : memref<1x80xi32, #tpu.memory_space<vmem>> -> memref<80xi32, #tpu.memory_space<vmem>>
      %dma_start3A_336 = arith.constant 0 : i32
      %dma_start3A_337 = arith.constant 0 : i32
      %dma_start3A_338 = tpu.memref_slice %arg21[%dma_start3A_336, %dma_start3A_337] : memref<10240x32xf32, #tpu.memory_space<vmem_shared>> -> memref<10240x32xf32, #tpu.memory_space<vmem_shared>>
      tpu.enqueue_indirect_dma source(%arg10 : memref<80x32xf32, #tpu.memory_space<vmem>>) target(%dma_start3A_338 : memref<10240x32xf32, #tpu.memory_space<vmem_shared>>) offsets(%dma_start3A_335 : memref<80xi32, #tpu.memory_space<vmem>>) semaphore(%arg33 : memref<!tpu.dma_semaphore, #tpu.memory_space<semaphore_mem>>) {add = true}
      %add3A_339 = arith.constant 10 : i32
      %add3A_340 = arith.addi %add3A_326, %add3A_339 : i32
      %sub3A_341 = arith.constant 1 : i32
      %sub3A_342 = arith.subi %add3A_340, %sub3A_341 : i32
      %ge3A_343 = arith.constant 1 : i32
      %ge3A_344 = arith.cmpi sge, %add3A_326, %ge3A_343 : i32
      %lt3A_345 = arith.constant 250 : i32
      %lt3A_346 = arith.cmpi slt, %sub3A_342, %lt3A_345 : i32
      %and3A_347 = arith.andi %ge3A_344, %lt3A_346 : i1
      %convert_element_type3A_348 = arith.extui %and3A_347 : i1 to i32
      %cond3A_349 = arith.constant 0 : i32
      %cond3A_350 = arith.cmpi ne, %convert_element_type3A_348, %cond3A_349 : i32
      scf.if %cond3A_350 {
        %dma_wait3A_575 = arith.constant 0 : i32
        %dma_wait3A_576 = arith.constant 0 : i32
        %dma_wait3A_577 = tpu.memref_slice %arg2[%dma_wait3A_575, %dma_wait3A_576] : memref<10000x128xf32, #tpu.memory_space<hbm>> -> memref<80x32xf32, #tpu.memory_space<hbm>>
        %dma_wait3A_578 = arith.constant 0 : i32
        %dma_wait3A_579 = arith.constant 0 : i32
        %dma_wait3A_580 = tpu.memref_slice %arg2[%dma_wait3A_578, %dma_wait3A_579] : memref<10000x128xf32, #tpu.memory_space<hbm>> -> memref<80x32xf32, #tpu.memory_space<hbm>>
        tpu.wait_dma2 semaphore(%arg32 : memref<!tpu.dma_semaphore, #tpu.memory_space<semaphore_mem>>) src(%dma_wait3A_580 : memref<80x32xf32, #tpu.memory_space<hbm>>) dst(%arg9 : memref<80x32xf32, #tpu.memory_space<vmem>>)
        %dma_start3A_581 = arith.constant 0 : i32
        %dma_start3A_582 = tpu.memref_slice %arg7[%sub3A_342, %dma_start3A_581] : memref<250x80xi32, #tpu.memory_space<vmem>> -> memref<1x80xi32, #tpu.memory_space<vmem>>
        %dma_start3A_583 = tpu.memref_squeeze %dma_start3A_582 : memref<1x80xi32, #tpu.memory_space<vmem>> -> memref<80xi32, #tpu.memory_space<vmem>>
        %dma_start3A_584 = arith.constant 0 : i32
        %dma_start3A_585 = arith.constant 0 : i32
        %dma_start3A_586 = tpu.memref_slice %arg20[%dma_start3A_584, %dma_start3A_585] : memref<10240x32xf32, #tpu.memory_space<vmem_shared>> -> memref<10240x32xf32, #tpu.memory_space<vmem_shared>>
        tpu.enqueue_indirect_dma source(%dma_start3A_586 : memref<10240x32xf32, #tpu.memory_space<vmem_shared>>) target(%arg9 : memref<80x32xf32, #tpu.memory_space<vmem>>) offsets(%dma_start3A_583 : memref<80xi32, #tpu.memory_space<vmem>>) semaphore(%arg22 : memref<!tpu.dma_semaphore, #tpu.memory_space<semaphore_mem>>)
      } else {
      }
      %mul3A_351 = arith.constant 10 : i32
      %mul3A_352 = arith.muli %scan3A_298, %mul3A_351 : i32
      %add3A_353 = arith.constant 2 : i32
      %add3A_354 = arith.addi %mul3A_352, %add3A_353 : i32
      %dma_wait3A_355 = arith.constant 0 : i32
      %dma_wait3A_356 = arith.constant 0 : i32
      %dma_wait3A_357 = tpu.memref_slice %arg2[%dma_wait3A_355, %dma_wait3A_356] : memref<10000x128xf32, #tpu.memory_space<hbm>> -> memref<80x32xf32, #tpu.memory_space<hbm>>
      %dma_wait3A_358 = arith.constant 0 : i32
      %dma_wait3A_359 = arith.constant 0 : i32
      %dma_wait3A_360 = tpu.memref_slice %arg2[%dma_wait3A_358, %dma_wait3A_359] : memref<10000x128xf32, #tpu.memory_space<hbm>> -> memref<80x32xf32, #tpu.memory_space<hbm>>
      tpu.wait_dma2 semaphore(%arg24 : memref<!tpu.dma_semaphore, #tpu.memory_space<semaphore_mem>>) src(%dma_wait3A_360 : memref<80x32xf32, #tpu.memory_space<hbm>>) dst(%arg11 : memref<80x32xf32, #tpu.memory_space<vmem>>)
      %dma_start3A_361 = arith.constant 0 : i32
      %dma_start3A_362 = tpu.memref_slice %arg8[%add3A_354, %dma_start3A_361] : memref<250x80xi32, #tpu.memory_space<vmem>> -> memref<1x80xi32, #tpu.memory_space<vmem>>
      %dma_start3A_363 = tpu.memref_squeeze %dma_start3A_362 : memref<1x80xi32, #tpu.memory_space<vmem>> -> memref<80xi32, #tpu.memory_space<vmem>>
      %dma_start3A_364 = arith.constant 0 : i32
      %dma_start3A_365 = arith.constant 0 : i32
      %dma_start3A_366 = tpu.memref_slice %arg21[%dma_start3A_364, %dma_start3A_365] : memref<10240x32xf32, #tpu.memory_space<vmem_shared>> -> memref<10240x32xf32, #tpu.memory_space<vmem_shared>>
      tpu.enqueue_indirect_dma source(%arg11 : memref<80x32xf32, #tpu.memory_space<vmem>>) target(%dma_start3A_366 : memref<10240x32xf32, #tpu.memory_space<vmem_shared>>) offsets(%dma_start3A_363 : memref<80xi32, #tpu.memory_space<vmem>>) semaphore(%arg34 : memref<!tpu.dma_semaphore, #tpu.memory_space<semaphore_mem>>) {add = true}
      %add3A_367 = arith.constant 10 : i32
      %add3A_368 = arith.addi %add3A_354, %add3A_367 : i32
      %sub3A_369 = arith.constant 1 : i32
      %sub3A_370 = arith.subi %add3A_368, %sub3A_369 : i32
      %ge3A_371 = arith.constant 1 : i32
      %ge3A_372 = arith.cmpi sge, %add3A_354, %ge3A_371 : i32
      %lt3A_373 = arith.constant 250 : i32
      %lt3A_374 = arith.cmpi slt, %sub3A_370, %lt3A_373 : i32
      %and3A_375 = arith.andi %ge3A_372, %lt3A_374 : i1
      %convert_element_type3A_376 = arith.extui %and3A_375 : i1 to i32
      %cond3A_377 = arith.constant 0 : i32
      %cond3A_378 = arith.cmpi ne, %convert_element_type3A_376, %cond3A_377 : i32
      scf.if %cond3A_378 {
        %dma_wait3A_575 = arith.constant 0 : i32
        %dma_wait3A_576 = arith.constant 0 : i32
        %dma_wait3A_577 = tpu.memref_slice %arg2[%dma_wait3A_575, %dma_wait3A_576] : memref<10000x128xf32, #tpu.memory_space<hbm>> -> memref<80x32xf32, #tpu.memory_space<hbm>>
        %dma_wait3A_578 = arith.constant 0 : i32
        %dma_wait3A_579 = arith.constant 0 : i32
        %dma_wait3A_580 = tpu.memref_slice %arg2[%dma_wait3A_578, %dma_wait3A_579] : memref<10000x128xf32, #tpu.memory_space<hbm>> -> memref<80x32xf32, #tpu.memory_space<hbm>>
        tpu.wait_dma2 semaphore(%arg33 : memref<!tpu.dma_semaphore, #tpu.memory_space<semaphore_mem>>) src(%dma_wait3A_580 : memref<80x32xf32, #tpu.memory_space<hbm>>) dst(%arg10 : memref<80x32xf32, #tpu.memory_space<vmem>>)
        %dma_start3A_581 = arith.constant 0 : i32
        %dma_start3A_582 = tpu.memref_slice %arg7[%sub3A_370, %dma_start3A_581] : memref<250x80xi32, #tpu.memory_space<vmem>> -> memref<1x80xi32, #tpu.memory_space<vmem>>
        %dma_start3A_583 = tpu.memref_squeeze %dma_start3A_582 : memref<1x80xi32, #tpu.memory_space<vmem>> -> memref<80xi32, #tpu.memory_space<vmem>>
        %dma_start3A_584 = arith.constant 0 : i32
        %dma_start3A_585 = arith.constant 0 : i32
        %dma_start3A_586 = tpu.memref_slice %arg20[%dma_start3A_584, %dma_start3A_585] : memref<10240x32xf32, #tpu.memory_space<vmem_shared>> -> memref<10240x32xf32, #tpu.memory_space<vmem_shared>>
        tpu.enqueue_indirect_dma source(%dma_start3A_586 : memref<10240x32xf32, #tpu.memory_space<vmem_shared>>) target(%arg10 : memref<80x32xf32, #tpu.memory_space<vmem>>) offsets(%dma_start3A_583 : memref<80xi32, #tpu.memory_space<vmem>>) semaphore(%arg23 : memref<!tpu.dma_semaphore, #tpu.memory_space<semaphore_mem>>)
      } else {
      }
      %mul3A_379 = arith.constant 10 : i32
      %mul3A_380 = arith.muli %scan3A_298, %mul3A_379 : i32
      %add3A_381 = arith.constant 3 : i32
      %add3A_382 = arith.addi %mul3A_380, %add3A_381 : i32
      %dma_wait3A_383 = arith.constant 0 : i32
      %dma_wait3A_384 = arith.constant 0 : i32
      %dma_wait3A_385 = tpu.memref_slice %arg2[%dma_wait3A_383, %dma_wait3A_384] : memref<10000x128xf32, #tpu.memory_space<hbm>> -> memref<80x32xf32, #tpu.memory_space<hbm>>
      %dma_wait3A_386 = arith.constant 0 : i32
      %dma_wait3A_387 = arith.constant 0 : i32
      %dma_wait3A_388 = tpu.memref_slice %arg2[%dma_wait3A_386, %dma_wait3A_387] : memref<10000x128xf32, #tpu.memory_space<hbm>> -> memref<80x32xf32, #tpu.memory_space<hbm>>
      tpu.wait_dma2 semaphore(%arg25 : memref<!tpu.dma_semaphore, #tpu.memory_space<semaphore_mem>>) src(%dma_wait3A_388 : memref<80x32xf32, #tpu.memory_space<hbm>>) dst(%arg12 : memref<80x32xf32, #tpu.memory_space<vmem>>)
      %dma_start3A_389 = arith.constant 0 : i32
      %dma_start3A_390 = tpu.memref_slice %arg8[%add3A_382, %dma_start3A_389] : memref<250x80xi32, #tpu.memory_space<vmem>> -> memref<1x80xi32, #tpu.memory_space<vmem>>
      %dma_start3A_391 = tpu.memref_squeeze %dma_start3A_390 : memref<1x80xi32, #tpu.memory_space<vmem>> -> memref<80xi32, #tpu.memory_space<vmem>>
      %dma_start3A_392 = arith.constant 0 : i32
      %dma_start3A_393 = arith.constant 0 : i32
      %dma_start3A_394 = tpu.memref_slice %arg21[%dma_start3A_392, %dma_start3A_393] : memref<10240x32xf32, #tpu.memory_space<vmem_shared>> -> memref<10240x32xf32, #tpu.memory_space<vmem_shared>>
      tpu.enqueue_indirect_dma source(%arg12 : memref<80x32xf32, #tpu.memory_space<vmem>>) target(%dma_start3A_394 : memref<10240x32xf32, #tpu.memory_space<vmem_shared>>) offsets(%dma_start3A_391 : memref<80xi32, #tpu.memory_space<vmem>>) semaphore(%arg35 : memref<!tpu.dma_semaphore, #tpu.memory_space<semaphore_mem>>) {add = true}
      %add3A_395 = arith.constant 10 : i32
      %add3A_396 = arith.addi %add3A_382, %add3A_395 : i32
      %sub3A_397 = arith.constant 1 : i32
      %sub3A_398 = arith.subi %add3A_396, %sub3A_397 : i32
      %ge3A_399 = arith.constant 1 : i32
      %ge3A_400 = arith.cmpi sge, %add3A_382, %ge3A_399 : i32
      %lt3A_401 = arith.constant 250 : i32
      %lt3A_402 = arith.cmpi slt, %sub3A_398, %lt3A_401 : i32
      %and3A_403 = arith.andi %ge3A_400, %lt3A_402 : i1
      %convert_element_type3A_404 = arith.extui %and3A_403 : i1 to i32
      %cond3A_405 = arith.constant 0 : i32
      %cond3A_406 = arith.cmpi ne, %convert_element_type3A_404, %cond3A_405 : i32
      scf.if %cond3A_406 {
        %dma_wait3A_575 = arith.constant 0 : i32
        %dma_wait3A_576 = arith.constant 0 : i32
        %dma_wait3A_577 = tpu.memref_slice %arg2[%dma_wait3A_575, %dma_wait3A_576] : memref<10000x128xf32, #tpu.memory_space<hbm>> -> memref<80x32xf32, #tpu.memory_space<hbm>>
        %dma_wait3A_578 = arith.constant 0 : i32
        %dma_wait3A_579 = arith.constant 0 : i32
        %dma_wait3A_580 = tpu.memref_slice %arg2[%dma_wait3A_578, %dma_wait3A_579] : memref<10000x128xf32, #tpu.memory_space<hbm>> -> memref<80x32xf32, #tpu.memory_space<hbm>>
        tpu.wait_dma2 semaphore(%arg34 : memref<!tpu.dma_semaphore, #tpu.memory_space<semaphore_mem>>) src(%dma_wait3A_580 : memref<80x32xf32, #tpu.memory_space<hbm>>) dst(%arg11 : memref<80x32xf32, #tpu.memory_space<vmem>>)
        %dma_start3A_581 = arith.constant 0 : i32
        %dma_start3A_582 = tpu.memref_slice %arg7[%sub3A_398, %dma_start3A_581] : memref<250x80xi32, #tpu.memory_space<vmem>> -> memref<1x80xi32, #tpu.memory_space<vmem>>
        %dma_start3A_583 = tpu.memref_squeeze %dma_start3A_582 : memref<1x80xi32, #tpu.memory_space<vmem>> -> memref<80xi32, #tpu.memory_space<vmem>>
        %dma_start3A_584 = arith.constant 0 : i32
        %dma_start3A_585 = arith.constant 0 : i32
        %dma_start3A_586 = tpu.memref_slice %arg20[%dma_start3A_584, %dma_start3A_585] : memref<10240x32xf32, #tpu.memory_space<vmem_shared>> -> memref<10240x32xf32, #tpu.memory_space<vmem_shared>>
        tpu.enqueue_indirect_dma source(%dma_start3A_586 : memref<10240x32xf32, #tpu.memory_space<vmem_shared>>) target(%arg11 : memref<80x32xf32, #tpu.memory_space<vmem>>) offsets(%dma_start3A_583 : memref<80xi32, #tpu.memory_space<vmem>>) semaphore(%arg24 : memref<!tpu.dma_semaphore, #tpu.memory_space<semaphore_mem>>)
      } else {
      }
      %mul3A_407 = arith.constant 10 : i32
      %mul3A_408 = arith.muli %scan3A_298, %mul3A_407 : i32
      %add3A_409 = arith.constant 4 : i32
      %add3A_410 = arith.addi %mul3A_408, %add3A_409 : i32
      %dma_wait3A_411 = arith.constant 0 : i32
      %dma_wait3A_412 = arith.constant 0 : i32
      %dma_wait3A_413 = tpu.memref_slice %arg2[%dma_wait3A_411, %dma_wait3A_412] : memref<10000x128xf32, #tpu.memory_space<hbm>> -> memref<80x32xf32, #tpu.memory_space<hbm>>
      %dma_wait3A_414 = arith.constant 0 : i32
      %dma_wait3A_415 = arith.constant 0 : i32
      %dma_wait3A_416 = tpu.memref_slice %arg2[%dma_wait3A_414, %dma_wait3A_415] : memref<10000x128xf32, #tpu.memory_space<hbm>> -> memref<80x32xf32, #tpu.memory_space<hbm>>
      tpu.wait_dma2 semaphore(%arg26 : memref<!tpu.dma_semaphore, #tpu.memory_space<semaphore_mem>>) src(%dma_wait3A_416 : memref<80x32xf32, #tpu.memory_space<hbm>>) dst(%arg13 : memref<80x32xf32, #tpu.memory_space<vmem>>)
      %dma_start3A_417 = arith.constant 0 : i32
      %dma_start3A_418 = tpu.memref_slice %arg8[%add3A_410, %dma_start3A_417] : memref<250x80xi32, #tpu.memory_space<vmem>> -> memref<1x80xi32, #tpu.memory_space<vmem>>
      %dma_start3A_419 = tpu.memref_squeeze %dma_start3A_418 : memref<1x80xi32, #tpu.memory_space<vmem>> -> memref<80xi32, #tpu.memory_space<vmem>>
      %dma_start3A_420 = arith.constant 0 : i32
      %dma_start3A_421 = arith.constant 0 : i32
      %dma_start3A_422 = tpu.memref_slice %arg21[%dma_start3A_420, %dma_start3A_421] : memref<10240x32xf32, #tpu.memory_space<vmem_shared>> -> memref<10240x32xf32, #tpu.memory_space<vmem_shared>>
      tpu.enqueue_indirect_dma source(%arg13 : memref<80x32xf32, #tpu.memory_space<vmem>>) target(%dma_start3A_422 : memref<10240x32xf32, #tpu.memory_space<vmem_shared>>) offsets(%dma_start3A_419 : memref<80xi32, #tpu.memory_space<vmem>>) semaphore(%arg36 : memref<!tpu.dma_semaphore, #tpu.memory_space<semaphore_mem>>) {add = true}
      %add3A_423 = arith.constant 10 : i32
      %add3A_424 = arith.addi %add3A_410, %add3A_423 : i32
      %sub3A_425 = arith.constant 1 : i32
      %sub3A_426 = arith.subi %add3A_424, %sub3A_425 : i32
      %ge3A_427 = arith.constant 1 : i32
      %ge3A_428 = arith.cmpi sge, %add3A_410, %ge3A_427 : i32
      %lt3A_429 = arith.constant 250 : i32
      %lt3A_430 = arith.cmpi slt, %sub3A_426, %lt3A_429 : i32
      %and3A_431 = arith.andi %ge3A_428, %lt3A_430 : i1
      %convert_element_type3A_432 = arith.extui %and3A_431 : i1 to i32
      %cond3A_433 = arith.constant 0 : i32
      %cond3A_434 = arith.cmpi ne, %convert_element_type3A_432, %cond3A_433 : i32
      scf.if %cond3A_434 {
        %dma_wait3A_575 = arith.constant 0 : i32
        %dma_wait3A_576 = arith.constant 0 : i32
        %dma_wait3A_577 = tpu.memref_slice %arg2[%dma_wait3A_575, %dma_wait3A_576] : memref<10000x128xf32, #tpu.memory_space<hbm>> -> memref<80x32xf32, #tpu.memory_space<hbm>>
        %dma_wait3A_578 = arith.constant 0 : i32
        %dma_wait3A_579 = arith.constant 0 : i32
        %dma_wait3A_580 = tpu.memref_slice %arg2[%dma_wait3A_578, %dma_wait3A_579] : memref<10000x128xf32, #tpu.memory_space<hbm>> -> memref<80x32xf32, #tpu.memory_space<hbm>>
        tpu.wait_dma2 semaphore(%arg35 : memref<!tpu.dma_semaphore, #tpu.memory_space<semaphore_mem>>) src(%dma_wait3A_580 : memref<80x32xf32, #tpu.memory_space<hbm>>) dst(%arg12 : memref<80x32xf32, #tpu.memory_space<vmem>>)
        %dma_start3A_581 = arith.constant 0 : i32
        %dma_start3A_582 = tpu.memref_slice %arg7[%sub3A_426, %dma_start3A_581] : memref<250x80xi32, #tpu.memory_space<vmem>> -> memref<1x80xi32, #tpu.memory_space<vmem>>
        %dma_start3A_583 = tpu.memref_squeeze %dma_start3A_582 : memref<1x80xi32, #tpu.memory_space<vmem>> -> memref<80xi32, #tpu.memory_space<vmem>>
        %dma_start3A_584 = arith.constant 0 : i32
        %dma_start3A_585 = arith.constant 0 : i32
        %dma_start3A_586 = tpu.memref_slice %arg20[%dma_start3A_584, %dma_start3A_585] : memref<10240x32xf32, #tpu.memory_space<vmem_shared>> -> memref<10240x32xf32, #tpu.memory_space<vmem_shared>>
        tpu.enqueue_indirect_dma source(%dma_start3A_586 : memref<10240x32xf32, #tpu.memory_space<vmem_shared>>) target(%arg12 : memref<80x32xf32, #tpu.memory_space<vmem>>) offsets(%dma_start3A_583 : memref<80xi32, #tpu.memory_space<vmem>>) semaphore(%arg25 : memref<!tpu.dma_semaphore, #tpu.memory_space<semaphore_mem>>)
      } else {
      }
      %mul3A_435 = arith.constant 10 : i32
      %mul3A_436 = arith.muli %scan3A_298, %mul3A_435 : i32
      %add3A_437 = arith.constant 5 : i32
      %add3A_438 = arith.addi %mul3A_436, %add3A_437 : i32
      %dma_wait3A_439 = arith.constant 0 : i32
      %dma_wait3A_440 = arith.constant 0 : i32
      %dma_wait3A_441 = tpu.memref_slice %arg2[%dma_wait3A_439, %dma_wait3A_440] : memref<10000x128xf32, #tpu.memory_space<hbm>> -> memref<80x32xf32, #tpu.memory_space<hbm>>
      %dma_wait3A_442 = arith.constant 0 : i32
      %dma_wait3A_443 = arith.constant 0 : i32
      %dma_wait3A_444 = tpu.memref_slice %arg2[%dma_wait3A_442, %dma_wait3A_443] : memref<10000x128xf32, #tpu.memory_space<hbm>> -> memref<80x32xf32, #tpu.memory_space<hbm>>
      tpu.wait_dma2 semaphore(%arg27 : memref<!tpu.dma_semaphore, #tpu.memory_space<semaphore_mem>>) src(%dma_wait3A_444 : memref<80x32xf32, #tpu.memory_space<hbm>>) dst(%arg14 : memref<80x32xf32, #tpu.memory_space<vmem>>)
      %dma_start3A_445 = arith.constant 0 : i32
      %dma_start3A_446 = tpu.memref_slice %arg8[%add3A_438, %dma_start3A_445] : memref<250x80xi32, #tpu.memory_space<vmem>> -> memref<1x80xi32, #tpu.memory_space<vmem>>
      %dma_start3A_447 = tpu.memref_squeeze %dma_start3A_446 : memref<1x80xi32, #tpu.memory_space<vmem>> -> memref<80xi32, #tpu.memory_space<vmem>>
      %dma_start3A_448 = arith.constant 0 : i32
      %dma_start3A_449 = arith.constant 0 : i32
      %dma_start3A_450 = tpu.memref_slice %arg21[%dma_start3A_448, %dma_start3A_449] : memref<10240x32xf32, #tpu.memory_space<vmem_shared>> -> memref<10240x32xf32, #tpu.memory_space<vmem_shared>>
      tpu.enqueue_indirect_dma source(%arg14 : memref<80x32xf32, #tpu.memory_space<vmem>>) target(%dma_start3A_450 : memref<10240x32xf32, #tpu.memory_space<vmem_shared>>) offsets(%dma_start3A_447 : memref<80xi32, #tpu.memory_space<vmem>>) semaphore(%arg37 : memref<!tpu.dma_semaphore, #tpu.memory_space<semaphore_mem>>) {add = true}
      %add3A_451 = arith.constant 10 : i32
      %add3A_452 = arith.addi %add3A_438, %add3A_451 : i32
      %sub3A_453 = arith.constant 1 : i32
      %sub3A_454 = arith.subi %add3A_452, %sub3A_453 : i32
      %ge3A_455 = arith.constant 1 : i32
      %ge3A_456 = arith.cmpi sge, %add3A_438, %ge3A_455 : i32
      %lt3A_457 = arith.constant 250 : i32
      %lt3A_458 = arith.cmpi slt, %sub3A_454, %lt3A_457 : i32
      %and3A_459 = arith.andi %ge3A_456, %lt3A_458 : i1
      %convert_element_type3A_460 = arith.extui %and3A_459 : i1 to i32
      %cond3A_461 = arith.constant 0 : i32
      %cond3A_462 = arith.cmpi ne, %convert_element_type3A_460, %cond3A_461 : i32
      scf.if %cond3A_462 {
        %dma_wait3A_575 = arith.constant 0 : i32
        %dma_wait3A_576 = arith.constant 0 : i32
        %dma_wait3A_577 = tpu.memref_slice %arg2[%dma_wait3A_575, %dma_wait3A_576] : memref<10000x128xf32, #tpu.memory_space<hbm>> -> memref<80x32xf32, #tpu.memory_space<hbm>>
        %dma_wait3A_578 = arith.constant 0 : i32
        %dma_wait3A_579 = arith.constant 0 : i32
        %dma_wait3A_580 = tpu.memref_slice %arg2[%dma_wait3A_578, %dma_wait3A_579] : memref<10000x128xf32, #tpu.memory_space<hbm>> -> memref<80x32xf32, #tpu.memory_space<hbm>>
        tpu.wait_dma2 semaphore(%arg36 : memref<!tpu.dma_semaphore, #tpu.memory_space<semaphore_mem>>) src(%dma_wait3A_580 : memref<80x32xf32, #tpu.memory_space<hbm>>) dst(%arg13 : memref<80x32xf32, #tpu.memory_space<vmem>>)
        %dma_start3A_581 = arith.constant 0 : i32
        %dma_start3A_582 = tpu.memref_slice %arg7[%sub3A_454, %dma_start3A_581] : memref<250x80xi32, #tpu.memory_space<vmem>> -> memref<1x80xi32, #tpu.memory_space<vmem>>
        %dma_start3A_583 = tpu.memref_squeeze %dma_start3A_582 : memref<1x80xi32, #tpu.memory_space<vmem>> -> memref<80xi32, #tpu.memory_space<vmem>>
        %dma_start3A_584 = arith.constant 0 : i32
        %dma_start3A_585 = arith.constant 0 : i32
        %dma_start3A_586 = tpu.memref_slice %arg20[%dma_start3A_584, %dma_start3A_585] : memref<10240x32xf32, #tpu.memory_space<vmem_shared>> -> memref<10240x32xf32, #tpu.memory_space<vmem_shared>>
        tpu.enqueue_indirect_dma source(%dma_start3A_586 : memref<10240x32xf32, #tpu.memory_space<vmem_shared>>) target(%arg13 : memref<80x32xf32, #tpu.memory_space<vmem>>) offsets(%dma_start3A_583 : memref<80xi32, #tpu.memory_space<vmem>>) semaphore(%arg26 : memref<!tpu.dma_semaphore, #tpu.memory_space<semaphore_mem>>)
      } else {
      }
      %mul3A_463 = arith.constant 10 : i32
      %mul3A_464 = arith.muli %scan3A_298, %mul3A_463 : i32
      %add3A_465 = arith.constant 6 : i32
      %add3A_466 = arith.addi %mul3A_464, %add3A_465 : i32
      %dma_wait3A_467 = arith.constant 0 : i32
      %dma_wait3A_468 = arith.constant 0 : i32
      %dma_wait3A_469 = tpu.memref_slice %arg2[%dma_wait3A_467, %dma_wait3A_468] : memref<10000x128xf32, #tpu.memory_space<hbm>> -> memref<80x32xf32, #tpu.memory_space<hbm>>
      %dma_wait3A_470 = arith.constant 0 : i32
      %dma_wait3A_471 = arith.constant 0 : i32
      %dma_wait3A_472 = tpu.memref_slice %arg2[%dma_wait3A_470, %dma_wait3A_471] : memref<10000x128xf32, #tpu.memory_space<hbm>> -> memref<80x32xf32, #tpu.memory_space<hbm>>
      tpu.wait_dma2 semaphore(%arg28 : memref<!tpu.dma_semaphore, #tpu.memory_space<semaphore_mem>>) src(%dma_wait3A_472 : memref<80x32xf32, #tpu.memory_space<hbm>>) dst(%arg15 : memref<80x32xf32, #tpu.memory_space<vmem>>)
      %dma_start3A_473 = arith.constant 0 : i32
      %dma_start3A_474 = tpu.memref_slice %arg8[%add3A_466, %dma_start3A_473] : memref<250x80xi32, #tpu.memory_space<vmem>> -> memref<1x80xi32, #tpu.memory_space<vmem>>
      %dma_start3A_475 = tpu.memref_squeeze %dma_start3A_474 : memref<1x80xi32, #tpu.memory_space<vmem>> -> memref<80xi32, #tpu.memory_space<vmem>>
      %dma_start3A_476 = arith.constant 0 : i32
      %dma_start3A_477 = arith.constant 0 : i32
      %dma_start3A_478 = tpu.memref_slice %arg21[%dma_start3A_476, %dma_start3A_477] : memref<10240x32xf32, #tpu.memory_space<vmem_shared>> -> memref<10240x32xf32, #tpu.memory_space<vmem_shared>>
      tpu.enqueue_indirect_dma source(%arg15 : memref<80x32xf32, #tpu.memory_space<vmem>>) target(%dma_start3A_478 : memref<10240x32xf32, #tpu.memory_space<vmem_shared>>) offsets(%dma_start3A_475 : memref<80xi32, #tpu.memory_space<vmem>>) semaphore(%arg38 : memref<!tpu.dma_semaphore, #tpu.memory_space<semaphore_mem>>) {add = true}
      %add3A_479 = arith.constant 10 : i32
      %add3A_480 = arith.addi %add3A_466, %add3A_479 : i32
      %sub3A_481 = arith.constant 1 : i32
      %sub3A_482 = arith.subi %add3A_480, %sub3A_481 : i32
      %ge3A_483 = arith.constant 1 : i32
      %ge3A_484 = arith.cmpi sge, %add3A_466, %ge3A_483 : i32
      %lt3A_485 = arith.constant 250 : i32
      %lt3A_486 = arith.cmpi slt, %sub3A_482, %lt3A_485 : i32
      %and3A_487 = arith.andi %ge3A_484, %lt3A_486 : i1
      %convert_element_type3A_488 = arith.extui %and3A_487 : i1 to i32
      %cond3A_489 = arith.constant 0 : i32
      %cond3A_490 = arith.cmpi ne, %convert_element_type3A_488, %cond3A_489 : i32
      scf.if %cond3A_490 {
        %dma_wait3A_575 = arith.constant 0 : i32
        %dma_wait3A_576 = arith.constant 0 : i32
        %dma_wait3A_577 = tpu.memref_slice %arg2[%dma_wait3A_575, %dma_wait3A_576] : memref<10000x128xf32, #tpu.memory_space<hbm>> -> memref<80x32xf32, #tpu.memory_space<hbm>>
        %dma_wait3A_578 = arith.constant 0 : i32
        %dma_wait3A_579 = arith.constant 0 : i32
        %dma_wait3A_580 = tpu.memref_slice %arg2[%dma_wait3A_578, %dma_wait3A_579] : memref<10000x128xf32, #tpu.memory_space<hbm>> -> memref<80x32xf32, #tpu.memory_space<hbm>>
        tpu.wait_dma2 semaphore(%arg37 : memref<!tpu.dma_semaphore, #tpu.memory_space<semaphore_mem>>) src(%dma_wait3A_580 : memref<80x32xf32, #tpu.memory_space<hbm>>) dst(%arg14 : memref<80x32xf32, #tpu.memory_space<vmem>>)
        %dma_start3A_581 = arith.constant 0 : i32
        %dma_start3A_582 = tpu.memref_slice %arg7[%sub3A_482, %dma_start3A_581] : memref<250x80xi32, #tpu.memory_space<vmem>> -> memref<1x80xi32, #tpu.memory_space<vmem>>
        %dma_start3A_583 = tpu.memref_squeeze %dma_start3A_582 : memref<1x80xi32, #tpu.memory_space<vmem>> -> memref<80xi32, #tpu.memory_space<vmem>>
        %dma_start3A_584 = arith.constant 0 : i32
        %dma_start3A_585 = arith.constant 0 : i32
        %dma_start3A_586 = tpu.memref_slice %arg20[%dma_start3A_584, %dma_start3A_585] : memref<10240x32xf32, #tpu.memory_space<vmem_shared>> -> memref<10240x32xf32, #tpu.memory_space<vmem_shared>>
        tpu.enqueue_indirect_dma source(%dma_start3A_586 : memref<10240x32xf32, #tpu.memory_space<vmem_shared>>) target(%arg14 : memref<80x32xf32, #tpu.memory_space<vmem>>) offsets(%dma_start3A_583 : memref<80xi32, #tpu.memory_space<vmem>>) semaphore(%arg27 : memref<!tpu.dma_semaphore, #tpu.memory_space<semaphore_mem>>)
      } else {
      }
      %mul3A_491 = arith.constant 10 : i32
      %mul3A_492 = arith.muli %scan3A_298, %mul3A_491 : i32
      %add3A_493 = arith.constant 7 : i32
      %add3A_494 = arith.addi %mul3A_492, %add3A_493 : i32
      %dma_wait3A_495 = arith.constant 0 : i32
      %dma_wait3A_496 = arith.constant 0 : i32
      %dma_wait3A_497 = tpu.memref_slice %arg2[%dma_wait3A_495, %dma_wait3A_496] : memref<10000x128xf32, #tpu.memory_space<hbm>> -> memref<80x32xf32, #tpu.memory_space<hbm>>
      %dma_wait3A_498 = arith.constant 0 : i32
      %dma_wait3A_499 = arith.constant 0 : i32
      %dma_wait3A_500 = tpu.memref_slice %arg2[%dma_wait3A_498, %dma_wait3A_499] : memref<10000x128xf32, #tpu.memory_space<hbm>> -> memref<80x32xf32, #tpu.memory_space<hbm>>
      tpu.wait_dma2 semaphore(%arg29 : memref<!tpu.dma_semaphore, #tpu.memory_space<semaphore_mem>>) src(%dma_wait3A_500 : memref<80x32xf32, #tpu.memory_space<hbm>>) dst(%arg16 : memref<80x32xf32, #tpu.memory_space<vmem>>)
      %dma_start3A_501 = arith.constant 0 : i32
      %dma_start3A_502 = tpu.memref_slice %arg8[%add3A_494, %dma_start3A_501] : memref<250x80xi32, #tpu.memory_space<vmem>> -> memref<1x80xi32, #tpu.memory_space<vmem>>
      %dma_start3A_503 = tpu.memref_squeeze %dma_start3A_502 : memref<1x80xi32, #tpu.memory_space<vmem>> -> memref<80xi32, #tpu.memory_space<vmem>>
      %dma_start3A_504 = arith.constant 0 : i32
      %dma_start3A_505 = arith.constant 0 : i32
      %dma_start3A_506 = tpu.memref_slice %arg21[%dma_start3A_504, %dma_start3A_505] : memref<10240x32xf32, #tpu.memory_space<vmem_shared>> -> memref<10240x32xf32, #tpu.memory_space<vmem_shared>>
      tpu.enqueue_indirect_dma source(%arg16 : memref<80x32xf32, #tpu.memory_space<vmem>>) target(%dma_start3A_506 : memref<10240x32xf32, #tpu.memory_space<vmem_shared>>) offsets(%dma_start3A_503 : memref<80xi32, #tpu.memory_space<vmem>>) semaphore(%arg39 : memref<!tpu.dma_semaphore, #tpu.memory_space<semaphore_mem>>) {add = true}
      %add3A_507 = arith.constant 10 : i32
      %add3A_508 = arith.addi %add3A_494, %add3A_507 : i32
      %sub3A_509 = arith.constant 1 : i32
      %sub3A_510 = arith.subi %add3A_508, %sub3A_509 : i32
      %ge3A_511 = arith.constant 1 : i32
      %ge3A_512 = arith.cmpi sge, %add3A_494, %ge3A_511 : i32
      %lt3A_513 = arith.constant 250 : i32
      %lt3A_514 = arith.cmpi slt, %sub3A_510, %lt3A_513 : i32
      %and3A_515 = arith.andi %ge3A_512, %lt3A_514 : i1
      %convert_element_type3A_516 = arith.extui %and3A_515 : i1 to i32
      %cond3A_517 = arith.constant 0 : i32
      %cond3A_518 = arith.cmpi ne, %convert_element_type3A_516, %cond3A_517 : i32
      scf.if %cond3A_518 {
        %dma_wait3A_575 = arith.constant 0 : i32
        %dma_wait3A_576 = arith.constant 0 : i32
        %dma_wait3A_577 = tpu.memref_slice %arg2[%dma_wait3A_575, %dma_wait3A_576] : memref<10000x128xf32, #tpu.memory_space<hbm>> -> memref<80x32xf32, #tpu.memory_space<hbm>>
        %dma_wait3A_578 = arith.constant 0 : i32
        %dma_wait3A_579 = arith.constant 0 : i32
        %dma_wait3A_580 = tpu.memref_slice %arg2[%dma_wait3A_578, %dma_wait3A_579] : memref<10000x128xf32, #tpu.memory_space<hbm>> -> memref<80x32xf32, #tpu.memory_space<hbm>>
        tpu.wait_dma2 semaphore(%arg38 : memref<!tpu.dma_semaphore, #tpu.memory_space<semaphore_mem>>) src(%dma_wait3A_580 : memref<80x32xf32, #tpu.memory_space<hbm>>) dst(%arg15 : memref<80x32xf32, #tpu.memory_space<vmem>>)
        %dma_start3A_581 = arith.constant 0 : i32
        %dma_start3A_582 = tpu.memref_slice %arg7[%sub3A_510, %dma_start3A_581] : memref<250x80xi32, #tpu.memory_space<vmem>> -> memref<1x80xi32, #tpu.memory_space<vmem>>
        %dma_start3A_583 = tpu.memref_squeeze %dma_start3A_582 : memref<1x80xi32, #tpu.memory_space<vmem>> -> memref<80xi32, #tpu.memory_space<vmem>>
        %dma_start3A_584 = arith.constant 0 : i32
        %dma_start3A_585 = arith.constant 0 : i32
        %dma_start3A_586 = tpu.memref_slice %arg20[%dma_start3A_584, %dma_start3A_585] : memref<10240x32xf32, #tpu.memory_space<vmem_shared>> -> memref<10240x32xf32, #tpu.memory_space<vmem_shared>>
        tpu.enqueue_indirect_dma source(%dma_start3A_586 : memref<10240x32xf32, #tpu.memory_space<vmem_shared>>) target(%arg15 : memref<80x32xf32, #tpu.memory_space<vmem>>) offsets(%dma_start3A_583 : memref<80xi32, #tpu.memory_space<vmem>>) semaphore(%arg28 : memref<!tpu.dma_semaphore, #tpu.memory_space<semaphore_mem>>)
      } else {
      }
      %mul3A_519 = arith.constant 10 : i32
      %mul3A_520 = arith.muli %scan3A_298, %mul3A_519 : i32
      %add3A_521 = arith.constant 8 : i32
      %add3A_522 = arith.addi %mul3A_520, %add3A_521 : i32
      %dma_wait3A_523 = arith.constant 0 : i32
      %dma_wait3A_524 = arith.constant 0 : i32
      %dma_wait3A_525 = tpu.memref_slice %arg2[%dma_wait3A_523, %dma_wait3A_524] : memref<10000x128xf32, #tpu.memory_space<hbm>> -> memref<80x32xf32, #tpu.memory_space<hbm>>
      %dma_wait3A_526 = arith.constant 0 : i32
      %dma_wait3A_527 = arith.constant 0 : i32
      %dma_wait3A_528 = tpu.memref_slice %arg2[%dma_wait3A_526, %dma_wait3A_527] : memref<10000x128xf32, #tpu.memory_space<hbm>> -> memref<80x32xf32, #tpu.memory_space<hbm>>
      tpu.wait_dma2 semaphore(%arg30 : memref<!tpu.dma_semaphore, #tpu.memory_space<semaphore_mem>>) src(%dma_wait3A_528 : memref<80x32xf32, #tpu.memory_space<hbm>>) dst(%arg17 : memref<80x32xf32, #tpu.memory_space<vmem>>)
      %dma_start3A_529 = arith.constant 0 : i32
      %dma_start3A_530 = tpu.memref_slice %arg8[%add3A_522, %dma_start3A_529] : memref<250x80xi32, #tpu.memory_space<vmem>> -> memref<1x80xi32, #tpu.memory_space<vmem>>
      %dma_start3A_531 = tpu.memref_squeeze %dma_start3A_530 : memref<1x80xi32, #tpu.memory_space<vmem>> -> memref<80xi32, #tpu.memory_space<vmem>>
      %dma_start3A_532 = arith.constant 0 : i32
      %dma_start3A_533 = arith.constant 0 : i32
      %dma_start3A_534 = tpu.memref_slice %arg21[%dma_start3A_532, %dma_start3A_533] : memref<10240x32xf32, #tpu.memory_space<vmem_shared>> -> memref<10240x32xf32, #tpu.memory_space<vmem_shared>>
      tpu.enqueue_indirect_dma source(%arg17 : memref<80x32xf32, #tpu.memory_space<vmem>>) target(%dma_start3A_534 : memref<10240x32xf32, #tpu.memory_space<vmem_shared>>) offsets(%dma_start3A_531 : memref<80xi32, #tpu.memory_space<vmem>>) semaphore(%arg40 : memref<!tpu.dma_semaphore, #tpu.memory_space<semaphore_mem>>) {add = true}
      %add3A_535 = arith.constant 10 : i32
      %add3A_536 = arith.addi %add3A_522, %add3A_535 : i32
      %sub3A_537 = arith.constant 1 : i32
      %sub3A_538 = arith.subi %add3A_536, %sub3A_537 : i32
      %ge3A_539 = arith.constant 1 : i32
      %ge3A_540 = arith.cmpi sge, %add3A_522, %ge3A_539 : i32
      %lt3A_541 = arith.constant 250 : i32
      %lt3A_542 = arith.cmpi slt, %sub3A_538, %lt3A_541 : i32
      %and3A_543 = arith.andi %ge3A_540, %lt3A_542 : i1
      %convert_element_type3A_544 = arith.extui %and3A_543 : i1 to i32
      %cond3A_545 = arith.constant 0 : i32
      %cond3A_546 = arith.cmpi ne, %convert_element_type3A_544, %cond3A_545 : i32
      scf.if %cond3A_546 {
        %dma_wait3A_575 = arith.constant 0 : i32
        %dma_wait3A_576 = arith.constant 0 : i32
        %dma_wait3A_577 = tpu.memref_slice %arg2[%dma_wait3A_575, %dma_wait3A_576] : memref<10000x128xf32, #tpu.memory_space<hbm>> -> memref<80x32xf32, #tpu.memory_space<hbm>>
        %dma_wait3A_578 = arith.constant 0 : i32
        %dma_wait3A_579 = arith.constant 0 : i32
        %dma_wait3A_580 = tpu.memref_slice %arg2[%dma_wait3A_578, %dma_wait3A_579] : memref<10000x128xf32, #tpu.memory_space<hbm>> -> memref<80x32xf32, #tpu.memory_space<hbm>>
        tpu.wait_dma2 semaphore(%arg39 : memref<!tpu.dma_semaphore, #tpu.memory_space<semaphore_mem>>) src(%dma_wait3A_580 : memref<80x32xf32, #tpu.memory_space<hbm>>) dst(%arg16 : memref<80x32xf32, #tpu.memory_space<vmem>>)
        %dma_start3A_581 = arith.constant 0 : i32
        %dma_start3A_582 = tpu.memref_slice %arg7[%sub3A_538, %dma_start3A_581] : memref<250x80xi32, #tpu.memory_space<vmem>> -> memref<1x80xi32, #tpu.memory_space<vmem>>
        %dma_start3A_583 = tpu.memref_squeeze %dma_start3A_582 : memref<1x80xi32, #tpu.memory_space<vmem>> -> memref<80xi32, #tpu.memory_space<vmem>>
        %dma_start3A_584 = arith.constant 0 : i32
        %dma_start3A_585 = arith.constant 0 : i32
        %dma_start3A_586 = tpu.memref_slice %arg20[%dma_start3A_584, %dma_start3A_585] : memref<10240x32xf32, #tpu.memory_space<vmem_shared>> -> memref<10240x32xf32, #tpu.memory_space<vmem_shared>>
        tpu.enqueue_indirect_dma source(%dma_start3A_586 : memref<10240x32xf32, #tpu.memory_space<vmem_shared>>) target(%arg16 : memref<80x32xf32, #tpu.memory_space<vmem>>) offsets(%dma_start3A_583 : memref<80xi32, #tpu.memory_space<vmem>>) semaphore(%arg29 : memref<!tpu.dma_semaphore, #tpu.memory_space<semaphore_mem>>)
      } else {
      }
      %mul3A_547 = arith.constant 10 : i32
      %mul3A_548 = arith.muli %scan3A_298, %mul3A_547 : i32
      %add3A_549 = arith.constant 9 : i32
      %add3A_550 = arith.addi %mul3A_548, %add3A_549 : i32
      %dma_wait3A_551 = arith.constant 0 : i32
      %dma_wait3A_552 = arith.constant 0 : i32
      %dma_wait3A_553 = tpu.memref_slice %arg2[%dma_wait3A_551, %dma_wait3A_552] : memref<10000x128xf32, #tpu.memory_space<hbm>> -> memref<80x32xf32, #tpu.memory_space<hbm>>
      %dma_wait3A_554 = arith.constant 0 : i32
      %dma_wait3A_555 = arith.constant 0 : i32
      %dma_wait3A_556 = tpu.memref_slice %arg2[%dma_wait3A_554, %dma_wait3A_555] : memref<10000x128xf32, #tpu.memory_space<hbm>> -> memref<80x32xf32, #tpu.memory_space<hbm>>
      tpu.wait_dma2 semaphore(%arg31 : memref<!tpu.dma_semaphore, #tpu.memory_space<semaphore_mem>>) src(%dma_wait3A_556 : memref<80x32xf32, #tpu.memory_space<hbm>>) dst(%arg18 : memref<80x32xf32, #tpu.memory_space<vmem>>)
      %dma_start3A_557 = arith.constant 0 : i32
      %dma_start3A_558 = tpu.memref_slice %arg8[%add3A_550, %dma_start3A_557] : memref<250x80xi32, #tpu.memory_space<vmem>> -> memref<1x80xi32, #tpu.memory_space<vmem>>
      %dma_start3A_559 = tpu.memref_squeeze %dma_start3A_558 : memref<1x80xi32, #tpu.memory_space<vmem>> -> memref<80xi32, #tpu.memory_space<vmem>>
      %dma_start3A_560 = arith.constant 0 : i32
      %dma_start3A_561 = arith.constant 0 : i32
      %dma_start3A_562 = tpu.memref_slice %arg21[%dma_start3A_560, %dma_start3A_561] : memref<10240x32xf32, #tpu.memory_space<vmem_shared>> -> memref<10240x32xf32, #tpu.memory_space<vmem_shared>>
      tpu.enqueue_indirect_dma source(%arg18 : memref<80x32xf32, #tpu.memory_space<vmem>>) target(%dma_start3A_562 : memref<10240x32xf32, #tpu.memory_space<vmem_shared>>) offsets(%dma_start3A_559 : memref<80xi32, #tpu.memory_space<vmem>>) semaphore(%arg41 : memref<!tpu.dma_semaphore, #tpu.memory_space<semaphore_mem>>) {add = true}
      %add3A_563 = arith.constant 10 : i32
      %add3A_564 = arith.addi %add3A_550, %add3A_563 : i32
      %sub3A_565 = arith.constant 1 : i32
      %sub3A_566 = arith.subi %add3A_564, %sub3A_565 : i32
      %ge3A_567 = arith.constant 1 : i32
      %ge3A_568 = arith.cmpi sge, %add3A_550, %ge3A_567 : i32
      %lt3A_569 = arith.constant 250 : i32
      %lt3A_570 = arith.cmpi slt, %sub3A_566, %lt3A_569 : i32
      %and3A_571 = arith.andi %ge3A_568, %lt3A_570 : i1
      %convert_element_type3A_572 = arith.extui %and3A_571 : i1 to i32
      %cond3A_573 = arith.constant 0 : i32
      %cond3A_574 = arith.cmpi ne, %convert_element_type3A_572, %cond3A_573 : i32
      scf.if %cond3A_574 {
        %dma_wait3A_575 = arith.constant 0 : i32
        %dma_wait3A_576 = arith.constant 0 : i32
        %dma_wait3A_577 = tpu.memref_slice %arg2[%dma_wait3A_575, %dma_wait3A_576] : memref<10000x128xf32, #tpu.memory_space<hbm>> -> memref<80x32xf32, #tpu.memory_space<hbm>>
        %dma_wait3A_578 = arith.constant 0 : i32
        %dma_wait3A_579 = arith.constant 0 : i32
        %dma_wait3A_580 = tpu.memref_slice %arg2[%dma_wait3A_578, %dma_wait3A_579] : memref<10000x128xf32, #tpu.memory_space<hbm>> -> memref<80x32xf32, #tpu.memory_space<hbm>>
        tpu.wait_dma2 semaphore(%arg40 : memref<!tpu.dma_semaphore, #tpu.memory_space<semaphore_mem>>) src(%dma_wait3A_580 : memref<80x32xf32, #tpu.memory_space<hbm>>) dst(%arg17 : memref<80x32xf32, #tpu.memory_space<vmem>>)
        %dma_start3A_581 = arith.constant 0 : i32
        %dma_start3A_582 = tpu.memref_slice %arg7[%sub3A_566, %dma_start3A_581] : memref<250x80xi32, #tpu.memory_space<vmem>> -> memref<1x80xi32, #tpu.memory_space<vmem>>
        %dma_start3A_583 = tpu.memref_squeeze %dma_start3A_582 : memref<1x80xi32, #tpu.memory_space<vmem>> -> memref<80xi32, #tpu.memory_space<vmem>>
        %dma_start3A_584 = arith.constant 0 : i32
        %dma_start3A_585 = arith.constant 0 : i32
        %dma_start3A_586 = tpu.memref_slice %arg20[%dma_start3A_584, %dma_start3A_585] : memref<10240x32xf32, #tpu.memory_space<vmem_shared>> -> memref<10240x32xf32, #tpu.memory_space<vmem_shared>>
        tpu.enqueue_indirect_dma source(%dma_start3A_586 : memref<10240x32xf32, #tpu.memory_space<vmem_shared>>) target(%arg17 : memref<80x32xf32, #tpu.memory_space<vmem>>) offsets(%dma_start3A_583 : memref<80xi32, #tpu.memory_space<vmem>>) semaphore(%arg30 : memref<!tpu.dma_semaphore, #tpu.memory_space<semaphore_mem>>)
      } else {
      }
    }
    %scan3A_234 = arith.constant 25 : i32
    %dma_wait3A_235 = arith.constant 0 : i32
    %dma_wait3A_236 = arith.constant 0 : i32
    %dma_wait3A_237 = tpu.memref_slice %arg2[%dma_wait3A_235, %dma_wait3A_236] : memref<10000x128xf32, #tpu.memory_space<hbm>> -> memref<80x32xf32, #tpu.memory_space<hbm>>
    %dma_wait3A_238 = arith.constant 0 : i32
    %dma_wait3A_239 = arith.constant 0 : i32
    %dma_wait3A_240 = tpu.memref_slice %arg2[%dma_wait3A_238, %dma_wait3A_239] : memref<10000x128xf32, #tpu.memory_space<hbm>> -> memref<80x32xf32, #tpu.memory_space<hbm>>
    tpu.wait_dma2 semaphore(%arg32 : memref<!tpu.dma_semaphore, #tpu.memory_space<semaphore_mem>>) src(%dma_wait3A_240 : memref<80x32xf32, #tpu.memory_space<hbm>>) dst(%arg9 : memref<80x32xf32, #tpu.memory_space<vmem>>)
    %dma_wait3A_241 = arith.constant 0 : i32
    %dma_wait3A_242 = arith.constant 0 : i32
    %dma_wait3A_243 = tpu.memref_slice %arg2[%dma_wait3A_241, %dma_wait3A_242] : memref<10000x128xf32, #tpu.memory_space<hbm>> -> memref<80x32xf32, #tpu.memory_space<hbm>>
    %dma_wait3A_244 = arith.constant 0 : i32
    %dma_wait3A_245 = arith.constant 0 : i32
    %dma_wait3A_246 = tpu.memref_slice %arg2[%dma_wait3A_244, %dma_wait3A_245] : memref<10000x128xf32, #tpu.memory_space<hbm>> -> memref<80x32xf32, #tpu.memory_space<hbm>>
    tpu.wait_dma2 semaphore(%arg33 : memref<!tpu.dma_semaphore, #tpu.memory_space<semaphore_mem>>) src(%dma_wait3A_246 : memref<80x32xf32, #tpu.memory_space<hbm>>) dst(%arg10 : memref<80x32xf32, #tpu.memory_space<vmem>>)
    %dma_wait3A_247 = arith.constant 0 : i32
    %dma_wait3A_248 = arith.constant 0 : i32
    %dma_wait3A_249 = tpu.memref_slice %arg2[%dma_wait3A_247, %dma_wait3A_248] : memref<10000x128xf32, #tpu.memory_space<hbm>> -> memref<80x32xf32, #tpu.memory_space<hbm>>
    %dma_wait3A_250 = arith.constant 0 : i32
    %dma_wait3A_251 = arith.constant 0 : i32
    %dma_wait3A_252 = tpu.memref_slice %arg2[%dma_wait3A_250, %dma_wait3A_251] : memref<10000x128xf32, #tpu.memory_space<hbm>> -> memref<80x32xf32, #tpu.memory_space<hbm>>
    tpu.wait_dma2 semaphore(%arg34 : memref<!tpu.dma_semaphore, #tpu.memory_space<semaphore_mem>>) src(%dma_wait3A_252 : memref<80x32xf32, #tpu.memory_space<hbm>>) dst(%arg11 : memref<80x32xf32, #tpu.memory_space<vmem>>)
    %dma_wait3A_253 = arith.constant 0 : i32
    %dma_wait3A_254 = arith.constant 0 : i32
    %dma_wait3A_255 = tpu.memref_slice %arg2[%dma_wait3A_253, %dma_wait3A_254] : memref<10000x128xf32, #tpu.memory_space<hbm>> -> memref<80x32xf32, #tpu.memory_space<hbm>>
    %dma_wait3A_256 = arith.constant 0 : i32
    %dma_wait3A_257 = arith.constant 0 : i32
    %dma_wait3A_258 = tpu.memref_slice %arg2[%dma_wait3A_256, %dma_wait3A_257] : memref<10000x128xf32, #tpu.memory_space<hbm>> -> memref<80x32xf32, #tpu.memory_space<hbm>>
    tpu.wait_dma2 semaphore(%arg35 : memref<!tpu.dma_semaphore, #tpu.memory_space<semaphore_mem>>) src(%dma_wait3A_258 : memref<80x32xf32, #tpu.memory_space<hbm>>) dst(%arg12 : memref<80x32xf32, #tpu.memory_space<vmem>>)
    %dma_wait3A_259 = arith.constant 0 : i32
    %dma_wait3A_260 = arith.constant 0 : i32
    %dma_wait3A_261 = tpu.memref_slice %arg2[%dma_wait3A_259, %dma_wait3A_260] : memref<10000x128xf32, #tpu.memory_space<hbm>> -> memref<80x32xf32, #tpu.memory_space<hbm>>
    %dma_wait3A_262 = arith.constant 0 : i32
    %dma_wait3A_263 = arith.constant 0 : i32
    %dma_wait3A_264 = tpu.memref_slice %arg2[%dma_wait3A_262, %dma_wait3A_263] : memref<10000x128xf32, #tpu.memory_space<hbm>> -> memref<80x32xf32, #tpu.memory_space<hbm>>
    tpu.wait_dma2 semaphore(%arg36 : memref<!tpu.dma_semaphore, #tpu.memory_space<semaphore_mem>>) src(%dma_wait3A_264 : memref<80x32xf32, #tpu.memory_space<hbm>>) dst(%arg13 : memref<80x32xf32, #tpu.memory_space<vmem>>)
    %dma_wait3A_265 = arith.constant 0 : i32
    %dma_wait3A_266 = arith.constant 0 : i32
    %dma_wait3A_267 = tpu.memref_slice %arg2[%dma_wait3A_265, %dma_wait3A_266] : memref<10000x128xf32, #tpu.memory_space<hbm>> -> memref<80x32xf32, #tpu.memory_space<hbm>>
    %dma_wait3A_268 = arith.constant 0 : i32
    %dma_wait3A_269 = arith.constant 0 : i32
    %dma_wait3A_270 = tpu.memref_slice %arg2[%dma_wait3A_268, %dma_wait3A_269] : memref<10000x128xf32, #tpu.memory_space<hbm>> -> memref<80x32xf32, #tpu.memory_space<hbm>>
    tpu.wait_dma2 semaphore(%arg37 : memref<!tpu.dma_semaphore, #tpu.memory_space<semaphore_mem>>) src(%dma_wait3A_270 : memref<80x32xf32, #tpu.memory_space<hbm>>) dst(%arg14 : memref<80x32xf32, #tpu.memory_space<vmem>>)
    %dma_wait3A_271 = arith.constant 0 : i32
    %dma_wait3A_272 = arith.constant 0 : i32
    %dma_wait3A_273 = tpu.memref_slice %arg2[%dma_wait3A_271, %dma_wait3A_272] : memref<10000x128xf32, #tpu.memory_space<hbm>> -> memref<80x32xf32, #tpu.memory_space<hbm>>
    %dma_wait3A_274 = arith.constant 0 : i32
    %dma_wait3A_275 = arith.constant 0 : i32
    %dma_wait3A_276 = tpu.memref_slice %arg2[%dma_wait3A_274, %dma_wait3A_275] : memref<10000x128xf32, #tpu.memory_space<hbm>> -> memref<80x32xf32, #tpu.memory_space<hbm>>
    tpu.wait_dma2 semaphore(%arg38 : memref<!tpu.dma_semaphore, #tpu.memory_space<semaphore_mem>>) src(%dma_wait3A_276 : memref<80x32xf32, #tpu.memory_space<hbm>>) dst(%arg15 : memref<80x32xf32, #tpu.memory_space<vmem>>)
    %dma_wait3A_277 = arith.constant 0 : i32
    %dma_wait3A_278 = arith.constant 0 : i32
    %dma_wait3A_279 = tpu.memref_slice %arg2[%dma_wait3A_277, %dma_wait3A_278] : memref<10000x128xf32, #tpu.memory_space<hbm>> -> memref<80x32xf32, #tpu.memory_space<hbm>>
    %dma_wait3A_280 = arith.constant 0 : i32
    %dma_wait3A_281 = arith.constant 0 : i32
    %dma_wait3A_282 = tpu.memref_slice %arg2[%dma_wait3A_280, %dma_wait3A_281] : memref<10000x128xf32, #tpu.memory_space<hbm>> -> memref<80x32xf32, #tpu.memory_space<hbm>>
    tpu.wait_dma2 semaphore(%arg39 : memref<!tpu.dma_semaphore, #tpu.memory_space<semaphore_mem>>) src(%dma_wait3A_282 : memref<80x32xf32, #tpu.memory_space<hbm>>) dst(%arg16 : memref<80x32xf32, #tpu.memory_space<vmem>>)
    %dma_wait3A_283 = arith.constant 0 : i32
    %dma_wait3A_284 = arith.constant 0 : i32
    %dma_wait3A_285 = tpu.memref_slice %arg2[%dma_wait3A_283, %dma_wait3A_284] : memref<10000x128xf32, #tpu.memory_space<hbm>> -> memref<80x32xf32, #tpu.memory_space<hbm>>
    %dma_wait3A_286 = arith.constant 0 : i32
    %dma_wait3A_287 = arith.constant 0 : i32
    %dma_wait3A_288 = tpu.memref_slice %arg2[%dma_wait3A_286, %dma_wait3A_287] : memref<10000x128xf32, #tpu.memory_space<hbm>> -> memref<80x32xf32, #tpu.memory_space<hbm>>
    tpu.wait_dma2 semaphore(%arg40 : memref<!tpu.dma_semaphore, #tpu.memory_space<semaphore_mem>>) src(%dma_wait3A_288 : memref<80x32xf32, #tpu.memory_space<hbm>>) dst(%arg17 : memref<80x32xf32, #tpu.memory_space<vmem>>)
    %dma_wait3A_289 = arith.constant 0 : i32
    %dma_wait3A_290 = arith.constant 0 : i32
    %dma_wait3A_291 = tpu.memref_slice %arg2[%dma_wait3A_289, %dma_wait3A_290] : memref<10000x128xf32, #tpu.memory_space<hbm>> -> memref<80x32xf32, #tpu.memory_space<hbm>>
    %dma_wait3A_292 = arith.constant 0 : i32
    %dma_wait3A_293 = arith.constant 0 : i32
    %dma_wait3A_294 = tpu.memref_slice %arg2[%dma_wait3A_292, %dma_wait3A_293] : memref<10000x128xf32, #tpu.memory_space<hbm>> -> memref<80x32xf32, #tpu.memory_space<hbm>>
    tpu.wait_dma2 semaphore(%arg41 : memref<!tpu.dma_semaphore, #tpu.memory_space<semaphore_mem>>) src(%dma_wait3A_294 : memref<80x32xf32, #tpu.memory_space<hbm>>) dst(%arg18 : memref<80x32xf32, #tpu.memory_space<vmem>>)
    %barrier3A_295 = arith.constant 0 : index
    tpu.barrier barrier_id(%barrier3A_295)
    "tpu.region"() ({
      %run_scoped3A_298 = tpu.sem_alloc : memref<!tpu.dma_semaphore, #tpu.memory_space<semaphore_mem>>
      %dma_start3A_299 = arith.constant 0 : i32
      %dma_start3A_300 = tpu.memref_slice %arg5[%add3A_155, %mul3A_0, %dma_start3A_299] : memref<4x10240x32xf32, #tpu.memory_space<hbm>> -> memref<1x640x32xf32, #tpu.memory_space<hbm>>
      %dma_start3A_301 = tpu.memref_squeeze %dma_start3A_300 : memref<1x640x32xf32, #tpu.memory_space<hbm>> -> memref<640x32xf32, #tpu.memory_space<hbm>>
      %dma_start3A_302 = arith.constant 0 : i32
      %dma_start3A_303 = tpu.memref_slice %arg21[%mul3A_0, %dma_start3A_302] : memref<10240x32xf32, #tpu.memory_space<vmem_shared>> -> memref<640x32xf32, #tpu.memory_space<vmem_shared>>
      tpu.enqueue_dma source(%dma_start3A_303 : memref<640x32xf32, #tpu.memory_space<vmem_shared>>) target(%dma_start3A_301 : memref<640x32xf32, #tpu.memory_space<hbm>>) target_semaphore(%run_scoped3A_298 : memref<!tpu.dma_semaphore, #tpu.memory_space<semaphore_mem>>)
      %dma_wait3A_304 = arith.constant 0 : i32
      %dma_wait3A_305 = tpu.memref_slice %arg5[%add3A_155, %mul3A_0, %dma_wait3A_304] : memref<4x10240x32xf32, #tpu.memory_space<hbm>> -> memref<1x640x32xf32, #tpu.memory_space<hbm>>
      %dma_wait3A_306 = tpu.memref_squeeze %dma_wait3A_305 : memref<1x640x32xf32, #tpu.memory_space<hbm>> -> memref<640x32xf32, #tpu.memory_space<hbm>>
      %dma_wait3A_307 = arith.constant 0 : i32
      %dma_wait3A_308 = tpu.memref_slice %arg21[%mul3A_0, %dma_wait3A_307] : memref<10240x32xf32, #tpu.memory_space<vmem_shared>> -> memref<640x32xf32, #tpu.memory_space<vmem_shared>>
      tpu.wait_dma2 semaphore(%run_scoped3A_298 : memref<!tpu.dma_semaphore, #tpu.memory_space<semaphore_mem>>) src(%dma_wait3A_308 : memref<640x32xf32, #tpu.memory_space<vmem_shared>>) dst(%dma_wait3A_306 : memref<640x32xf32, #tpu.memory_space<hbm>>)
      tpu.yield
    }) : () -> ()
    %eq3A = arith.constant 0 : i32
    %eq3A_296 = arith.cmpi eq, %arg0, %eq3A : i32
    %convert_element_type3A = arith.extui %eq3A_296 : i1 to i32
    %cond3A = arith.constant 0 : i32
    %cond3A_297 = arith.cmpi ne, %convert_element_type3A, %cond3A : i32
    scf.if %cond3A_297 {
      "tpu.region"() ({
        %run_scoped3A_298 = tpu.sem_alloc : memref<!tpu.dma_semaphore, #tpu.memory_space<semaphore_mem>>
        %dma_start3A_299 = arith.constant 0 : i32
        %dma_start3A_300 = tpu.memref_slice %arg6[%arg1, %dma_start3A_299] : memref<16x10240xf32, #tpu.memory_space<hbm>> -> memref<1x10240xf32, #tpu.memory_space<hbm>>
        %dma_start3A_301 = tpu.memref_squeeze %dma_start3A_300 : memref<1x10240xf32, #tpu.memory_space<hbm>> -> memref<10240xf32, #tpu.memory_space<hbm>>
        %dma_start3A_302 = arith.constant 0 : i32
        %dma_start3A_303 = tpu.memref_slice %arg6[%arg1, %dma_start3A_302] : memref<16x10240xf32, #tpu.memory_space<hbm>> -> memref<1x10240xf32, #tpu.memory_space<hbm>>
        %dma_start3A_304 = tpu.memref_squeeze %dma_start3A_303 : memref<1x10240xf32, #tpu.memory_space<hbm>> -> memref<10240xf32, #tpu.memory_space<hbm>>
        tpu.enqueue_dma source(%arg19 : memref<10240xf32, #tpu.memory_space<vmem>>) target(%dma_start3A_304 : memref<10240xf32, #tpu.memory_space<hbm>>) target_semaphore(%run_scoped3A_298 : memref<!tpu.dma_semaphore, #tpu.memory_space<semaphore_mem>>)
        %dma_wait3A_305 = arith.constant 0 : i32
        %dma_wait3A_306 = tpu.memref_slice %arg6[%arg1, %dma_wait3A_305] : memref<16x10240xf32, #tpu.memory_space<hbm>> -> memref<1x10240xf32, #tpu.memory_space<hbm>>
        %dma_wait3A_307 = tpu.memref_squeeze %dma_wait3A_306 : memref<1x10240xf32, #tpu.memory_space<hbm>> -> memref<10240xf32, #tpu.memory_space<hbm>>
        %dma_wait3A_308 = arith.constant 0 : i32
        %dma_wait3A_309 = tpu.memref_slice %arg6[%arg1, %dma_wait3A_308] : memref<16x10240xf32, #tpu.memory_space<hbm>> -> memref<1x10240xf32, #tpu.memory_space<hbm>>
        %dma_wait3A_310 = tpu.memref_squeeze %dma_wait3A_309 : memref<1x10240xf32, #tpu.memory_space<hbm>> -> memref<10240xf32, #tpu.memory_space<hbm>>
        tpu.wait_dma2 semaphore(%run_scoped3A_298 : memref<!tpu.dma_semaphore, #tpu.memory_space<semaphore_mem>>) src(%arg19 : memref<10240xf32, #tpu.memory_space<vmem>>) dst(%dma_wait3A_310 : memref<10240xf32, #tpu.memory_space<hbm>>)
        tpu.yield
      }) : () -> ()
    } else {
    }
    return
  }
}

module attributes {stable_mosaic.version = 14 : i64} {
  func.func @_tc_layer1_body(%arg0: i32, %arg1: memref<1024x128xf32, #tpu.memory_space<vmem>>, %arg2: memref<4x1024x32xf32, #tpu.memory_space<vmem>>, %arg3: memref<16x1024xf32, #tpu.memory_space<vmem>>, %arg4: memref<128x128xf32, #tpu.memory_space<vmem>>, %arg5: memref<128x128xf32, #tpu.memory_space<vmem>>, %arg6: memref<1x128xf32, #tpu.memory_space<vmem>>, %arg7: memref<1024x128xf32, #tpu.memory_space<vmem>>) attributes {dimension_semantics = [#tpu.dimension_semantics<arbitrary>], iteration_bounds = array<i64: 10>, scalar_prefetch = 0 : i64, scratch_operands = 0 : i64, tpu.core_type = #tpu.core_type<tc>, window_params = [{transform_indices = @transform_0, window_bounds = array<i64: 1024, 128>}, {transform_indices = @transform_1, window_bounds = array<i64: 4, 1024, 32>}, {transform_indices = @transform_2, window_bounds = array<i64: 16, 1024>}, {pipeline_mode = #tpu.pipeline_mode<synchronous>, transform_indices = @transform_3, window_bounds = array<i64: 128, 128>}, {pipeline_mode = #tpu.pipeline_mode<synchronous>, transform_indices = @transform_4, window_bounds = array<i64: 128, 128>}, {pipeline_mode = #tpu.pipeline_mode<synchronous>, transform_indices = @transform_5, window_bounds = array<i64: 1, 128>}, {transform_indices = @transform_6, window_bounds = array<i64: 1024, 128>}]} {
    %get3A = arith.constant 0 : index
    %get3A_0 = arith.constant 0 : index
    %get3A_1 = arith.constant 0 : index
    %get3A_2 = vector.load %arg2[%get3A, %get3A_0, %get3A_1] : memref<4x1024x32xf32, #tpu.memory_space<vmem>>, vector<1x1024x32xf32>
    %get3A_3 = vector.shape_cast %get3A_2 : vector<1x1024x32xf32> to vector<1024x32xf32>
    %get3A_4 = arith.constant 1 : index
    %get3A_5 = arith.constant 0 : index
    %get3A_6 = arith.constant 0 : index
    %get3A_7 = vector.load %arg2[%get3A_4, %get3A_5, %get3A_6] : memref<4x1024x32xf32, #tpu.memory_space<vmem>>, vector<1x1024x32xf32>
    %get3A_8 = vector.shape_cast %get3A_7 : vector<1x1024x32xf32> to vector<1024x32xf32>
    %get3A_9 = arith.constant 2 : index
    %get3A_10 = arith.constant 0 : index
    %get3A_11 = arith.constant 0 : index
    %get3A_12 = vector.load %arg2[%get3A_9, %get3A_10, %get3A_11] : memref<4x1024x32xf32, #tpu.memory_space<vmem>>, vector<1x1024x32xf32>
    %get3A_13 = vector.shape_cast %get3A_12 : vector<1x1024x32xf32> to vector<1024x32xf32>
    %get3A_14 = arith.constant 3 : index
    %get3A_15 = arith.constant 0 : index
    %get3A_16 = arith.constant 0 : index
    %get3A_17 = vector.load %arg2[%get3A_14, %get3A_15, %get3A_16] : memref<4x1024x32xf32, #tpu.memory_space<vmem>>, vector<1x1024x32xf32>
    %get3A_18 = vector.shape_cast %get3A_17 : vector<1x1024x32xf32> to vector<1024x32xf32>
    %concatenate3A = tpu.concatenate %get3A_3, %get3A_8, %get3A_13, %get3A_18 in 1 : vector<1024x32xf32>, vector<1024x32xf32>, vector<1024x32xf32>, vector<1024x32xf32> -> vector<1024x128xf32>
    %get3A_19 = arith.constant 0 : index
    %get3A_20 = arith.constant 0 : index
    %get3A_21 = vector.load %arg3[%get3A_19, %get3A_20] : memref<16x1024xf32, #tpu.memory_space<vmem>>, vector<16x1024xf32>
    %reduce_sum3A = arith.constant dense<0.000000e+00> : vector<1024xf32>
    %reduce_sum3A_22 = vector.multi_reduction <add>, %get3A_21, %reduce_sum3A [0] : vector<16x1024xf32> to vector<1024xf32>
    %broadcast_in_dim3A = vector.shape_cast %reduce_sum3A_22 : vector<1024xf32> to vector<1024x1xf32>
    %max3A = arith.constant 1.000000e+00 : f32
    %max3A_23 = vector.broadcast %max3A : f32 to vector<1024x1xf32>
    %max3A_24 = arith.maximumf %broadcast_in_dim3A, %max3A_23 : vector<1024x1xf32>
    %div3A = vector.broadcast %max3A_24 : vector<1024x1xf32> to vector<1024x128xf32>
    %div3A_25 = arith.divf %concatenate3A, %div3A : vector<1024x128xf32>
    %get3A_26 = arith.constant 0 : index
    %get3A_27 = arith.constant 0 : index
    %get3A_28 = vector.load %arg1[%get3A_26, %get3A_27] : memref<1024x128xf32, #tpu.memory_space<vmem>>, vector<1024x128xf32>
    %get3A_29 = arith.constant 0 : index
    %get3A_30 = arith.constant 0 : index
    %get3A_31 = vector.load %arg4[%get3A_29, %get3A_30] : memref<128x128xf32, #tpu.memory_space<vmem>>, vector<128x128xf32>
    %dot_general3A = arith.constant dense<0.000000e+00> : vector<1024x128xf32>
    %dot_general3A_32 = tpu.matmul %get3A_28, %get3A_31, %dot_general3A {dimension_numbers = #tpu.dot_dimension_numbers<[1], [0], [0], [1], [0, 0, 1, 1], [], []>, transpose_lhs_hint = false} : vector<1024x128xf32>, vector<128x128xf32>, vector<1024x128xf32> -> vector<1024x128xf32>
    %get3A_33 = arith.constant 0 : index
    %get3A_34 = arith.constant 0 : index
    %get3A_35 = vector.load %arg5[%get3A_33, %get3A_34] : memref<128x128xf32, #tpu.memory_space<vmem>>, vector<128x128xf32>
    %dot_general3A_36 = arith.constant dense<0.000000e+00> : vector<1024x128xf32>
    %dot_general3A_37 = tpu.matmul %div3A_25, %get3A_35, %dot_general3A_36 {dimension_numbers = #tpu.dot_dimension_numbers<[1], [0], [0], [1], [0, 0, 1, 1], [], []>, transpose_lhs_hint = false} : vector<1024x128xf32>, vector<128x128xf32>, vector<1024x128xf32> -> vector<1024x128xf32>
    %add3A = arith.addf %dot_general3A_32, %dot_general3A_37 : vector<1024x128xf32>
    %get3A_38 = arith.constant 0 : index
    %get3A_39 = arith.constant 0 : index
    %get3A_40 = vector.load %arg6[%get3A_38, %get3A_39] : memref<1x128xf32, #tpu.memory_space<vmem>>, vector<1x128xf32>
    %add3A_41 = vector.broadcast %get3A_40 : vector<1x128xf32> to vector<1024x128xf32>
    %add3A_42 = arith.addf %add3A, %add3A_41 : vector<1024x128xf32>
    %swap3A = arith.constant 0 : index
    %swap3A_43 = arith.constant 0 : index
    %swap3A_44 = vector.load %arg7[%swap3A, %swap3A_43] : memref<1024x128xf32, #tpu.memory_space<vmem>>, vector<1024x128xf32>
    tpu.vector_store %arg7[%swap3A, %swap3A_43], %add3A_42 {strides = array<i32>} : memref<1024x128xf32, #tpu.memory_space<vmem>>, vector<1024x128xf32>,
    return
  }
  func.func @transform_0(%arg0: i32) -> (i32, i32) {
    %c0_i32 = arith.constant 0 : i32
    %c0_i32_0 = arith.constant 0 : i32
    return %arg0, %c0_i32 : i32, i32
  }
  func.func @transform_1(%arg0: i32) -> (i32, i32, i32) {
    %c0_i32 = arith.constant 0 : i32
    %c0_i32_0 = arith.constant 0 : i32
    %c0_i32_1 = arith.constant 0 : i32
    return %c0_i32, %arg0, %c0_i32_0 : i32, i32, i32
  }
  func.func @transform_2(%arg0: i32) -> (i32, i32) {
    %c0_i32 = arith.constant 0 : i32
    %c0_i32_0 = arith.constant 0 : i32
    return %c0_i32, %arg0 : i32, i32
  }
  func.func @transform_3(%arg0: i32) -> (i32, i32) {
    %c0_i32 = arith.constant 0 : i32
    %c0_i32_0 = arith.constant 0 : i32
    %c0_i32_1 = arith.constant 0 : i32
    return %c0_i32, %c0_i32_0 : i32, i32
  }
  func.func @transform_4(%arg0: i32) -> (i32, i32) {
    %c0_i32 = arith.constant 0 : i32
    %c0_i32_0 = arith.constant 0 : i32
    %c0_i32_1 = arith.constant 0 : i32
    return %c0_i32, %c0_i32_0 : i32, i32
  }
  func.func @transform_5(%arg0: i32) -> (i32, i32) {
    %c0_i32 = arith.constant 0 : i32
    %c0_i32_0 = arith.constant 0 : i32
    %c0_i32_1 = arith.constant 0 : i32
    return %c0_i32, %c0_i32_0 : i32, i32
  }
  func.func @transform_6(%arg0: i32) -> (i32, i32) {
    %c0_i32 = arith.constant 0 : i32
    %c0_i32_0 = arith.constant 0 : i32
    return %arg0, %c0_i32 : i32, i32
  }
}

module attributes {stable_mosaic.version = 14 : i64} {
  func.func @_tc_layer2_body(%arg0: i32, %arg1: memref<1024x128xf32, #tpu.memory_space<vmem>>, %arg2: memref<4x1024x32xf32, #tpu.memory_space<vmem>>, %arg3: memref<16x1024xf32, #tpu.memory_space<vmem>>, %arg4: memref<128x128xf32, #tpu.memory_space<vmem>>, %arg5: memref<128x128xf32, #tpu.memory_space<vmem>>, %arg6: memref<1x128xf32, #tpu.memory_space<vmem>>, %arg7: memref<128x128xf32, #tpu.memory_space<vmem>>, %arg8: memref<1x128xf32, #tpu.memory_space<vmem>>, %arg9: memref<1024x128xf32, #tpu.memory_space<vmem>>) attributes {dimension_semantics = [#tpu.dimension_semantics<arbitrary>], iteration_bounds = array<i64: 10>, scalar_prefetch = 0 : i64, scratch_operands = 0 : i64, tpu.core_type = #tpu.core_type<tc>, window_params = [{transform_indices = @transform_0, window_bounds = array<i64: 1024, 128>}, {transform_indices = @transform_1, window_bounds = array<i64: 4, 1024, 32>}, {transform_indices = @transform_2, window_bounds = array<i64: 16, 1024>}, {pipeline_mode = #tpu.pipeline_mode<synchronous>, transform_indices = @transform_3, window_bounds = array<i64: 128, 128>}, {pipeline_mode = #tpu.pipeline_mode<synchronous>, transform_indices = @transform_4, window_bounds = array<i64: 128, 128>}, {pipeline_mode = #tpu.pipeline_mode<synchronous>, transform_indices = @transform_5, window_bounds = array<i64: 1, 128>}, {pipeline_mode = #tpu.pipeline_mode<synchronous>, transform_indices = @transform_6, window_bounds = array<i64: 128, 128>}, {pipeline_mode = #tpu.pipeline_mode<synchronous>, transform_indices = @transform_7, window_bounds = array<i64: 1, 128>}, {transform_indices = @transform_8, window_bounds = array<i64: 1024, 128>}]} {
    %get3A = arith.constant 0 : index
    %get3A_0 = arith.constant 0 : index
    %get3A_1 = arith.constant 0 : index
    %get3A_2 = vector.load %arg2[%get3A, %get3A_0, %get3A_1] : memref<4x1024x32xf32, #tpu.memory_space<vmem>>, vector<1x1024x32xf32>
    %get3A_3 = vector.shape_cast %get3A_2 : vector<1x1024x32xf32> to vector<1024x32xf32>
    %get3A_4 = arith.constant 1 : index
    %get3A_5 = arith.constant 0 : index
    %get3A_6 = arith.constant 0 : index
    %get3A_7 = vector.load %arg2[%get3A_4, %get3A_5, %get3A_6] : memref<4x1024x32xf32, #tpu.memory_space<vmem>>, vector<1x1024x32xf32>
    %get3A_8 = vector.shape_cast %get3A_7 : vector<1x1024x32xf32> to vector<1024x32xf32>
    %get3A_9 = arith.constant 2 : index
    %get3A_10 = arith.constant 0 : index
    %get3A_11 = arith.constant 0 : index
    %get3A_12 = vector.load %arg2[%get3A_9, %get3A_10, %get3A_11] : memref<4x1024x32xf32, #tpu.memory_space<vmem>>, vector<1x1024x32xf32>
    %get3A_13 = vector.shape_cast %get3A_12 : vector<1x1024x32xf32> to vector<1024x32xf32>
    %get3A_14 = arith.constant 3 : index
    %get3A_15 = arith.constant 0 : index
    %get3A_16 = arith.constant 0 : index
    %get3A_17 = vector.load %arg2[%get3A_14, %get3A_15, %get3A_16] : memref<4x1024x32xf32, #tpu.memory_space<vmem>>, vector<1x1024x32xf32>
    %get3A_18 = vector.shape_cast %get3A_17 : vector<1x1024x32xf32> to vector<1024x32xf32>
    %concatenate3A = tpu.concatenate %get3A_3, %get3A_8, %get3A_13, %get3A_18 in 1 : vector<1024x32xf32>, vector<1024x32xf32>, vector<1024x32xf32>, vector<1024x32xf32> -> vector<1024x128xf32>
    %get3A_19 = arith.constant 0 : index
    %get3A_20 = arith.constant 0 : index
    %get3A_21 = vector.load %arg3[%get3A_19, %get3A_20] : memref<16x1024xf32, #tpu.memory_space<vmem>>, vector<16x1024xf32>
    %reduce_sum3A = arith.constant dense<0.000000e+00> : vector<1024xf32>
    %reduce_sum3A_22 = vector.multi_reduction <add>, %get3A_21, %reduce_sum3A [0] : vector<16x1024xf32> to vector<1024xf32>
    %broadcast_in_dim3A = vector.shape_cast %reduce_sum3A_22 : vector<1024xf32> to vector<1024x1xf32>
    %max3A = arith.constant 1.000000e+00 : f32
    %max3A_23 = vector.broadcast %max3A : f32 to vector<1024x1xf32>
    %max3A_24 = arith.maximumf %broadcast_in_dim3A, %max3A_23 : vector<1024x1xf32>
    %div3A = vector.broadcast %max3A_24 : vector<1024x1xf32> to vector<1024x128xf32>
    %div3A_25 = arith.divf %concatenate3A, %div3A : vector<1024x128xf32>
    %get3A_26 = arith.constant 0 : index
    %get3A_27 = arith.constant 0 : index
    %get3A_28 = vector.load %arg1[%get3A_26, %get3A_27] : memref<1024x128xf32, #tpu.memory_space<vmem>>, vector<1024x128xf32>
    %get3A_29 = arith.constant 0 : index
    %get3A_30 = arith.constant 0 : index
    %get3A_31 = vector.load %arg4[%get3A_29, %get3A_30] : memref<128x128xf32, #tpu.memory_space<vmem>>, vector<128x128xf32>
    %dot_general3A = arith.constant dense<0.000000e+00> : vector<1024x128xf32>
    %dot_general3A_32 = tpu.matmul %get3A_28, %get3A_31, %dot_general3A {dimension_numbers = #tpu.dot_dimension_numbers<[1], [0], [0], [1], [0, 0, 1, 1], [], []>, transpose_lhs_hint = false} : vector<1024x128xf32>, vector<128x128xf32>, vector<1024x128xf32> -> vector<1024x128xf32>
    %get3A_33 = arith.constant 0 : index
    %get3A_34 = arith.constant 0 : index
    %get3A_35 = vector.load %arg5[%get3A_33, %get3A_34] : memref<128x128xf32, #tpu.memory_space<vmem>>, vector<128x128xf32>
    %dot_general3A_36 = arith.constant dense<0.000000e+00> : vector<1024x128xf32>
    %dot_general3A_37 = tpu.matmul %div3A_25, %get3A_35, %dot_general3A_36 {dimension_numbers = #tpu.dot_dimension_numbers<[1], [0], [0], [1], [0, 0, 1, 1], [], []>, transpose_lhs_hint = false} : vector<1024x128xf32>, vector<128x128xf32>, vector<1024x128xf32> -> vector<1024x128xf32>
    %add3A = arith.addf %dot_general3A_32, %dot_general3A_37 : vector<1024x128xf32>
    %get3A_38 = arith.constant 0 : index
    %get3A_39 = arith.constant 0 : index
    %get3A_40 = vector.load %arg6[%get3A_38, %get3A_39] : memref<1x128xf32, #tpu.memory_space<vmem>>, vector<1x128xf32>
    %add3A_41 = vector.broadcast %get3A_40 : vector<1x128xf32> to vector<1024x128xf32>
    %add3A_42 = arith.addf %add3A, %add3A_41 : vector<1024x128xf32>
    %get3A_43 = arith.constant 0 : index
    %get3A_44 = arith.constant 0 : index
    %get3A_45 = vector.load %arg7[%get3A_43, %get3A_44] : memref<128x128xf32, #tpu.memory_space<vmem>>, vector<128x128xf32>
    %dot_general3A_46 = arith.constant dense<0.000000e+00> : vector<1024x128xf32>
    %dot_general3A_47 = tpu.matmul %add3A_42, %get3A_45, %dot_general3A_46 {dimension_numbers = #tpu.dot_dimension_numbers<[1], [0], [0], [1], [0, 0, 1, 1], [], []>, transpose_lhs_hint = false} : vector<1024x128xf32>, vector<128x128xf32>, vector<1024x128xf32> -> vector<1024x128xf32>
    %get3A_48 = arith.constant 0 : index
    %get3A_49 = arith.constant 0 : index
    %get3A_50 = vector.load %arg8[%get3A_48, %get3A_49] : memref<1x128xf32, #tpu.memory_space<vmem>>, vector<1x128xf32>
    %add3A_51 = vector.broadcast %get3A_50 : vector<1x128xf32> to vector<1024x128xf32>
    %add3A_52 = arith.addf %dot_general3A_47, %add3A_51 : vector<1024x128xf32>
    %swap3A = arith.constant 0 : index
    %swap3A_53 = arith.constant 0 : index
    %swap3A_54 = vector.load %arg9[%swap3A, %swap3A_53] : memref<1024x128xf32, #tpu.memory_space<vmem>>, vector<1024x128xf32>
    tpu.vector_store %arg9[%swap3A, %swap3A_53], %add3A_52 {strides = array<i32>} : memref<1024x128xf32, #tpu.memory_space<vmem>>, vector<1024x128xf32>,
    return
  }
  func.func @transform_0(%arg0: i32) -> (i32, i32) {
    %c0_i32 = arith.constant 0 : i32
    %c0_i32_0 = arith.constant 0 : i32
    return %arg0, %c0_i32 : i32, i32
  }
  func.func @transform_1(%arg0: i32) -> (i32, i32, i32) {
    %c0_i32 = arith.constant 0 : i32
    %c0_i32_0 = arith.constant 0 : i32
    %c0_i32_1 = arith.constant 0 : i32
    return %c0_i32, %arg0, %c0_i32_0 : i32, i32, i32
  }
  func.func @transform_2(%arg0: i32) -> (i32, i32) {
    %c0_i32 = arith.constant 0 : i32
    %c0_i32_0 = arith.constant 0 : i32
    return %c0_i32, %arg0 : i32, i32
  }
  func.func @transform_3(%arg0: i32) -> (i32, i32) {
    %c0_i32 = arith.constant 0 : i32
    %c0_i32_0 = arith.constant 0 : i32
    %c0_i32_1 = arith.constant 0 : i32
    return %c0_i32, %c0_i32_0 : i32, i32
  }
  func.func @transform_4(%arg0: i32) -> (i32, i32) {
    %c0_i32 = arith.constant 0 : i32
    %c0_i32_0 = arith.constant 0 : i32
    %c0_i32_1 = arith.constant 0 : i32
    return %c0_i32, %c0_i32_0 : i32, i32
  }
  func.func @transform_5(%arg0: i32) -> (i32, i32) {
    %c0_i32 = arith.constant 0 : i32
    %c0_i32_0 = arith.constant 0 : i32
    %c0_i32_1 = arith.constant 0 : i32
    return %c0_i32, %c0_i32_0 : i32, i32
  }
  func.func @transform_6(%arg0: i32) -> (i32, i32) {
    %c0_i32 = arith.constant 0 : i32
    %c0_i32_0 = arith.constant 0 : i32
    %c0_i32_1 = arith.constant 0 : i32
    return %c0_i32, %c0_i32_0 : i32, i32
  }
  func.func @transform_7(%arg0: i32) -> (i32, i32) {
    %c0_i32 = arith.constant 0 : i32
    %c0_i32_0 = arith.constant 0 : i32
    %c0_i32_1 = arith.constant 0 : i32
    return %c0_i32, %c0_i32_0 : i32, i32
  }
  func.func @transform_8(%arg0: i32) -> (i32, i32) {
    %c0_i32 = arith.constant 0 : i32
    %c0_i32_0 = arith.constant 0 : i32
    return %arg0, %c0_i32 : i32, i32
  }
}

</mosaic_0001>

<sc_bundles>
// kernel: kernel.6.cloned.1.call-start
scs
__scs_entry_jumppad:
0x0: {  	(pc) =	sbr.rel $0x88, $3  }
0x1: {  	(tag) =	ssettag $0x0;
	lr =	simm.s32 $0x1  }
0x2: {  	[smem:$0x3F97] =	sst lr;
	_ =	strace $0xD0000000  }
0x3: {  	_ = 	snop  }
0x4: {  	_ = 	snop  }
0x5: {  	_ = 	snop  }
0x6: {  	_ = 	snop  }
0x7: {  	_ = 	snop  }
__scs_overlays_trampoline_lowered:
0x8: {  	[smem:$0x3FA6] =	sst s0  }
0x9: {  	[smem:$0x3FA7] =	sst s1  }
0xa: {  	[smem:$0x3FA8] =	sst s2  }
0xb: {  	[smem:$0x3FA9] =	sst s3  }
0xc: {  	[smem:$0x3FAA] =	sst s4  }
0xd: {  	[smem:$0x3FAB] =	sst s5  }
0xe: {  	[smem:$0x3FAC] =	sst s6  }
0xf: {  	[smem:$0x3FAD] =	sst s7  }
0x10: {  	[smem:$0x3FAE] =	sst s8  }
0x11: {  	[smem:$0x3FAF] =	sst s9;
	s0 =	simm.s32 @!p0 $0x0  }
0x12: {  	s1 =	sld [smem:$0x3F95];
	s0 =	simm.s32 @p0 $0x1  }
0x13: {  	[smem:$0x3FB0] =	sst s0;
	s0 =	simm.s32 @!p1 $0x0  }
0x14: {  	s2 =	sld [smem:$0x3F94];
	s0 =	simm.s32 @p1 $0x1  }
0x15: {  	[smem:$0x3FB1] =	sst s0;
	s0 =	simm.s32 @!p2 $0x0  }
0x16: {  	s3 =	sld [smem:$0x3FDB];
	s0 =	simm.s32 @p2 $0x1  }
0x17: {  	s4 =	simm.s32 $0x1BF5;
	[smem:$0x3FB3] =	sst s0  }
0x18: {  	s0 =	sld [smem:$0x3F96];
	_ =	swait.ge [sflag:s4], $0x0  }
0x19: {  	s7 =	sld [smem:$0x3F97]  }
0x1a: {  	s8 =	sadd.s32 $0xFFFFE003, lr  }
0x1b: {  	s9 =	sadd.s32 $0xFFFFFEF7, lr;
	s5 =	simm.s32 $0xFFFFFFFF;
	p2 =	slt.u32 s8, $0xFFFFF086  }
0x1c: {  	p1 =	slt.u32 s9, $0xF7A;
	s5 =	simm.s32 @!p2 $0x0  }
0x1d: {  	s5 =	simm.s32 @p1 $0x1;
	p0 =	seq.s32 s7, s2  }
0x1e: {  	s7 =	smul.u32 @!p0 $0xF7A, s2;
	p2 =	seq.s32 @!p0 s5, $0x0  }
0x1f: {  	s9 =	smul.u32 $0xF7A, s1;
	s8 =	simm.s32 @!p0 $0x1BF5;
	p2 =	por !p2, p0  }
0x20: {  	[sflag:s8] =	ssyncset.s32 @!p0 $0xFFFFF086;
	s6 =	sadd.s32 @!p0 s3, s7;
	s7 =	simm.s32 @!p0 $0x108  }
0x21: {  	s3 =	sadd.s32 s3, s9;
	s6 =	sadd.s32 @!p0 $0x88, s6;
	s7 =	simm.s32 @p2 $0x1082  }
0x22: {  	[simem:s7], [sflag:s8] =	dma.local @!p0 [hbm:s6], $0xF7A  }
0x23: {  	s9 =	sor.u32 $0xD0000000, s2;
	s6 =	simm.s32 $0x108;
	_ =	swait.ge @!p0 [sflag:s8], $0x0  }
0x24: {  	s3 =	sadd.s32 $0x88, s3;
	s6 =	simm.s32 @!p1 $0x1082;
	[sflag:s4] =	ssyncset.s32 $0xFFFFF086  }
0x25: {  	[simem:s6], [sflag:s4] =	dma.local [hbm:s3], $0xF7A  }
0x26: {  	[smem:$0x3F97] =	sst s1;
	(tag) =	ssettag s2;
	_ =	strace s9  }
0x27: {  	s1 =	sld [smem:$0x3FA7]  }
0x28: {  	s2 =	sld [smem:$0x3FA8]  }
0x29: {  	s4 =	sld [smem:$0x3FAA]  }
0x2a: {  	p0 =	seq.s32 s5, $0x0;
	s5 =	sld [smem:$0x3FAB]  }
0x2b: {  	s6 =	sld [smem:$0x3FAC]  }
0x2c: {  	s7 =	sld [smem:$0x3FAD]  }
0x2d: {  	s3 =	simm.s32 $0x108;
	s8 =	sld [smem:$0x3FAE]  }
0x2e: {  	s3 =	simm.s32 @!p0 $0x1082;
	s9 =	sld [smem:$0x3FAF]  }
0x2f: {  	lr =	sadd.s32 s0, s3;
	s0 =	sld [smem:$0x3FA6]  }
0x30: {  	s3 =	sld [smem:$0x3FA9]  }
0x31: {  	[smem:$0x3FB2] =	sst s10  }
0x32: {  	s10 =	sld [smem:$0x3FB0];
	_ =	sdelay $0x3  }
0x33: {  	p0 =	seq.s32 s10, $0x1;
	s10 =	sld [smem:$0x3FB2];
	_ =	sdelay $0x3  }
0x34: {  	[smem:$0x3FB2] =	sst s10  }
0x35: {  	s10 =	sld [smem:$0x3FB1];
	_ =	sdelay $0x3  }
0x36: {  	p1 =	seq.s32 s10, $0x1;
	s10 =	sld [smem:$0x3FB2];
	_ =	sdelay $0x3  }
0x37: {  	[smem:$0x3FB2] =	sst s10  }
0x38: {  	s10 =	sld [smem:$0x3FB3]  }
0x39: {  	_ = 	snop;
	(pc) =	sbr.ind lr, $3  }
0x3a: {  	_ = 	snop  }
0x3b: {  	_ = 	snop  }
0x3c: {  	p2 =	seq.s32 s10, $0x1;
	s10 =	sld [smem:$0x3FB2]  }
0x3d: {  	_ =	shalt  }
0x3e: {  	_ =	shalt  }
0x3f: {  	_ =	shalt  }
0x40: {  	_ =	shalt  }
0x41: {  	_ =	shalt  }
0x42: {  	_ =	shalt  }
0x43: {  	_ =	shalt  }
0x44: {  	_ =	shalt  }
0x45: {  	_ =	shalt  }
0x46: {  	_ =	shalt  }
0x47: {  	_ =	shalt  }
0x48: {  	_ =	shalt  }
0x49: {  	_ =	shalt  }
0x4a: {  	_ =	shalt  }
0x4b: {  	_ =	shalt  }
0x4c: {  	_ =	shalt  }
0x4d: {  	_ =	shalt  }
0x4e: {  	_ =	shalt  }
0x4f: {  	_ =	shalt  }
0x50: {  	_ =	shalt  }
0x51: {  	_ =	shalt  }
0x52: {  	_ =	shalt  }
0x53: {  	_ =	shalt  }
0x54: {  	_ =	shalt  }
0x55: {  	_ =	shalt  }
0x56: {  	_ =	shalt  }
0x57: {  	_ =	shalt  }
0x58: {  	_ =	shalt  }
0x59: {  	_ =	shalt  }
0x5a: {  	_ =	shalt  }
0x5b: {  	_ =	shalt  }
0x5c: {  	_ =	shalt  }
0x5d: {  	_ =	shalt  }
0x5e: {  	_ =	shalt  }
0x5f: {  	_ =	shalt  }
0x60: {  	_ =	shalt  }
0x61: {  	_ =	shalt  }
0x62: {  	_ =	shalt  }
0x63: {  	_ =	shalt  }
0x64: {  	_ =	shalt  }
0x65: {  	_ =	shalt  }
0x66: {  	_ =	shalt  }
0x67: {  	_ =	shalt  }
0x68: {  	_ =	shalt  }
0x69: {  	_ =	shalt  }
0x6a: {  	_ =	shalt  }
0x6b: {  	_ =	shalt  }
0x6c: {  	_ =	shalt  }
0x6d: {  	_ =	shalt  }
0x6e: {  	_ =	shalt  }
0x6f: {  	_ =	shalt  }
0x70: {  	_ =	shalt  }
0x71: {  	_ =	shalt  }
0x72: {  	_ =	shalt  }
0x73: {  	_ =	shalt  }
0x74: {  	_ =	shalt  }
0x75: {  	_ =	shalt  }
0x76: {  	_ =	shalt  }
0x77: {  	_ =	shalt  }
0x78: {  	_ =	shalt  }
0x79: {  	_ =	shalt  }
0x7a: {  	_ =	shalt  }
0x7b: {  	_ =	shalt  }
0x7c: {  	_ =	shalt  }
0x7d: {  	_ =	shalt  }
0x7e: {  	_ =	shalt  }
0x7f: {  	_ =	shalt  }
0x80: {  	_ =	shalt  }
0x81: {  	_ =	shalt  }
0x82: {  	_ =	shalt  }
0x83: {  	_ =	shalt  }
0x84: {  	_ =	shalt  }
0x85: {  	_ =	shalt  }
0x86: {  	_ =	shalt  }
0x87: {  	_ =	shalt  }
.Lfunc_end0:
.L_simem_size_0:
called_computation_lowered:
.L_overlay_start_0:
0x88: {  	s2 =	sld [smem:$0x3FD9]  }
0x89: {  	s3 =	sld [smem:$0x3FFE];
	_ =	sdelay $0x1  }
0x8a: {  	s1 =	srdreg.scid  }
0x8b: {  	s0 =	sand.u32 $0x1, s1  }
0x8c: {  	s17 =	sshll.u32 s0, $0xA;
	s2 =	sadd.s32 s3, s2  }
0x8d: {  	s2 =	sadd.s32 s2, s17  }
0x8e: {  	[smem:$0x3FBE] =	sst s2  }
0x8f: {  	_ = 	snop  }
0x90: {  	s2 =	sld [smem:$0x3FC9]  }
0x91: {  	s18 =	sld [smem:$0x3FD0];
	(tm) =	ssettm $0x1  }
0x92: {  	s4 =	sld [smem:$0x3FFB];
	_ =	sdelay $0x3  }
0x93: {  	_ =	strace s4  }
0x94: {  	s4 =	sld [smem:$0x3FFC];
	_ =	sdelay $0x3  }
0x95: {  	_ =	strace s4  }
0x96: {  	s4 =	sld [smem:$0x3FFD];
	_ =	sdelay $0x3  }
0x97: {  	_ =	strace s4  }
0x98: {  	_ =	strace $0x8FFFFFFF  }
0x99: {  	s19 =	sld [smem:$0x3FDB];
	_ =	sdelay $0x1  }
0x9a: {  	s5 =	simm.s32 $_scs_section_size  }
0x9b: {  	s6 =	simm.s32 $_size__tile_overlayer_lowered;
	s7 =	simm.s32 $_tile_overlayer_lowered  }
0x9c: {  	s22 =	simm.s32 $0x1BFF;
	s21 =	sshll.u32 s7, $0x1;
	s4 =	sadd.s32 s5, s19  }
0x9d: {  	s8 =	simm.s32 $0x0;
	s20 =	sshll.u32 s6, $0x1;
	s6 =	sadd.s32 s21, s4  }
0x9e: {  	[timem:s8], [sflag:s22] =	dma.local [hbm:s6], s20  }
0x9f: {  	_ =	swait.ge [sflag:s22], s20  }
0xa0: {  	s5 =	ssub.s32 $0x0, s20;
	[sflag:s22] =	ssyncset.done $0x0  }
0xa1: {  	[sflag:s22] =	ssyncadd.s32 s5;
	_ =	sdelay $0x1  }
0xa2: {  	s23 =	simm.s32 $0x1B8B  }
0xa3: {  	_ =	swait.ge [sflag:s23], $0x1  }
0xa4: {  	[sflag:s23] =	ssyncset.done $0x0  }
0xa5: {  	s25 =	simm.s32 $0x1B8E;
	s24 =	sld [smem:$0x3FFE];
	[sflag:s23] =	ssyncadd.s32 $0xFFFFFFFF  }
0xa6: {  	s26 =	simm.s32 $execute0_lowered;
	[smem:$0x3FD2] =	sst s25  }
0xa7: {  	s6 =	sshll.u32 s26, $0x1;
	_ =	strace $0x80000046;
	[dreg:$0x1] =	wrdreg $0xFFFFFFFF  }
0xa8: {  	s28 =	simm.s32 $_size_execute0_lowered;
	s4 =	sadd.s32 s4, s6;
	[dreg:$0x0] =	wrdreg $0x0  }
0xa9: {  	s6 =	sshll.u32 s28, $0x1;
	[dreg:$0x2] =	wrdreg s4  }
0xaa: {  	[dreg:$0x3] =	wrdreg s6  }
0xab: {  	[dreg:$0x4] =	wrdreg $0xC0  }
0xac: {  	_ =	task [dreg:s8], $0x5FFFF  }
0xad: {  	[dreg:$0x1] =	wrdreg $0xFFFFFFFF  }
0xae: {  	[dreg:$0x0] =	wrdreg $0x60  }
0xaf: {  	[dreg:$0x2] =	wrdreg s2  }
0xb0: {  	[dreg:$0x3] =	wrdreg s24  }
0xb1: {  	[dreg:$0x4] =	wrdreg s18  }
0xb2: {  	[dreg:$0x5] =	wrdreg $0x128400  }
0xb3: {  	[dreg:$0x6] =	wrdreg $0x178400  }
0xb4: {  	[dreg:$0x7] =	wrdreg $0x9  }
0xb5: {  	_ =	task.clear_ibuf [dreg:s8], $0x8FFFF;
	_ =	strace $0x90000046  }
0xb6: {  	s29 =	simm.s32 $0x9;
	_ =	strace $0x80000048  }
0xb7: {  	_ =	swait.ge [sflag:s29], $0x1  }
0xb8: {  	[sflag:s29] =	ssyncadd.s32 $0xFFFFFFFF  }
0xb9: {  	_ =	strace $0x90000048  }
0xba: {  	_ =	sfence  }
0xbb: {  	s30 =	sld [smem:$0x0];
	_ =	sdelay $0x2  }
0xbc: {  	s31 =	sshll.u32 s1, $0xD;
	s1 =	sshrl.u32 s1, $0x2  }
0xbd: {  	s3 =	sand.u32 $0x4000, s31;
	s1 =	sadd.s32 s1, s30  }
0xbe: {  	s0 =	sor.u32 s3, s0;
	s1 =	sshll.u32 s1, $0x11  }
0xbf: {  	s0 =	sor.u32 s1, s0  }
0xc0: {  	s0 =	sadd.s32 $0x8F2B, s0  }
0xc1: {  	[sflag:s0] =	ssyncadd.remote.s32 $0x1  }
0xc2: {  	_ =	sfence.sel $0xFFFF  }
0xc3: {  	[dreg:$0x0] =	wrdreg $0xFFFFFFFF;
	(pc) =	sbr.abs _section_cstart, $3  }
0xc4: {  	[dreg:$0x1] =	wrdreg $0xFFFFFFFF  }
0xc5: {  	_ =	task.clear_ibuf [dreg:s8], $0x2FFFF;
	_ =	strace $0x9FFFFFFF  }
0xc6: {  	(tm) =	ssettm $0x7FFFFFFF  }
0xc7: {  	_ =	shalt  }
tec
execute0_lowered:
.L_overlay_start_1:
0x0: {  	(tag) =	ssettag $0x1  }
0x1: {  	s0 =	rddreg [dreg:$0x0]  }
0x2: {  	s1 =	rddreg [dreg:$0x1]  }
0x3: {  	s4 =	rddreg [dreg:$0x2]  }
0x4: {  	s2 =	rddreg [dreg:$0x3]  }
0x5: {  	s3 =	rddreg [dreg:$0x4];
	s14 =	stileid.u32;
	s6 =	simm.s32 $0x0  }
0x6: {  	s23 =	srdreg.scid;
	s29 =	simm.s32 $0xBA40;
	s5 =	smul.u32 $0x4E20, s14  }
0x7: {  	s28 =	simm.s32 $0x7;
	s30 =	simm.s32 $0x8;
	s7 =	smul.u32 $0x5000, s14  }
0x8: {  	[smem:$0x7FF] =	sst s6;
	s6 =	sand.u32 $0x1, s23;
	s11 =	smul.u32 $0x13880, s14  }
0x9: {  	s21 =	smul.u32 $0x500, s14;
	_ =	strace $0x80000047;
	s8 =	ssub.s32 $0x2, s6  }
0xa: {  	s12 =	sshll.u32 s6, $0x6;
	s15 =	smul.u32 $0xA0000, s6;
	p0 =	sne.s32 s6, $0x0  }
0xb: {  	s5 =	sshrl.u32 s5, $0x3;
	s9 =	sshrl.u32 s7, $0x3;
	s10 =	sshrl.u32 s8, $0x1  }
0xc: {  	s25 =	sshrl.u32 s11, $0x2;
	s13 =	sor.u32 s12, s11;
	s16 =	sadd.s32 s7, s3  }
0xd: {  	s23 =	sadd.s32 s4, s21;
	s4 =	simm.s32 $0xD840;
	s12 =	simm.s32 $0x2  }
0xe: {  	s5 =	sadd.s32 s5, s1;
	s9 =	sadd.s32 s9, s1;
	s1 =	sadd.s32 $0x20200, s1  }
0xf: {  	s8 =	ssub.s32 s8, s10;
	s26 =	sadd.s32 s25, s2;
	s10 =	sshrl.u32 s13, $0x3  }
0x10: {  	s13 =	sshllo.u32 s6, $0x1;
	[dreg:$0x9] =	wrdreg s16;
	s18 =	sadd.s32 s7, s15  }
0x11: {  	[dreg:$0xe] =	wrdreg s23;
	s25 =	sshll.u32 s14, $0x6;
	s15 =	simm.s32 $0x15  }
0x12: {  	s23 =	simm.s32 $0x9C40;
	s6 =	simm.s32 $0xE240;
	s14 =	simm.s32 $0x5  }
0x13: {  	s16 =	simm.s32 $0xA;
	s24 =	sadd.s32 $0x2800, s5;
	s5 =	sadd.s32 $0xC440, s5  }
0x14: {  	s10 =	sadd.s32 s0, s10;
	s17 =	smul.u32 $0x50000, s13;
	s31 =	sadd.s32 $0x16200, s9  }
0x15: {  	s19 =	sshll.u32 s13, $0x5;
	s9 =	sshrl.u32 s18, $0x3;
	[dreg:$0x6] =	wrdreg s24  }
0x16: {  	s26 =	sshrl.u32 s26, $0x3;
	s13 =	simm.s32 $0x3;
	[dreg:$0x7] =	wrdreg s5  }
0x17: {  	[dreg:$0x8] =	wrdreg s10;
	s11 =	sor.u32 s11, s19;
	s9 =	sadd.s32 s1, s9  }
0x18: {  	s24 =	smax.u32 s8, $0x1;
	[dreg:$0x11] =	wrdreg s26;
	s19 =	simm.s32 $0x1  }
0x19: {  	s8 =	simm.s32 $0xEC40;
	s10 =	simm.s32 $0x13;
	[dreg:$0xa] =	wrdreg s31  }
0x1a: {  	s7 =	sadd.s32 s7, s17;
	s20 =	sshrl.u32 s11, $0x3;
	[dreg:$0xb] =	wrdreg s9  }
0x1b: {  	[dreg:$0xf] =	wrdreg s24;
	s17 =	simm.s32 $0x10;
	s24 =	simm.s32 $0xA640  }
.Ltmp0:
0x1c: {  	s11 =	simm.s32 $0xF640;
	s9 =	simm.s32 $0x0;
	(pc) =	sbr.rel .LBB2_1-.Ltmp0, $4  }
0x1d: {  	s7 =	sshrl.u32 s7, $0x3;
	s0 =	sadd.s32 s0, s20;
	s20 =	simm.s32 $0x4  }
0x1e: {  	[dreg:$0xc] =	wrdreg s0;
	s22 =	sadd.s32 s1, s7;
	s0 =	sor.u32 $0x1C15, s25  }
0x1f: {  	s1 =	simm.s32 $0xCE40;
	s25 =	simm.s32 $0x6;
	[dreg:$0xd] =	wrdreg s22  }
0x20: {  	v0 =	vimm.f32 $0.0e+00;
	[dreg:$0x10] =	wrdreg s0;
	s22 =	simm.s32 $0x50;
	s0 =	simm.s32 $0x9  }
.LBB2_9:
0x21: {  	s5 =	simm.s32 $0xB  }
0x22: {  	_ =	swait.ge [sflag:s5], $0xA00  }
0x23: {  	[sflag:s5] =	ssyncset.done $0x0  }
0x24: {  	s15 =	simm.s32 $0xC;
	[sflag:s5] =	ssyncadd.s32 $0xFFFFF600  }
0x25: {  	_ =	swait.ge [sflag:s15], $0xA00  }
0x26: {  	[sflag:s15] =	ssyncset.done $0x0  }
0x27: {  	s17 =	simm.s32 $0xD;
	[sflag:s15] =	ssyncadd.s32 $0xFFFFF600  }
0x28: {  	_ =	swait.ge [sflag:s17], $0xA00  }
0x29: {  	[sflag:s17] =	ssyncset.done $0x0  }
0x2a: {  	s18 =	simm.s32 $0xE;
	[sflag:s17] =	ssyncadd.s32 $0xFFFFF600  }
0x2b: {  	_ =	swait.ge [sflag:s18], $0xA00  }
0x2c: {  	[sflag:s18] =	ssyncset.done $0x0  }
0x2d: {  	s21 =	simm.s32 $0xF;
	[sflag:s18] =	ssyncadd.s32 $0xFFFFF600  }
0x2e: {  	_ =	swait.ge [sflag:s21], $0xA00  }
0x2f: {  	[sflag:s21] =	ssyncset.done $0x0  }
0x30: {  	s26 =	simm.s32 $0x10;
	[sflag:s21] =	ssyncadd.s32 $0xFFFFF600  }
0x31: {  	_ =	swait.ge [sflag:s26], $0xA00  }
0x32: {  	[sflag:s26] =	ssyncset.done $0x0  }
0x33: {  	s7 =	simm.s32 $0x11;
	[sflag:s26] =	ssyncadd.s32 $0xFFFFF600  }
0x34: {  	_ =	swait.ge [sflag:s7], $0xA00  }
0x35: {  	[sflag:s7] =	ssyncset.done $0x0  }
0x36: {  	s9 =	simm.s32 $0x12;
	[sflag:s7] =	ssyncadd.s32 $0xFFFFF600  }
0x37: {  	_ =	swait.ge [sflag:s9], $0xA00  }
0x38: {  	[sflag:s9] =	ssyncset.done $0x0  }
0x39: {  	[sflag:s9] =	ssyncadd.s32 $0xFFFFF600  }
0x3a: {  	_ =	swait.ge [sflag:s10], $0xA00  }
0x3b: {  	[sflag:s10] =	ssyncset.done $0x0  }
0x3c: {  	s15 =	simm.s32 $0x14;
	[sflag:s10] =	ssyncadd.s32 $0xFFFFF600  }
0x3d: {  	_ =	swait.ge [sflag:s15], $0xA00  }
0x3e: {  	[sflag:s15] =	ssyncset.done $0x0  }
0x3f: {  	[sflag:s15] =	ssyncadd.s32 $0xFFFFF600  }
0x40: {  	[bflag:$0x0] =	sbarrier.arrive $0xFFFF  }
0x41: {  	s18 =	rddreg [dreg:$0xd]  }
0x42: {  	s7 =	rddreg [dreg:$0x10]  }
0x43: {  	s15 =	simm.s32 $0x15;
	s9 =	rddreg [dreg:$0x13]  }
0x44: {  	[hbm:s18], [sflag:s7] =	dma.local [spmem:s9], $0xA00  }
0x45: {  	_ =	swait.ge [sflag:s15], $0xA00  }
0x46: {  	s5 =	simm.s32 @!p0 $0x0;
	[sflag:s15] =	ssyncset.done $0x0  }
0x47: {  	s7 =	simm.s32 @!p0 $0x10040;
	s9 =	rddreg [dreg:$0xe];
	[sflag:s15] =	ssyncadd.s32 $0xFFFFF600  }
0x48: {  	[hbm4b:s9+s5] =	stream.linear.scatter @!p0 [tilespmem:s7], [sflag:$0x15], $0x2800, $0x38;
	[tilespmem:$0x1C840] =	vst v63  }
0x49: {  	s5 =	simm.s32 @!p0 $0x15  }
0x4a: {  	_ =	swait.ge @!p0 [sflag:s5], $0x2800  }
0x4b: {  	s21 =	rddreg [dreg:$0x12]  }
0x4c: {  	s26 =	rddreg [dreg:$0xf];
	s9 =	sadd.s32 $0x1, s21  }
0x4d: {  	p1 =	sne.s32 s9, s26  }
.Ltmp1:
0x4e: {  	_ = 	snop;
	(pc) =	sbr.rel @!p1 .LBB2_10-.Ltmp1, $3  }
0x4f: {  	_ =	sdelay $0x1  }
0x50: {  	[sflag:s5] =	ssyncset.done @!p0 $0x0  }
0x51: {  	s17 =	simm.s32 $0x10;
	s31 =	rddreg [dreg:$0xa];
	[sflag:s5] =	ssyncadd.s32 @!p0 $0xFFFFD800  }
.LBB2_1:
0x52: {  	[dreg:$0x12] =	wrdreg s9  }
0x53: {  	s5 =	simm.s32 $0x0;
	s7 =	rddreg [dreg:$0x6]  }
0x54: {  	[tilespmem:s5], [sflag:$0x15] =	stream.linear.gather [hbm4b:s7+s5], $0x4E20, $0x38;
	[tilespmem:$0x1C840] =	vst v63  }
0x55: {  	_ =	swait.ge [sflag:s15], $0x4E20  }
0x56: {  	[sflag:s15] =	ssyncset.done $0x0  }
0x57: {  	s26 =	simm.s32 $0x4E20;
	s21 =	rddreg [dreg:$0x7];
	[sflag:s15] =	ssyncadd.s32 $0xFFFFB1E0  }
0x58: {  	[tilespmem:s26], [sflag:$0x15] =	stream.linear.gather [hbm4b:s21+s5], $0x4E20, $0x38;
	[tilespmem:$0x1C840] =	vst v63  }
0x59: {  	_ =	swait.ge [sflag:s15], $0x4E20  }
0x5a: {  	[sflag:s15] =	ssyncset.done $0x0  }
0x5b: {  	s7 =	simm.s32 $0x0;
	s5 =	simm.s32 $0x40;
	[sflag:s15] =	ssyncadd.s32 $0xFFFFB1E0  }
.LBB2_2:
0x5c: {  	p1 =	sne.s32 s5, $0x9FC0;
	[tilespmem:s7+$0x10040] =	vst v0;
	s7 =	smov.u32 s5;
	s5 =	sadd.s32 $0x40, s5  }
.Ltmp2:
0x5d: {  	(pc) =	sbr.rel @p1 .LBB2_2-.Ltmp2, $2  }
0x5e: {  	_ =	sdelay $0x2  }
0x5f: {  	s7 =	sshra.s32 s7, $0x2  }
0x60: {  	s5 =	rddreg [dreg:$0x8]  }
0x61: {  	s26 =	rddreg [dreg:$0x10]  }
0x62: {  	[tilespmem:s7+$0x10040] =	vst v0;
	s9 =	rddreg [dreg:$0x11]  }
0x63: {  	[spmem:s9@s20], [sflag:s26] =	dma.strided [hbm:s5@s17], $0x9C4, s19, $0x4   }
0x64: {  	_ =	swait.ge [sflag:s15], $0x9C4  }
0x65: {  	s9 =	rddreg [dreg:$0x9]  }
0x66: {  	[sflag:s15] =	ssyncset.done $0x0;
	s5 =	sshrl.u32 s9, $0x3  }
0x67: {  	[sflag:s15] =	ssyncadd.s32 $0xFFFFF63C;
	[dreg:$0x13] =	wrdreg s5  }
0x68: {  	[spmem:s5], [sflag:s26] =	dma.local [hbm:s31], $0xA00  }
0x69: {  	_ =	swait.ge [sflag:s15], $0xA00  }
0x6a: {  	[sflag:s15] =	ssyncset.done $0x0  }
0x6b: {  	[sflag:s15] =	ssyncadd.s32 $0xFFFFF600  }
0x6c: {  	s7 =	simm.s32 $0x0;
	[bflag:$0x0] =	sbarrier.arrive $0xFFFF  }
0x6d: {  	[tilespmem:s23], [sflag:$0x1] =	stream.indirect.gather [spmem:s2], $0x20, s7, s22, $0xb8;
	[tilespmem:$0x1C840] =	vst v63  }
0x6e: {  	_ = 	snop  }
0x6f: {  	[tilespmem:s24], [sflag:$0x2] =	stream.indirect.gather [spmem:s2], $0x20, s22, s22, $0xb8;
	[tilespmem:$0x1C840] =	vst v63  }
0x70: {  	s17 =	simm.s32 $0xB040;
	s15 =	simm.s32 $0xA0  }
0x71: {  	[tilespmem:s17], [sflag:$0x3] =	stream.indirect.gather [spmem:s2], $0x20, s15, s22, $0xb8;
	[tilespmem:$0x1C840] =	vst v63  }
0x72: {  	s18 =	simm.s32 $0xF0  }
0x73: {  	[tilespmem:s29], [sflag:$0x4] =	stream.indirect.gather [spmem:s2], $0x20, s18, s22, $0xb8;
	[tilespmem:$0x1C840] =	vst v63  }
0x74: {  	s21 =	simm.s32 $0x140;
	s26 =	simm.s32 $0xC440  }
0x75: {  	[tilespmem:s26], [sflag:$0x5] =	stream.indirect.gather [spmem:s2], $0x20, s21, s22, $0xb8;
	[tilespmem:$0x1C840] =	vst v63  }
0x76: {  	s15 =	simm.s32 $0x190  }
0x77: {  	[tilespmem:s1], [sflag:$0x6] =	stream.indirect.gather [spmem:s2], $0x20, s15, s22, $0xb8;
	[tilespmem:$0x1C840] =	vst v63  }
0x78: {  	s17 =	simm.s32 $0x1E0  }
0x79: {  	[tilespmem:s4], [sflag:$0x7] =	stream.indirect.gather [spmem:s2], $0x20, s17, s22, $0xb8;
	[tilespmem:$0x1C840] =	vst v63  }
0x7a: {  	s18 =	simm.s32 $0x230  }
0x7b: {  	[tilespmem:s6], [sflag:$0x8] =	stream.indirect.gather [spmem:s2], $0x20, s18, s22, $0xb8;
	[tilespmem:$0x1C840] =	vst v63  }
0x7c: {  	s21 =	simm.s32 $0x280  }
0x7d: {  	[tilespmem:s8], [sflag:$0x9] =	stream.indirect.gather [spmem:s2], $0x20, s21, s22, $0xb8;
	[tilespmem:$0x1C840] =	vst v63  }
0x7e: {  	s26 =	simm.s32 $0x2D0  }
0x7f: {  	[tilespmem:s11], [sflag:$0xA] =	stream.indirect.gather [spmem:s2], $0x20, s26, s22, $0xb8;
	[tilespmem:$0x1C840] =	vst v63  }
.LBB2_4:
0x80: {  	_ =	swait.ge [sflag:s19], $0xA00  }
0x81: {  	s9 =	sshra.s32 s7, $0x2;
	[sflag:s19] =	ssyncset.done $0x0  }
0x82: {  	s21 =	sshra.s32 @!p0 s7, $0x2;
	s5 =	sadd.s32 $0x4E20, s9;
	[sflag:s19] =	ssyncadd.s32 $0xFFFFF600  }
0x83: {  	[spmem:s3] =	stream.indirect.scatter.add.f32 [tilespmem:s23], [sflag:$0xB], $0x20, s5, s22, $0xb8;
	[tilespmem:$0x1C840] =	vst v63  }
0x84: {  	v2 =	vld @!p0 [tilespmem:s21+$0x4E20];
	_ =	sdelay $0x6  }
0x85: {  	v1 =	vimm.f32 @!p0 $1.000000000e+00;
	s5 =	simm.s32 @!p0 $0x10040  }
0x86: {  	[tilespmem:v2+s5+$0x0] =	vst.idx.add.f32.msk @!p0 $0xffff, v1  }
0x87: {  	v2 =	vld @!p0 [tilespmem:s21+$0x4E30];
	_ =	sdelay $0x7  }
0x88: {  	[tilespmem:v2+s5+$0x0] =	vst.idx.add.f32.msk @!p0 $0xffff, v1  }
0x89: {  	v2 =	vld @!p0 [tilespmem:s21+$0x4E40];
	_ =	sdelay $0x7  }
0x8a: {  	[tilespmem:v2+s5+$0x0] =	vst.idx.add.f32.msk @!p0 $0xffff, v1  }
0x8b: {  	v2 =	vld @!p0 [tilespmem:s21+$0x4E50];
	_ =	sdelay $0x7  }
0x8c: {  	[tilespmem:v2+s5+$0x0] =	vst.idx.add.f32.msk @!p0 $0xffff, v1  }
0x8d: {  	v2 =	vld @!p0 [tilespmem:s21+$0x4E60];
	_ =	sdelay $0x6  }
0x8e: {  	p1 =	seq.s32 s7, $0x0  }
0x8f: {  	s17 =	simm.s32 @!p1 $0x14;
	[tilespmem:v2+s5+$0x0] =	vst.idx.add.f32.msk @!p0 $0xffff, v1  }
0x90: {  	_ =	swait.ge @!p1 [sflag:s17], $0xA00  }
0x91: {  	[sflag:s17] =	ssyncset.done @!p1 $0x0  }
0x92: {  	[sflag:s17] =	ssyncadd.s32 @!p1 $0xFFFFF600;
	s17 =	sshra.s32 @!p1 s7, $0x2  }
0x93: {  	s18 =	simm.s32 @!p1 $0x50;
	s15 =	simm.s32 @!p1 $0xF640;
	s17 =	sadd.s32 @!p1 $0x2D0, s17  }
0x94: {  	[tilespmem:s15], [sflag:$0xA] =	stream.indirect.gather @!p1 [spmem:s2], $0x20, s17, s18, $0xb8;
	[tilespmem:$0x1C840] =	vst v63  }
0x95: {  	_ =	swait.ge [sflag:s12], $0xA00  }
0x96: {  	[sflag:s12] =	ssyncset.done $0x0  }
0x97: {  	s18 =	sadd.s32 $0x4E70, s9;
	[sflag:s12] =	ssyncadd.s32 $0xFFFFF600  }
0x98: {  	[spmem:s3] =	stream.indirect.scatter.add.f32 [tilespmem:s24], [sflag:$0xC], $0x20, s18, s22, $0xb8;
	[tilespmem:$0x1C840] =	vst v63  }
0x99: {  	v2 =	vld @!p0 [tilespmem:s9+$0x4E70];
	_ =	sdelay $0x7  }
0x9a: {  	[tilespmem:v2+s5+$0x0] =	vst.idx.add.f32.msk @!p0 $0xffff, v1  }
0x9b: {  	v2 =	vld @!p0 [tilespmem:s21+$0x4E80];
	_ =	sdelay $0x7  }
0x9c: {  	[tilespmem:v2+s5+$0x0] =	vst.idx.add.f32.msk @!p0 $0xffff, v1  }
0x9d: {  	v2 =	vld @!p0 [tilespmem:s21+$0x4E90];
	_ =	sdelay $0x7  }
0x9e: {  	[tilespmem:v2+s5+$0x0] =	vst.idx.add.f32.msk @!p0 $0xffff, v1  }
0x9f: {  	v2 =	vld @!p0 [tilespmem:s21+$0x4EA0];
	_ =	sdelay $0x7  }
0xa0: {  	[tilespmem:v2+s5+$0x0] =	vst.idx.add.f32.msk @!p0 $0xffff, v1  }
0xa1: {  	v2 =	vld @!p0 [tilespmem:s21+$0x4EB0];
	_ =	sdelay $0x6  }
0xa2: {  	p1 =	seq.s32 s7, $0x12C00  }
0xa3: {  	s15 =	simm.s32 @!p1 $0xB;
	[tilespmem:v2+s5+$0x0] =	vst.idx.add.f32.msk @!p0 $0xffff, v1  }
0xa4: {  	_ =	swait.ge @!p1 [sflag:s15], $0xA00  }
0xa5: {  	s17 =	sshra.s32 @!p1 s7, $0x2;
	s26 =	simm.s32 @!p1 $0x9C40;
	[sflag:s15] =	ssyncset.done @!p1 $0x0  }
0xa6: {  	s18 =	simm.s32 @!p1 $0x50;
	[sflag:s15] =	ssyncadd.s32 @!p1 $0xFFFFF600;
	s15 =	sadd.s32 @!p1 $0x320, s17  }
0xa7: {  	[tilespmem:s26], [sflag:$0x1] =	stream.indirect.gather @!p1 [spmem:s2], $0x20, s15, s18, $0xb8;
	[tilespmem:$0x1C840] =	vst v63  }
0xa8: {  	_ =	swait.ge [sflag:s13], $0xA00  }
0xa9: {  	[sflag:s13] =	ssyncset.done $0x0  }
0xaa: {  	s15 =	sadd.s32 $0x4EC0, s9;
	s26 =	simm.s32 $0xB040;
	[sflag:s13] =	ssyncadd.s32 $0xFFFFF600  }
0xab: {  	[spmem:s3] =	stream.indirect.scatter.add.f32 [tilespmem:s26], [sflag:$0xD], $0x20, s15, s22, $0xb8;
	[tilespmem:$0x1C840] =	vst v63  }
0xac: {  	v2 =	vld @!p0 [tilespmem:s9+$0x4EC0];
	_ =	sdelay $0x7  }
0xad: {  	[tilespmem:v2+s5+$0x0] =	vst.idx.add.f32.msk @!p0 $0xffff, v1  }
0xae: {  	v2 =	vld @!p0 [tilespmem:s21+$0x4ED0];
	_ =	sdelay $0x7  }
0xaf: {  	[tilespmem:v2+s5+$0x0] =	vst.idx.add.f32.msk @!p0 $0xffff, v1  }
0xb0: {  	v2 =	vld @!p0 [tilespmem:s21+$0x4EE0];
	_ =	sdelay $0x7  }
0xb1: {  	[tilespmem:v2+s5+$0x0] =	vst.idx.add.f32.msk @!p0 $0xffff, v1  }
0xb2: {  	v2 =	vld @!p0 [tilespmem:s21+$0x4EF0];
	_ =	sdelay $0x7  }
0xb3: {  	[tilespmem:v2+s5+$0x0] =	vst.idx.add.f32.msk @!p0 $0xffff, v1  }
0xb4: {  	v2 =	vld @!p0 [tilespmem:s21+$0x4F00];
	_ =	sdelay $0x7  }
0xb5: {  	s15 =	simm.s32 @!p1 $0xC;
	[tilespmem:v2+s5+$0x0] =	vst.idx.add.f32.msk @!p0 $0xffff, v1  }
0xb6: {  	_ =	swait.ge @!p1 [sflag:s15], $0xA00  }
0xb7: {  	[sflag:s15] =	ssyncset.done @!p1 $0x0  }
0xb8: {  	s26 =	simm.s32 @!p1 $0xA640;
	[sflag:s15] =	ssyncadd.s32 @!p1 $0xFFFFF600;
	s15 =	sadd.s32 @!p1 $0x370, s17  }
0xb9: {  	[tilespmem:s26], [sflag:$0x2] =	stream.indirect.gather @!p1 [spmem:s2], $0x20, s15, s18, $0xb8;
	[tilespmem:$0x1C840] =	vst v63  }
0xba: {  	_ =	swait.ge [sflag:s20], $0xA00  }
0xbb: {  	[sflag:s20] =	ssyncset.done $0x0  }
0xbc: {  	s26 =	sadd.s32 $0x4F10, s9;
	[sflag:s20] =	ssyncadd.s32 $0xFFFFF600  }
0xbd: {  	[spmem:s3] =	stream.indirect.scatter.add.f32 [tilespmem:s29], [sflag:$0xE], $0x20, s26, s22, $0xb8;
	[tilespmem:$0x1C840] =	vst v63  }
0xbe: {  	v2 =	vld @!p0 [tilespmem:s9+$0x4F10];
	_ =	sdelay $0x7  }
0xbf: {  	[tilespmem:v2+s5+$0x0] =	vst.idx.add.f32.msk @!p0 $0xffff, v1  }
0xc0: {  	v2 =	vld @!p0 [tilespmem:s21+$0x4F20];
	_ =	sdelay $0x7  }
0xc1: {  	[tilespmem:v2+s5+$0x0] =	vst.idx.add.f32.msk @!p0 $0xffff, v1  }
0xc2: {  	v2 =	vld @!p0 [tilespmem:s21+$0x4F30];
	_ =	sdelay $0x7  }
0xc3: {  	[tilespmem:v2+s5+$0x0] =	vst.idx.add.f32.msk @!p0 $0xffff, v1  }
0xc4: {  	v2 =	vld @!p0 [tilespmem:s21+$0x4F40];
	_ =	sdelay $0x7  }
0xc5: {  	[tilespmem:v2+s5+$0x0] =	vst.idx.add.f32.msk @!p0 $0xffff, v1  }
0xc6: {  	v2 =	vld @!p0 [tilespmem:s21+$0x4F50];
	_ =	sdelay $0x7  }
0xc7: {  	s15 =	simm.s32 @!p1 $0xD;
	[tilespmem:v2+s5+$0x0] =	vst.idx.add.f32.msk @!p0 $0xffff, v1  }
0xc8: {  	_ =	swait.ge @!p1 [sflag:s15], $0xA00  }
0xc9: {  	[sflag:s15] =	ssyncset.done @!p1 $0x0  }
0xca: {  	s26 =	simm.s32 @!p1 $0xB040;
	[sflag:s15] =	ssyncadd.s32 @!p1 $0xFFFFF600;
	s15 =	sadd.s32 @!p1 $0x3C0, s17  }
0xcb: {  	[tilespmem:s26], [sflag:$0x3] =	stream.indirect.gather @!p1 [spmem:s2], $0x20, s15, s18, $0xb8;
	[tilespmem:$0x1C840] =	vst v63  }
0xcc: {  	_ =	swait.ge [sflag:s14], $0xA00  }
0xcd: {  	[sflag:s14] =	ssyncset.done $0x0  }
0xce: {  	s15 =	sadd.s32 $0x4F60, s9;
	s26 =	simm.s32 $0xC440;
	[sflag:s14] =	ssyncadd.s32 $0xFFFFF600  }
0xcf: {  	[spmem:s3] =	stream.indirect.scatter.add.f32 [tilespmem:s26], [sflag:$0xF], $0x20, s15, s22, $0xb8;
	[tilespmem:$0x1C840] =	vst v63  }
0xd0: {  	v2 =	vld @!p0 [tilespmem:s9+$0x4F60];
	_ =	sdelay $0x7  }
0xd1: {  	[tilespmem:v2+s5+$0x0] =	vst.idx.add.f32.msk @!p0 $0xffff, v1  }
0xd2: {  	v2 =	vld @!p0 [tilespmem:s21+$0x4F70];
	_ =	sdelay $0x7  }
0xd3: {  	[tilespmem:v2+s5+$0x0] =	vst.idx.add.f32.msk @!p0 $0xffff, v1  }
0xd4: {  	v2 =	vld @!p0 [tilespmem:s21+$0x4F80];
	_ =	sdelay $0x7  }
0xd5: {  	[tilespmem:v2+s5+$0x0] =	vst.idx.add.f32.msk @!p0 $0xffff, v1  }
0xd6: {  	v2 =	vld @!p0 [tilespmem:s21+$0x4F90];
	_ =	sdelay $0x7  }
0xd7: {  	[tilespmem:v2+s5+$0x0] =	vst.idx.add.f32.msk @!p0 $0xffff, v1  }
0xd8: {  	v2 =	vld @!p0 [tilespmem:s21+$0x4FA0];
	_ =	sdelay $0x7  }
0xd9: {  	s15 =	simm.s32 @!p1 $0xE;
	[tilespmem:v2+s5+$0x0] =	vst.idx.add.f32.msk @!p0 $0xffff, v1  }
0xda: {  	_ =	swait.ge @!p1 [sflag:s15], $0xA00  }
0xdb: {  	[sflag:s15] =	ssyncset.done @!p1 $0x0  }
0xdc: {  	s26 =	simm.s32 @!p1 $0xBA40;
	[sflag:s15] =	ssyncadd.s32 @!p1 $0xFFFFF600;
	s15 =	sadd.s32 @!p1 $0x410, s17  }
0xdd: {  	[tilespmem:s26], [sflag:$0x4] =	stream.indirect.gather @!p1 [spmem:s2], $0x20, s15, s18, $0xb8;
	[tilespmem:$0x1C840] =	vst v63  }
0xde: {  	_ =	swait.ge [sflag:s25], $0xA00  }
0xdf: {  	[sflag:s25] =	ssyncset.done $0x0  }
0xe0: {  	s26 =	sadd.s32 $0x4FB0, s9;
	[sflag:s25] =	ssyncadd.s32 $0xFFFFF600  }
0xe1: {  	[spmem:s3] =	stream.indirect.scatter.add.f32 [tilespmem:s1], [sflag:$0x10], $0x20, s26, s22, $0xb8;
	[tilespmem:$0x1C840] =	vst v63  }
0xe2: {  	v2 =	vld @!p0 [tilespmem:s9+$0x4FB0];
	_ =	sdelay $0x7  }
0xe3: {  	[tilespmem:v2+s5+$0x0] =	vst.idx.add.f32.msk @!p0 $0xffff, v1  }
0xe4: {  	v2 =	vld @!p0 [tilespmem:s21+$0x4FC0];
	_ =	sdelay $0x7  }
0xe5: {  	[tilespmem:v2+s5+$0x0] =	vst.idx.add.f32.msk @!p0 $0xffff, v1  }
0xe6: {  	v2 =	vld @!p0 [tilespmem:s21+$0x4FD0];
	_ =	sdelay $0x7  }
0xe7: {  	[tilespmem:v2+s5+$0x0] =	vst.idx.add.f32.msk @!p0 $0xffff, v1  }
0xe8: {  	v2 =	vld @!p0 [tilespmem:s21+$0x4FE0];
	_ =	sdelay $0x7  }
0xe9: {  	[tilespmem:v2+s5+$0x0] =	vst.idx.add.f32.msk @!p0 $0xffff, v1  }
0xea: {  	v2 =	vld @!p0 [tilespmem:s21+$0x4FF0];
	_ =	sdelay $0x7  }
0xeb: {  	s15 =	simm.s32 @!p1 $0xF;
	[tilespmem:v2+s5+$0x0] =	vst.idx.add.f32.msk @!p0 $0xffff, v1  }
0xec: {  	_ =	swait.ge @!p1 [sflag:s15], $0xA00  }
0xed: {  	[sflag:s15] =	ssyncset.done @!p1 $0x0  }
0xee: {  	s26 =	simm.s32 @!p1 $0xC440;
	[sflag:s15] =	ssyncadd.s32 @!p1 $0xFFFFF600;
	s15 =	sadd.s32 @!p1 $0x460, s17  }
0xef: {  	[tilespmem:s26], [sflag:$0x5] =	stream.indirect.gather @!p1 [spmem:s2], $0x20, s15, s18, $0xb8;
	[tilespmem:$0x1C840] =	vst v63  }
0xf0: {  	_ =	swait.ge [sflag:s28], $0xA00  }
0xf1: {  	[sflag:s28] =	ssyncset.done $0x0  }
0xf2: {  	s26 =	sadd.s32 $0x5000, s9;
	[sflag:s28] =	ssyncadd.s32 $0xFFFFF600  }
0xf3: {  	[spmem:s3] =	stream.indirect.scatter.add.f32 [tilespmem:s4], [sflag:$0x11], $0x20, s26, s22, $0xb8;
	[tilespmem:$0x1C840] =	vst v63  }
0xf4: {  	v2 =	vld @!p0 [tilespmem:s9+$0x5000];
	_ =	sdelay $0x7  }
0xf5: {  	[tilespmem:v2+s5+$0x0] =	vst.idx.add.f32.msk @!p0 $0xffff, v1  }
0xf6: {  	v2 =	vld @!p0 [tilespmem:s21+$0x5010];
	_ =	sdelay $0x7  }
0xf7: {  	[tilespmem:v2+s5+$0x0] =	vst.idx.add.f32.msk @!p0 $0xffff, v1  }
0xf8: {  	v2 =	vld @!p0 [tilespmem:s21+$0x5020];
	_ =	sdelay $0x7  }
0xf9: {  	[tilespmem:v2+s5+$0x0] =	vst.idx.add.f32.msk @!p0 $0xffff, v1  }
0xfa: {  	v2 =	vld @!p0 [tilespmem:s21+$0x5030];
	_ =	sdelay $0x7  }
0xfb: {  	[tilespmem:v2+s5+$0x0] =	vst.idx.add.f32.msk @!p0 $0xffff, v1  }
0xfc: {  	v2 =	vld @!p0 [tilespmem:s21+$0x5040];
	_ =	sdelay $0x7  }
0xfd: {  	s15 =	simm.s32 @!p1 $0x10;
	[tilespmem:v2+s5+$0x0] =	vst.idx.add.f32.msk @!p0 $0xffff, v1  }
0xfe: {  	_ =	swait.ge @!p1 [sflag:s15], $0xA00  }
0xff: {  	[sflag:s15] =	ssyncset.done @!p1 $0x0  }
0x100: {  	s26 =	simm.s32 @!p1 $0xCE40;
	[sflag:s15] =	ssyncadd.s32 @!p1 $0xFFFFF600;
	s15 =	sadd.s32 @!p1 $0x4B0, s17  }
0x101: {  	[tilespmem:s26], [sflag:$0x6] =	stream.indirect.gather @!p1 [spmem:s2], $0x20, s15, s18, $0xb8;
	[tilespmem:$0x1C840] =	vst v63  }
0x102: {  	_ =	swait.ge [sflag:s30], $0xA00  }
0x103: {  	[sflag:s30] =	ssyncset.done $0x0  }
0x104: {  	s26 =	sadd.s32 $0x5050, s9;
	[sflag:s30] =	ssyncadd.s32 $0xFFFFF600  }
0x105: {  	[spmem:s3] =	stream.indirect.scatter.add.f32 [tilespmem:s6], [sflag:$0x12], $0x20, s26, s22, $0xb8;
	[tilespmem:$0x1C840] =	vst v63  }
0x106: {  	v2 =	vld @!p0 [tilespmem:s9+$0x5050];
	_ =	sdelay $0x7  }
0x107: {  	[tilespmem:v2+s5+$0x0] =	vst.idx.add.f32.msk @!p0 $0xffff, v1  }
0x108: {  	v2 =	vld @!p0 [tilespmem:s21+$0x5060];
	_ =	sdelay $0x7  }
0x109: {  	[tilespmem:v2+s5+$0x0] =	vst.idx.add.f32.msk @!p0 $0xffff, v1  }
0x10a: {  	v2 =	vld @!p0 [tilespmem:s21+$0x5070];
	_ =	sdelay $0x7  }
0x10b: {  	[tilespmem:v2+s5+$0x0] =	vst.idx.add.f32.msk @!p0 $0xffff, v1  }
0x10c: {  	v2 =	vld @!p0 [tilespmem:s21+$0x5080];
	_ =	sdelay $0x7  }
0x10d: {  	[tilespmem:v2+s5+$0x0] =	vst.idx.add.f32.msk @!p0 $0xffff, v1  }
0x10e: {  	v2 =	vld @!p0 [tilespmem:s21+$0x5090];
	_ =	sdelay $0x7  }
0x10f: {  	s15 =	simm.s32 @!p1 $0x11;
	[tilespmem:v2+s5+$0x0] =	vst.idx.add.f32.msk @!p0 $0xffff, v1  }
0x110: {  	_ =	swait.ge @!p1 [sflag:s15], $0xA00  }
0x111: {  	[sflag:s15] =	ssyncset.done @!p1 $0x0  }
0x112: {  	s26 =	simm.s32 @!p1 $0xD840;
	[sflag:s15] =	ssyncadd.s32 @!p1 $0xFFFFF600;
	s15 =	sadd.s32 @!p1 $0x500, s17  }
0x113: {  	[tilespmem:s26], [sflag:$0x7] =	stream.indirect.gather @!p1 [spmem:s2], $0x20, s15, s18, $0xb8;
	[tilespmem:$0x1C840] =	vst v63  }
0x114: {  	_ =	swait.ge [sflag:s0], $0xA00  }
0x115: {  	[sflag:s0] =	ssyncset.done $0x0  }
0x116: {  	s26 =	sadd.s32 $0x50A0, s9;
	[sflag:s0] =	ssyncadd.s32 $0xFFFFF600  }
0x117: {  	[spmem:s3] =	stream.indirect.scatter.add.f32 [tilespmem:s8], [sflag:$0x13], $0x20, s26, s22, $0xb8;
	[tilespmem:$0x1C840] =	vst v63  }
0x118: {  	v2 =	vld @!p0 [tilespmem:s9+$0x50A0];
	_ =	sdelay $0x7  }
0x119: {  	[tilespmem:v2+s5+$0x0] =	vst.idx.add.f32.msk @!p0 $0xffff, v1  }
0x11a: {  	v2 =	vld @!p0 [tilespmem:s21+$0x50B0];
	_ =	sdelay $0x7  }
0x11b: {  	[tilespmem:v2+s5+$0x0] =	vst.idx.add.f32.msk @!p0 $0xffff, v1  }
0x11c: {  	v2 =	vld @!p0 [tilespmem:s21+$0x50C0];
	_ =	sdelay $0x7  }
0x11d: {  	[tilespmem:v2+s5+$0x0] =	vst.idx.add.f32.msk @!p0 $0xffff, v1  }
0x11e: {  	v2 =	vld @!p0 [tilespmem:s21+$0x50D0];
	_ =	sdelay $0x7  }
0x11f: {  	[tilespmem:v2+s5+$0x0] =	vst.idx.add.f32.msk @!p0 $0xffff, v1  }
0x120: {  	v2 =	vld @!p0 [tilespmem:s21+$0x50E0];
	_ =	sdelay $0x7  }
0x121: {  	s15 =	simm.s32 @!p1 $0x12;
	[tilespmem:v2+s5+$0x0] =	vst.idx.add.f32.msk @!p0 $0xffff, v1  }
0x122: {  	_ =	swait.ge @!p1 [sflag:s15], $0xA00  }
0x123: {  	[sflag:s15] =	ssyncset.done @!p1 $0x0  }
0x124: {  	[sflag:s15] =	ssyncadd.s32 @!p1 $0xFFFFF600;
	s15 =	sadd.s32 @!p1 $0x550, s17;
	s17 =	simm.s32 @!p1 $0xE240  }
0x125: {  	[tilespmem:s17], [sflag:$0x8] =	stream.indirect.gather @!p1 [spmem:s2], $0x20, s15, s18, $0xb8;
	[tilespmem:$0x1C840] =	vst v63  }
0x126: {  	_ =	swait.ge [sflag:s16], $0xA00  }
0x127: {  	[sflag:s16] =	ssyncset.done $0x0  }
0x128: {  	s26 =	sadd.s32 $0x50F0, s9;
	[sflag:s16] =	ssyncadd.s32 $0xFFFFF600  }
0x129: {  	[spmem:s3] =	stream.indirect.scatter.add.f32 [tilespmem:s11], [sflag:$0x14], $0x20, s26, s22, $0xb8;
	[tilespmem:$0x1C840] =	vst v63  }
0x12a: {  	v2 =	vld @!p0 [tilespmem:s9+$0x50F0];
	_ =	sdelay $0x7  }
0x12b: {  	[tilespmem:v2+s5+$0x0] =	vst.idx.add.f32.msk @!p0 $0xffff, v1  }
0x12c: {  	v2 =	vld @!p0 [tilespmem:s21+$0x5100];
	_ =	sdelay $0x7  }
0x12d: {  	[tilespmem:v2+s5+$0x0] =	vst.idx.add.f32.msk @!p0 $0xffff, v1  }
0x12e: {  	v2 =	vld @!p0 [tilespmem:s21+$0x5110];
	_ =	sdelay $0x7  }
0x12f: {  	[tilespmem:v2+s5+$0x0] =	vst.idx.add.f32.msk @!p0 $0xffff, v1  }
0x130: {  	v2 =	vld @!p0 [tilespmem:s21+$0x5120];
	_ =	sdelay $0x7  }
0x131: {  	[tilespmem:v2+s5+$0x0] =	vst.idx.add.f32.msk @!p0 $0xffff, v1  }
0x132: {  	v2 =	vld @!p0 [tilespmem:s21+$0x5130];
	_ =	sdelay $0x3  }
.Ltmp3:
0x133: {  	_ = 	snop;
	(pc) =	sbr.rel @p1 .LBB2_6-.Ltmp3, $2  }
0x134: {  	_ =	sdelay $0x2  }
0x135: {  	[tilespmem:v2+s5+$0x0] =	vst.idx.add.f32.msk @!p0 $0xffff, v1  }
.Ltmp4:
0x136: {  	(pc) =	sbr.rel .LBB2_4-.Ltmp4, $4  }
0x137: {  	_ =	swait.ge [sflag:s10], $0xA00  }
0x138: {  	[sflag:s10] =	ssyncset.done $0x0  }
0x139: {  	s5 =	sadd.s32 $0x5A0, s9;
	s7 =	sadd.s32 $0xC80, s7;
	[sflag:s10] =	ssyncadd.s32 $0xFFFFF600  }
0x13a: {  	[tilespmem:s8], [sflag:$0x9] =	stream.indirect.gather [spmem:s2], $0x20, s5, s22, $0xb8;
	[tilespmem:$0x1C840] =	vst v63  }
.LBB2_6:
0x13b: {  	s5 =	simm.s32 $0xB  }
0x13c: {  	_ =	swait.ge [sflag:s5], $0xA00  }
0x13d: {  	[sflag:s5] =	ssyncset.done $0x0  }
0x13e: {  	s18 =	simm.s32 $0xC;
	[sflag:s5] =	ssyncadd.s32 $0xFFFFF600  }
0x13f: {  	_ =	swait.ge [sflag:s18], $0xA00  }
0x140: {  	[sflag:s18] =	ssyncset.done $0x0  }
0x141: {  	s21 =	simm.s32 $0xD;
	[sflag:s18] =	ssyncadd.s32 $0xFFFFF600  }
0x142: {  	_ =	swait.ge [sflag:s21], $0xA00  }
0x143: {  	[sflag:s21] =	ssyncset.done $0x0  }
0x144: {  	s26 =	simm.s32 $0xE;
	[sflag:s21] =	ssyncadd.s32 $0xFFFFF600  }
0x145: {  	_ =	swait.ge [sflag:s26], $0xA00  }
0x146: {  	[sflag:s26] =	ssyncset.done $0x0  }
0x147: {  	s7 =	simm.s32 $0xF;
	[sflag:s26] =	ssyncadd.s32 $0xFFFFF600  }
0x148: {  	_ =	swait.ge [sflag:s7], $0xA00  }
0x149: {  	[sflag:s7] =	ssyncset.done $0x0  }
0x14a: {  	s17 =	simm.s32 $0x10;
	[sflag:s7] =	ssyncadd.s32 $0xFFFFF600  }
0x14b: {  	_ =	swait.ge [sflag:s17], $0xA00  }
0x14c: {  	[sflag:s17] =	ssyncset.done $0x0  }
0x14d: {  	s9 =	simm.s32 $0x11;
	[sflag:s17] =	ssyncadd.s32 $0xFFFFF600  }
0x14e: {  	_ =	swait.ge [sflag:s9], $0xA00  }
0x14f: {  	[sflag:s9] =	ssyncset.done $0x0  }
0x150: {  	s15 =	simm.s32 $0x12;
	[sflag:s9] =	ssyncadd.s32 $0xFFFFF600  }
0x151: {  	_ =	swait.ge [sflag:s15], $0xA00  }
0x152: {  	[sflag:s15] =	ssyncset.done $0x0  }
0x153: {  	[sflag:s15] =	ssyncadd.s32 $0xFFFFF600  }
0x154: {  	_ =	swait.ge [sflag:s10], $0xA00  }
0x155: {  	[sflag:s10] =	ssyncset.done $0x0  }
0x156: {  	s18 =	simm.s32 $0x14;
	[sflag:s10] =	ssyncadd.s32 $0xFFFFF600  }
0x157: {  	_ =	swait.ge [sflag:s18], $0xA00  }
0x158: {  	[sflag:s18] =	ssyncset.done $0x0  }
0x159: {  	[sflag:s18] =	ssyncadd.s32 $0xFFFFF600  }
0x15a: {  	[bflag:$0x0] =	sbarrier.arrive $0xFFFF  }
0x15b: {  	s21 =	rddreg [dreg:$0xb]  }
0x15c: {  	s9 =	rddreg [dreg:$0x10]  }
0x15d: {  	s7 =	simm.s32 $0x15;
	s18 =	rddreg [dreg:$0x13]  }
0x15e: {  	[hbm:s21], [sflag:s9] =	dma.local [spmem:s18], $0xA00  }
0x15f: {  	_ =	swait.ge [sflag:s7], $0xA00  }
0x160: {  	[sflag:s7] =	ssyncset.done $0x0;
	s26 =	rddreg [dreg:$0xc]  }
0x161: {  	s15 =	rddreg [dreg:$0x11];
	[sflag:s7] =	ssyncadd.s32 $0xFFFFF600  }
0x162: {  	[spmem:s15@s20], [sflag:s9] =	dma.strided [hbm:s26@s17], $0x9C4, s19, $0x4   }
0x163: {  	_ =	swait.ge [sflag:s7], $0x9C4  }
0x164: {  	[sflag:s7] =	ssyncset.done $0x0  }
0x165: {  	[sflag:s7] =	ssyncadd.s32 $0xFFFFF63C  }
0x166: {  	[spmem:s18], [sflag:s9] =	dma.local [hbm:s31], $0xA00  }
0x167: {  	_ =	swait.ge [sflag:s7], $0xA00  }
0x168: {  	[sflag:s7] =	ssyncset.done $0x0  }
0x169: {  	[sflag:s7] =	ssyncadd.s32 $0xFFFFF600  }
0x16a: {  	s5 =	simm.s32 $0x0;
	[bflag:$0x0] =	sbarrier.arrive $0xFFFF  }
0x16b: {  	[tilespmem:s23], [sflag:$0x1] =	stream.indirect.gather [spmem:s2], $0x20, s5, s22, $0xb8;
	[tilespmem:$0x1C840] =	vst v63  }
0x16c: {  	_ = 	snop  }
0x16d: {  	[tilespmem:s24], [sflag:$0x2] =	stream.indirect.gather [spmem:s2], $0x20, s22, s22, $0xb8;
	[tilespmem:$0x1C840] =	vst v63  }
0x16e: {  	s21 =	simm.s32 $0xA0;
	s26 =	simm.s32 $0xB040  }
0x16f: {  	[tilespmem:s26], [sflag:$0x3] =	stream.indirect.gather [spmem:s2], $0x20, s21, s22, $0xb8;
	[tilespmem:$0x1C840] =	vst v63  }
0x170: {  	s31 =	simm.s32 $0xF0  }
0x171: {  	[tilespmem:s29], [sflag:$0x4] =	stream.indirect.gather [spmem:s2], $0x20, s31, s22, $0xb8;
	[tilespmem:$0x1C840] =	vst v63  }
0x172: {  	s15 =	simm.s32 $0xC440;
	s9 =	simm.s32 $0x140  }
0x173: {  	[tilespmem:s15], [sflag:$0x5] =	stream.indirect.gather [spmem:s2], $0x20, s9, s22, $0xb8;
	[tilespmem:$0x1C840] =	vst v63  }
0x174: {  	s17 =	simm.s32 $0x190  }
0x175: {  	[tilespmem:s1], [sflag:$0x6] =	stream.indirect.gather [spmem:s2], $0x20, s17, s22, $0xb8;
	[tilespmem:$0x1C840] =	vst v63  }
0x176: {  	s18 =	simm.s32 $0x1E0  }
0x177: {  	[tilespmem:s4], [sflag:$0x7] =	stream.indirect.gather [spmem:s2], $0x20, s18, s22, $0xb8;
	[tilespmem:$0x1C840] =	vst v63  }
0x178: {  	s21 =	simm.s32 $0x230  }
0x179: {  	[tilespmem:s6], [sflag:$0x8] =	stream.indirect.gather [spmem:s2], $0x20, s21, s22, $0xb8;
	[tilespmem:$0x1C840] =	vst v63  }
0x17a: {  	s26 =	simm.s32 $0x280  }
0x17b: {  	[tilespmem:s8], [sflag:$0x9] =	stream.indirect.gather [spmem:s2], $0x20, s26, s22, $0xb8;
	[tilespmem:$0x1C840] =	vst v63  }
0x17c: {  	s31 =	simm.s32 $0x2D0  }
0x17d: {  	[tilespmem:s11], [sflag:$0xA] =	stream.indirect.gather [spmem:s2], $0x20, s31, s22, $0xb8;
	[tilespmem:$0x1C840] =	vst v63  }
.LBB2_7:
0x17e: {  	_ =	swait.ge [sflag:s19], $0xA00  }
0x17f: {  	s7 =	sshra.s32 s5, $0x2;
	[sflag:s19] =	ssyncset.done $0x0  }
0x180: {  	p1 =	seq.s32 s5, $0x0;
	s9 =	sadd.s32 $0x4E20, s7;
	[sflag:s19] =	ssyncadd.s32 $0xFFFFF600  }
0x181: {  	[spmem:s3] =	stream.indirect.scatter.add.f32 [tilespmem:s23], [sflag:$0xB], $0x20, s9, s22, $0xb8;
	[tilespmem:$0x1C840] =	vst v63  }
0x182: {  	s9 =	simm.s32 @!p1 $0x14  }
0x183: {  	_ =	swait.ge @!p1 [sflag:s9], $0xA00  }
0x184: {  	[sflag:s9] =	ssyncset.done @!p1 $0x0  }
0x185: {  	[sflag:s9] =	ssyncadd.s32 @!p1 $0xFFFFF600;
	s9 =	sshra.s32 @!p1 s5, $0x2  }
0x186: {  	s15 =	simm.s32 @!p1 $0x50;
	s17 =	simm.s32 @!p1 $0xF640;
	s9 =	sadd.s32 @!p1 $0x2D0, s9  }
0x187: {  	[tilespmem:s17], [sflag:$0xA] =	stream.indirect.gather @!p1 [spmem:s2], $0x20, s9, s15, $0xb8;
	[tilespmem:$0x1C840] =	vst v63  }
0x188: {  	_ =	swait.ge [sflag:s12], $0xA00  }
0x189: {  	p1 =	seq.s32 s5, $0x12C00;
	[sflag:s12] =	ssyncset.done $0x0  }
0x18a: {  	s26 =	sadd.s32 $0x4E70, s7;
	s9 =	simm.s32 @p1 $0x3;
	[sflag:s12] =	ssyncadd.s32 $0xFFFFF600  }
0x18b: {  	[spmem:s3] =	stream.indirect.scatter.add.f32 [tilespmem:s24], [sflag:$0xC], $0x20, s26, s22, $0xb8;
	[tilespmem:$0x1C840] =	vst v63  }
0x18c: {  	_ =	swait.ge @p1 [sflag:s9], $0xA00  }
0x18d: {  	s18 =	sshra.s32 @p1 s5, $0x2;
	s21 =	simm.s32 @p1 $0x50;
	[sflag:s9] =	ssyncset.done @p1 $0x0  }
0x18e: {  	s15 =	simm.s32 @p1 $0xB040;
	[sflag:s9] =	ssyncadd.s32 @p1 $0xFFFFF600;
	s9 =	sadd.s32 @p1 $0x4EC0, s18  }
0x18f: {  	[spmem:s3] =	stream.indirect.scatter.add.f32 @p1 [tilespmem:s15], [sflag:$0xD], $0x20, s9, s21, $0xb8;
	[tilespmem:$0x1C840] =	vst v63  }
0x190: {  	s9 =	simm.s32 @!p1 $0xB  }
0x191: {  	_ =	swait.ge @!p1 [sflag:s9], $0xA00  }
0x192: {  	[sflag:s9] =	ssyncset.done @!p1 $0x0  }
0x193: {  	[sflag:s9] =	ssyncadd.s32 @!p1 $0xFFFFF600;
	s9 =	sshra.s32 @!p1 s5, $0x2  }
0x194: {  	s17 =	simm.s32 @!p1 $0x50;
	s26 =	simm.s32 @!p1 $0x9C40;
	s15 =	sadd.s32 @!p1 $0x320, s9  }
0x195: {  	[tilespmem:s26], [sflag:$0x1] =	stream.indirect.gather @!p1 [spmem:s2], $0x20, s15, s17, $0xb8;
	[tilespmem:$0x1C840] =	vst v63  }
0x196: {  	s15 =	simm.s32 @!p1 $0x3  }
0x197: {  	_ =	swait.ge @!p1 [sflag:s15], $0xA00  }
0x198: {  	[sflag:s15] =	ssyncset.done @!p1 $0x0  }
0x199: {  	s26 =	simm.s32 @!p1 $0xB040;
	[sflag:s15] =	ssyncadd.s32 @!p1 $0xFFFFF600;
	s15 =	sadd.s32 @!p1 $0x4EC0, s9  }
0x19a: {  	[spmem:s3] =	stream.indirect.scatter.add.f32 @!p1 [tilespmem:s26], [sflag:$0xD], $0x20, s15, s17, $0xb8;
	[tilespmem:$0x1C840] =	vst v63  }
0x19b: {  	s15 =	simm.s32 @!p1 $0xC  }
0x19c: {  	_ =	swait.ge @!p1 [sflag:s15], $0xA00  }
0x19d: {  	[sflag:s15] =	ssyncset.done @!p1 $0x0  }
0x19e: {  	s31 =	simm.s32 @!p1 $0xA640;
	[sflag:s15] =	ssyncadd.s32 @!p1 $0xFFFFF600;
	s15 =	sadd.s32 @!p1 $0x370, s9  }
0x19f: {  	[tilespmem:s31], [sflag:$0x2] =	stream.indirect.gather @!p1 [spmem:s2], $0x20, s15, s17, $0xb8;
	[tilespmem:$0x1C840] =	vst v63  }
0x1a0: {  	_ =	swait.ge [sflag:s20], $0xA00  }
0x1a1: {  	[sflag:s20] =	ssyncset.done $0x0  }
0x1a2: {  	s31 =	sadd.s32 $0x4F10, s7;
	s15 =	simm.s32 @p1 $0x5;
	[sflag:s20] =	ssyncadd.s32 $0xFFFFF600  }
0x1a3: {  	[spmem:s3] =	stream.indirect.scatter.add.f32 [tilespmem:s29], [sflag:$0xE], $0x20, s31, s22, $0xb8;
	[tilespmem:$0x1C840] =	vst v63  }
0x1a4: {  	_ =	swait.ge @p1 [sflag:s15], $0xA00  }
0x1a5: {  	[sflag:s15] =	ssyncset.done @p1 $0x0  }
0x1a6: {  	s31 =	simm.s32 @p1 $0xC440;
	[sflag:s15] =	ssyncadd.s32 @p1 $0xFFFFF600;
	s15 =	sadd.s32 @p1 $0x4F60, s18  }
0x1a7: {  	[spmem:s3] =	stream.indirect.scatter.add.f32 @p1 [tilespmem:s31], [sflag:$0xF], $0x20, s15, s21, $0xb8;
	[tilespmem:$0x1C840] =	vst v63  }
0x1a8: {  	s15 =	simm.s32 @!p1 $0xD  }
0x1a9: {  	_ =	swait.ge @!p1 [sflag:s15], $0xA00  }
0x1aa: {  	[sflag:s15] =	ssyncset.done @!p1 $0x0  }
0x1ab: {  	[sflag:s15] =	ssyncadd.s32 @!p1 $0xFFFFF600;
	s15 =	sadd.s32 @!p1 $0x3C0, s9  }
0x1ac: {  	[tilespmem:s26], [sflag:$0x3] =	stream.indirect.gather @!p1 [spmem:s2], $0x20, s15, s17, $0xb8;
	[tilespmem:$0x1C840] =	vst v63  }
0x1ad: {  	s15 =	simm.s32 @!p1 $0x5  }
0x1ae: {  	_ =	swait.ge @!p1 [sflag:s15], $0xA00  }
0x1af: {  	[sflag:s15] =	ssyncset.done @!p1 $0x0  }
0x1b0: {  	s26 =	simm.s32 @!p1 $0xC440;
	[sflag:s15] =	ssyncadd.s32 @!p1 $0xFFFFF600;
	s15 =	sadd.s32 @!p1 $0x4F60, s9  }
0x1b1: {  	[spmem:s3] =	stream.indirect.scatter.add.f32 @!p1 [tilespmem:s26], [sflag:$0xF], $0x20, s15, s17, $0xb8;
	[tilespmem:$0x1C840] =	vst v63  }
0x1b2: {  	s15 =	simm.s32 @!p1 $0xE  }
0x1b3: {  	_ =	swait.ge @!p1 [sflag:s15], $0xA00  }
0x1b4: {  	[sflag:s15] =	ssyncset.done @!p1 $0x0  }
0x1b5: {  	s31 =	simm.s32 @!p1 $0xBA40;
	[sflag:s15] =	ssyncadd.s32 @!p1 $0xFFFFF600;
	s15 =	sadd.s32 @!p1 $0x410, s9  }
0x1b6: {  	[tilespmem:s31], [sflag:$0x4] =	stream.indirect.gather @!p1 [spmem:s2], $0x20, s15, s17, $0xb8;
	[tilespmem:$0x1C840] =	vst v63  }
0x1b7: {  	_ =	swait.ge [sflag:s25], $0xA00  }
0x1b8: {  	[sflag:s25] =	ssyncset.done $0x0  }
0x1b9: {  	s31 =	sadd.s32 $0x4FB0, s7;
	s15 =	simm.s32 @p1 $0x7;
	[sflag:s25] =	ssyncadd.s32 $0xFFFFF600  }
0x1ba: {  	[spmem:s3] =	stream.indirect.scatter.add.f32 [tilespmem:s1], [sflag:$0x10], $0x20, s31, s22, $0xb8;
	[tilespmem:$0x1C840] =	vst v63  }
0x1bb: {  	_ =	swait.ge @p1 [sflag:s15], $0xA00  }
0x1bc: {  	[sflag:s15] =	ssyncset.done @p1 $0x0  }
0x1bd: {  	s31 =	simm.s32 @p1 $0xD840;
	[sflag:s15] =	ssyncadd.s32 @p1 $0xFFFFF600;
	s15 =	sadd.s32 @p1 $0x5000, s18  }
0x1be: {  	[spmem:s3] =	stream.indirect.scatter.add.f32 @p1 [tilespmem:s31], [sflag:$0x11], $0x20, s15, s21, $0xb8;
	[tilespmem:$0x1C840] =	vst v63  }
0x1bf: {  	s15 =	simm.s32 @!p1 $0xF  }
0x1c0: {  	_ =	swait.ge @!p1 [sflag:s15], $0xA00  }
0x1c1: {  	[sflag:s15] =	ssyncset.done @!p1 $0x0  }
0x1c2: {  	[sflag:s15] =	ssyncadd.s32 @!p1 $0xFFFFF600;
	s15 =	sadd.s32 @!p1 $0x460, s9  }
0x1c3: {  	[tilespmem:s26], [sflag:$0x5] =	stream.indirect.gather @!p1 [spmem:s2], $0x20, s15, s17, $0xb8;
	[tilespmem:$0x1C840] =	vst v63  }
0x1c4: {  	s15 =	simm.s32 @!p1 $0x7  }
0x1c5: {  	_ =	swait.ge @!p1 [sflag:s15], $0xA00  }
0x1c6: {  	[sflag:s15] =	ssyncset.done @!p1 $0x0  }
0x1c7: {  	s26 =	simm.s32 @!p1 $0xD840;
	[sflag:s15] =	ssyncadd.s32 @!p1 $0xFFFFF600;
	s15 =	sadd.s32 @!p1 $0x5000, s9  }
0x1c8: {  	[spmem:s3] =	stream.indirect.scatter.add.f32 @!p1 [tilespmem:s26], [sflag:$0x11], $0x20, s15, s17, $0xb8;
	[tilespmem:$0x1C840] =	vst v63  }
0x1c9: {  	s15 =	simm.s32 @!p1 $0x10  }
0x1ca: {  	_ =	swait.ge @!p1 [sflag:s15], $0xA00  }
0x1cb: {  	[sflag:s15] =	ssyncset.done @!p1 $0x0  }
0x1cc: {  	s31 =	simm.s32 @!p1 $0xCE40;
	[sflag:s15] =	ssyncadd.s32 @!p1 $0xFFFFF600;
	s15 =	sadd.s32 @!p1 $0x4B0, s9  }
0x1cd: {  	[tilespmem:s31], [sflag:$0x6] =	stream.indirect.gather @!p1 [spmem:s2], $0x20, s15, s17, $0xb8;
	[tilespmem:$0x1C840] =	vst v63  }
0x1ce: {  	_ =	swait.ge [sflag:s30], $0xA00  }
0x1cf: {  	[sflag:s30] =	ssyncset.done $0x0  }
0x1d0: {  	s31 =	sadd.s32 $0x5050, s7;
	s15 =	simm.s32 @p1 $0x9;
	[sflag:s30] =	ssyncadd.s32 $0xFFFFF600  }
0x1d1: {  	[spmem:s3] =	stream.indirect.scatter.add.f32 [tilespmem:s6], [sflag:$0x12], $0x20, s31, s22, $0xb8;
	[tilespmem:$0x1C840] =	vst v63  }
0x1d2: {  	_ =	swait.ge @p1 [sflag:s15], $0xA00  }
0x1d3: {  	[sflag:s15] =	ssyncset.done @p1 $0x0  }
0x1d4: {  	[sflag:s15] =	ssyncadd.s32 @p1 $0xFFFFF600;
	s15 =	sadd.s32 @p1 $0x50A0, s18;
	s18 =	simm.s32 @p1 $0xEC40  }
0x1d5: {  	[spmem:s3] =	stream.indirect.scatter.add.f32 @p1 [tilespmem:s18], [sflag:$0x13], $0x20, s15, s21, $0xb8;
	[tilespmem:$0x1C840] =	vst v63  }
0x1d6: {  	s15 =	simm.s32 @!p1 $0x11  }
0x1d7: {  	_ =	swait.ge @!p1 [sflag:s15], $0xA00  }
0x1d8: {  	[sflag:s15] =	ssyncset.done @!p1 $0x0  }
0x1d9: {  	[sflag:s15] =	ssyncadd.s32 @!p1 $0xFFFFF600;
	s15 =	sadd.s32 @!p1 $0x500, s9  }
0x1da: {  	[tilespmem:s26], [sflag:$0x7] =	stream.indirect.gather @!p1 [spmem:s2], $0x20, s15, s17, $0xb8;
	[tilespmem:$0x1C840] =	vst v63  }
0x1db: {  	s15 =	simm.s32 @!p1 $0x9  }
0x1dc: {  	_ =	swait.ge @!p1 [sflag:s15], $0xA00  }
0x1dd: {  	[sflag:s15] =	ssyncset.done @!p1 $0x0  }
0x1de: {  	s18 =	simm.s32 @!p1 $0xEC40;
	[sflag:s15] =	ssyncadd.s32 @!p1 $0xFFFFF600;
	s15 =	sadd.s32 @!p1 $0x50A0, s9  }
0x1df: {  	[spmem:s3] =	stream.indirect.scatter.add.f32 @!p1 [tilespmem:s18], [sflag:$0x13], $0x20, s15, s17, $0xb8;
	[tilespmem:$0x1C840] =	vst v63  }
0x1e0: {  	s15 =	simm.s32 @!p1 $0x12  }
0x1e1: {  	_ =	swait.ge @!p1 [sflag:s15], $0xA00  }
0x1e2: {  	[sflag:s15] =	ssyncset.done @!p1 $0x0  }
0x1e3: {  	s9 =	sadd.s32 @!p1 $0x550, s9;
	[sflag:s15] =	ssyncadd.s32 @!p1 $0xFFFFF600;
	s15 =	simm.s32 @!p1 $0xE240  }
0x1e4: {  	[tilespmem:s15], [sflag:$0x8] =	stream.indirect.gather @!p1 [spmem:s2], $0x20, s9, s17, $0xb8;
	[tilespmem:$0x1C840] =	vst v63  }
.Ltmp5:
0x1e5: {  	_ = 	snop;
	(pc) =	sbr.rel @p1 .LBB2_9-.Ltmp5, $4  }
0x1e6: {  	_ =	swait.ge [sflag:s16], $0xA00  }
0x1e7: {  	[sflag:s16] =	ssyncset.done $0x0  }
0x1e8: {  	s31 =	sadd.s32 $0x50F0, s7;
	[sflag:s16] =	ssyncadd.s32 $0xFFFFF600  }
0x1e9: {  	[spmem:s3] =	stream.indirect.scatter.add.f32 [tilespmem:s11], [sflag:$0x14], $0x20, s31, s22, $0xb8;
	[tilespmem:$0x1C840] =	vst v63  }
.Ltmp6:
0x1ea: {  	(pc) =	sbr.rel .LBB2_7-.Ltmp6, $4  }
0x1eb: {  	_ =	swait.ge [sflag:s10], $0xA00  }
0x1ec: {  	[sflag:s10] =	ssyncset.done $0x0  }
0x1ed: {  	s7 =	sadd.s32 $0x5A0, s7;
	s5 =	sadd.s32 $0xC80, s5;
	[sflag:s10] =	ssyncadd.s32 $0xFFFFF600  }
0x1ee: {  	[tilespmem:s8], [sflag:$0x9] =	stream.indirect.gather [spmem:s2], $0x20, s7, s22, $0xb8;
	[tilespmem:$0x1C840] =	vst v63  }
.LBB2_10:
0x1ef: {  	_ =	sfence.sel $0x180000  }
0x1f0: {  	[bflag:$0x0] =	sbarrier.arrive $0xFFFF  }
0x1f1: {  	_ =	strace $0x90000047  }
0x1f2: {  	s0 =	stileid.u32;
	[bflag:$0x2] =	sbarrier.arrive $0xFFFF  }
0x1f3: {  	p0 =	sne.s32 s0, $0x0;
	s0 =	rddreg [dreg:$0x5]  }
0x1f4: {  	s0 =	sadd.s32 @!p0 $0x100000, s0  }
0x1f5: {  	[sflag:s0] =	ssyncadd.tile.s32 @!p0 $0x1;
	_ =	shalt  }
.Lfunc_end2:
_tile_overlayer_lowered:
.L_overlay_start_2:
0x1f6: {  	(tag) =	ssettag $0x2  }
0x1f7: {  	s0 =	rddreg [dreg:$0x0];
	s2 =	stileid.u32  }
0x1f8: {  	s1 =	rddreg [dreg:$0x1];
	p0 =	sne.s32 s2, $0x0  }
0x1f9: {  	s3 =	rddreg [dreg:$0x2];
	[bflag:$0x3] =	sbarrier.arrive $0xFFFF;
	s2 =	simm.s32 @!p0 $0x1C15  }
0x1fa: {  	[timem:s3], [sflag:s2] =	dma.local @!p0 [hbm:s0], s1  }
0x1fb: {  	s0 =	simm.s32 @!p0 $0x15  }
0x1fc: {  	_ =	swait.ge @!p0 [sflag:s0], s1  }
0x1fd: {  	s1 =	ssub.s32 @!p0 $0x0, s1;
	[sflag:s0] =	ssyncset.done @!p0 $0x0  }
0x1fe: {  	[sflag:s0] =	ssyncadd.s32 @!p0 s1  }
0x1ff: {  	[bflag:$0x3] =	sbarrier.arrive $0xFFFF  }
0x200: {  	_ =	shalt  }

// kernel: kernel.9.cloned.1.call-start
scs
__scs_entry_jumppad:
0x0: {  	(pc) =	sbr.rel $0x88, $3  }
0x1: {  	(tag) =	ssettag $0x0;
	lr =	simm.s32 $0x1  }
0x2: {  	[smem:$0x3F97] =	sst lr;
	_ =	strace $0xD0000000  }
0x3: {  	_ = 	snop  }
0x4: {  	_ = 	snop  }
0x5: {  	_ = 	snop  }
0x6: {  	_ = 	snop  }
0x7: {  	_ = 	snop  }
__scs_overlays_trampoline_lowered:
0x8: {  	[smem:$0x3FA6] =	sst s0  }
0x9: {  	[smem:$0x3FA7] =	sst s1  }
0xa: {  	[smem:$0x3FA8] =	sst s2  }
0xb: {  	[smem:$0x3FA9] =	sst s3  }
0xc: {  	[smem:$0x3FAA] =	sst s4  }
0xd: {  	[smem:$0x3FAB] =	sst s5  }
0xe: {  	[smem:$0x3FAC] =	sst s6  }
0xf: {  	[smem:$0x3FAD] =	sst s7  }
0x10: {  	[smem:$0x3FAE] =	sst s8  }
0x11: {  	[smem:$0x3FAF] =	sst s9;
	s0 =	simm.s32 @!p0 $0x0  }
0x12: {  	s1 =	sld [smem:$0x3F95];
	s0 =	simm.s32 @p0 $0x1  }
0x13: {  	[smem:$0x3FB0] =	sst s0;
	s0 =	simm.s32 @!p1 $0x0  }
0x14: {  	s2 =	sld [smem:$0x3F94];
	s0 =	simm.s32 @p1 $0x1  }
0x15: {  	[smem:$0x3FB1] =	sst s0;
	s0 =	simm.s32 @!p2 $0x0  }
0x16: {  	s3 =	sld [smem:$0x3FDB];
	s0 =	simm.s32 @p2 $0x1  }
0x17: {  	s4 =	simm.s32 $0x1BF5;
	[smem:$0x3FB3] =	sst s0  }
0x18: {  	s0 =	sld [smem:$0x3F96];
	_ =	swait.ge [sflag:s4], $0x0  }
0x19: {  	s7 =	sld [smem:$0x3F97]  }
0x1a: {  	s8 =	sadd.s32 $0xFFFFE003, lr  }
0x1b: {  	s9 =	sadd.s32 $0xFFFFFEF7, lr;
	s5 =	simm.s32 $0xFFFFFFFF;
	p2 =	slt.u32 s8, $0xFFFFF086  }
0x1c: {  	p1 =	slt.u32 s9, $0xF7A;
	s5 =	simm.s32 @!p2 $0x0  }
0x1d: {  	s5 =	simm.s32 @p1 $0x1;
	p0 =	seq.s32 s7, s2  }
0x1e: {  	s7 =	smul.u32 @!p0 $0xF7A, s2;
	p2 =	seq.s32 @!p0 s5, $0x0  }
0x1f: {  	s9 =	smul.u32 $0xF7A, s1;
	s8 =	simm.s32 @!p0 $0x1BF5;
	p2 =	por !p2, p0  }
0x20: {  	[sflag:s8] =	ssyncset.s32 @!p0 $0xFFFFF086;
	s6 =	sadd.s32 @!p0 s3, s7;
	s7 =	simm.s32 @!p0 $0x108  }
0x21: {  	s3 =	sadd.s32 s3, s9;
	s6 =	sadd.s32 @!p0 $0x88, s6;
	s7 =	simm.s32 @p2 $0x1082  }
0x22: {  	[simem:s7], [sflag:s8] =	dma.local @!p0 [hbm:s6], $0xF7A  }
0x23: {  	s9 =	sor.u32 $0xD0000000, s2;
	s6 =	simm.s32 $0x108;
	_ =	swait.ge @!p0 [sflag:s8], $0x0  }
0x24: {  	s3 =	sadd.s32 $0x88, s3;
	s6 =	simm.s32 @!p1 $0x1082;
	[sflag:s4] =	ssyncset.s32 $0xFFFFF086  }
0x25: {  	[simem:s6], [sflag:s4] =	dma.local [hbm:s3], $0xF7A  }
0x26: {  	[smem:$0x3F97] =	sst s1;
	(tag) =	ssettag s2;
	_ =	strace s9  }
0x27: {  	s1 =	sld [smem:$0x3FA7]  }
0x28: {  	s2 =	sld [smem:$0x3FA8]  }
0x29: {  	s4 =	sld [smem:$0x3FAA]  }
0x2a: {  	p0 =	seq.s32 s5, $0x0;
	s5 =	sld [smem:$0x3FAB]  }
0x2b: {  	s6 =	sld [smem:$0x3FAC]  }
0x2c: {  	s7 =	sld [smem:$0x3FAD]  }
0x2d: {  	s3 =	simm.s32 $0x108;
	s8 =	sld [smem:$0x3FAE]  }
0x2e: {  	s3 =	simm.s32 @!p0 $0x1082;
	s9 =	sld [smem:$0x3FAF]  }
0x2f: {  	lr =	sadd.s32 s0, s3;
	s0 =	sld [smem:$0x3FA6]  }
0x30: {  	s3 =	sld [smem:$0x3FA9]  }
0x31: {  	[smem:$0x3FB2] =	sst s10  }
0x32: {  	s10 =	sld [smem:$0x3FB0];
	_ =	sdelay $0x3  }
0x33: {  	p0 =	seq.s32 s10, $0x1;
	s10 =	sld [smem:$0x3FB2];
	_ =	sdelay $0x3  }
0x34: {  	[smem:$0x3FB2] =	sst s10  }
0x35: {  	s10 =	sld [smem:$0x3FB1];
	_ =	sdelay $0x3  }
0x36: {  	p1 =	seq.s32 s10, $0x1;
	s10 =	sld [smem:$0x3FB2];
	_ =	sdelay $0x3  }
0x37: {  	[smem:$0x3FB2] =	sst s10  }
0x38: {  	s10 =	sld [smem:$0x3FB3]  }
0x39: {  	_ = 	snop;
	(pc) =	sbr.ind lr, $3  }
0x3a: {  	_ = 	snop  }
0x3b: {  	_ = 	snop  }
0x3c: {  	p2 =	seq.s32 s10, $0x1;
	s10 =	sld [smem:$0x3FB2]  }
0x3d: {  	_ =	shalt  }
0x3e: {  	_ =	shalt  }
0x3f: {  	_ =	shalt  }
0x40: {  	_ =	shalt  }
0x41: {  	_ =	shalt  }
0x42: {  	_ =	shalt  }
0x43: {  	_ =	shalt  }
0x44: {  	_ =	shalt  }
0x45: {  	_ =	shalt  }
0x46: {  	_ =	shalt  }
0x47: {  	_ =	shalt  }
0x48: {  	_ =	shalt  }
0x49: {  	_ =	shalt  }
0x4a: {  	_ =	shalt  }
0x4b: {  	_ =	shalt  }
0x4c: {  	_ =	shalt  }
0x4d: {  	_ =	shalt  }
0x4e: {  	_ =	shalt  }
0x4f: {  	_ =	shalt  }
0x50: {  	_ =	shalt  }
0x51: {  	_ =	shalt  }
0x52: {  	_ =	shalt  }
0x53: {  	_ =	shalt  }
0x54: {  	_ =	shalt  }
0x55: {  	_ =	shalt  }
0x56: {  	_ =	shalt  }
0x57: {  	_ =	shalt  }
0x58: {  	_ =	shalt  }
0x59: {  	_ =	shalt  }
0x5a: {  	_ =	shalt  }
0x5b: {  	_ =	shalt  }
0x5c: {  	_ =	shalt  }
0x5d: {  	_ =	shalt  }
0x5e: {  	_ =	shalt  }
0x5f: {  	_ =	shalt  }
0x60: {  	_ =	shalt  }
0x61: {  	_ =	shalt  }
0x62: {  	_ =	shalt  }
0x63: {  	_ =	shalt  }
0x64: {  	_ =	shalt  }
0x65: {  	_ =	shalt  }
0x66: {  	_ =	shalt  }
0x67: {  	_ =	shalt  }
0x68: {  	_ =	shalt  }
0x69: {  	_ =	shalt  }
0x6a: {  	_ =	shalt  }
0x6b: {  	_ =	shalt  }
0x6c: {  	_ =	shalt  }
0x6d: {  	_ =	shalt  }
0x6e: {  	_ =	shalt  }
0x6f: {  	_ =	shalt  }
0x70: {  	_ =	shalt  }
0x71: {  	_ =	shalt  }
0x72: {  	_ =	shalt  }
0x73: {  	_ =	shalt  }
0x74: {  	_ =	shalt  }
0x75: {  	_ =	shalt  }
0x76: {  	_ =	shalt  }
0x77: {  	_ =	shalt  }
0x78: {  	_ =	shalt  }
0x79: {  	_ =	shalt  }
0x7a: {  	_ =	shalt  }
0x7b: {  	_ =	shalt  }
0x7c: {  	_ =	shalt  }
0x7d: {  	_ =	shalt  }
0x7e: {  	_ =	shalt  }
0x7f: {  	_ =	shalt  }
0x80: {  	_ =	shalt  }
0x81: {  	_ =	shalt  }
0x82: {  	_ =	shalt  }
0x83: {  	_ =	shalt  }
0x84: {  	_ =	shalt  }
0x85: {  	_ =	shalt  }
0x86: {  	_ =	shalt  }
0x87: {  	_ =	shalt  }
.Lfunc_end0:
.L_simem_size_0:
called_computation.1_lowered:
.L_overlay_start_0:
0x88: {  	s2 =	sld [smem:$0x3FD9]  }
0x89: {  	s3 =	sld [smem:$0x3FFE];
	_ =	sdelay $0x1  }
0x8a: {  	s1 =	srdreg.scid  }
0x8b: {  	s0 =	sand.u32 $0x1, s1  }
0x8c: {  	s17 =	sshll.u32 s0, $0xA;
	s2 =	sadd.s32 s3, s2  }
0x8d: {  	s2 =	sadd.s32 s2, s17  }
0x8e: {  	[smem:$0x3FBE] =	sst s2  }
0x8f: {  	_ = 	snop  }
0x90: {  	s2 =	sld [smem:$0x3FD0];
	(tm) =	ssettm $0x1  }
0x91: {  	s18 =	sld [smem:$0x3FFB];
	_ =	sdelay $0x3  }
0x92: {  	_ =	strace s18  }
0x93: {  	s3 =	sld [smem:$0x3FFC];
	_ =	sdelay $0x3  }
0x94: {  	_ =	strace s3  }
0x95: {  	s3 =	sld [smem:$0x3FFD];
	_ =	sdelay $0x3  }
0x96: {  	_ =	strace s3  }
0x97: {  	_ =	strace $0x8FFFFFFF  }
0x98: {  	s19 =	sld [smem:$0x3FDB];
	_ =	sdelay $0x1  }
0x99: {  	s4 =	simm.s32 $_scs_section_size  }
0x9a: {  	s5 =	simm.s32 $_size__tile_overlayer_lowered;
	s6 =	simm.s32 $_tile_overlayer_lowered  }
0x9b: {  	s22 =	simm.s32 $0x1BFF;
	s21 =	sshll.u32 s6, $0x1;
	s3 =	sadd.s32 s4, s19  }
0x9c: {  	s7 =	simm.s32 $0x0;
	s20 =	sshll.u32 s5, $0x1;
	s5 =	sadd.s32 s21, s3  }
0x9d: {  	[timem:s7], [sflag:s22] =	dma.local [hbm:s5], s20  }
0x9e: {  	_ =	swait.ge [sflag:s22], s20  }
0x9f: {  	s4 =	ssub.s32 $0x0, s20;
	[sflag:s22] =	ssyncset.done $0x0  }
0xa0: {  	[sflag:s22] =	ssyncadd.s32 s4;
	_ =	sdelay $0x1  }
0xa1: {  	s23 =	simm.s32 $0x1B8B  }
0xa2: {  	_ =	swait.ge [sflag:s23], $0x1  }
0xa3: {  	[sflag:s23] =	ssyncset.done $0x0  }
0xa4: {  	s25 =	simm.s32 $0x1B8E;
	s24 =	sld [smem:$0x3FFE];
	[sflag:s23] =	ssyncadd.s32 $0xFFFFFFFF  }
0xa5: {  	s26 =	simm.s32 $execute0_lowered;
	[smem:$0x3FD2] =	sst s25  }
0xa6: {  	s5 =	sshll.u32 s26, $0x1;
	_ =	strace $0x80000049;
	[dreg:$0x1] =	wrdreg $0xFFFFFFFF  }
0xa7: {  	s28 =	simm.s32 $_size_execute0_lowered;
	s3 =	sadd.s32 s3, s5;
	[dreg:$0x0] =	wrdreg $0x0  }
0xa8: {  	s5 =	sshll.u32 s28, $0x1;
	[dreg:$0x2] =	wrdreg s3  }
0xa9: {  	[dreg:$0x3] =	wrdreg s5  }
0xaa: {  	[dreg:$0x4] =	wrdreg $0xC0  }
0xab: {  	_ =	task [dreg:s7], $0x5FFFF  }
0xac: {  	[dreg:$0x1] =	wrdreg $0xFFFFFFFF  }
0xad: {  	[dreg:$0x0] =	wrdreg $0x60  }
0xae: {  	[dreg:$0x2] =	wrdreg s2  }
0xaf: {  	[dreg:$0x3] =	wrdreg s24  }
0xb0: {  	[dreg:$0x4] =	wrdreg $0x100400  }
0xb1: {  	[dreg:$0x5] =	wrdreg $0x150400  }
0xb2: {  	[dreg:$0x6] =	wrdreg $0x9  }
0xb3: {  	_ =	task.clear_ibuf [dreg:s7], $0x7FFFF;
	_ =	strace $0x90000049  }
0xb4: {  	s29 =	simm.s32 $0x9;
	_ =	strace $0x8000004B  }
0xb5: {  	_ =	swait.ge [sflag:s29], $0x1  }
0xb6: {  	[sflag:s29] =	ssyncadd.s32 $0xFFFFFFFF  }
0xb7: {  	_ =	strace $0x9000004B  }
0xb8: {  	_ =	sfence  }
0xb9: {  	s30 =	sld [smem:$0x0];
	_ =	sdelay $0x2  }
0xba: {  	s31 =	sshll.u32 s1, $0xD;
	s1 =	sshrl.u32 s1, $0x2  }
0xbb: {  	s3 =	sand.u32 $0x4000, s31;
	s1 =	sadd.s32 s1, s30  }
0xbc: {  	s0 =	sor.u32 s3, s0;
	s1 =	sshll.u32 s1, $0x11  }
0xbd: {  	s0 =	sor.u32 s1, s0  }
0xbe: {  	s0 =	sadd.s32 $0x8F2B, s0  }
0xbf: {  	[sflag:s0] =	ssyncadd.remote.s32 $0x1  }
0xc0: {  	_ =	sfence.sel $0xFFFF  }
0xc1: {  	[dreg:$0x0] =	wrdreg $0xFFFFFFFF;
	(pc) =	sbr.abs _section_cstart, $3  }
0xc2: {  	[dreg:$0x1] =	wrdreg $0xFFFFFFFF  }
0xc3: {  	_ =	task.clear_ibuf [dreg:s7], $0x2FFFF;
	_ =	strace $0x9FFFFFFF  }
0xc4: {  	(tm) =	ssettm $0x7FFFFFFF  }
0xc5: {  	_ =	shalt  }
tec
execute0_lowered:
.L_overlay_start_1:
0x0: {  	(tag) =	ssettag $0x1  }
0x1: {  	s0 =	rddreg [dreg:$0x0]  }
0x2: {  	s1 =	rddreg [dreg:$0x1]  }
0x3: {  	s2 =	rddreg [dreg:$0x2]  }
0x4: {  	s3 =	rddreg [dreg:$0x3];
	s12 =	stileid.u32  }
0x5: {  	s5 =	simm.s32 $0x0;
	s6 =	srdreg.scid;
	s14 =	simm.s32 $0x15  }
0x6: {  	s18 =	simm.s32 $0x1;
	s19 =	simm.s32 $0x4;
	s4 =	smul.u32 $0x4E20, s12  }
0x7: {  	s28 =	simm.s32 $0xBA40;
	[smem:$0x7FF] =	sst s5;
	s20 =	smul.u32 $0x5000, s12  }
0x8: {  	s6 =	sand.u32 $0x1, s6;
	s10 =	smul.u32 $0x13880, s12;
	s30 =	sshll.u32 s12, $0x6  }
0x9: {  	s12 =	simm.s32 $0x2;
	_ =	strace $0x8000004A;
	s8 =	ssub.s32 $0x2, s6  }
0xa: {  	s22 =	sshll.u32 s6, $0x6;
	s11 =	smul.u32 $0xA0000, s6;
	s6 =	sshllo.u32 s6, $0x1  }
0xb: {  	s16 =	sor.u32 $0x1C15, s30;
	s4 =	sshrl.u32 s4, $0x3;
	s7 =	sshrl.u32 s20, $0x3  }
0xc: {  	s9 =	sshrl.u32 s8, $0x1;
	s23 =	sshrl.u32 s10, $0x2;
	s24 =	smul.u32 $0x50000, s6  }
0xd: {  	s13 =	sadd.s32 s20, s3;
	s6 =	sshll.u32 s6, $0x5;
	s4 =	sadd.s32 s4, s1  }
0xe: {  	s7 =	sadd.s32 s7, s1;
	s1 =	sadd.s32 $0x20200, s1;
	s8 =	ssub.s32 s8, s9  }
0xf: {  	s9 =	sor.u32 s22, s10;
	[dreg:$0x8] =	wrdreg s13;
	s25 =	sadd.s32 s20, s11  }
0x10: {  	s6 =	sor.u32 s10, s6;
	s22 =	simm.s32 $0x9C40;
	s11 =	simm.s32 $0xF640  }
0x11: {  	s13 =	simm.s32 $0x6;
	s21 =	sadd.s32 $0x2800, s4;
	s4 =	sadd.s32 $0xC440, s4  }
0x12: {  	s9 =	sshrl.u32 s9, $0x3;
	s7 =	sadd.s32 $0x16200, s7;
	s5 =	sadd.s32 s20, s24  }
0x13: {  	s6 =	sshrl.u32 s6, $0x3;
	s29 =	smax.u32 s8, $0x1;
	s20 =	simm.s32 $0x10  }
0x14: {  	s8 =	simm.s32 $0xEC40;
	s24 =	simm.s32 $0x8;
	[dreg:$0x5] =	wrdreg s21  }
0x15: {  	[dreg:$0x6] =	wrdreg s4;
	s4 =	sadd.s32 s23, s2;
	s9 =	sadd.s32 s0, s9  }
0x16: {  	[dreg:$0x9] =	wrdreg s7;
	s7 =	sshrl.u32 s25, $0x3;
	s5 =	sshrl.u32 s5, $0x3  }
0x17: {  	s0 =	sadd.s32 s0, s6;
	[dreg:$0xd] =	wrdreg s29;
	s21 =	simm.s32 $0x50  }
.Ltmp0:
0x18: {  	s23 =	simm.s32 $0xA640;
	[dreg:$0x7] =	wrdreg s9;
	(pc) =	sbr.rel .LBB2_1-.Ltmp0, $4  }
0x19: {  	s6 =	simm.s32 $0xE240;
	s7 =	sadd.s32 s1, s7;
	[dreg:$0xb] =	wrdreg s0  }
0x1a: {  	s25 =	simm.s32 $0xA;
	s26 =	sadd.s32 s1, s5;
	[dreg:$0xa] =	wrdreg s7  }
0x1b: {  	s31 =	sshrl.u32 s4, $0x3;
	s0 =	simm.s32 $0xCE40;
	[dreg:$0xc] =	wrdreg s26  }
0x1c: {  	s4 =	simm.s32 $0x0;
	[dreg:$0xe] =	wrdreg s31;
	s7 =	simm.s32 $0x13  }
.LBB2_7:
0x1d: {  	s1 =	simm.s32 $0xB  }
0x1e: {  	_ =	swait.ge [sflag:s1], $0xA00  }
0x1f: {  	[sflag:s1] =	ssyncset.done $0x0  }
0x20: {  	s31 =	simm.s32 $0xC;
	[sflag:s1] =	ssyncadd.s32 $0xFFFFF600  }
0x21: {  	_ =	swait.ge [sflag:s31], $0xA00  }
0x22: {  	[sflag:s31] =	ssyncset.done $0x0  }
0x23: {  	s5 =	simm.s32 $0xD;
	[sflag:s31] =	ssyncadd.s32 $0xFFFFF600  }
0x24: {  	_ =	swait.ge [sflag:s5], $0xA00  }
0x25: {  	[sflag:s5] =	ssyncset.done $0x0  }
0x26: {  	s10 =	simm.s32 $0xE;
	[sflag:s5] =	ssyncadd.s32 $0xFFFFF600  }
0x27: {  	_ =	swait.ge [sflag:s10], $0xA00  }
0x28: {  	[sflag:s10] =	ssyncset.done $0x0  }
0x29: {  	s15 =	simm.s32 $0xF;
	[sflag:s10] =	ssyncadd.s32 $0xFFFFF600  }
0x2a: {  	_ =	swait.ge [sflag:s15], $0xA00  }
0x2b: {  	[sflag:s15] =	ssyncset.done $0x0  }
0x2c: {  	[sflag:s15] =	ssyncadd.s32 $0xFFFFF600  }
0x2d: {  	_ =	swait.ge [sflag:s20], $0xA00  }
0x2e: {  	[sflag:s20] =	ssyncset.done $0x0  }
0x2f: {  	s17 =	simm.s32 $0x11;
	[sflag:s20] =	ssyncadd.s32 $0xFFFFF600  }
0x30: {  	_ =	swait.ge [sflag:s17], $0xA00  }
0x31: {  	[sflag:s17] =	ssyncset.done $0x0  }
0x32: {  	s26 =	simm.s32 $0x12;
	[sflag:s17] =	ssyncadd.s32 $0xFFFFF600  }
0x33: {  	_ =	swait.ge [sflag:s26], $0xA00  }
0x34: {  	[sflag:s26] =	ssyncset.done $0x0  }
0x35: {  	[sflag:s26] =	ssyncadd.s32 $0xFFFFF600  }
0x36: {  	_ =	swait.ge [sflag:s7], $0xA00  }
0x37: {  	[sflag:s7] =	ssyncset.done $0x0  }
0x38: {  	s29 =	simm.s32 $0x14;
	[sflag:s7] =	ssyncadd.s32 $0xFFFFF600  }
0x39: {  	_ =	swait.ge [sflag:s29], $0xA00  }
0x3a: {  	[sflag:s29] =	ssyncset.done $0x0  }
0x3b: {  	[sflag:s29] =	ssyncadd.s32 $0xFFFFF600  }
0x3c: {  	[bflag:$0x0] =	sbarrier.arrive $0xFFFF  }
0x3d: {  	s30 =	rddreg [dreg:$0xc]  }
0x3e: {  	[hbm:s30], [sflag:s16] =	dma.local [spmem:s9], $0xA00  }
0x3f: {  	_ =	swait.ge [sflag:s14], $0xA00  }
0x40: {  	s4 =	sadd.s32 $0x1, s4;
	s31 =	rddreg [dreg:$0xd]  }
0x41: {  	p0 =	sne.s32 s4, s31  }
.Ltmp1:
0x42: {  	_ = 	snop;
	(pc) =	sbr.rel @!p0 .LBB2_8-.Ltmp1, $3  }
0x43: {  	_ =	sdelay $0x1  }
0x44: {  	[sflag:s14] =	ssyncset.done $0x0  }
0x45: {  	[sflag:s14] =	ssyncadd.s32 $0xFFFFF600  }
.LBB2_1:
0x46: {  	s1 =	simm.s32 $0x0;
	s5 =	rddreg [dreg:$0x5]  }
0x47: {  	[tilespmem:s1], [sflag:$0x15] =	stream.linear.gather [hbm4b:s5+s1], $0x4E20, $0x38;
	[tilespmem:$0x1A040] =	vst v63  }
0x48: {  	_ =	swait.ge [sflag:s14], $0x4E20  }
0x49: {  	[sflag:s14] =	ssyncset.done $0x0  }
0x4a: {  	s9 =	simm.s32 $0x4E20;
	s31 =	rddreg [dreg:$0x6];
	[sflag:s14] =	ssyncadd.s32 $0xFFFFB1E0  }
0x4b: {  	[tilespmem:s9], [sflag:$0x15] =	stream.linear.gather [hbm4b:s31+s1], $0x4E20, $0x38;
	[tilespmem:$0x1A040] =	vst v63  }
0x4c: {  	_ =	swait.ge [sflag:s14], $0x4E20  }
0x4d: {  	[sflag:s14] =	ssyncset.done $0x0;
	s10 =	rddreg [dreg:$0x7]  }
0x4e: {  	s15 =	rddreg [dreg:$0xe];
	[sflag:s14] =	ssyncadd.s32 $0xFFFFB1E0  }
0x4f: {  	[spmem:s15@s19], [sflag:s16] =	dma.strided [hbm:s10@s20], $0x9C4, s18, $0x4   }
0x50: {  	_ =	swait.ge [sflag:s14], $0x9C4  }
0x51: {  	[sflag:s14] =	ssyncset.done $0x0;
	s17 =	rddreg [dreg:$0x8]  }
0x52: {  	s26 =	rddreg [dreg:$0x9];
	[sflag:s14] =	ssyncadd.s32 $0xFFFFF63C;
	s9 =	sshrl.u32 s17, $0x3  }
0x53: {  	[spmem:s9], [sflag:s16] =	dma.local [hbm:s26], $0xA00  }
0x54: {  	_ =	swait.ge [sflag:s14], $0xA00  }
0x55: {  	[sflag:s14] =	ssyncset.done $0x0  }
0x56: {  	[sflag:s14] =	ssyncadd.s32 $0xFFFFF600  }
0x57: {  	[bflag:$0x0] =	sbarrier.arrive $0xFFFF  }
0x58: {  	[tilespmem:s22], [sflag:$0x1] =	stream.indirect.gather [spmem:s2], $0x20, s1, s21, $0xb8;
	[tilespmem:$0x1A040] =	vst v63  }
0x59: {  	_ = 	snop  }
0x5a: {  	[tilespmem:s23], [sflag:$0x2] =	stream.indirect.gather [spmem:s2], $0x20, s21, s21, $0xb8;
	[tilespmem:$0x1A040] =	vst v63  }
0x5b: {  	s29 =	simm.s32 $0xA0;
	s30 =	simm.s32 $0xB040  }
0x5c: {  	[tilespmem:s30], [sflag:$0x3] =	stream.indirect.gather [spmem:s2], $0x20, s29, s21, $0xb8;
	[tilespmem:$0x1A040] =	vst v63  }
0x5d: {  	s31 =	simm.s32 $0xF0  }
0x5e: {  	[tilespmem:s28], [sflag:$0x4] =	stream.indirect.gather [spmem:s2], $0x20, s31, s21, $0xb8;
	[tilespmem:$0x1A040] =	vst v63  }
0x5f: {  	s5 =	simm.s32 $0x140;
	s10 =	simm.s32 $0xC440  }
0x60: {  	[tilespmem:s10], [sflag:$0x5] =	stream.indirect.gather [spmem:s2], $0x20, s5, s21, $0xb8;
	[tilespmem:$0x1A040] =	vst v63  }
0x61: {  	s15 =	simm.s32 $0x190  }
0x62: {  	[tilespmem:s0], [sflag:$0x6] =	stream.indirect.gather [spmem:s2], $0x20, s15, s21, $0xb8;
	[tilespmem:$0x1A040] =	vst v63  }
0x63: {  	s17 =	simm.s32 $0x1E0;
	s26 =	simm.s32 $0xD840  }
0x64: {  	[tilespmem:s26], [sflag:$0x7] =	stream.indirect.gather [spmem:s2], $0x20, s17, s21, $0xb8;
	[tilespmem:$0x1A040] =	vst v63  }
0x65: {  	s29 =	simm.s32 $0x230  }
0x66: {  	[tilespmem:s6], [sflag:$0x8] =	stream.indirect.gather [spmem:s2], $0x20, s29, s21, $0xb8;
	[tilespmem:$0x1A040] =	vst v63  }
0x67: {  	s30 =	simm.s32 $0x280  }
0x68: {  	[tilespmem:s8], [sflag:$0x9] =	stream.indirect.gather [spmem:s2], $0x20, s30, s21, $0xb8;
	[tilespmem:$0x1A040] =	vst v63  }
0x69: {  	s31 =	simm.s32 $0x2D0;
	s17 =	simm.s32 $0x0  }
0x6a: {  	[tilespmem:s11], [sflag:$0xA] =	stream.indirect.gather [spmem:s2], $0x20, s31, s21, $0xb8;
	[tilespmem:$0x1A040] =	vst v63  }
.LBB2_2:
0x6b: {  	_ =	swait.ge [sflag:s18], $0xA00  }
0x6c: {  	s26 =	sshra.s32 s17, $0x2;
	[sflag:s18] =	ssyncset.done $0x0  }
0x6d: {  	p0 =	seq.s32 s17, $0x0;
	s1 =	sadd.s32 $0x4E20, s26;
	[sflag:s18] =	ssyncadd.s32 $0xFFFFF600  }
0x6e: {  	[spmem:s3] =	stream.indirect.scatter.add.f32 [tilespmem:s22], [sflag:$0xB], $0x20, s1, s21, $0xb8;
	[tilespmem:$0x1A040] =	vst v63  }
0x6f: {  	s1 =	simm.s32 @!p0 $0x14  }
0x70: {  	_ =	swait.ge @!p0 [sflag:s1], $0xA00  }
0x71: {  	[sflag:s1] =	ssyncset.done @!p0 $0x0  }
0x72: {  	[sflag:s1] =	ssyncadd.s32 @!p0 $0xFFFFF600;
	s1 =	sshra.s32 @!p0 s17, $0x2  }
0x73: {  	s29 =	simm.s32 @!p0 $0x50;
	s30 =	simm.s32 @!p0 $0xF640;
	s1 =	sadd.s32 @!p0 $0x2D0, s1  }
0x74: {  	[tilespmem:s30], [sflag:$0xA] =	stream.indirect.gather @!p0 [spmem:s2], $0x20, s1, s29, $0xb8;
	[tilespmem:$0x1A040] =	vst v63  }
0x75: {  	_ =	swait.ge [sflag:s12], $0xA00  }
0x76: {  	p0 =	seq.s32 s17, $0x12C00;
	[sflag:s12] =	ssyncset.done $0x0  }
0x77: {  	s5 =	sadd.s32 $0x4E70, s26;
	s1 =	simm.s32 @p0 $0x3;
	[sflag:s12] =	ssyncadd.s32 $0xFFFFF600  }
0x78: {  	[spmem:s3] =	stream.indirect.scatter.add.f32 [tilespmem:s23], [sflag:$0xC], $0x20, s5, s21, $0xb8;
	[tilespmem:$0x1A040] =	vst v63  }
0x79: {  	_ =	swait.ge @p0 [sflag:s1], $0xA00  }
0x7a: {  	s31 =	sshra.s32 @p0 s17, $0x2;
	s30 =	simm.s32 @p0 $0xB040;
	[sflag:s1] =	ssyncset.done @p0 $0x0  }
0x7b: {  	s29 =	sadd.s32 @p0 $0x4EC0, s31;
	[sflag:s1] =	ssyncadd.s32 @p0 $0xFFFFF600;
	s1 =	simm.s32 @p0 $0x50  }
0x7c: {  	[spmem:s3] =	stream.indirect.scatter.add.f32 @p0 [tilespmem:s30], [sflag:$0xD], $0x20, s29, s1, $0xb8;
	[tilespmem:$0x1A040] =	vst v63  }
0x7d: {  	s29 =	simm.s32 @!p0 $0xB  }
0x7e: {  	_ =	swait.ge @!p0 [sflag:s29], $0xA00  }
0x7f: {  	[sflag:s29] =	ssyncset.done @!p0 $0x0  }
0x80: {  	[sflag:s29] =	ssyncadd.s32 @!p0 $0xFFFFF600;
	s29 =	sshra.s32 @!p0 s17, $0x2  }
0x81: {  	s5 =	simm.s32 @!p0 $0x9C40;
	s30 =	simm.s32 @!p0 $0x50;
	s15 =	sadd.s32 @!p0 $0x320, s29  }
0x82: {  	[tilespmem:s5], [sflag:$0x1] =	stream.indirect.gather @!p0 [spmem:s2], $0x20, s15, s30, $0xb8;
	[tilespmem:$0x1A040] =	vst v63  }
0x83: {  	s5 =	simm.s32 @!p0 $0x3  }
0x84: {  	_ =	swait.ge @!p0 [sflag:s5], $0xA00  }
0x85: {  	[sflag:s5] =	ssyncset.done @!p0 $0x0  }
0x86: {  	s15 =	simm.s32 @!p0 $0xB040;
	[sflag:s5] =	ssyncadd.s32 @!p0 $0xFFFFF600;
	s5 =	sadd.s32 @!p0 $0x4EC0, s29  }
0x87: {  	[spmem:s3] =	stream.indirect.scatter.add.f32 @!p0 [tilespmem:s15], [sflag:$0xD], $0x20, s5, s30, $0xb8;
	[tilespmem:$0x1A040] =	vst v63  }
0x88: {  	s5 =	simm.s32 @!p0 $0xC  }
0x89: {  	_ =	swait.ge @!p0 [sflag:s5], $0xA00  }
0x8a: {  	[sflag:s5] =	ssyncset.done @!p0 $0x0  }
0x8b: {  	s10 =	simm.s32 @!p0 $0xA640;
	[sflag:s5] =	ssyncadd.s32 @!p0 $0xFFFFF600;
	s5 =	sadd.s32 @!p0 $0x370, s29  }
0x8c: {  	[tilespmem:s10], [sflag:$0x2] =	stream.indirect.gather @!p0 [spmem:s2], $0x20, s5, s30, $0xb8;
	[tilespmem:$0x1A040] =	vst v63  }
0x8d: {  	_ =	swait.ge [sflag:s19], $0xA00  }
0x8e: {  	[sflag:s19] =	ssyncset.done $0x0  }
0x8f: {  	s10 =	sadd.s32 $0x4F10, s26;
	s5 =	simm.s32 @p0 $0x5;
	[sflag:s19] =	ssyncadd.s32 $0xFFFFF600  }
0x90: {  	[spmem:s3] =	stream.indirect.scatter.add.f32 [tilespmem:s28], [sflag:$0xE], $0x20, s10, s21, $0xb8;
	[tilespmem:$0x1A040] =	vst v63  }
0x91: {  	_ =	swait.ge @p0 [sflag:s5], $0xA00  }
0x92: {  	[sflag:s5] =	ssyncset.done @p0 $0x0  }
0x93: {  	s10 =	simm.s32 @p0 $0xC440;
	[sflag:s5] =	ssyncadd.s32 @p0 $0xFFFFF600;
	s5 =	sadd.s32 @p0 $0x4F60, s31  }
0x94: {  	[spmem:s3] =	stream.indirect.scatter.add.f32 @p0 [tilespmem:s10], [sflag:$0xF], $0x20, s5, s1, $0xb8;
	[tilespmem:$0x1A040] =	vst v63  }
0x95: {  	s5 =	simm.s32 @!p0 $0xD  }
0x96: {  	_ =	swait.ge @!p0 [sflag:s5], $0xA00  }
0x97: {  	[sflag:s5] =	ssyncset.done @!p0 $0x0  }
0x98: {  	[sflag:s5] =	ssyncadd.s32 @!p0 $0xFFFFF600;
	s5 =	sadd.s32 @!p0 $0x3C0, s29  }
0x99: {  	[tilespmem:s15], [sflag:$0x3] =	stream.indirect.gather @!p0 [spmem:s2], $0x20, s5, s30, $0xb8;
	[tilespmem:$0x1A040] =	vst v63  }
0x9a: {  	s5 =	simm.s32 @!p0 $0x5  }
0x9b: {  	_ =	swait.ge @!p0 [sflag:s5], $0xA00  }
0x9c: {  	[sflag:s5] =	ssyncset.done @!p0 $0x0  }
0x9d: {  	s10 =	simm.s32 @!p0 $0xC440;
	[sflag:s5] =	ssyncadd.s32 @!p0 $0xFFFFF600;
	s5 =	sadd.s32 @!p0 $0x4F60, s29  }
0x9e: {  	[spmem:s3] =	stream.indirect.scatter.add.f32 @!p0 [tilespmem:s10], [sflag:$0xF], $0x20, s5, s30, $0xb8;
	[tilespmem:$0x1A040] =	vst v63  }
0x9f: {  	s5 =	simm.s32 @!p0 $0xE  }
0xa0: {  	_ =	swait.ge @!p0 [sflag:s5], $0xA00  }
0xa1: {  	[sflag:s5] =	ssyncset.done @!p0 $0x0  }
0xa2: {  	s15 =	simm.s32 @!p0 $0xBA40;
	[sflag:s5] =	ssyncadd.s32 @!p0 $0xFFFFF600;
	s5 =	sadd.s32 @!p0 $0x410, s29  }
0xa3: {  	[tilespmem:s15], [sflag:$0x4] =	stream.indirect.gather @!p0 [spmem:s2], $0x20, s5, s30, $0xb8;
	[tilespmem:$0x1A040] =	vst v63  }
0xa4: {  	_ =	swait.ge [sflag:s13], $0xA00  }
0xa5: {  	[sflag:s13] =	ssyncset.done $0x0  }
0xa6: {  	s15 =	sadd.s32 $0x4FB0, s26;
	s5 =	simm.s32 @p0 $0x7;
	[sflag:s13] =	ssyncadd.s32 $0xFFFFF600  }
0xa7: {  	[spmem:s3] =	stream.indirect.scatter.add.f32 [tilespmem:s0], [sflag:$0x10], $0x20, s15, s21, $0xb8;
	[tilespmem:$0x1A040] =	vst v63  }
0xa8: {  	_ =	swait.ge @p0 [sflag:s5], $0xA00  }
0xa9: {  	[sflag:s5] =	ssyncset.done @p0 $0x0  }
0xaa: {  	s15 =	simm.s32 @p0 $0xD840;
	[sflag:s5] =	ssyncadd.s32 @p0 $0xFFFFF600;
	s5 =	sadd.s32 @p0 $0x5000, s31  }
0xab: {  	[spmem:s3] =	stream.indirect.scatter.add.f32 @p0 [tilespmem:s15], [sflag:$0x11], $0x20, s5, s1, $0xb8;
	[tilespmem:$0x1A040] =	vst v63  }
0xac: {  	s5 =	simm.s32 @!p0 $0xF  }
0xad: {  	_ =	swait.ge @!p0 [sflag:s5], $0xA00  }
0xae: {  	[sflag:s5] =	ssyncset.done @!p0 $0x0  }
0xaf: {  	[sflag:s5] =	ssyncadd.s32 @!p0 $0xFFFFF600;
	s5 =	sadd.s32 @!p0 $0x460, s29  }
0xb0: {  	[tilespmem:s10], [sflag:$0x5] =	stream.indirect.gather @!p0 [spmem:s2], $0x20, s5, s30, $0xb8;
	[tilespmem:$0x1A040] =	vst v63  }
0xb1: {  	s5 =	simm.s32 @!p0 $0x7  }
0xb2: {  	_ =	swait.ge @!p0 [sflag:s5], $0xA00  }
0xb3: {  	[sflag:s5] =	ssyncset.done @!p0 $0x0  }
0xb4: {  	s10 =	simm.s32 @!p0 $0xD840;
	[sflag:s5] =	ssyncadd.s32 @!p0 $0xFFFFF600;
	s5 =	sadd.s32 @!p0 $0x5000, s29  }
0xb5: {  	[spmem:s3] =	stream.indirect.scatter.add.f32 @!p0 [tilespmem:s10], [sflag:$0x11], $0x20, s5, s30, $0xb8;
	[tilespmem:$0x1A040] =	vst v63  }
0xb6: {  	s5 =	simm.s32 @!p0 $0x10  }
0xb7: {  	_ =	swait.ge @!p0 [sflag:s5], $0xA00  }
0xb8: {  	[sflag:s5] =	ssyncset.done @!p0 $0x0  }
0xb9: {  	s15 =	simm.s32 @!p0 $0xCE40;
	[sflag:s5] =	ssyncadd.s32 @!p0 $0xFFFFF600;
	s5 =	sadd.s32 @!p0 $0x4B0, s29  }
0xba: {  	[tilespmem:s15], [sflag:$0x6] =	stream.indirect.gather @!p0 [spmem:s2], $0x20, s5, s30, $0xb8;
	[tilespmem:$0x1A040] =	vst v63  }
0xbb: {  	_ =	swait.ge [sflag:s24], $0xA00  }
0xbc: {  	[sflag:s24] =	ssyncset.done $0x0  }
0xbd: {  	s15 =	sadd.s32 $0x5050, s26;
	s5 =	simm.s32 @p0 $0x9;
	[sflag:s24] =	ssyncadd.s32 $0xFFFFF600  }
0xbe: {  	[spmem:s3] =	stream.indirect.scatter.add.f32 [tilespmem:s6], [sflag:$0x12], $0x20, s15, s21, $0xb8;
	[tilespmem:$0x1A040] =	vst v63  }
0xbf: {  	_ =	swait.ge @p0 [sflag:s5], $0xA00  }
0xc0: {  	[sflag:s5] =	ssyncset.done @p0 $0x0  }
0xc1: {  	s15 =	simm.s32 @p0 $0xEC40;
	[sflag:s5] =	ssyncadd.s32 @p0 $0xFFFFF600;
	s5 =	sadd.s32 @p0 $0x50A0, s31  }
0xc2: {  	[spmem:s3] =	stream.indirect.scatter.add.f32 @p0 [tilespmem:s15], [sflag:$0x13], $0x20, s5, s1, $0xb8;
	[tilespmem:$0x1A040] =	vst v63  }
0xc3: {  	s1 =	simm.s32 @!p0 $0x11  }
0xc4: {  	_ =	swait.ge @!p0 [sflag:s1], $0xA00  }
0xc5: {  	[sflag:s1] =	ssyncset.done @!p0 $0x0  }
0xc6: {  	[sflag:s1] =	ssyncadd.s32 @!p0 $0xFFFFF600;
	s1 =	sadd.s32 @!p0 $0x500, s29  }
0xc7: {  	[tilespmem:s10], [sflag:$0x7] =	stream.indirect.gather @!p0 [spmem:s2], $0x20, s1, s30, $0xb8;
	[tilespmem:$0x1A040] =	vst v63  }
0xc8: {  	s1 =	simm.s32 @!p0 $0x9  }
0xc9: {  	_ =	swait.ge @!p0 [sflag:s1], $0xA00  }
0xca: {  	[sflag:s1] =	ssyncset.done @!p0 $0x0  }
0xcb: {  	s5 =	simm.s32 @!p0 $0xEC40;
	[sflag:s1] =	ssyncadd.s32 @!p0 $0xFFFFF600;
	s1 =	sadd.s32 @!p0 $0x50A0, s29  }
0xcc: {  	[spmem:s3] =	stream.indirect.scatter.add.f32 @!p0 [tilespmem:s5], [sflag:$0x13], $0x20, s1, s30, $0xb8;
	[tilespmem:$0x1A040] =	vst v63  }
0xcd: {  	s1 =	simm.s32 @!p0 $0x12  }
0xce: {  	_ =	swait.ge @!p0 [sflag:s1], $0xA00  }
0xcf: {  	[sflag:s1] =	ssyncset.done @!p0 $0x0  }
0xd0: {  	s5 =	simm.s32 @!p0 $0xE240;
	[sflag:s1] =	ssyncadd.s32 @!p0 $0xFFFFF600;
	s1 =	sadd.s32 @!p0 $0x550, s29  }
0xd1: {  	[tilespmem:s5], [sflag:$0x8] =	stream.indirect.gather @!p0 [spmem:s2], $0x20, s1, s30, $0xb8;
	[tilespmem:$0x1A040] =	vst v63  }
.Ltmp2:
0xd2: {  	_ = 	snop;
	(pc) =	sbr.rel @p0 .LBB2_4-.Ltmp2, $4  }
0xd3: {  	_ =	swait.ge [sflag:s25], $0xA00  }
0xd4: {  	[sflag:s25] =	ssyncset.done $0x0  }
0xd5: {  	s31 =	sadd.s32 $0x50F0, s26;
	[sflag:s25] =	ssyncadd.s32 $0xFFFFF600  }
0xd6: {  	[spmem:s3] =	stream.indirect.scatter.add.f32 [tilespmem:s11], [sflag:$0x14], $0x20, s31, s21, $0xb8;
	[tilespmem:$0x1A040] =	vst v63  }
.Ltmp3:
0xd7: {  	(pc) =	sbr.rel .LBB2_2-.Ltmp3, $4  }
0xd8: {  	_ =	swait.ge [sflag:s7], $0xA00  }
0xd9: {  	[sflag:s7] =	ssyncset.done $0x0  }
0xda: {  	s1 =	sadd.s32 $0x5A0, s26;
	s17 =	sadd.s32 $0xC80, s17;
	[sflag:s7] =	ssyncadd.s32 $0xFFFFF600  }
0xdb: {  	[tilespmem:s8], [sflag:$0x9] =	stream.indirect.gather [spmem:s2], $0x20, s1, s21, $0xb8;
	[tilespmem:$0x1A040] =	vst v63  }
.LBB2_4:
0xdc: {  	s1 =	simm.s32 $0xB  }
0xdd: {  	_ =	swait.ge [sflag:s1], $0xA00  }
0xde: {  	[sflag:s1] =	ssyncset.done $0x0  }
0xdf: {  	s31 =	simm.s32 $0xC;
	[sflag:s1] =	ssyncadd.s32 $0xFFFFF600  }
0xe0: {  	_ =	swait.ge [sflag:s31], $0xA00  }
0xe1: {  	[sflag:s31] =	ssyncset.done $0x0  }
0xe2: {  	s5 =	simm.s32 $0xD;
	[sflag:s31] =	ssyncadd.s32 $0xFFFFF600  }
0xe3: {  	_ =	swait.ge [sflag:s5], $0xA00  }
0xe4: {  	[sflag:s5] =	ssyncset.done $0x0  }
0xe5: {  	s10 =	simm.s32 $0xE;
	[sflag:s5] =	ssyncadd.s32 $0xFFFFF600  }
0xe6: {  	_ =	swait.ge [sflag:s10], $0xA00  }
0xe7: {  	[sflag:s10] =	ssyncset.done $0x0  }
0xe8: {  	s15 =	simm.s32 $0xF;
	[sflag:s10] =	ssyncadd.s32 $0xFFFFF600  }
0xe9: {  	_ =	swait.ge [sflag:s15], $0xA00  }
0xea: {  	[sflag:s15] =	ssyncset.done $0x0  }
0xeb: {  	[sflag:s15] =	ssyncadd.s32 $0xFFFFF600  }
0xec: {  	_ =	swait.ge [sflag:s20], $0xA00  }
0xed: {  	[sflag:s20] =	ssyncset.done $0x0  }
0xee: {  	s17 =	simm.s32 $0x11;
	[sflag:s20] =	ssyncadd.s32 $0xFFFFF600  }
0xef: {  	_ =	swait.ge [sflag:s17], $0xA00  }
0xf0: {  	[sflag:s17] =	ssyncset.done $0x0  }
0xf1: {  	s26 =	simm.s32 $0x12;
	[sflag:s17] =	ssyncadd.s32 $0xFFFFF600  }
0xf2: {  	_ =	swait.ge [sflag:s26], $0xA00  }
0xf3: {  	[sflag:s26] =	ssyncset.done $0x0  }
0xf4: {  	[sflag:s26] =	ssyncadd.s32 $0xFFFFF600  }
0xf5: {  	_ =	swait.ge [sflag:s7], $0xA00  }
0xf6: {  	[sflag:s7] =	ssyncset.done $0x0  }
0xf7: {  	s29 =	simm.s32 $0x14;
	[sflag:s7] =	ssyncadd.s32 $0xFFFFF600  }
0xf8: {  	_ =	swait.ge [sflag:s29], $0xA00  }
0xf9: {  	[sflag:s29] =	ssyncset.done $0x0  }
0xfa: {  	[sflag:s29] =	ssyncadd.s32 $0xFFFFF600  }
0xfb: {  	[bflag:$0x0] =	sbarrier.arrive $0xFFFF  }
0xfc: {  	s30 =	rddreg [dreg:$0xa]  }
0xfd: {  	[hbm:s30], [sflag:s16] =	dma.local [spmem:s9], $0xA00  }
0xfe: {  	_ =	swait.ge [sflag:s14], $0xA00  }
0xff: {  	[sflag:s14] =	ssyncset.done $0x0;
	s31 =	rddreg [dreg:$0xb]  }
0x100: {  	s5 =	rddreg [dreg:$0xe];
	[sflag:s14] =	ssyncadd.s32 $0xFFFFF600  }
0x101: {  	[spmem:s5@s19], [sflag:s16] =	dma.strided [hbm:s31@s20], $0x9C4, s18, $0x4   }
0x102: {  	_ =	swait.ge [sflag:s14], $0x9C4  }
0x103: {  	[sflag:s14] =	ssyncset.done $0x0  }
0x104: {  	s10 =	rddreg [dreg:$0x9];
	[sflag:s14] =	ssyncadd.s32 $0xFFFFF63C  }
0x105: {  	[spmem:s9], [sflag:s16] =	dma.local [hbm:s10], $0xA00  }
0x106: {  	_ =	swait.ge [sflag:s14], $0xA00  }
0x107: {  	[sflag:s14] =	ssyncset.done $0x0  }
0x108: {  	[sflag:s14] =	ssyncadd.s32 $0xFFFFF600  }
0x109: {  	s17 =	simm.s32 $0x0;
	[bflag:$0x0] =	sbarrier.arrive $0xFFFF  }
0x10a: {  	[tilespmem:s22], [sflag:$0x1] =	stream.indirect.gather [spmem:s2], $0x20, s17, s21, $0xb8;
	[tilespmem:$0x1A040] =	vst v63  }
0x10b: {  	_ = 	snop  }
0x10c: {  	[tilespmem:s23], [sflag:$0x2] =	stream.indirect.gather [spmem:s2], $0x20, s21, s21, $0xb8;
	[tilespmem:$0x1A040] =	vst v63  }
0x10d: {  	s15 =	simm.s32 $0xA0;
	s26 =	simm.s32 $0xB040  }
0x10e: {  	[tilespmem:s26], [sflag:$0x3] =	stream.indirect.gather [spmem:s2], $0x20, s15, s21, $0xb8;
	[tilespmem:$0x1A040] =	vst v63  }
0x10f: {  	s29 =	simm.s32 $0xF0  }
0x110: {  	[tilespmem:s28], [sflag:$0x4] =	stream.indirect.gather [spmem:s2], $0x20, s29, s21, $0xb8;
	[tilespmem:$0x1A040] =	vst v63  }
0x111: {  	s30 =	simm.s32 $0x140;
	s31 =	simm.s32 $0xC440  }
0x112: {  	[tilespmem:s31], [sflag:$0x5] =	stream.indirect.gather [spmem:s2], $0x20, s30, s21, $0xb8;
	[tilespmem:$0x1A040] =	vst v63  }
0x113: {  	s10 =	simm.s32 $0x190  }
0x114: {  	[tilespmem:s0], [sflag:$0x6] =	stream.indirect.gather [spmem:s2], $0x20, s10, s21, $0xb8;
	[tilespmem:$0x1A040] =	vst v63  }
0x115: {  	s15 =	simm.s32 $0x1E0;
	s26 =	simm.s32 $0xD840  }
0x116: {  	[tilespmem:s26], [sflag:$0x7] =	stream.indirect.gather [spmem:s2], $0x20, s15, s21, $0xb8;
	[tilespmem:$0x1A040] =	vst v63  }
0x117: {  	s29 =	simm.s32 $0x230  }
0x118: {  	[tilespmem:s6], [sflag:$0x8] =	stream.indirect.gather [spmem:s2], $0x20, s29, s21, $0xb8;
	[tilespmem:$0x1A040] =	vst v63  }
0x119: {  	s30 =	simm.s32 $0x280  }
0x11a: {  	[tilespmem:s8], [sflag:$0x9] =	stream.indirect.gather [spmem:s2], $0x20, s30, s21, $0xb8;
	[tilespmem:$0x1A040] =	vst v63  }
0x11b: {  	s31 =	simm.s32 $0x2D0  }
0x11c: {  	[tilespmem:s11], [sflag:$0xA] =	stream.indirect.gather [spmem:s2], $0x20, s31, s21, $0xb8;
	[tilespmem:$0x1A040] =	vst v63  }
.LBB2_5:
0x11d: {  	_ =	swait.ge [sflag:s18], $0xA00  }
0x11e: {  	s26 =	sshra.s32 s17, $0x2;
	[sflag:s18] =	ssyncset.done $0x0  }
0x11f: {  	p0 =	seq.s32 s17, $0x0;
	s1 =	sadd.s32 $0x4E20, s26;
	[sflag:s18] =	ssyncadd.s32 $0xFFFFF600  }
0x120: {  	[spmem:s3] =	stream.indirect.scatter.add.f32 [tilespmem:s22], [sflag:$0xB], $0x20, s1, s21, $0xb8;
	[tilespmem:$0x1A040] =	vst v63  }
0x121: {  	s1 =	simm.s32 @!p0 $0x14  }
0x122: {  	_ =	swait.ge @!p0 [sflag:s1], $0xA00  }
0x123: {  	[sflag:s1] =	ssyncset.done @!p0 $0x0  }
0x124: {  	[sflag:s1] =	ssyncadd.s32 @!p0 $0xFFFFF600;
	s1 =	sshra.s32 @!p0 s17, $0x2  }
0x125: {  	s5 =	simm.s32 @!p0 $0x50;
	s10 =	simm.s32 @!p0 $0xF640;
	s1 =	sadd.s32 @!p0 $0x2D0, s1  }
0x126: {  	[tilespmem:s10], [sflag:$0xA] =	stream.indirect.gather @!p0 [spmem:s2], $0x20, s1, s5, $0xb8;
	[tilespmem:$0x1A040] =	vst v63  }
0x127: {  	_ =	swait.ge [sflag:s12], $0xA00  }
0x128: {  	p0 =	seq.s32 s17, $0x12C00;
	[sflag:s12] =	ssyncset.done $0x0  }
0x129: {  	s10 =	sadd.s32 $0x4E70, s26;
	s1 =	simm.s32 @p0 $0x3;
	[sflag:s12] =	ssyncadd.s32 $0xFFFFF600  }
0x12a: {  	[spmem:s3] =	stream.indirect.scatter.add.f32 [tilespmem:s23], [sflag:$0xC], $0x20, s10, s21, $0xb8;
	[tilespmem:$0x1A040] =	vst v63  }
0x12b: {  	_ =	swait.ge @p0 [sflag:s1], $0xA00  }
0x12c: {  	[sflag:s1] =	ssyncset.done @p0 $0x0  }
0x12d: {  	[sflag:s1] =	ssyncadd.s32 @p0 $0xFFFFF600;
	s1 =	sshra.s32 @p0 s17, $0x2  }
0x12e: {  	s31 =	simm.s32 @p0 $0x50;
	s10 =	simm.s32 @p0 $0xB040;
	s5 =	sadd.s32 @p0 $0x4EC0, s1  }
0x12f: {  	[spmem:s3] =	stream.indirect.scatter.add.f32 @p0 [tilespmem:s10], [sflag:$0xD], $0x20, s5, s31, $0xb8;
	[tilespmem:$0x1A040] =	vst v63  }
0x130: {  	s5 =	simm.s32 @!p0 $0xB  }
0x131: {  	_ =	swait.ge @!p0 [sflag:s5], $0xA00  }
0x132: {  	s29 =	sshra.s32 @!p0 s17, $0x2;
	s30 =	simm.s32 @!p0 $0x50;
	[sflag:s5] =	ssyncset.done @!p0 $0x0  }
0x133: {  	s10 =	simm.s32 @!p0 $0x9C40;
	[sflag:s5] =	ssyncadd.s32 @!p0 $0xFFFFF600;
	s5 =	sadd.s32 @!p0 $0x320, s29  }
0x134: {  	[tilespmem:s10], [sflag:$0x1] =	stream.indirect.gather @!p0 [spmem:s2], $0x20, s5, s30, $0xb8;
	[tilespmem:$0x1A040] =	vst v63  }
0x135: {  	s5 =	simm.s32 @!p0 $0x3  }
0x136: {  	_ =	swait.ge @!p0 [sflag:s5], $0xA00  }
0x137: {  	[sflag:s5] =	ssyncset.done @!p0 $0x0  }
0x138: {  	s10 =	simm.s32 @!p0 $0xB040;
	[sflag:s5] =	ssyncadd.s32 @!p0 $0xFFFFF600;
	s5 =	sadd.s32 @!p0 $0x4EC0, s29  }
0x139: {  	[spmem:s3] =	stream.indirect.scatter.add.f32 @!p0 [tilespmem:s10], [sflag:$0xD], $0x20, s5, s30, $0xb8;
	[tilespmem:$0x1A040] =	vst v63  }
0x13a: {  	s5 =	simm.s32 @!p0 $0xC  }
0x13b: {  	_ =	swait.ge @!p0 [sflag:s5], $0xA00  }
0x13c: {  	[sflag:s5] =	ssyncset.done @!p0 $0x0  }
0x13d: {  	s15 =	simm.s32 @!p0 $0xA640;
	[sflag:s5] =	ssyncadd.s32 @!p0 $0xFFFFF600;
	s5 =	sadd.s32 @!p0 $0x370, s29  }
0x13e: {  	[tilespmem:s15], [sflag:$0x2] =	stream.indirect.gather @!p0 [spmem:s2], $0x20, s5, s30, $0xb8;
	[tilespmem:$0x1A040] =	vst v63  }
0x13f: {  	_ =	swait.ge [sflag:s19], $0xA00  }
0x140: {  	[sflag:s19] =	ssyncset.done $0x0  }
0x141: {  	s15 =	sadd.s32 $0x4F10, s26;
	s5 =	simm.s32 @p0 $0x5;
	[sflag:s19] =	ssyncadd.s32 $0xFFFFF600  }
0x142: {  	[spmem:s3] =	stream.indirect.scatter.add.f32 [tilespmem:s28], [sflag:$0xE], $0x20, s15, s21, $0xb8;
	[tilespmem:$0x1A040] =	vst v63  }
0x143: {  	_ =	swait.ge @p0 [sflag:s5], $0xA00  }
0x144: {  	[sflag:s5] =	ssyncset.done @p0 $0x0  }
0x145: {  	s15 =	simm.s32 @p0 $0xC440;
	[sflag:s5] =	ssyncadd.s32 @p0 $0xFFFFF600;
	s5 =	sadd.s32 @p0 $0x4F60, s1  }
0x146: {  	[spmem:s3] =	stream.indirect.scatter.add.f32 @p0 [tilespmem:s15], [sflag:$0xF], $0x20, s5, s31, $0xb8;
	[tilespmem:$0x1A040] =	vst v63  }
0x147: {  	s5 =	simm.s32 @!p0 $0xD  }
0x148: {  	_ =	swait.ge @!p0 [sflag:s5], $0xA00  }
0x149: {  	[sflag:s5] =	ssyncset.done @!p0 $0x0  }
0x14a: {  	[sflag:s5] =	ssyncadd.s32 @!p0 $0xFFFFF600;
	s5 =	sadd.s32 @!p0 $0x3C0, s29  }
0x14b: {  	[tilespmem:s10], [sflag:$0x3] =	stream.indirect.gather @!p0 [spmem:s2], $0x20, s5, s30, $0xb8;
	[tilespmem:$0x1A040] =	vst v63  }
0x14c: {  	s5 =	simm.s32 @!p0 $0x5  }
0x14d: {  	_ =	swait.ge @!p0 [sflag:s5], $0xA00  }
0x14e: {  	[sflag:s5] =	ssyncset.done @!p0 $0x0  }
0x14f: {  	s10 =	simm.s32 @!p0 $0xC440;
	[sflag:s5] =	ssyncadd.s32 @!p0 $0xFFFFF600;
	s5 =	sadd.s32 @!p0 $0x4F60, s29  }
0x150: {  	[spmem:s3] =	stream.indirect.scatter.add.f32 @!p0 [tilespmem:s10], [sflag:$0xF], $0x20, s5, s30, $0xb8;
	[tilespmem:$0x1A040] =	vst v63  }
0x151: {  	s5 =	simm.s32 @!p0 $0xE  }
0x152: {  	_ =	swait.ge @!p0 [sflag:s5], $0xA00  }
0x153: {  	[sflag:s5] =	ssyncset.done @!p0 $0x0  }
0x154: {  	s15 =	simm.s32 @!p0 $0xBA40;
	[sflag:s5] =	ssyncadd.s32 @!p0 $0xFFFFF600;
	s5 =	sadd.s32 @!p0 $0x410, s29  }
0x155: {  	[tilespmem:s15], [sflag:$0x4] =	stream.indirect.gather @!p0 [spmem:s2], $0x20, s5, s30, $0xb8;
	[tilespmem:$0x1A040] =	vst v63  }
0x156: {  	_ =	swait.ge [sflag:s13], $0xA00  }
0x157: {  	[sflag:s13] =	ssyncset.done $0x0  }
0x158: {  	s15 =	sadd.s32 $0x4FB0, s26;
	s5 =	simm.s32 @p0 $0x7;
	[sflag:s13] =	ssyncadd.s32 $0xFFFFF600  }
0x159: {  	[spmem:s3] =	stream.indirect.scatter.add.f32 [tilespmem:s0], [sflag:$0x10], $0x20, s15, s21, $0xb8;
	[tilespmem:$0x1A040] =	vst v63  }
0x15a: {  	_ =	swait.ge @p0 [sflag:s5], $0xA00  }
0x15b: {  	[sflag:s5] =	ssyncset.done @p0 $0x0  }
0x15c: {  	s15 =	simm.s32 @p0 $0xD840;
	[sflag:s5] =	ssyncadd.s32 @p0 $0xFFFFF600;
	s5 =	sadd.s32 @p0 $0x5000, s1  }
0x15d: {  	[spmem:s3] =	stream.indirect.scatter.add.f32 @p0 [tilespmem:s15], [sflag:$0x11], $0x20, s5, s31, $0xb8;
	[tilespmem:$0x1A040] =	vst v63  }
0x15e: {  	s5 =	simm.s32 @!p0 $0xF  }
0x15f: {  	_ =	swait.ge @!p0 [sflag:s5], $0xA00  }
0x160: {  	[sflag:s5] =	ssyncset.done @!p0 $0x0  }
0x161: {  	[sflag:s5] =	ssyncadd.s32 @!p0 $0xFFFFF600;
	s5 =	sadd.s32 @!p0 $0x460, s29  }
0x162: {  	[tilespmem:s10], [sflag:$0x5] =	stream.indirect.gather @!p0 [spmem:s2], $0x20, s5, s30, $0xb8;
	[tilespmem:$0x1A040] =	vst v63  }
0x163: {  	s5 =	simm.s32 @!p0 $0x7  }
0x164: {  	_ =	swait.ge @!p0 [sflag:s5], $0xA00  }
0x165: {  	[sflag:s5] =	ssyncset.done @!p0 $0x0  }
0x166: {  	s10 =	simm.s32 @!p0 $0xD840;
	[sflag:s5] =	ssyncadd.s32 @!p0 $0xFFFFF600;
	s5 =	sadd.s32 @!p0 $0x5000, s29  }
0x167: {  	[spmem:s3] =	stream.indirect.scatter.add.f32 @!p0 [tilespmem:s10], [sflag:$0x11], $0x20, s5, s30, $0xb8;
	[tilespmem:$0x1A040] =	vst v63  }
0x168: {  	s5 =	simm.s32 @!p0 $0x10  }
0x169: {  	_ =	swait.ge @!p0 [sflag:s5], $0xA00  }
0x16a: {  	[sflag:s5] =	ssyncset.done @!p0 $0x0  }
0x16b: {  	s15 =	simm.s32 @!p0 $0xCE40;
	[sflag:s5] =	ssyncadd.s32 @!p0 $0xFFFFF600;
	s5 =	sadd.s32 @!p0 $0x4B0, s29  }
0x16c: {  	[tilespmem:s15], [sflag:$0x6] =	stream.indirect.gather @!p0 [spmem:s2], $0x20, s5, s30, $0xb8;
	[tilespmem:$0x1A040] =	vst v63  }
0x16d: {  	_ =	swait.ge [sflag:s24], $0xA00  }
0x16e: {  	[sflag:s24] =	ssyncset.done $0x0  }
0x16f: {  	s15 =	sadd.s32 $0x5050, s26;
	s5 =	simm.s32 @p0 $0x9;
	[sflag:s24] =	ssyncadd.s32 $0xFFFFF600  }
0x170: {  	[spmem:s3] =	stream.indirect.scatter.add.f32 [tilespmem:s6], [sflag:$0x12], $0x20, s15, s21, $0xb8;
	[tilespmem:$0x1A040] =	vst v63  }
0x171: {  	_ =	swait.ge @p0 [sflag:s5], $0xA00  }
0x172: {  	[sflag:s5] =	ssyncset.done @p0 $0x0  }
0x173: {  	s1 =	sadd.s32 @p0 $0x50A0, s1;
	[sflag:s5] =	ssyncadd.s32 @p0 $0xFFFFF600;
	s5 =	simm.s32 @p0 $0xEC40  }
0x174: {  	[spmem:s3] =	stream.indirect.scatter.add.f32 @p0 [tilespmem:s5], [sflag:$0x13], $0x20, s1, s31, $0xb8;
	[tilespmem:$0x1A040] =	vst v63  }
0x175: {  	s1 =	simm.s32 @!p0 $0x11  }
0x176: {  	_ =	swait.ge @!p0 [sflag:s1], $0xA00  }
0x177: {  	[sflag:s1] =	ssyncset.done @!p0 $0x0  }
0x178: {  	[sflag:s1] =	ssyncadd.s32 @!p0 $0xFFFFF600;
	s1 =	sadd.s32 @!p0 $0x500, s29  }
0x179: {  	[tilespmem:s10], [sflag:$0x7] =	stream.indirect.gather @!p0 [spmem:s2], $0x20, s1, s30, $0xb8;
	[tilespmem:$0x1A040] =	vst v63  }
0x17a: {  	s1 =	simm.s32 @!p0 $0x9  }
0x17b: {  	_ =	swait.ge @!p0 [sflag:s1], $0xA00  }
0x17c: {  	[sflag:s1] =	ssyncset.done @!p0 $0x0  }
0x17d: {  	s5 =	simm.s32 @!p0 $0xEC40;
	[sflag:s1] =	ssyncadd.s32 @!p0 $0xFFFFF600;
	s1 =	sadd.s32 @!p0 $0x50A0, s29  }
0x17e: {  	[spmem:s3] =	stream.indirect.scatter.add.f32 @!p0 [tilespmem:s5], [sflag:$0x13], $0x20, s1, s30, $0xb8;
	[tilespmem:$0x1A040] =	vst v63  }
0x17f: {  	s1 =	simm.s32 @!p0 $0x12  }
0x180: {  	_ =	swait.ge @!p0 [sflag:s1], $0xA00  }
0x181: {  	[sflag:s1] =	ssyncset.done @!p0 $0x0  }
0x182: {  	s5 =	simm.s32 @!p0 $0xE240;
	[sflag:s1] =	ssyncadd.s32 @!p0 $0xFFFFF600;
	s1 =	sadd.s32 @!p0 $0x550, s29  }
0x183: {  	[tilespmem:s5], [sflag:$0x8] =	stream.indirect.gather @!p0 [spmem:s2], $0x20, s1, s30, $0xb8;
	[tilespmem:$0x1A040] =	vst v63  }
.Ltmp4:
0x184: {  	_ = 	snop;
	(pc) =	sbr.rel @p0 .LBB2_7-.Ltmp4, $4  }
0x185: {  	_ =	swait.ge [sflag:s25], $0xA00  }
0x186: {  	[sflag:s25] =	ssyncset.done $0x0  }
0x187: {  	s31 =	sadd.s32 $0x50F0, s26;
	[sflag:s25] =	ssyncadd.s32 $0xFFFFF600  }
0x188: {  	[spmem:s3] =	stream.indirect.scatter.add.f32 [tilespmem:s11], [sflag:$0x14], $0x20, s31, s21, $0xb8;
	[tilespmem:$0x1A040] =	vst v63  }
.Ltmp5:
0x189: {  	(pc) =	sbr.rel .LBB2_5-.Ltmp5, $4  }
0x18a: {  	_ =	swait.ge [sflag:s7], $0xA00  }
0x18b: {  	[sflag:s7] =	ssyncset.done $0x0  }
0x18c: {  	s1 =	sadd.s32 $0x5A0, s26;
	s17 =	sadd.s32 $0xC80, s17;
	[sflag:s7] =	ssyncadd.s32 $0xFFFFF600  }
0x18d: {  	[tilespmem:s8], [sflag:$0x9] =	stream.indirect.gather [spmem:s2], $0x20, s1, s21, $0xb8;
	[tilespmem:$0x1A040] =	vst v63  }
.LBB2_8:
0x18e: {  	_ =	sfence.sel $0x180000  }
0x18f: {  	[bflag:$0x0] =	sbarrier.arrive $0xFFFF  }
0x190: {  	_ =	strace $0x9000004A  }
0x191: {  	s0 =	stileid.u32;
	[bflag:$0x2] =	sbarrier.arrive $0xFFFF  }
0x192: {  	p0 =	sne.s32 s0, $0x0;
	s0 =	rddreg [dreg:$0x4]  }
0x193: {  	s0 =	sadd.s32 @!p0 $0x100000, s0  }
0x194: {  	[sflag:s0] =	ssyncadd.tile.s32 @!p0 $0x1;
	_ =	shalt  }
.Lfunc_end2:
_tile_overlayer_lowered:
.L_overlay_start_2:
0x195: {  	(tag) =	ssettag $0x2  }
0x196: {  	s0 =	rddreg [dreg:$0x0];
	s2 =	stileid.u32  }
0x197: {  	s1 =	rddreg [dreg:$0x1];
	p0 =	sne.s32 s2, $0x0  }
0x198: {  	s3 =	rddreg [dreg:$0x2];
	[bflag:$0x3] =	sbarrier.arrive $0xFFFF;
	s2 =	simm.s32 @!p0 $0x1C15  }
0x199: {  	[timem:s3], [sflag:s2] =	dma.local @!p0 [hbm:s0], s1  }
0x19a: {  	s0 =	simm.s32 @!p0 $0x15  }
0x19b: {  	_ =	swait.ge @!p0 [sflag:s0], s1  }
0x19c: {  	s1 =	ssub.s32 @!p0 $0x0, s1;
	[sflag:s0] =	ssyncset.done @!p0 $0x0  }
0x19d: {  	[sflag:s0] =	ssyncadd.s32 @!p0 s1  }
0x19e: {  	[bflag:$0x3] =	sbarrier.arrive $0xFFFF  }
0x19f: {  	_ =	shalt  }

</sc_bundles>
